<compile_context>
chip_gen: v7x
topology: tpu7x:2x2x1
jax: 0.10.2.dev20260603
libtpu: 0.0.44.dev20260713+nightly
codegen_flags: <defaults>
</compile_context>

<pallas_src>
import functools

import jax
import jax.numpy as jnp
from jax import lax
from jax.experimental import pallas as pl
from jax.experimental.pallas import tpu as pltpu
from jax.experimental.pallas import tpu_sc as plsc

_N = 100000
_E = 6400000
_D = 4
_H = 16
_G = 256

_DP = 8
_NC = 2
_NS = 16
_NW = _NC * _NS
_LANE = 128
_K = 20
_ROWS = _E // _LANE
_CHUNKS = _ROWS // _K
_ITERS = 80
_NPT = _N // _NS


def _agg_body(xz_hbm, e_hbm, out_hbm,
              agg_sh, sidx, didx, rows, isem, gsem, ssem):
    c = lax.axis_index("c")
    s = lax.axis_index("s")
    wid = c * _NS + s
    nbase = s * _NPT

    pltpu.sync_copy(xz_hbm.at[pl.ds(_N + nbase, _NPT)],
                    agg_sh.at[pl.ds(nbase, _NPT)])

    _CE = _K * _LANE

    def load_idx(b, m):
        e0 = m * _CE
        pltpu.async_copy(e_hbm.at[0, pl.ds(e0, _CE)], sidx.at[b], isem)
        pltpu.async_copy(e_hbm.at[1, pl.ds(e0, _CE)], didx.at[b], isem)

    def wait_idx(b):
        pltpu.make_async_copy(e_hbm.at[0, pl.ds(0, _CE)], sidx.at[b],
                              isem).wait()
        pltpu.make_async_copy(e_hbm.at[1, pl.ds(0, _CE)], didx.at[b],
                              isem).wait()

    def fire_gathers(b):
        for j in range(_K):
            pltpu.async_copy(
                xz_hbm.at[sidx.at[b].at[pl.ds(j * _LANE, _LANE)]],
                rows.at[b].at[j], gsem)

    def drain_gathers(b):
        for j in range(_K):
            pltpu.make_async_copy(
                xz_hbm.at[sidx.at[b].at[pl.ds(j * _LANE, _LANE)]],
                rows.at[b].at[j], gsem).wait()

    def fire_scatters(b):
        for j in range(_K):
            pltpu.async_copy(
                rows.at[b].at[j],
                agg_sh.at[didx.at[b].at[pl.ds(j * _LANE, _LANE)]],
                ssem, add=True)

    def drain_scatters(b):
        for j in range(_K):
            pltpu.make_async_copy(
                rows.at[b].at[j],
                agg_sh.at[didx.at[b].at[pl.ds(j * _LANE, _LANE)]],
                ssem).wait()

    plsc.subcore_barrier()
    load_idx(0, wid)

    def pair(go, carry):
        for b in (0, 1):
            t = 2 * go + b
            m = t * _NW + wid

            @pl.when(m < _CHUNKS)
            def _gather():
                wait_idx(b)
                fire_gathers(b)

            @pl.when((t >= 1) & (m - _NW < _CHUNKS))
            def _drain_prev():
                drain_scatters(1 - b)

            @pl.when(m + _NW < _CHUNKS)
            def _prefetch():
                load_idx(1 - b, m + _NW)

            @pl.when(m < _CHUNKS)
            def _scatter():
                drain_gathers(b)
                fire_scatters(b)

        return carry

    lax.fori_loop(0, _ITERS // 2, pair, 0)

    @pl.when((_ITERS - 1) * _NW + wid < _CHUNKS)
    def _tail():
        drain_scatters((_ITERS - 1) % 2)

    plsc.subcore_barrier()
    pltpu.sync_copy(agg_sh.at[pl.ds(nbase, _NPT)],
                    out_hbm.at[pl.ds(c * _N + nbase, _NPT)])


_agg_kernel = functools.partial(
    pl.kernel,
    out_type=jax.ShapeDtypeStruct((2 * _N, _DP), jnp.float32),
    mesh=plsc.VectorSubcoreMesh(core_axis_name="c", subcore_axis_name="s"),
    compiler_params=pltpu.CompilerParams(use_tc_tiling_on_sc=False),
    scratch_types=[
        pltpu.VMEM_SHARED((_N, _DP), jnp.float32),
        pltpu.VMEM((2, _K * _LANE), jnp.int32),
        pltpu.VMEM((2, _K * _LANE), jnp.int32),
        pltpu.VMEM((2, _K, _LANE, _DP), jnp.float32),
        pltpu.SemaphoreType.DMA,
        pltpu.SemaphoreType.DMA,
        pltpu.SemaphoreType.DMA,
    ],
)(_agg_body)


_R = 5000
_GRID = _N // _R


def _mlp_pool_body(eps_sm, x_ref, a0_ref, a1_ref, b_ref,
                   w1_ref, b1_ref, w2_ref, b2_ref, out_ref, acc_s, acc_c):
    i = pl.program_id(0)

    @pl.when(i == 0)
    def _init():
        acc_s[...] = jnp.zeros_like(acc_s)
        acc_c[...] = jnp.zeros_like(acc_c)

    h = ((1.0 + eps_sm[0]) * x_ref[...]
         + a0_ref[:, 0:_D] + a1_ref[:, 0:_D])
    h = jnp.dot(h, w1_ref[...], preferred_element_type=jnp.float32)
    h = jnp.maximum(h + b1_ref[...], 0.0)
    h = jnp.dot(h, w2_ref[...], preferred_element_type=jnp.float32)
    h = jnp.maximum(h + b2_ref[...], 0.0)

    seg = b_ref[0, 0, :]
    oh = (seg[:, None] ==
          lax.broadcasted_iota(jnp.int32, (_R, _G), 1)).astype(jnp.float32)
    acc_s[...] += lax.dot_general(oh, h, (((0,), (0,)), ((), ())),
                                  preferred_element_type=jnp.float32)
    acc_c[...] += jnp.sum(oh, axis=0, keepdims=True)

    @pl.when(i == _GRID - 1)
    def _fin():
        cnt = jnp.maximum(acc_c[0, :], 1.0)
        pooled = acc_s[...] / cnt[:, None]
        m = jnp.max(pooled, axis=1, keepdims=True)
        e = jnp.exp(pooled - m)
        lse = jnp.log(jnp.sum(e, axis=1, keepdims=True))
        out_ref[...] = pooled - m - lse


def _mlp_pool(x, aggflat, batch, eps, W1, b1, W2, b2):
    batch3 = batch.reshape(_GRID, 1, _R)
    return pl.pallas_call(
        _mlp_pool_body,
        grid=(_GRID,),
        in_specs=[
            pl.BlockSpec(memory_space=pltpu.SMEM),
            pl.BlockSpec((_R, _D), lambda i: (i, 0)),
            pl.BlockSpec((_R, _DP), lambda i: (i, 0)),
            pl.BlockSpec((_R, _DP), lambda i: (i + _GRID, 0)),
            pl.BlockSpec((1, 1, _R), lambda i: (i, 0, 0)),
            pl.BlockSpec((_D, _H), lambda i: (0, 0)),
            pl.BlockSpec((1, _H), lambda i: (0, 0)),
            pl.BlockSpec((_H, _D), lambda i: (0, 0)),
            pl.BlockSpec((1, _D), lambda i: (0, 0)),
        ],
        out_specs=pl.BlockSpec((_G, _D), lambda i: (0, 0)),
        out_shape=jax.ShapeDtypeStruct((_G, _D), jnp.float32),
        scratch_shapes=[
            pltpu.VMEM((_G, _D), jnp.float32),
            pltpu.VMEM((1, _G), jnp.float32),
        ],
    )(eps.reshape(1), x, aggflat, aggflat, batch3,
      W1, b1.reshape(1, _H), W2, b2.reshape(1, _D))


def kernel(x, edge_index, batch, eps, W1, b1, W2, b2):
    xz = jnp.pad(x, ((0, _N), (0, _DP - _D)))
    aggflat = _agg_kernel(xz, edge_index)
    return _mlp_pool(x, aggflat, batch, eps, W1, b1, W2, b2)

# --- scband reference (transcript-rebuilt; emitter-appended) ---
"""Pipeline reference for scband-gin-16252156248696 (READ-ONLY COPY).

The authoritative reference and input builder live on the scoring server;
editing this copy changes nothing except your own understanding.
"""

import jax, jax.numpy as jnp
import numpy as np

N = 100000
E = 6400000
D = 4
H = 16
G = 256


def setup_inputs(seed: int = 0) -> dict:
    key = jax.random.key(seed)
    ks = jax.random.split(key, 8)
    x = jax.random.normal(ks[0], (N, D), dtype=jnp.float32)
    edge_index = jax.random.randint(ks[1], (2, E), 0, N, dtype=jnp.int32)
    batch = jnp.sort(jax.random.randint(ks[2], (N,), 0, G, dtype=jnp.int32))
    eps = jnp.zeros((), dtype=jnp.float32)  # GINConv train_eps=True, init 0
    W1 = jax.random.normal(ks[3], (D, H), dtype=jnp.float32) * 0.5
    b1 = jnp.zeros((H,), dtype=jnp.float32)
    W2 = jax.random.normal(ks[4], (H, D), dtype=jnp.float32) * 0.5
    b2 = jnp.zeros((D,), dtype=jnp.float32)
    return {"x": x, "edge_index": edge_index, "batch": batch, "eps": eps,
            "W1": W1, "b1": b1, "W2": W2, "b2": b2}


def reference(x, edge_index, batch, eps, W1, b1, W2, b2):
    src = edge_index[0]
    dst = edge_index[1]
    # GINConv: sum-aggregate neighbor features into destination nodes
    agg = jax.ops.segment_sum(jnp.take(x, src, axis=0), dst, num_segments=N)
    h = (1.0 + eps) * x + agg
    # MLP: Lin(4,16) -> ReLU -> Lin(16,4)
    h = jnp.dot(h, W1) + b1
    h = jax.nn.relu(h)
    h = jnp.dot(h, W2) + b2
    # F.relu after conv
    h = jax.nn.relu(h)
    # global_mean_pool over batch assignment
    sums = jax.ops.segment_sum(h, batch, num_segments=G)
    counts = jax.ops.segment_sum(jnp.ones((N,), dtype=jnp.float32), batch, num_segments=G)
    pooled = sums / jnp.clip(counts, 1.0)[:, None]
    return jax.nn.log_softmax(pooled, axis=1)

if __name__ == "__main__":
    import jax
    _d = setup_inputs()
    print(jax.jit(kernel)(*tuple(_d.values())))

</pallas_src>

<mosaic_0001>
#map = affine_map<(d0, d1) -> (0, 0)>
module attributes {stable_mosaic.version = 14 : i64} {
  func.func @_agg_body(%arg0: i32, %arg1: i32, %arg2: memref<200000x8xf32, #tpu.memory_space<hbm>>, %arg3: memref<2x6400000xi32, #tpu.memory_space<hbm>>, %arg4: memref<200000x8xf32, #tpu.memory_space<hbm>>, %arg5: memref<100000x8xf32, #tpu.memory_space<vmem_shared>>, %arg6: memref<2x2560xi32, #tpu.memory_space<vmem>>, %arg7: memref<2x2560xi32, #tpu.memory_space<vmem>>, %arg8: memref<2x20x128x8xf32, #tpu.memory_space<vmem>>, %arg9: memref<!tpu.dma_semaphore, #tpu.memory_space<semaphore_mem>>, %arg10: memref<!tpu.dma_semaphore, #tpu.memory_space<semaphore_mem>>, %arg11: memref<!tpu.dma_semaphore, #tpu.memory_space<semaphore_mem>>) attributes {dimension_semantics = [#tpu.dimension_semantics<core_parallel>, #tpu.dimension_semantics<subcore_parallel>], iteration_bounds = array<i64: 2, 16>, scalar_prefetch = 0 : i64, scratch_operands = 7 : i64, tpu.core_type = #tpu.core_type<sc_vector_subcore>, window_params = [{transform_indices = #map}, {transform_indices = #map}, {transform_indices = #map}]} {
    %mul3A = arith.constant 16 : i32
    %mul3A_0 = arith.muli %arg0, %mul3A : i32
    %add3A = arith.addi %mul3A_0, %arg1 : i32
    %mul3A_1 = arith.constant 6250 : i32
    %mul3A_2 = arith.muli %arg1, %mul3A_1 : i32
    %add3A_3 = arith.constant 100000 : i32
    %add3A_4 = arith.addi %add3A_3, %mul3A_2 : i32
    "tpu.region"() ({
      %run_scoped3A = tpu.sem_alloc : memref<!tpu.dma_semaphore, #tpu.memory_space<semaphore_mem>>
      %dma_start3A_43 = arith.constant 0 : i32
      %dma_start3A_44 = tpu.memref_slice %arg5[%mul3A_2, %dma_start3A_43] : memref<100000x8xf32, #tpu.memory_space<vmem_shared>> -> memref<6250x8xf32, #tpu.memory_space<vmem_shared>>
      %dma_start3A_45 = arith.constant 0 : i32
      %dma_start3A_46 = tpu.memref_slice %arg2[%add3A_4, %dma_start3A_45] : memref<200000x8xf32, #tpu.memory_space<hbm>> -> memref<6250x8xf32, #tpu.memory_space<hbm>>
      tpu.enqueue_dma source(%dma_start3A_46 : memref<6250x8xf32, #tpu.memory_space<hbm>>) target(%dma_start3A_44 : memref<6250x8xf32, #tpu.memory_space<vmem_shared>>) target_semaphore(%run_scoped3A : memref<!tpu.dma_semaphore, #tpu.memory_space<semaphore_mem>>)
      %dma_wait3A = arith.constant 0 : i32
      %dma_wait3A_47 = tpu.memref_slice %arg5[%mul3A_2, %dma_wait3A] : memref<100000x8xf32, #tpu.memory_space<vmem_shared>> -> memref<6250x8xf32, #tpu.memory_space<vmem_shared>>
      %dma_wait3A_48 = arith.constant 0 : i32
      %dma_wait3A_49 = tpu.memref_slice %arg2[%add3A_4, %dma_wait3A_48] : memref<200000x8xf32, #tpu.memory_space<hbm>> -> memref<6250x8xf32, #tpu.memory_space<hbm>>
      tpu.wait_dma2 semaphore(%run_scoped3A : memref<!tpu.dma_semaphore, #tpu.memory_space<semaphore_mem>>) src(%dma_wait3A_49 : memref<6250x8xf32, #tpu.memory_space<hbm>>) dst(%dma_wait3A_47 : memref<6250x8xf32, #tpu.memory_space<vmem_shared>>)
      tpu.yield
    }) : () -> ()
    %barrier3A = arith.constant 0 : index
    tpu.barrier barrier_id(%barrier3A)
    %mul3A_5 = arith.constant 2560 : i32
    %mul3A_6 = arith.muli %add3A, %mul3A_5 : i32
    %dma_start3A = arith.constant 0 : i32
    %dma_start3A_7 = arith.constant 0 : i32
    %dma_start3A_8 = arith.constant 0 : i32
    %dma_start3A_9 = tpu.memref_slice %arg6[%dma_start3A_7, %dma_start3A_8] : memref<2x2560xi32, #tpu.memory_space<vmem>> -> memref<1x2560xi32, #tpu.memory_space<vmem>>
    %dma_start3A_10 = tpu.memref_squeeze %dma_start3A_9 : memref<1x2560xi32, #tpu.memory_space<vmem>> -> memref<2560xi32, #tpu.memory_space<vmem>>
    %dma_start3A_11 = tpu.memref_slice %arg3[%dma_start3A, %mul3A_6] : memref<2x6400000xi32, #tpu.memory_space<hbm>> -> memref<1x2560xi32, #tpu.memory_space<hbm>>
    %dma_start3A_12 = tpu.memref_squeeze %dma_start3A_11 : memref<1x2560xi32, #tpu.memory_space<hbm>> -> memref<2560xi32, #tpu.memory_space<hbm>>
    %dma_start3A_13 = arith.constant 0 : i32
    %dma_start3A_14 = tpu.memref_slice %arg6[%dma_start3A_7, %dma_start3A_13] : memref<2x2560xi32, #tpu.memory_space<vmem>> -> memref<1x2560xi32, #tpu.memory_space<vmem>>
    %dma_start3A_15 = tpu.memref_squeeze %dma_start3A_14 : memref<1x2560xi32, #tpu.memory_space<vmem>> -> memref<2560xi32, #tpu.memory_space<vmem>>
    %dma_start3A_16 = tpu.memref_slice %arg3[%dma_start3A, %mul3A_6] : memref<2x6400000xi32, #tpu.memory_space<hbm>> -> memref<1x2560xi32, #tpu.memory_space<hbm>>
    %dma_start3A_17 = tpu.memref_squeeze %dma_start3A_16 : memref<1x2560xi32, #tpu.memory_space<hbm>> -> memref<2560xi32, #tpu.memory_space<hbm>>
    tpu.enqueue_dma source(%dma_start3A_17 : memref<2560xi32, #tpu.memory_space<hbm>>) target(%dma_start3A_15 : memref<2560xi32, #tpu.memory_space<vmem>>) target_semaphore(%arg9 : memref<!tpu.dma_semaphore, #tpu.memory_space<semaphore_mem>>)
    %dma_start3A_18 = arith.constant 1 : i32
    %dma_start3A_19 = arith.constant 0 : i32
    %dma_start3A_20 = arith.constant 0 : i32
    %dma_start3A_21 = tpu.memref_slice %arg7[%dma_start3A_19, %dma_start3A_20] : memref<2x2560xi32, #tpu.memory_space<vmem>> -> memref<1x2560xi32, #tpu.memory_space<vmem>>
    %dma_start3A_22 = tpu.memref_squeeze %dma_start3A_21 : memref<1x2560xi32, #tpu.memory_space<vmem>> -> memref<2560xi32, #tpu.memory_space<vmem>>
    %dma_start3A_23 = tpu.memref_slice %arg3[%dma_start3A_18, %mul3A_6] : memref<2x6400000xi32, #tpu.memory_space<hbm>> -> memref<1x2560xi32, #tpu.memory_space<hbm>>
    %dma_start3A_24 = tpu.memref_squeeze %dma_start3A_23 : memref<1x2560xi32, #tpu.memory_space<hbm>> -> memref<2560xi32, #tpu.memory_space<hbm>>
    %dma_start3A_25 = arith.constant 0 : i32
    %dma_start3A_26 = tpu.memref_slice %arg7[%dma_start3A_19, %dma_start3A_25] : memref<2x2560xi32, #tpu.memory_space<vmem>> -> memref<1x2560xi32, #tpu.memory_space<vmem>>
    %dma_start3A_27 = tpu.memref_squeeze %dma_start3A_26 : memref<1x2560xi32, #tpu.memory_space<vmem>> -> memref<2560xi32, #tpu.memory_space<vmem>>
    %dma_start3A_28 = tpu.memref_slice %arg3[%dma_start3A_18, %mul3A_6] : memref<2x6400000xi32, #tpu.memory_space<hbm>> -> memref<1x2560xi32, #tpu.memory_space<hbm>>
    %dma_start3A_29 = tpu.memref_squeeze %dma_start3A_28 : memref<1x2560xi32, #tpu.memory_space<hbm>> -> memref<2560xi32, #tpu.memory_space<hbm>>
    tpu.enqueue_dma source(%dma_start3A_29 : memref<2560xi32, #tpu.memory_space<hbm>>) target(%dma_start3A_27 : memref<2560xi32, #tpu.memory_space<vmem>>) target_semaphore(%arg9 : memref<!tpu.dma_semaphore, #tpu.memory_space<semaphore_mem>>)
    %scan3A = arith.constant 0 : i32
    %scan3A_30 = arith.constant 0 : i32
    %scan3A_31 = arith.constant 40 : i32
    %scan3A_32 = arith.addi %scan3A_30, %scan3A_31 : i32
    %scan3A_33 = arith.constant 1 : i32
    scf.for %scan3A_43 = %scan3A_30 to %scan3A_32 step %scan3A_33  : i32 {
      %mul3A_44 = arith.constant 2 : i32
      %mul3A_45 = arith.muli %mul3A_44, %scan3A_43 : i32
      %add3A_46 = arith.constant 0 : i32
      %add3A_47 = arith.addi %mul3A_45, %add3A_46 : i32
      %mul3A_48 = arith.constant 32 : i32
      %mul3A_49 = arith.muli %add3A_47, %mul3A_48 : i32
      %add3A_50 = arith.addi %mul3A_49, %add3A : i32
      %lt3A_51 = arith.constant 2500 : i32
      %lt3A_52 = arith.cmpi slt, %add3A_50, %lt3A_51 : i32
      %convert_element_type3A_53 = arith.extui %lt3A_52 : i1 to i32
      %cond3A_54 = arith.constant 0 : i32
      %cond3A_55 = arith.cmpi ne, %convert_element_type3A_53, %cond3A_54 : i32
      scf.if %cond3A_55 {
        %dma_wait3A = arith.constant 0 : i32
        %dma_wait3A_109 = arith.constant 0 : i32
        %dma_wait3A_110 = arith.constant 0 : i32
        %dma_wait3A_111 = tpu.memref_slice %arg6[%dma_wait3A_109, %dma_wait3A_110] : memref<2x2560xi32, #tpu.memory_space<vmem>> -> memref<1x2560xi32, #tpu.memory_space<vmem>>
        %dma_wait3A_112 = tpu.memref_squeeze %dma_wait3A_111 : memref<1x2560xi32, #tpu.memory_space<vmem>> -> memref<2560xi32, #tpu.memory_space<vmem>>
        %dma_wait3A_113 = arith.constant 0 : i32
        %dma_wait3A_114 = tpu.memref_slice %arg3[%dma_wait3A, %dma_wait3A_113] : memref<2x6400000xi32, #tpu.memory_space<hbm>> -> memref<1x2560xi32, #tpu.memory_space<hbm>>
        %dma_wait3A_115 = tpu.memref_squeeze %dma_wait3A_114 : memref<1x2560xi32, #tpu.memory_space<hbm>> -> memref<2560xi32, #tpu.memory_space<hbm>>
        %dma_wait3A_116 = arith.constant 0 : i32
        %dma_wait3A_117 = tpu.memref_slice %arg6[%dma_wait3A_109, %dma_wait3A_116] : memref<2x2560xi32, #tpu.memory_space<vmem>> -> memref<1x2560xi32, #tpu.memory_space<vmem>>
        %dma_wait3A_118 = tpu.memref_squeeze %dma_wait3A_117 : memref<1x2560xi32, #tpu.memory_space<vmem>> -> memref<2560xi32, #tpu.memory_space<vmem>>
        %dma_wait3A_119 = arith.constant 0 : i32
        %dma_wait3A_120 = tpu.memref_slice %arg3[%dma_wait3A, %dma_wait3A_119] : memref<2x6400000xi32, #tpu.memory_space<hbm>> -> memref<1x2560xi32, #tpu.memory_space<hbm>>
        %dma_wait3A_121 = tpu.memref_squeeze %dma_wait3A_120 : memref<1x2560xi32, #tpu.memory_space<hbm>> -> memref<2560xi32, #tpu.memory_space<hbm>>
        tpu.wait_dma2 semaphore(%arg9 : memref<!tpu.dma_semaphore, #tpu.memory_space<semaphore_mem>>) src(%dma_wait3A_121 : memref<2560xi32, #tpu.memory_space<hbm>>) dst(%dma_wait3A_118 : memref<2560xi32, #tpu.memory_space<vmem>>)
        %dma_wait3A_122 = arith.constant 1 : i32
        %dma_wait3A_123 = arith.constant 0 : i32
        %dma_wait3A_124 = arith.constant 0 : i32
        %dma_wait3A_125 = tpu.memref_slice %arg7[%dma_wait3A_123, %dma_wait3A_124] : memref<2x2560xi32, #tpu.memory_space<vmem>> -> memref<1x2560xi32, #tpu.memory_space<vmem>>
        %dma_wait3A_126 = tpu.memref_squeeze %dma_wait3A_125 : memref<1x2560xi32, #tpu.memory_space<vmem>> -> memref<2560xi32, #tpu.memory_space<vmem>>
        %dma_wait3A_127 = arith.constant 0 : i32
        %dma_wait3A_128 = tpu.memref_slice %arg3[%dma_wait3A_122, %dma_wait3A_127] : memref<2x6400000xi32, #tpu.memory_space<hbm>> -> memref<1x2560xi32, #tpu.memory_space<hbm>>
        %dma_wait3A_129 = tpu.memref_squeeze %dma_wait3A_128 : memref<1x2560xi32, #tpu.memory_space<hbm>> -> memref<2560xi32, #tpu.memory_space<hbm>>
        %dma_wait3A_130 = arith.constant 0 : i32
        %dma_wait3A_131 = tpu.memref_slice %arg7[%dma_wait3A_123, %dma_wait3A_130] : memref<2x2560xi32, #tpu.memory_space<vmem>> -> memref<1x2560xi32, #tpu.memory_space<vmem>>
        %dma_wait3A_132 = tpu.memref_squeeze %dma_wait3A_131 : memref<1x2560xi32, #tpu.memory_space<vmem>> -> memref<2560xi32, #tpu.memory_space<vmem>>
        %dma_wait3A_133 = arith.constant 0 : i32
        %dma_wait3A_134 = tpu.memref_slice %arg3[%dma_wait3A_122, %dma_wait3A_133] : memref<2x6400000xi32, #tpu.memory_space<hbm>> -> memref<1x2560xi32, #tpu.memory_space<hbm>>
        %dma_wait3A_135 = tpu.memref_squeeze %dma_wait3A_134 : memref<1x2560xi32, #tpu.memory_space<hbm>> -> memref<2560xi32, #tpu.memory_space<hbm>>
        tpu.wait_dma2 semaphore(%arg9 : memref<!tpu.dma_semaphore, #tpu.memory_space<semaphore_mem>>) src(%dma_wait3A_135 : memref<2560xi32, #tpu.memory_space<hbm>>) dst(%dma_wait3A_132 : memref<2560xi32, #tpu.memory_space<vmem>>)
        %dma_start3A_136 = arith.constant 0 : i32
        %dma_start3A_137 = arith.constant 0 : i32
        %dma_start3A_138 = arith.constant 0 : i32
        %dma_start3A_139 = arith.constant 0 : i32
        %dma_start3A_140 = arith.constant 0 : i32
        %dma_start3A_141 = arith.constant 0 : i32
        %dma_start3A_142 = tpu.memref_slice %arg8[%dma_start3A_137, %dma_start3A_139, %dma_start3A_140, %dma_start3A_141] : memref<2x20x128x8xf32, #tpu.memory_space<vmem>> -> memref<1x20x128x8xf32, #tpu.memory_space<vmem>>
        %dma_start3A_143 = tpu.memref_squeeze %dma_start3A_142 : memref<1x20x128x8xf32, #tpu.memory_space<vmem>> -> memref<20x128x8xf32, #tpu.memory_space<vmem>>
        %dma_start3A_144 = arith.constant 0 : i32
        %dma_start3A_145 = arith.constant 0 : i32
        %dma_start3A_146 = tpu.memref_slice %dma_start3A_143[%dma_start3A_138, %dma_start3A_144, %dma_start3A_145] : memref<20x128x8xf32, #tpu.memory_space<vmem>> -> memref<1x128x8xf32, #tpu.memory_space<vmem>>
        %dma_start3A_147 = tpu.memref_squeeze %dma_start3A_146 : memref<1x128x8xf32, #tpu.memory_space<vmem>> -> memref<128x8xf32, #tpu.memory_space<vmem>>
        %dma_start3A_148 = arith.constant 0 : i32
        %dma_start3A_149 = tpu.memref_slice %arg6[%dma_start3A_136, %dma_start3A_148] : memref<2x2560xi32, #tpu.memory_space<vmem>> -> memref<1x2560xi32, #tpu.memory_space<vmem>>
        %dma_start3A_150 = tpu.memref_squeeze %dma_start3A_149 : memref<1x2560xi32, #tpu.memory_space<vmem>> -> memref<2560xi32, #tpu.memory_space<vmem>>
        %dma_start3A_151 = arith.constant 0 : i32
        %dma_start3A_152 = tpu.memref_slice %dma_start3A_150[%dma_start3A_151] : memref<2560xi32, #tpu.memory_space<vmem>> -> memref<128xi32, #tpu.memory_space<vmem>>
        %dma_start3A_153 = arith.constant 0 : i32
        %dma_start3A_154 = arith.constant 0 : i32
        %dma_start3A_155 = tpu.memref_slice %arg2[%dma_start3A_153, %dma_start3A_154] : memref<200000x8xf32, #tpu.memory_space<hbm>> -> memref<200000x8xf32, #tpu.memory_space<hbm>>
        tpu.enqueue_indirect_dma source(%dma_start3A_155 : memref<200000x8xf32, #tpu.memory_space<hbm>>) target(%dma_start3A_147 : memref<128x8xf32, #tpu.memory_space<vmem>>) offsets(%dma_start3A_152 : memref<128xi32, #tpu.memory_space<vmem>>) semaphore(%arg10 : memref<!tpu.dma_semaphore, #tpu.memory_space<semaphore_mem>>)
        %dma_start3A_156 = arith.constant 0 : i32
        %dma_start3A_157 = arith.constant 0 : i32
        %dma_start3A_158 = arith.constant 1 : i32
        %dma_start3A_159 = arith.constant 0 : i32
        %dma_start3A_160 = arith.constant 0 : i32
        %dma_start3A_161 = arith.constant 0 : i32
        %dma_start3A_162 = tpu.memref_slice %arg8[%dma_start3A_157, %dma_start3A_159, %dma_start3A_160, %dma_start3A_161] : memref<2x20x128x8xf32, #tpu.memory_space<vmem>> -> memref<1x20x128x8xf32, #tpu.memory_space<vmem>>
        %dma_start3A_163 = tpu.memref_squeeze %dma_start3A_162 : memref<1x20x128x8xf32, #tpu.memory_space<vmem>> -> memref<20x128x8xf32, #tpu.memory_space<vmem>>
        %dma_start3A_164 = arith.constant 0 : i32
        %dma_start3A_165 = arith.constant 0 : i32
        %dma_start3A_166 = tpu.memref_slice %dma_start3A_163[%dma_start3A_158, %dma_start3A_164, %dma_start3A_165] : memref<20x128x8xf32, #tpu.memory_space<vmem>> -> memref<1x128x8xf32, #tpu.memory_space<vmem>>
        %dma_start3A_167 = tpu.memref_squeeze %dma_start3A_166 : memref<1x128x8xf32, #tpu.memory_space<vmem>> -> memref<128x8xf32, #tpu.memory_space<vmem>>
        %dma_start3A_168 = arith.constant 0 : i32
        %dma_start3A_169 = tpu.memref_slice %arg6[%dma_start3A_156, %dma_start3A_168] : memref<2x2560xi32, #tpu.memory_space<vmem>> -> memref<1x2560xi32, #tpu.memory_space<vmem>>
        %dma_start3A_170 = tpu.memref_squeeze %dma_start3A_169 : memref<1x2560xi32, #tpu.memory_space<vmem>> -> memref<2560xi32, #tpu.memory_space<vmem>>
        %dma_start3A_171 = arith.constant 128 : i32
        %dma_start3A_172 = tpu.memref_slice %dma_start3A_170[%dma_start3A_171] : memref<2560xi32, #tpu.memory_space<vmem>> -> memref<128xi32, #tpu.memory_space<vmem>>
        %dma_start3A_173 = arith.constant 0 : i32
        %dma_start3A_174 = arith.constant 0 : i32
        %dma_start3A_175 = tpu.memref_slice %arg2[%dma_start3A_173, %dma_start3A_174] : memref<200000x8xf32, #tpu.memory_space<hbm>> -> memref<200000x8xf32, #tpu.memory_space<hbm>>
        tpu.enqueue_indirect_dma source(%dma_start3A_175 : memref<200000x8xf32, #tpu.memory_space<hbm>>) target(%dma_start3A_167 : memref<128x8xf32, #tpu.memory_space<vmem>>) offsets(%dma_start3A_172 : memref<128xi32, #tpu.memory_space<vmem>>) semaphore(%arg10 : memref<!tpu.dma_semaphore, #tpu.memory_space<semaphore_mem>>)
        %dma_start3A_176 = arith.constant 0 : i32
        %dma_start3A_177 = arith.constant 0 : i32
        %dma_start3A_178 = arith.constant 2 : i32
        %dma_start3A_179 = arith.constant 0 : i32
        %dma_start3A_180 = arith.constant 0 : i32
        %dma_start3A_181 = arith.constant 0 : i32
        %dma_start3A_182 = tpu.memref_slice %arg8[%dma_start3A_177, %dma_start3A_179, %dma_start3A_180, %dma_start3A_181] : memref<2x20x128x8xf32, #tpu.memory_space<vmem>> -> memref<1x20x128x8xf32, #tpu.memory_space<vmem>>
        %dma_start3A_183 = tpu.memref_squeeze %dma_start3A_182 : memref<1x20x128x8xf32, #tpu.memory_space<vmem>> -> memref<20x128x8xf32, #tpu.memory_space<vmem>>
        %dma_start3A_184 = arith.constant 0 : i32
        %dma_start3A_185 = arith.constant 0 : i32
        %dma_start3A_186 = tpu.memref_slice %dma_start3A_183[%dma_start3A_178, %dma_start3A_184, %dma_start3A_185] : memref<20x128x8xf32, #tpu.memory_space<vmem>> -> memref<1x128x8xf32, #tpu.memory_space<vmem>>
        %dma_start3A_187 = tpu.memref_squeeze %dma_start3A_186 : memref<1x128x8xf32, #tpu.memory_space<vmem>> -> memref<128x8xf32, #tpu.memory_space<vmem>>
        %dma_start3A_188 = arith.constant 0 : i32
        %dma_start3A_189 = tpu.memref_slice %arg6[%dma_start3A_176, %dma_start3A_188] : memref<2x2560xi32, #tpu.memory_space<vmem>> -> memref<1x2560xi32, #tpu.memory_space<vmem>>
        %dma_start3A_190 = tpu.memref_squeeze %dma_start3A_189 : memref<1x2560xi32, #tpu.memory_space<vmem>> -> memref<2560xi32, #tpu.memory_space<vmem>>
        %dma_start3A_191 = arith.constant 256 : i32
        %dma_start3A_192 = tpu.memref_slice %dma_start3A_190[%dma_start3A_191] : memref<2560xi32, #tpu.memory_space<vmem>> -> memref<128xi32, #tpu.memory_space<vmem>>
        %dma_start3A_193 = arith.constant 0 : i32
        %dma_start3A_194 = arith.constant 0 : i32
        %dma_start3A_195 = tpu.memref_slice %arg2[%dma_start3A_193, %dma_start3A_194] : memref<200000x8xf32, #tpu.memory_space<hbm>> -> memref<200000x8xf32, #tpu.memory_space<hbm>>
        tpu.enqueue_indirect_dma source(%dma_start3A_195 : memref<200000x8xf32, #tpu.memory_space<hbm>>) target(%dma_start3A_187 : memref<128x8xf32, #tpu.memory_space<vmem>>) offsets(%dma_start3A_192 : memref<128xi32, #tpu.memory_space<vmem>>) semaphore(%arg10 : memref<!tpu.dma_semaphore, #tpu.memory_space<semaphore_mem>>)
        %dma_start3A_196 = arith.constant 0 : i32
        %dma_start3A_197 = arith.constant 0 : i32
        %dma_start3A_198 = arith.constant 3 : i32
        %dma_start3A_199 = arith.constant 0 : i32
        %dma_start3A_200 = arith.constant 0 : i32
        %dma_start3A_201 = arith.constant 0 : i32
        %dma_start3A_202 = tpu.memref_slice %arg8[%dma_start3A_197, %dma_start3A_199, %dma_start3A_200, %dma_start3A_201] : memref<2x20x128x8xf32, #tpu.memory_space<vmem>> -> memref<1x20x128x8xf32, #tpu.memory_space<vmem>>
        %dma_start3A_203 = tpu.memref_squeeze %dma_start3A_202 : memref<1x20x128x8xf32, #tpu.memory_space<vmem>> -> memref<20x128x8xf32, #tpu.memory_space<vmem>>
        %dma_start3A_204 = arith.constant 0 : i32
        %dma_start3A_205 = arith.constant 0 : i32
        %dma_start3A_206 = tpu.memref_slice %dma_start3A_203[%dma_start3A_198, %dma_start3A_204, %dma_start3A_205] : memref<20x128x8xf32, #tpu.memory_space<vmem>> -> memref<1x128x8xf32, #tpu.memory_space<vmem>>
        %dma_start3A_207 = tpu.memref_squeeze %dma_start3A_206 : memref<1x128x8xf32, #tpu.memory_space<vmem>> -> memref<128x8xf32, #tpu.memory_space<vmem>>
        %dma_start3A_208 = arith.constant 0 : i32
        %dma_start3A_209 = tpu.memref_slice %arg6[%dma_start3A_196, %dma_start3A_208] : memref<2x2560xi32, #tpu.memory_space<vmem>> -> memref<1x2560xi32, #tpu.memory_space<vmem>>
        %dma_start3A_210 = tpu.memref_squeeze %dma_start3A_209 : memref<1x2560xi32, #tpu.memory_space<vmem>> -> memref<2560xi32, #tpu.memory_space<vmem>>
        %dma_start3A_211 = arith.constant 384 : i32
        %dma_start3A_212 = tpu.memref_slice %dma_start3A_210[%dma_start3A_211] : memref<2560xi32, #tpu.memory_space<vmem>> -> memref<128xi32, #tpu.memory_space<vmem>>
        %dma_start3A_213 = arith.constant 0 : i32
        %dma_start3A_214 = arith.constant 0 : i32
        %dma_start3A_215 = tpu.memref_slice %arg2[%dma_start3A_213, %dma_start3A_214] : memref<200000x8xf32, #tpu.memory_space<hbm>> -> memref<200000x8xf32, #tpu.memory_space<hbm>>
        tpu.enqueue_indirect_dma source(%dma_start3A_215 : memref<200000x8xf32, #tpu.memory_space<hbm>>) target(%dma_start3A_207 : memref<128x8xf32, #tpu.memory_space<vmem>>) offsets(%dma_start3A_212 : memref<128xi32, #tpu.memory_space<vmem>>) semaphore(%arg10 : memref<!tpu.dma_semaphore, #tpu.memory_space<semaphore_mem>>)
        %dma_start3A_216 = arith.constant 0 : i32
        %dma_start3A_217 = arith.constant 0 : i32
        %dma_start3A_218 = arith.constant 4 : i32
        %dma_start3A_219 = arith.constant 0 : i32
        %dma_start3A_220 = arith.constant 0 : i32
        %dma_start3A_221 = arith.constant 0 : i32
        %dma_start3A_222 = tpu.memref_slice %arg8[%dma_start3A_217, %dma_start3A_219, %dma_start3A_220, %dma_start3A_221] : memref<2x20x128x8xf32, #tpu.memory_space<vmem>> -> memref<1x20x128x8xf32, #tpu.memory_space<vmem>>
        %dma_start3A_223 = tpu.memref_squeeze %dma_start3A_222 : memref<1x20x128x8xf32, #tpu.memory_space<vmem>> -> memref<20x128x8xf32, #tpu.memory_space<vmem>>
        %dma_start3A_224 = arith.constant 0 : i32
        %dma_start3A_225 = arith.constant 0 : i32
        %dma_start3A_226 = tpu.memref_slice %dma_start3A_223[%dma_start3A_218, %dma_start3A_224, %dma_start3A_225] : memref<20x128x8xf32, #tpu.memory_space<vmem>> -> memref<1x128x8xf32, #tpu.memory_space<vmem>>
        %dma_start3A_227 = tpu.memref_squeeze %dma_start3A_226 : memref<1x128x8xf32, #tpu.memory_space<vmem>> -> memref<128x8xf32, #tpu.memory_space<vmem>>
        %dma_start3A_228 = arith.constant 0 : i32
        %dma_start3A_229 = tpu.memref_slice %arg6[%dma_start3A_216, %dma_start3A_228] : memref<2x2560xi32, #tpu.memory_space<vmem>> -> memref<1x2560xi32, #tpu.memory_space<vmem>>
        %dma_start3A_230 = tpu.memref_squeeze %dma_start3A_229 : memref<1x2560xi32, #tpu.memory_space<vmem>> -> memref<2560xi32, #tpu.memory_space<vmem>>
        %dma_start3A_231 = arith.constant 512 : i32
        %dma_start3A_232 = tpu.memref_slice %dma_start3A_230[%dma_start3A_231] : memref<2560xi32, #tpu.memory_space<vmem>> -> memref<128xi32, #tpu.memory_space<vmem>>
        %dma_start3A_233 = arith.constant 0 : i32
        %dma_start3A_234 = arith.constant 0 : i32
        %dma_start3A_235 = tpu.memref_slice %arg2[%dma_start3A_233, %dma_start3A_234] : memref<200000x8xf32, #tpu.memory_space<hbm>> -> memref<200000x8xf32, #tpu.memory_space<hbm>>
        tpu.enqueue_indirect_dma source(%dma_start3A_235 : memref<200000x8xf32, #tpu.memory_space<hbm>>) target(%dma_start3A_227 : memref<128x8xf32, #tpu.memory_space<vmem>>) offsets(%dma_start3A_232 : memref<128xi32, #tpu.memory_space<vmem>>) semaphore(%arg10 : memref<!tpu.dma_semaphore, #tpu.memory_space<semaphore_mem>>)
        %dma_start3A_236 = arith.constant 0 : i32
        %dma_start3A_237 = arith.constant 0 : i32
        %dma_start3A_238 = arith.constant 5 : i32
        %dma_start3A_239 = arith.constant 0 : i32
        %dma_start3A_240 = arith.constant 0 : i32
        %dma_start3A_241 = arith.constant 0 : i32
        %dma_start3A_242 = tpu.memref_slice %arg8[%dma_start3A_237, %dma_start3A_239, %dma_start3A_240, %dma_start3A_241] : memref<2x20x128x8xf32, #tpu.memory_space<vmem>> -> memref<1x20x128x8xf32, #tpu.memory_space<vmem>>
        %dma_start3A_243 = tpu.memref_squeeze %dma_start3A_242 : memref<1x20x128x8xf32, #tpu.memory_space<vmem>> -> memref<20x128x8xf32, #tpu.memory_space<vmem>>
        %dma_start3A_244 = arith.constant 0 : i32
        %dma_start3A_245 = arith.constant 0 : i32
        %dma_start3A_246 = tpu.memref_slice %dma_start3A_243[%dma_start3A_238, %dma_start3A_244, %dma_start3A_245] : memref<20x128x8xf32, #tpu.memory_space<vmem>> -> memref<1x128x8xf32, #tpu.memory_space<vmem>>
        %dma_start3A_247 = tpu.memref_squeeze %dma_start3A_246 : memref<1x128x8xf32, #tpu.memory_space<vmem>> -> memref<128x8xf32, #tpu.memory_space<vmem>>
        %dma_start3A_248 = arith.constant 0 : i32
        %dma_start3A_249 = tpu.memref_slice %arg6[%dma_start3A_236, %dma_start3A_248] : memref<2x2560xi32, #tpu.memory_space<vmem>> -> memref<1x2560xi32, #tpu.memory_space<vmem>>
        %dma_start3A_250 = tpu.memref_squeeze %dma_start3A_249 : memref<1x2560xi32, #tpu.memory_space<vmem>> -> memref<2560xi32, #tpu.memory_space<vmem>>
        %dma_start3A_251 = arith.constant 640 : i32
        %dma_start3A_252 = tpu.memref_slice %dma_start3A_250[%dma_start3A_251] : memref<2560xi32, #tpu.memory_space<vmem>> -> memref<128xi32, #tpu.memory_space<vmem>>
        %dma_start3A_253 = arith.constant 0 : i32
        %dma_start3A_254 = arith.constant 0 : i32
        %dma_start3A_255 = tpu.memref_slice %arg2[%dma_start3A_253, %dma_start3A_254] : memref<200000x8xf32, #tpu.memory_space<hbm>> -> memref<200000x8xf32, #tpu.memory_space<hbm>>
        tpu.enqueue_indirect_dma source(%dma_start3A_255 : memref<200000x8xf32, #tpu.memory_space<hbm>>) target(%dma_start3A_247 : memref<128x8xf32, #tpu.memory_space<vmem>>) offsets(%dma_start3A_252 : memref<128xi32, #tpu.memory_space<vmem>>) semaphore(%arg10 : memref<!tpu.dma_semaphore, #tpu.memory_space<semaphore_mem>>)
        %dma_start3A_256 = arith.constant 0 : i32
        %dma_start3A_257 = arith.constant 0 : i32
        %dma_start3A_258 = arith.constant 6 : i32
        %dma_start3A_259 = arith.constant 0 : i32
        %dma_start3A_260 = arith.constant 0 : i32
        %dma_start3A_261 = arith.constant 0 : i32
        %dma_start3A_262 = tpu.memref_slice %arg8[%dma_start3A_257, %dma_start3A_259, %dma_start3A_260, %dma_start3A_261] : memref<2x20x128x8xf32, #tpu.memory_space<vmem>> -> memref<1x20x128x8xf32, #tpu.memory_space<vmem>>
        %dma_start3A_263 = tpu.memref_squeeze %dma_start3A_262 : memref<1x20x128x8xf32, #tpu.memory_space<vmem>> -> memref<20x128x8xf32, #tpu.memory_space<vmem>>
        %dma_start3A_264 = arith.constant 0 : i32
        %dma_start3A_265 = arith.constant 0 : i32
        %dma_start3A_266 = tpu.memref_slice %dma_start3A_263[%dma_start3A_258, %dma_start3A_264, %dma_start3A_265] : memref<20x128x8xf32, #tpu.memory_space<vmem>> -> memref<1x128x8xf32, #tpu.memory_space<vmem>>
        %dma_start3A_267 = tpu.memref_squeeze %dma_start3A_266 : memref<1x128x8xf32, #tpu.memory_space<vmem>> -> memref<128x8xf32, #tpu.memory_space<vmem>>
        %dma_start3A_268 = arith.constant 0 : i32
        %dma_start3A_269 = tpu.memref_slice %arg6[%dma_start3A_256, %dma_start3A_268] : memref<2x2560xi32, #tpu.memory_space<vmem>> -> memref<1x2560xi32, #tpu.memory_space<vmem>>
        %dma_start3A_270 = tpu.memref_squeeze %dma_start3A_269 : memref<1x2560xi32, #tpu.memory_space<vmem>> -> memref<2560xi32, #tpu.memory_space<vmem>>
        %dma_start3A_271 = arith.constant 768 : i32
        %dma_start3A_272 = tpu.memref_slice %dma_start3A_270[%dma_start3A_271] : memref<2560xi32, #tpu.memory_space<vmem>> -> memref<128xi32, #tpu.memory_space<vmem>>
        %dma_start3A_273 = arith.constant 0 : i32
        %dma_start3A_274 = arith.constant 0 : i32
        %dma_start3A_275 = tpu.memref_slice %arg2[%dma_start3A_273, %dma_start3A_274] : memref<200000x8xf32, #tpu.memory_space<hbm>> -> memref<200000x8xf32, #tpu.memory_space<hbm>>
        tpu.enqueue_indirect_dma source(%dma_start3A_275 : memref<200000x8xf32, #tpu.memory_space<hbm>>) target(%dma_start3A_267 : memref<128x8xf32, #tpu.memory_space<vmem>>) offsets(%dma_start3A_272 : memref<128xi32, #tpu.memory_space<vmem>>) semaphore(%arg10 : memref<!tpu.dma_semaphore, #tpu.memory_space<semaphore_mem>>)
        %dma_start3A_276 = arith.constant 0 : i32
        %dma_start3A_277 = arith.constant 0 : i32
        %dma_start3A_278 = arith.constant 7 : i32
        %dma_start3A_279 = arith.constant 0 : i32
        %dma_start3A_280 = arith.constant 0 : i32
        %dma_start3A_281 = arith.constant 0 : i32
        %dma_start3A_282 = tpu.memref_slice %arg8[%dma_start3A_277, %dma_start3A_279, %dma_start3A_280, %dma_start3A_281] : memref<2x20x128x8xf32, #tpu.memory_space<vmem>> -> memref<1x20x128x8xf32, #tpu.memory_space<vmem>>
        %dma_start3A_283 = tpu.memref_squeeze %dma_start3A_282 : memref<1x20x128x8xf32, #tpu.memory_space<vmem>> -> memref<20x128x8xf32, #tpu.memory_space<vmem>>
        %dma_start3A_284 = arith.constant 0 : i32
        %dma_start3A_285 = arith.constant 0 : i32
        %dma_start3A_286 = tpu.memref_slice %dma_start3A_283[%dma_start3A_278, %dma_start3A_284, %dma_start3A_285] : memref<20x128x8xf32, #tpu.memory_space<vmem>> -> memref<1x128x8xf32, #tpu.memory_space<vmem>>
        %dma_start3A_287 = tpu.memref_squeeze %dma_start3A_286 : memref<1x128x8xf32, #tpu.memory_space<vmem>> -> memref<128x8xf32, #tpu.memory_space<vmem>>
        %dma_start3A_288 = arith.constant 0 : i32
        %dma_start3A_289 = tpu.memref_slice %arg6[%dma_start3A_276, %dma_start3A_288] : memref<2x2560xi32, #tpu.memory_space<vmem>> -> memref<1x2560xi32, #tpu.memory_space<vmem>>
        %dma_start3A_290 = tpu.memref_squeeze %dma_start3A_289 : memref<1x2560xi32, #tpu.memory_space<vmem>> -> memref<2560xi32, #tpu.memory_space<vmem>>
        %dma_start3A_291 = arith.constant 896 : i32
        %dma_start3A_292 = tpu.memref_slice %dma_start3A_290[%dma_start3A_291] : memref<2560xi32, #tpu.memory_space<vmem>> -> memref<128xi32, #tpu.memory_space<vmem>>
        %dma_start3A_293 = arith.constant 0 : i32
        %dma_start3A_294 = arith.constant 0 : i32
        %dma_start3A_295 = tpu.memref_slice %arg2[%dma_start3A_293, %dma_start3A_294] : memref<200000x8xf32, #tpu.memory_space<hbm>> -> memref<200000x8xf32, #tpu.memory_space<hbm>>
        tpu.enqueue_indirect_dma source(%dma_start3A_295 : memref<200000x8xf32, #tpu.memory_space<hbm>>) target(%dma_start3A_287 : memref<128x8xf32, #tpu.memory_space<vmem>>) offsets(%dma_start3A_292 : memref<128xi32, #tpu.memory_space<vmem>>) semaphore(%arg10 : memref<!tpu.dma_semaphore, #tpu.memory_space<semaphore_mem>>)
        %dma_start3A_296 = arith.constant 0 : i32
        %dma_start3A_297 = arith.constant 0 : i32
        %dma_start3A_298 = arith.constant 8 : i32
        %dma_start3A_299 = arith.constant 0 : i32
        %dma_start3A_300 = arith.constant 0 : i32
        %dma_start3A_301 = arith.constant 0 : i32
        %dma_start3A_302 = tpu.memref_slice %arg8[%dma_start3A_297, %dma_start3A_299, %dma_start3A_300, %dma_start3A_301] : memref<2x20x128x8xf32, #tpu.memory_space<vmem>> -> memref<1x20x128x8xf32, #tpu.memory_space<vmem>>
        %dma_start3A_303 = tpu.memref_squeeze %dma_start3A_302 : memref<1x20x128x8xf32, #tpu.memory_space<vmem>> -> memref<20x128x8xf32, #tpu.memory_space<vmem>>
        %dma_start3A_304 = arith.constant 0 : i32
        %dma_start3A_305 = arith.constant 0 : i32
        %dma_start3A_306 = tpu.memref_slice %dma_start3A_303[%dma_start3A_298, %dma_start3A_304, %dma_start3A_305] : memref<20x128x8xf32, #tpu.memory_space<vmem>> -> memref<1x128x8xf32, #tpu.memory_space<vmem>>
        %dma_start3A_307 = tpu.memref_squeeze %dma_start3A_306 : memref<1x128x8xf32, #tpu.memory_space<vmem>> -> memref<128x8xf32, #tpu.memory_space<vmem>>
        %dma_start3A_308 = arith.constant 0 : i32
        %dma_start3A_309 = tpu.memref_slice %arg6[%dma_start3A_296, %dma_start3A_308] : memref<2x2560xi32, #tpu.memory_space<vmem>> -> memref<1x2560xi32, #tpu.memory_space<vmem>>
        %dma_start3A_310 = tpu.memref_squeeze %dma_start3A_309 : memref<1x2560xi32, #tpu.memory_space<vmem>> -> memref<2560xi32, #tpu.memory_space<vmem>>
        %dma_start3A_311 = arith.constant 1024 : i32
        %dma_start3A_312 = tpu.memref_slice %dma_start3A_310[%dma_start3A_311] : memref<2560xi32, #tpu.memory_space<vmem>> -> memref<128xi32, #tpu.memory_space<vmem>>
        %dma_start3A_313 = arith.constant 0 : i32
        %dma_start3A_314 = arith.constant 0 : i32
        %dma_start3A_315 = tpu.memref_slice %arg2[%dma_start3A_313, %dma_start3A_314] : memref<200000x8xf32, #tpu.memory_space<hbm>> -> memref<200000x8xf32, #tpu.memory_space<hbm>>
        tpu.enqueue_indirect_dma source(%dma_start3A_315 : memref<200000x8xf32, #tpu.memory_space<hbm>>) target(%dma_start3A_307 : memref<128x8xf32, #tpu.memory_space<vmem>>) offsets(%dma_start3A_312 : memref<128xi32, #tpu.memory_space<vmem>>) semaphore(%arg10 : memref<!tpu.dma_semaphore, #tpu.memory_space<semaphore_mem>>)
        %dma_start3A_316 = arith.constant 0 : i32
        %dma_start3A_317 = arith.constant 0 : i32
        %dma_start3A_318 = arith.constant 9 : i32
        %dma_start3A_319 = arith.constant 0 : i32
        %dma_start3A_320 = arith.constant 0 : i32
        %dma_start3A_321 = arith.constant 0 : i32
        %dma_start3A_322 = tpu.memref_slice %arg8[%dma_start3A_317, %dma_start3A_319, %dma_start3A_320, %dma_start3A_321] : memref<2x20x128x8xf32, #tpu.memory_space<vmem>> -> memref<1x20x128x8xf32, #tpu.memory_space<vmem>>
        %dma_start3A_323 = tpu.memref_squeeze %dma_start3A_322 : memref<1x20x128x8xf32, #tpu.memory_space<vmem>> -> memref<20x128x8xf32, #tpu.memory_space<vmem>>
        %dma_start3A_324 = arith.constant 0 : i32
        %dma_start3A_325 = arith.constant 0 : i32
        %dma_start3A_326 = tpu.memref_slice %dma_start3A_323[%dma_start3A_318, %dma_start3A_324, %dma_start3A_325] : memref<20x128x8xf32, #tpu.memory_space<vmem>> -> memref<1x128x8xf32, #tpu.memory_space<vmem>>
        %dma_start3A_327 = tpu.memref_squeeze %dma_start3A_326 : memref<1x128x8xf32, #tpu.memory_space<vmem>> -> memref<128x8xf32, #tpu.memory_space<vmem>>
        %dma_start3A_328 = arith.constant 0 : i32
        %dma_start3A_329 = tpu.memref_slice %arg6[%dma_start3A_316, %dma_start3A_328] : memref<2x2560xi32, #tpu.memory_space<vmem>> -> memref<1x2560xi32, #tpu.memory_space<vmem>>
        %dma_start3A_330 = tpu.memref_squeeze %dma_start3A_329 : memref<1x2560xi32, #tpu.memory_space<vmem>> -> memref<2560xi32, #tpu.memory_space<vmem>>
        %dma_start3A_331 = arith.constant 1152 : i32
        %dma_start3A_332 = tpu.memref_slice %dma_start3A_330[%dma_start3A_331] : memref<2560xi32, #tpu.memory_space<vmem>> -> memref<128xi32, #tpu.memory_space<vmem>>
        %dma_start3A_333 = arith.constant 0 : i32
        %dma_start3A_334 = arith.constant 0 : i32
        %dma_start3A_335 = tpu.memref_slice %arg2[%dma_start3A_333, %dma_start3A_334] : memref<200000x8xf32, #tpu.memory_space<hbm>> -> memref<200000x8xf32, #tpu.memory_space<hbm>>
        tpu.enqueue_indirect_dma source(%dma_start3A_335 : memref<200000x8xf32, #tpu.memory_space<hbm>>) target(%dma_start3A_327 : memref<128x8xf32, #tpu.memory_space<vmem>>) offsets(%dma_start3A_332 : memref<128xi32, #tpu.memory_space<vmem>>) semaphore(%arg10 : memref<!tpu.dma_semaphore, #tpu.memory_space<semaphore_mem>>)
        %dma_start3A_336 = arith.constant 0 : i32
        %dma_start3A_337 = arith.constant 0 : i32
        %dma_start3A_338 = arith.constant 10 : i32
        %dma_start3A_339 = arith.constant 0 : i32
        %dma_start3A_340 = arith.constant 0 : i32
        %dma_start3A_341 = arith.constant 0 : i32
        %dma_start3A_342 = tpu.memref_slice %arg8[%dma_start3A_337, %dma_start3A_339, %dma_start3A_340, %dma_start3A_341] : memref<2x20x128x8xf32, #tpu.memory_space<vmem>> -> memref<1x20x128x8xf32, #tpu.memory_space<vmem>>
        %dma_start3A_343 = tpu.memref_squeeze %dma_start3A_342 : memref<1x20x128x8xf32, #tpu.memory_space<vmem>> -> memref<20x128x8xf32, #tpu.memory_space<vmem>>
        %dma_start3A_344 = arith.constant 0 : i32
        %dma_start3A_345 = arith.constant 0 : i32
        %dma_start3A_346 = tpu.memref_slice %dma_start3A_343[%dma_start3A_338, %dma_start3A_344, %dma_start3A_345] : memref<20x128x8xf32, #tpu.memory_space<vmem>> -> memref<1x128x8xf32, #tpu.memory_space<vmem>>
        %dma_start3A_347 = tpu.memref_squeeze %dma_start3A_346 : memref<1x128x8xf32, #tpu.memory_space<vmem>> -> memref<128x8xf32, #tpu.memory_space<vmem>>
        %dma_start3A_348 = arith.constant 0 : i32
        %dma_start3A_349 = tpu.memref_slice %arg6[%dma_start3A_336, %dma_start3A_348] : memref<2x2560xi32, #tpu.memory_space<vmem>> -> memref<1x2560xi32, #tpu.memory_space<vmem>>
        %dma_start3A_350 = tpu.memref_squeeze %dma_start3A_349 : memref<1x2560xi32, #tpu.memory_space<vmem>> -> memref<2560xi32, #tpu.memory_space<vmem>>
        %dma_start3A_351 = arith.constant 1280 : i32
        %dma_start3A_352 = tpu.memref_slice %dma_start3A_350[%dma_start3A_351] : memref<2560xi32, #tpu.memory_space<vmem>> -> memref<128xi32, #tpu.memory_space<vmem>>
        %dma_start3A_353 = arith.constant 0 : i32
        %dma_start3A_354 = arith.constant 0 : i32
        %dma_start3A_355 = tpu.memref_slice %arg2[%dma_start3A_353, %dma_start3A_354] : memref<200000x8xf32, #tpu.memory_space<hbm>> -> memref<200000x8xf32, #tpu.memory_space<hbm>>
        tpu.enqueue_indirect_dma source(%dma_start3A_355 : memref<200000x8xf32, #tpu.memory_space<hbm>>) target(%dma_start3A_347 : memref<128x8xf32, #tpu.memory_space<vmem>>) offsets(%dma_start3A_352 : memref<128xi32, #tpu.memory_space<vmem>>) semaphore(%arg10 : memref<!tpu.dma_semaphore, #tpu.memory_space<semaphore_mem>>)
        %dma_start3A_356 = arith.constant 0 : i32
        %dma_start3A_357 = arith.constant 0 : i32
        %dma_start3A_358 = arith.constant 11 : i32
        %dma_start3A_359 = arith.constant 0 : i32
        %dma_start3A_360 = arith.constant 0 : i32
        %dma_start3A_361 = arith.constant 0 : i32
        %dma_start3A_362 = tpu.memref_slice %arg8[%dma_start3A_357, %dma_start3A_359, %dma_start3A_360, %dma_start3A_361] : memref<2x20x128x8xf32, #tpu.memory_space<vmem>> -> memref<1x20x128x8xf32, #tpu.memory_space<vmem>>
        %dma_start3A_363 = tpu.memref_squeeze %dma_start3A_362 : memref<1x20x128x8xf32, #tpu.memory_space<vmem>> -> memref<20x128x8xf32, #tpu.memory_space<vmem>>
        %dma_start3A_364 = arith.constant 0 : i32
        %dma_start3A_365 = arith.constant 0 : i32
        %dma_start3A_366 = tpu.memref_slice %dma_start3A_363[%dma_start3A_358, %dma_start3A_364, %dma_start3A_365] : memref<20x128x8xf32, #tpu.memory_space<vmem>> -> memref<1x128x8xf32, #tpu.memory_space<vmem>>
        %dma_start3A_367 = tpu.memref_squeeze %dma_start3A_366 : memref<1x128x8xf32, #tpu.memory_space<vmem>> -> memref<128x8xf32, #tpu.memory_space<vmem>>
        %dma_start3A_368 = arith.constant 0 : i32
        %dma_start3A_369 = tpu.memref_slice %arg6[%dma_start3A_356, %dma_start3A_368] : memref<2x2560xi32, #tpu.memory_space<vmem>> -> memref<1x2560xi32, #tpu.memory_space<vmem>>
        %dma_start3A_370 = tpu.memref_squeeze %dma_start3A_369 : memref<1x2560xi32, #tpu.memory_space<vmem>> -> memref<2560xi32, #tpu.memory_space<vmem>>
        %dma_start3A_371 = arith.constant 1408 : i32
        %dma_start3A_372 = tpu.memref_slice %dma_start3A_370[%dma_start3A_371] : memref<2560xi32, #tpu.memory_space<vmem>> -> memref<128xi32, #tpu.memory_space<vmem>>
        %dma_start3A_373 = arith.constant 0 : i32
        %dma_start3A_374 = arith.constant 0 : i32
        %dma_start3A_375 = tpu.memref_slice %arg2[%dma_start3A_373, %dma_start3A_374] : memref<200000x8xf32, #tpu.memory_space<hbm>> -> memref<200000x8xf32, #tpu.memory_space<hbm>>
        tpu.enqueue_indirect_dma source(%dma_start3A_375 : memref<200000x8xf32, #tpu.memory_space<hbm>>) target(%dma_start3A_367 : memref<128x8xf32, #tpu.memory_space<vmem>>) offsets(%dma_start3A_372 : memref<128xi32, #tpu.memory_space<vmem>>) semaphore(%arg10 : memref<!tpu.dma_semaphore, #tpu.memory_space<semaphore_mem>>)
        %dma_start3A_376 = arith.constant 0 : i32
        %dma_start3A_377 = arith.constant 0 : i32
        %dma_start3A_378 = arith.constant 12 : i32
        %dma_start3A_379 = arith.constant 0 : i32
        %dma_start3A_380 = arith.constant 0 : i32
        %dma_start3A_381 = arith.constant 0 : i32
        %dma_start3A_382 = tpu.memref_slice %arg8[%dma_start3A_377, %dma_start3A_379, %dma_start3A_380, %dma_start3A_381] : memref<2x20x128x8xf32, #tpu.memory_space<vmem>> -> memref<1x20x128x8xf32, #tpu.memory_space<vmem>>
        %dma_start3A_383 = tpu.memref_squeeze %dma_start3A_382 : memref<1x20x128x8xf32, #tpu.memory_space<vmem>> -> memref<20x128x8xf32, #tpu.memory_space<vmem>>
        %dma_start3A_384 = arith.constant 0 : i32
        %dma_start3A_385 = arith.constant 0 : i32
        %dma_start3A_386 = tpu.memref_slice %dma_start3A_383[%dma_start3A_378, %dma_start3A_384, %dma_start3A_385] : memref<20x128x8xf32, #tpu.memory_space<vmem>> -> memref<1x128x8xf32, #tpu.memory_space<vmem>>
        %dma_start3A_387 = tpu.memref_squeeze %dma_start3A_386 : memref<1x128x8xf32, #tpu.memory_space<vmem>> -> memref<128x8xf32, #tpu.memory_space<vmem>>
        %dma_start3A_388 = arith.constant 0 : i32
        %dma_start3A_389 = tpu.memref_slice %arg6[%dma_start3A_376, %dma_start3A_388] : memref<2x2560xi32, #tpu.memory_space<vmem>> -> memref<1x2560xi32, #tpu.memory_space<vmem>>
        %dma_start3A_390 = tpu.memref_squeeze %dma_start3A_389 : memref<1x2560xi32, #tpu.memory_space<vmem>> -> memref<2560xi32, #tpu.memory_space<vmem>>
        %dma_start3A_391 = arith.constant 1536 : i32
        %dma_start3A_392 = tpu.memref_slice %dma_start3A_390[%dma_start3A_391] : memref<2560xi32, #tpu.memory_space<vmem>> -> memref<128xi32, #tpu.memory_space<vmem>>
        %dma_start3A_393 = arith.constant 0 : i32
        %dma_start3A_394 = arith.constant 0 : i32
        %dma_start3A_395 = tpu.memref_slice %arg2[%dma_start3A_393, %dma_start3A_394] : memref<200000x8xf32, #tpu.memory_space<hbm>> -> memref<200000x8xf32, #tpu.memory_space<hbm>>
        tpu.enqueue_indirect_dma source(%dma_start3A_395 : memref<200000x8xf32, #tpu.memory_space<hbm>>) target(%dma_start3A_387 : memref<128x8xf32, #tpu.memory_space<vmem>>) offsets(%dma_start3A_392 : memref<128xi32, #tpu.memory_space<vmem>>) semaphore(%arg10 : memref<!tpu.dma_semaphore, #tpu.memory_space<semaphore_mem>>)
        %dma_start3A_396 = arith.constant 0 : i32
        %dma_start3A_397 = arith.constant 0 : i32
        %dma_start3A_398 = arith.constant 13 : i32
        %dma_start3A_399 = arith.constant 0 : i32
        %dma_start3A_400 = arith.constant 0 : i32
        %dma_start3A_401 = arith.constant 0 : i32
        %dma_start3A_402 = tpu.memref_slice %arg8[%dma_start3A_397, %dma_start3A_399, %dma_start3A_400, %dma_start3A_401] : memref<2x20x128x8xf32, #tpu.memory_space<vmem>> -> memref<1x20x128x8xf32, #tpu.memory_space<vmem>>
        %dma_start3A_403 = tpu.memref_squeeze %dma_start3A_402 : memref<1x20x128x8xf32, #tpu.memory_space<vmem>> -> memref<20x128x8xf32, #tpu.memory_space<vmem>>
        %dma_start3A_404 = arith.constant 0 : i32
        %dma_start3A_405 = arith.constant 0 : i32
        %dma_start3A_406 = tpu.memref_slice %dma_start3A_403[%dma_start3A_398, %dma_start3A_404, %dma_start3A_405] : memref<20x128x8xf32, #tpu.memory_space<vmem>> -> memref<1x128x8xf32, #tpu.memory_space<vmem>>
        %dma_start3A_407 = tpu.memref_squeeze %dma_start3A_406 : memref<1x128x8xf32, #tpu.memory_space<vmem>> -> memref<128x8xf32, #tpu.memory_space<vmem>>
        %dma_start3A_408 = arith.constant 0 : i32
        %dma_start3A_409 = tpu.memref_slice %arg6[%dma_start3A_396, %dma_start3A_408] : memref<2x2560xi32, #tpu.memory_space<vmem>> -> memref<1x2560xi32, #tpu.memory_space<vmem>>
        %dma_start3A_410 = tpu.memref_squeeze %dma_start3A_409 : memref<1x2560xi32, #tpu.memory_space<vmem>> -> memref<2560xi32, #tpu.memory_space<vmem>>
        %dma_start3A_411 = arith.constant 1664 : i32
        %dma_start3A_412 = tpu.memref_slice %dma_start3A_410[%dma_start3A_411] : memref<2560xi32, #tpu.memory_space<vmem>> -> memref<128xi32, #tpu.memory_space<vmem>>
        %dma_start3A_413 = arith.constant 0 : i32
        %dma_start3A_414 = arith.constant 0 : i32
        %dma_start3A_415 = tpu.memref_slice %arg2[%dma_start3A_413, %dma_start3A_414] : memref<200000x8xf32, #tpu.memory_space<hbm>> -> memref<200000x8xf32, #tpu.memory_space<hbm>>
        tpu.enqueue_indirect_dma source(%dma_start3A_415 : memref<200000x8xf32, #tpu.memory_space<hbm>>) target(%dma_start3A_407 : memref<128x8xf32, #tpu.memory_space<vmem>>) offsets(%dma_start3A_412 : memref<128xi32, #tpu.memory_space<vmem>>) semaphore(%arg10 : memref<!tpu.dma_semaphore, #tpu.memory_space<semaphore_mem>>)
        %dma_start3A_416 = arith.constant 0 : i32
        %dma_start3A_417 = arith.constant 0 : i32
        %dma_start3A_418 = arith.constant 14 : i32
        %dma_start3A_419 = arith.constant 0 : i32
        %dma_start3A_420 = arith.constant 0 : i32
        %dma_start3A_421 = arith.constant 0 : i32
        %dma_start3A_422 = tpu.memref_slice %arg8[%dma_start3A_417, %dma_start3A_419, %dma_start3A_420, %dma_start3A_421] : memref<2x20x128x8xf32, #tpu.memory_space<vmem>> -> memref<1x20x128x8xf32, #tpu.memory_space<vmem>>
        %dma_start3A_423 = tpu.memref_squeeze %dma_start3A_422 : memref<1x20x128x8xf32, #tpu.memory_space<vmem>> -> memref<20x128x8xf32, #tpu.memory_space<vmem>>
        %dma_start3A_424 = arith.constant 0 : i32
        %dma_start3A_425 = arith.constant 0 : i32
        %dma_start3A_426 = tpu.memref_slice %dma_start3A_423[%dma_start3A_418, %dma_start3A_424, %dma_start3A_425] : memref<20x128x8xf32, #tpu.memory_space<vmem>> -> memref<1x128x8xf32, #tpu.memory_space<vmem>>
        %dma_start3A_427 = tpu.memref_squeeze %dma_start3A_426 : memref<1x128x8xf32, #tpu.memory_space<vmem>> -> memref<128x8xf32, #tpu.memory_space<vmem>>
        %dma_start3A_428 = arith.constant 0 : i32
        %dma_start3A_429 = tpu.memref_slice %arg6[%dma_start3A_416, %dma_start3A_428] : memref<2x2560xi32, #tpu.memory_space<vmem>> -> memref<1x2560xi32, #tpu.memory_space<vmem>>
        %dma_start3A_430 = tpu.memref_squeeze %dma_start3A_429 : memref<1x2560xi32, #tpu.memory_space<vmem>> -> memref<2560xi32, #tpu.memory_space<vmem>>
        %dma_start3A_431 = arith.constant 1792 : i32
        %dma_start3A_432 = tpu.memref_slice %dma_start3A_430[%dma_start3A_431] : memref<2560xi32, #tpu.memory_space<vmem>> -> memref<128xi32, #tpu.memory_space<vmem>>
        %dma_start3A_433 = arith.constant 0 : i32
        %dma_start3A_434 = arith.constant 0 : i32
        %dma_start3A_435 = tpu.memref_slice %arg2[%dma_start3A_433, %dma_start3A_434] : memref<200000x8xf32, #tpu.memory_space<hbm>> -> memref<200000x8xf32, #tpu.memory_space<hbm>>
        tpu.enqueue_indirect_dma source(%dma_start3A_435 : memref<200000x8xf32, #tpu.memory_space<hbm>>) target(%dma_start3A_427 : memref<128x8xf32, #tpu.memory_space<vmem>>) offsets(%dma_start3A_432 : memref<128xi32, #tpu.memory_space<vmem>>) semaphore(%arg10 : memref<!tpu.dma_semaphore, #tpu.memory_space<semaphore_mem>>)
        %dma_start3A_436 = arith.constant 0 : i32
        %dma_start3A_437 = arith.constant 0 : i32
        %dma_start3A_438 = arith.constant 15 : i32
        %dma_start3A_439 = arith.constant 0 : i32
        %dma_start3A_440 = arith.constant 0 : i32
        %dma_start3A_441 = arith.constant 0 : i32
        %dma_start3A_442 = tpu.memref_slice %arg8[%dma_start3A_437, %dma_start3A_439, %dma_start3A_440, %dma_start3A_441] : memref<2x20x128x8xf32, #tpu.memory_space<vmem>> -> memref<1x20x128x8xf32, #tpu.memory_space<vmem>>
        %dma_start3A_443 = tpu.memref_squeeze %dma_start3A_442 : memref<1x20x128x8xf32, #tpu.memory_space<vmem>> -> memref<20x128x8xf32, #tpu.memory_space<vmem>>
        %dma_start3A_444 = arith.constant 0 : i32
        %dma_start3A_445 = arith.constant 0 : i32
        %dma_start3A_446 = tpu.memref_slice %dma_start3A_443[%dma_start3A_438, %dma_start3A_444, %dma_start3A_445] : memref<20x128x8xf32, #tpu.memory_space<vmem>> -> memref<1x128x8xf32, #tpu.memory_space<vmem>>
        %dma_start3A_447 = tpu.memref_squeeze %dma_start3A_446 : memref<1x128x8xf32, #tpu.memory_space<vmem>> -> memref<128x8xf32, #tpu.memory_space<vmem>>
        %dma_start3A_448 = arith.constant 0 : i32
        %dma_start3A_449 = tpu.memref_slice %arg6[%dma_start3A_436, %dma_start3A_448] : memref<2x2560xi32, #tpu.memory_space<vmem>> -> memref<1x2560xi32, #tpu.memory_space<vmem>>
        %dma_start3A_450 = tpu.memref_squeeze %dma_start3A_449 : memref<1x2560xi32, #tpu.memory_space<vmem>> -> memref<2560xi32, #tpu.memory_space<vmem>>
        %dma_start3A_451 = arith.constant 1920 : i32
        %dma_start3A_452 = tpu.memref_slice %dma_start3A_450[%dma_start3A_451] : memref<2560xi32, #tpu.memory_space<vmem>> -> memref<128xi32, #tpu.memory_space<vmem>>
        %dma_start3A_453 = arith.constant 0 : i32
        %dma_start3A_454 = arith.constant 0 : i32
        %dma_start3A_455 = tpu.memref_slice %arg2[%dma_start3A_453, %dma_start3A_454] : memref<200000x8xf32, #tpu.memory_space<hbm>> -> memref<200000x8xf32, #tpu.memory_space<hbm>>
        tpu.enqueue_indirect_dma source(%dma_start3A_455 : memref<200000x8xf32, #tpu.memory_space<hbm>>) target(%dma_start3A_447 : memref<128x8xf32, #tpu.memory_space<vmem>>) offsets(%dma_start3A_452 : memref<128xi32, #tpu.memory_space<vmem>>) semaphore(%arg10 : memref<!tpu.dma_semaphore, #tpu.memory_space<semaphore_mem>>)
        %dma_start3A_456 = arith.constant 0 : i32
        %dma_start3A_457 = arith.constant 0 : i32
        %dma_start3A_458 = arith.constant 16 : i32
        %dma_start3A_459 = arith.constant 0 : i32
        %dma_start3A_460 = arith.constant 0 : i32
        %dma_start3A_461 = arith.constant 0 : i32
        %dma_start3A_462 = tpu.memref_slice %arg8[%dma_start3A_457, %dma_start3A_459, %dma_start3A_460, %dma_start3A_461] : memref<2x20x128x8xf32, #tpu.memory_space<vmem>> -> memref<1x20x128x8xf32, #tpu.memory_space<vmem>>
        %dma_start3A_463 = tpu.memref_squeeze %dma_start3A_462 : memref<1x20x128x8xf32, #tpu.memory_space<vmem>> -> memref<20x128x8xf32, #tpu.memory_space<vmem>>
        %dma_start3A_464 = arith.constant 0 : i32
        %dma_start3A_465 = arith.constant 0 : i32
        %dma_start3A_466 = tpu.memref_slice %dma_start3A_463[%dma_start3A_458, %dma_start3A_464, %dma_start3A_465] : memref<20x128x8xf32, #tpu.memory_space<vmem>> -> memref<1x128x8xf32, #tpu.memory_space<vmem>>
        %dma_start3A_467 = tpu.memref_squeeze %dma_start3A_466 : memref<1x128x8xf32, #tpu.memory_space<vmem>> -> memref<128x8xf32, #tpu.memory_space<vmem>>
        %dma_start3A_468 = arith.constant 0 : i32
        %dma_start3A_469 = tpu.memref_slice %arg6[%dma_start3A_456, %dma_start3A_468] : memref<2x2560xi32, #tpu.memory_space<vmem>> -> memref<1x2560xi32, #tpu.memory_space<vmem>>
        %dma_start3A_470 = tpu.memref_squeeze %dma_start3A_469 : memref<1x2560xi32, #tpu.memory_space<vmem>> -> memref<2560xi32, #tpu.memory_space<vmem>>
        %dma_start3A_471 = arith.constant 2048 : i32
        %dma_start3A_472 = tpu.memref_slice %dma_start3A_470[%dma_start3A_471] : memref<2560xi32, #tpu.memory_space<vmem>> -> memref<128xi32, #tpu.memory_space<vmem>>
        %dma_start3A_473 = arith.constant 0 : i32
        %dma_start3A_474 = arith.constant 0 : i32
        %dma_start3A_475 = tpu.memref_slice %arg2[%dma_start3A_473, %dma_start3A_474] : memref<200000x8xf32, #tpu.memory_space<hbm>> -> memref<200000x8xf32, #tpu.memory_space<hbm>>
        tpu.enqueue_indirect_dma source(%dma_start3A_475 : memref<200000x8xf32, #tpu.memory_space<hbm>>) target(%dma_start3A_467 : memref<128x8xf32, #tpu.memory_space<vmem>>) offsets(%dma_start3A_472 : memref<128xi32, #tpu.memory_space<vmem>>) semaphore(%arg10 : memref<!tpu.dma_semaphore, #tpu.memory_space<semaphore_mem>>)
        %dma_start3A_476 = arith.constant 0 : i32
        %dma_start3A_477 = arith.constant 0 : i32
        %dma_start3A_478 = arith.constant 17 : i32
        %dma_start3A_479 = arith.constant 0 : i32
        %dma_start3A_480 = arith.constant 0 : i32
        %dma_start3A_481 = arith.constant 0 : i32
        %dma_start3A_482 = tpu.memref_slice %arg8[%dma_start3A_477, %dma_start3A_479, %dma_start3A_480, %dma_start3A_481] : memref<2x20x128x8xf32, #tpu.memory_space<vmem>> -> memref<1x20x128x8xf32, #tpu.memory_space<vmem>>
        %dma_start3A_483 = tpu.memref_squeeze %dma_start3A_482 : memref<1x20x128x8xf32, #tpu.memory_space<vmem>> -> memref<20x128x8xf32, #tpu.memory_space<vmem>>
        %dma_start3A_484 = arith.constant 0 : i32
        %dma_start3A_485 = arith.constant 0 : i32
        %dma_start3A_486 = tpu.memref_slice %dma_start3A_483[%dma_start3A_478, %dma_start3A_484, %dma_start3A_485] : memref<20x128x8xf32, #tpu.memory_space<vmem>> -> memref<1x128x8xf32, #tpu.memory_space<vmem>>
        %dma_start3A_487 = tpu.memref_squeeze %dma_start3A_486 : memref<1x128x8xf32, #tpu.memory_space<vmem>> -> memref<128x8xf32, #tpu.memory_space<vmem>>
        %dma_start3A_488 = arith.constant 0 : i32
        %dma_start3A_489 = tpu.memref_slice %arg6[%dma_start3A_476, %dma_start3A_488] : memref<2x2560xi32, #tpu.memory_space<vmem>> -> memref<1x2560xi32, #tpu.memory_space<vmem>>
        %dma_start3A_490 = tpu.memref_squeeze %dma_start3A_489 : memref<1x2560xi32, #tpu.memory_space<vmem>> -> memref<2560xi32, #tpu.memory_space<vmem>>
        %dma_start3A_491 = arith.constant 2176 : i32
        %dma_start3A_492 = tpu.memref_slice %dma_start3A_490[%dma_start3A_491] : memref<2560xi32, #tpu.memory_space<vmem>> -> memref<128xi32, #tpu.memory_space<vmem>>
        %dma_start3A_493 = arith.constant 0 : i32
        %dma_start3A_494 = arith.constant 0 : i32
        %dma_start3A_495 = tpu.memref_slice %arg2[%dma_start3A_493, %dma_start3A_494] : memref<200000x8xf32, #tpu.memory_space<hbm>> -> memref<200000x8xf32, #tpu.memory_space<hbm>>
        tpu.enqueue_indirect_dma source(%dma_start3A_495 : memref<200000x8xf32, #tpu.memory_space<hbm>>) target(%dma_start3A_487 : memref<128x8xf32, #tpu.memory_space<vmem>>) offsets(%dma_start3A_492 : memref<128xi32, #tpu.memory_space<vmem>>) semaphore(%arg10 : memref<!tpu.dma_semaphore, #tpu.memory_space<semaphore_mem>>)
        %dma_start3A_496 = arith.constant 0 : i32
        %dma_start3A_497 = arith.constant 0 : i32
        %dma_start3A_498 = arith.constant 18 : i32
        %dma_start3A_499 = arith.constant 0 : i32
        %dma_start3A_500 = arith.constant 0 : i32
        %dma_start3A_501 = arith.constant 0 : i32
        %dma_start3A_502 = tpu.memref_slice %arg8[%dma_start3A_497, %dma_start3A_499, %dma_start3A_500, %dma_start3A_501] : memref<2x20x128x8xf32, #tpu.memory_space<vmem>> -> memref<1x20x128x8xf32, #tpu.memory_space<vmem>>
        %dma_start3A_503 = tpu.memref_squeeze %dma_start3A_502 : memref<1x20x128x8xf32, #tpu.memory_space<vmem>> -> memref<20x128x8xf32, #tpu.memory_space<vmem>>
        %dma_start3A_504 = arith.constant 0 : i32
        %dma_start3A_505 = arith.constant 0 : i32
        %dma_start3A_506 = tpu.memref_slice %dma_start3A_503[%dma_start3A_498, %dma_start3A_504, %dma_start3A_505] : memref<20x128x8xf32, #tpu.memory_space<vmem>> -> memref<1x128x8xf32, #tpu.memory_space<vmem>>
        %dma_start3A_507 = tpu.memref_squeeze %dma_start3A_506 : memref<1x128x8xf32, #tpu.memory_space<vmem>> -> memref<128x8xf32, #tpu.memory_space<vmem>>
        %dma_start3A_508 = arith.constant 0 : i32
        %dma_start3A_509 = tpu.memref_slice %arg6[%dma_start3A_496, %dma_start3A_508] : memref<2x2560xi32, #tpu.memory_space<vmem>> -> memref<1x2560xi32, #tpu.memory_space<vmem>>
        %dma_start3A_510 = tpu.memref_squeeze %dma_start3A_509 : memref<1x2560xi32, #tpu.memory_space<vmem>> -> memref<2560xi32, #tpu.memory_space<vmem>>
        %dma_start3A_511 = arith.constant 2304 : i32
        %dma_start3A_512 = tpu.memref_slice %dma_start3A_510[%dma_start3A_511] : memref<2560xi32, #tpu.memory_space<vmem>> -> memref<128xi32, #tpu.memory_space<vmem>>
        %dma_start3A_513 = arith.constant 0 : i32
        %dma_start3A_514 = arith.constant 0 : i32
        %dma_start3A_515 = tpu.memref_slice %arg2[%dma_start3A_513, %dma_start3A_514] : memref<200000x8xf32, #tpu.memory_space<hbm>> -> memref<200000x8xf32, #tpu.memory_space<hbm>>
        tpu.enqueue_indirect_dma source(%dma_start3A_515 : memref<200000x8xf32, #tpu.memory_space<hbm>>) target(%dma_start3A_507 : memref<128x8xf32, #tpu.memory_space<vmem>>) offsets(%dma_start3A_512 : memref<128xi32, #tpu.memory_space<vmem>>) semaphore(%arg10 : memref<!tpu.dma_semaphore, #tpu.memory_space<semaphore_mem>>)
        %dma_start3A_516 = arith.constant 0 : i32
        %dma_start3A_517 = arith.constant 0 : i32
        %dma_start3A_518 = arith.constant 19 : i32
        %dma_start3A_519 = arith.constant 0 : i32
        %dma_start3A_520 = arith.constant 0 : i32
        %dma_start3A_521 = arith.constant 0 : i32
        %dma_start3A_522 = tpu.memref_slice %arg8[%dma_start3A_517, %dma_start3A_519, %dma_start3A_520, %dma_start3A_521] : memref<2x20x128x8xf32, #tpu.memory_space<vmem>> -> memref<1x20x128x8xf32, #tpu.memory_space<vmem>>
        %dma_start3A_523 = tpu.memref_squeeze %dma_start3A_522 : memref<1x20x128x8xf32, #tpu.memory_space<vmem>> -> memref<20x128x8xf32, #tpu.memory_space<vmem>>
        %dma_start3A_524 = arith.constant 0 : i32
        %dma_start3A_525 = arith.constant 0 : i32
        %dma_start3A_526 = tpu.memref_slice %dma_start3A_523[%dma_start3A_518, %dma_start3A_524, %dma_start3A_525] : memref<20x128x8xf32, #tpu.memory_space<vmem>> -> memref<1x128x8xf32, #tpu.memory_space<vmem>>
        %dma_start3A_527 = tpu.memref_squeeze %dma_start3A_526 : memref<1x128x8xf32, #tpu.memory_space<vmem>> -> memref<128x8xf32, #tpu.memory_space<vmem>>
        %dma_start3A_528 = arith.constant 0 : i32
        %dma_start3A_529 = tpu.memref_slice %arg6[%dma_start3A_516, %dma_start3A_528] : memref<2x2560xi32, #tpu.memory_space<vmem>> -> memref<1x2560xi32, #tpu.memory_space<vmem>>
        %dma_start3A_530 = tpu.memref_squeeze %dma_start3A_529 : memref<1x2560xi32, #tpu.memory_space<vmem>> -> memref<2560xi32, #tpu.memory_space<vmem>>
        %dma_start3A_531 = arith.constant 2432 : i32
        %dma_start3A_532 = tpu.memref_slice %dma_start3A_530[%dma_start3A_531] : memref<2560xi32, #tpu.memory_space<vmem>> -> memref<128xi32, #tpu.memory_space<vmem>>
        %dma_start3A_533 = arith.constant 0 : i32
        %dma_start3A_534 = arith.constant 0 : i32
        %dma_start3A_535 = tpu.memref_slice %arg2[%dma_start3A_533, %dma_start3A_534] : memref<200000x8xf32, #tpu.memory_space<hbm>> -> memref<200000x8xf32, #tpu.memory_space<hbm>>
        tpu.enqueue_indirect_dma source(%dma_start3A_535 : memref<200000x8xf32, #tpu.memory_space<hbm>>) target(%dma_start3A_527 : memref<128x8xf32, #tpu.memory_space<vmem>>) offsets(%dma_start3A_532 : memref<128xi32, #tpu.memory_space<vmem>>) semaphore(%arg10 : memref<!tpu.dma_semaphore, #tpu.memory_space<semaphore_mem>>)
      } else {
      }
      %ge3A = arith.constant 1 : i32
      %ge3A_56 = arith.cmpi sge, %add3A_47, %ge3A : i32
      %sub3A = arith.constant 32 : i32
      %sub3A_57 = arith.subi %add3A_50, %sub3A : i32
      %lt3A_58 = arith.constant 2500 : i32
      %lt3A_59 = arith.cmpi slt, %sub3A_57, %lt3A_58 : i32
      %and3A = arith.andi %ge3A_56, %lt3A_59 : i1
      %convert_element_type3A_60 = arith.extui %and3A : i1 to i32
      %cond3A_61 = arith.constant 0 : i32
      %cond3A_62 = arith.cmpi ne, %convert_element_type3A_60, %cond3A_61 : i32
      scf.if %cond3A_62 {
        %dma_wait3A = arith.constant 1 : i32
        %dma_wait3A_109 = arith.constant 0 : i32
        %dma_wait3A_110 = arith.constant 1 : i32
        %dma_wait3A_111 = arith.constant 0 : i32
        %dma_wait3A_112 = arith.constant 0 : i32
        %dma_wait3A_113 = arith.constant 0 : i32
        %dma_wait3A_114 = tpu.memref_slice %arg8[%dma_wait3A, %dma_wait3A_111, %dma_wait3A_112, %dma_wait3A_113] : memref<2x20x128x8xf32, #tpu.memory_space<vmem>> -> memref<1x20x128x8xf32, #tpu.memory_space<vmem>>
        %dma_wait3A_115 = tpu.memref_squeeze %dma_wait3A_114 : memref<1x20x128x8xf32, #tpu.memory_space<vmem>> -> memref<20x128x8xf32, #tpu.memory_space<vmem>>
        %dma_wait3A_116 = arith.constant 0 : i32
        %dma_wait3A_117 = arith.constant 0 : i32
        %dma_wait3A_118 = tpu.memref_slice %dma_wait3A_115[%dma_wait3A_109, %dma_wait3A_116, %dma_wait3A_117] : memref<20x128x8xf32, #tpu.memory_space<vmem>> -> memref<1x128x8xf32, #tpu.memory_space<vmem>>
        %dma_wait3A_119 = tpu.memref_squeeze %dma_wait3A_118 : memref<1x128x8xf32, #tpu.memory_space<vmem>> -> memref<128x8xf32, #tpu.memory_space<vmem>>
        %dma_wait3A_120 = arith.constant 0 : i32
        %dma_wait3A_121 = tpu.memref_slice %arg7[%dma_wait3A_110, %dma_wait3A_120] : memref<2x2560xi32, #tpu.memory_space<vmem>> -> memref<1x2560xi32, #tpu.memory_space<vmem>>
        %dma_wait3A_122 = tpu.memref_squeeze %dma_wait3A_121 : memref<1x2560xi32, #tpu.memory_space<vmem>> -> memref<2560xi32, #tpu.memory_space<vmem>>
        %dma_wait3A_123 = arith.constant 0 : i32
        %dma_wait3A_124 = tpu.memref_slice %dma_wait3A_122[%dma_wait3A_123] : memref<2560xi32, #tpu.memory_space<vmem>> -> memref<128xi32, #tpu.memory_space<vmem>>
        %dma_wait3A_125 = arith.constant 0 : i32
        %dma_wait3A_126 = arith.constant 0 : i32
        %dma_wait3A_127 = tpu.memref_slice %arg5[%dma_wait3A_125, %dma_wait3A_126] : memref<100000x8xf32, #tpu.memory_space<vmem_shared>> -> memref<100000x8xf32, #tpu.memory_space<vmem_shared>>
        tpu.wait_indirect_dma semaphore(%arg11 : memref<!tpu.dma_semaphore, #tpu.memory_space<semaphore_mem>>) src(%dma_wait3A_119 : memref<128x8xf32, #tpu.memory_space<vmem>>) dst(%dma_wait3A_127 : memref<100000x8xf32, #tpu.memory_space<vmem_shared>>)
        %dma_wait3A_128 = arith.constant 1 : i32
        %dma_wait3A_129 = arith.constant 1 : i32
        %dma_wait3A_130 = arith.constant 1 : i32
        %dma_wait3A_131 = arith.constant 0 : i32
        %dma_wait3A_132 = arith.constant 0 : i32
        %dma_wait3A_133 = arith.constant 0 : i32
        %dma_wait3A_134 = tpu.memref_slice %arg8[%dma_wait3A_128, %dma_wait3A_131, %dma_wait3A_132, %dma_wait3A_133] : memref<2x20x128x8xf32, #tpu.memory_space<vmem>> -> memref<1x20x128x8xf32, #tpu.memory_space<vmem>>
        %dma_wait3A_135 = tpu.memref_squeeze %dma_wait3A_134 : memref<1x20x128x8xf32, #tpu.memory_space<vmem>> -> memref<20x128x8xf32, #tpu.memory_space<vmem>>
        %dma_wait3A_136 = arith.constant 0 : i32
        %dma_wait3A_137 = arith.constant 0 : i32
        %dma_wait3A_138 = tpu.memref_slice %dma_wait3A_135[%dma_wait3A_129, %dma_wait3A_136, %dma_wait3A_137] : memref<20x128x8xf32, #tpu.memory_space<vmem>> -> memref<1x128x8xf32, #tpu.memory_space<vmem>>
        %dma_wait3A_139 = tpu.memref_squeeze %dma_wait3A_138 : memref<1x128x8xf32, #tpu.memory_space<vmem>> -> memref<128x8xf32, #tpu.memory_space<vmem>>
        %dma_wait3A_140 = arith.constant 0 : i32
        %dma_wait3A_141 = tpu.memref_slice %arg7[%dma_wait3A_130, %dma_wait3A_140] : memref<2x2560xi32, #tpu.memory_space<vmem>> -> memref<1x2560xi32, #tpu.memory_space<vmem>>
        %dma_wait3A_142 = tpu.memref_squeeze %dma_wait3A_141 : memref<1x2560xi32, #tpu.memory_space<vmem>> -> memref<2560xi32, #tpu.memory_space<vmem>>
        %dma_wait3A_143 = arith.constant 128 : i32
        %dma_wait3A_144 = tpu.memref_slice %dma_wait3A_142[%dma_wait3A_143] : memref<2560xi32, #tpu.memory_space<vmem>> -> memref<128xi32, #tpu.memory_space<vmem>>
        %dma_wait3A_145 = arith.constant 0 : i32
        %dma_wait3A_146 = arith.constant 0 : i32
        %dma_wait3A_147 = tpu.memref_slice %arg5[%dma_wait3A_145, %dma_wait3A_146] : memref<100000x8xf32, #tpu.memory_space<vmem_shared>> -> memref<100000x8xf32, #tpu.memory_space<vmem_shared>>
        tpu.wait_indirect_dma semaphore(%arg11 : memref<!tpu.dma_semaphore, #tpu.memory_space<semaphore_mem>>) src(%dma_wait3A_139 : memref<128x8xf32, #tpu.memory_space<vmem>>) dst(%dma_wait3A_147 : memref<100000x8xf32, #tpu.memory_space<vmem_shared>>)
        %dma_wait3A_148 = arith.constant 1 : i32
        %dma_wait3A_149 = arith.constant 2 : i32
        %dma_wait3A_150 = arith.constant 1 : i32
        %dma_wait3A_151 = arith.constant 0 : i32
        %dma_wait3A_152 = arith.constant 0 : i32
        %dma_wait3A_153 = arith.constant 0 : i32
        %dma_wait3A_154 = tpu.memref_slice %arg8[%dma_wait3A_148, %dma_wait3A_151, %dma_wait3A_152, %dma_wait3A_153] : memref<2x20x128x8xf32, #tpu.memory_space<vmem>> -> memref<1x20x128x8xf32, #tpu.memory_space<vmem>>
        %dma_wait3A_155 = tpu.memref_squeeze %dma_wait3A_154 : memref<1x20x128x8xf32, #tpu.memory_space<vmem>> -> memref<20x128x8xf32, #tpu.memory_space<vmem>>
        %dma_wait3A_156 = arith.constant 0 : i32
        %dma_wait3A_157 = arith.constant 0 : i32
        %dma_wait3A_158 = tpu.memref_slice %dma_wait3A_155[%dma_wait3A_149, %dma_wait3A_156, %dma_wait3A_157] : memref<20x128x8xf32, #tpu.memory_space<vmem>> -> memref<1x128x8xf32, #tpu.memory_space<vmem>>
        %dma_wait3A_159 = tpu.memref_squeeze %dma_wait3A_158 : memref<1x128x8xf32, #tpu.memory_space<vmem>> -> memref<128x8xf32, #tpu.memory_space<vmem>>
        %dma_wait3A_160 = arith.constant 0 : i32
        %dma_wait3A_161 = tpu.memref_slice %arg7[%dma_wait3A_150, %dma_wait3A_160] : memref<2x2560xi32, #tpu.memory_space<vmem>> -> memref<1x2560xi32, #tpu.memory_space<vmem>>
        %dma_wait3A_162 = tpu.memref_squeeze %dma_wait3A_161 : memref<1x2560xi32, #tpu.memory_space<vmem>> -> memref<2560xi32, #tpu.memory_space<vmem>>
        %dma_wait3A_163 = arith.constant 256 : i32
        %dma_wait3A_164 = tpu.memref_slice %dma_wait3A_162[%dma_wait3A_163] : memref<2560xi32, #tpu.memory_space<vmem>> -> memref<128xi32, #tpu.memory_space<vmem>>
        %dma_wait3A_165 = arith.constant 0 : i32
        %dma_wait3A_166 = arith.constant 0 : i32
        %dma_wait3A_167 = tpu.memref_slice %arg5[%dma_wait3A_165, %dma_wait3A_166] : memref<100000x8xf32, #tpu.memory_space<vmem_shared>> -> memref<100000x8xf32, #tpu.memory_space<vmem_shared>>
        tpu.wait_indirect_dma semaphore(%arg11 : memref<!tpu.dma_semaphore, #tpu.memory_space<semaphore_mem>>) src(%dma_wait3A_159 : memref<128x8xf32, #tpu.memory_space<vmem>>) dst(%dma_wait3A_167 : memref<100000x8xf32, #tpu.memory_space<vmem_shared>>)
        %dma_wait3A_168 = arith.constant 1 : i32
        %dma_wait3A_169 = arith.constant 3 : i32
        %dma_wait3A_170 = arith.constant 1 : i32
        %dma_wait3A_171 = arith.constant 0 : i32
        %dma_wait3A_172 = arith.constant 0 : i32
        %dma_wait3A_173 = arith.constant 0 : i32
        %dma_wait3A_174 = tpu.memref_slice %arg8[%dma_wait3A_168, %dma_wait3A_171, %dma_wait3A_172, %dma_wait3A_173] : memref<2x20x128x8xf32, #tpu.memory_space<vmem>> -> memref<1x20x128x8xf32, #tpu.memory_space<vmem>>
        %dma_wait3A_175 = tpu.memref_squeeze %dma_wait3A_174 : memref<1x20x128x8xf32, #tpu.memory_space<vmem>> -> memref<20x128x8xf32, #tpu.memory_space<vmem>>
        %dma_wait3A_176 = arith.constant 0 : i32
        %dma_wait3A_177 = arith.constant 0 : i32
        %dma_wait3A_178 = tpu.memref_slice %dma_wait3A_175[%dma_wait3A_169, %dma_wait3A_176, %dma_wait3A_177] : memref<20x128x8xf32, #tpu.memory_space<vmem>> -> memref<1x128x8xf32, #tpu.memory_space<vmem>>
        %dma_wait3A_179 = tpu.memref_squeeze %dma_wait3A_178 : memref<1x128x8xf32, #tpu.memory_space<vmem>> -> memref<128x8xf32, #tpu.memory_space<vmem>>
        %dma_wait3A_180 = arith.constant 0 : i32
        %dma_wait3A_181 = tpu.memref_slice %arg7[%dma_wait3A_170, %dma_wait3A_180] : memref<2x2560xi32, #tpu.memory_space<vmem>> -> memref<1x2560xi32, #tpu.memory_space<vmem>>
        %dma_wait3A_182 = tpu.memref_squeeze %dma_wait3A_181 : memref<1x2560xi32, #tpu.memory_space<vmem>> -> memref<2560xi32, #tpu.memory_space<vmem>>
        %dma_wait3A_183 = arith.constant 384 : i32
        %dma_wait3A_184 = tpu.memref_slice %dma_wait3A_182[%dma_wait3A_183] : memref<2560xi32, #tpu.memory_space<vmem>> -> memref<128xi32, #tpu.memory_space<vmem>>
        %dma_wait3A_185 = arith.constant 0 : i32
        %dma_wait3A_186 = arith.constant 0 : i32
        %dma_wait3A_187 = tpu.memref_slice %arg5[%dma_wait3A_185, %dma_wait3A_186] : memref<100000x8xf32, #tpu.memory_space<vmem_shared>> -> memref<100000x8xf32, #tpu.memory_space<vmem_shared>>
        tpu.wait_indirect_dma semaphore(%arg11 : memref<!tpu.dma_semaphore, #tpu.memory_space<semaphore_mem>>) src(%dma_wait3A_179 : memref<128x8xf32, #tpu.memory_space<vmem>>) dst(%dma_wait3A_187 : memref<100000x8xf32, #tpu.memory_space<vmem_shared>>)
        %dma_wait3A_188 = arith.constant 1 : i32
        %dma_wait3A_189 = arith.constant 4 : i32
        %dma_wait3A_190 = arith.constant 1 : i32
        %dma_wait3A_191 = arith.constant 0 : i32
        %dma_wait3A_192 = arith.constant 0 : i32
        %dma_wait3A_193 = arith.constant 0 : i32
        %dma_wait3A_194 = tpu.memref_slice %arg8[%dma_wait3A_188, %dma_wait3A_191, %dma_wait3A_192, %dma_wait3A_193] : memref<2x20x128x8xf32, #tpu.memory_space<vmem>> -> memref<1x20x128x8xf32, #tpu.memory_space<vmem>>
        %dma_wait3A_195 = tpu.memref_squeeze %dma_wait3A_194 : memref<1x20x128x8xf32, #tpu.memory_space<vmem>> -> memref<20x128x8xf32, #tpu.memory_space<vmem>>
        %dma_wait3A_196 = arith.constant 0 : i32
        %dma_wait3A_197 = arith.constant 0 : i32
        %dma_wait3A_198 = tpu.memref_slice %dma_wait3A_195[%dma_wait3A_189, %dma_wait3A_196, %dma_wait3A_197] : memref<20x128x8xf32, #tpu.memory_space<vmem>> -> memref<1x128x8xf32, #tpu.memory_space<vmem>>
        %dma_wait3A_199 = tpu.memref_squeeze %dma_wait3A_198 : memref<1x128x8xf32, #tpu.memory_space<vmem>> -> memref<128x8xf32, #tpu.memory_space<vmem>>
        %dma_wait3A_200 = arith.constant 0 : i32
        %dma_wait3A_201 = tpu.memref_slice %arg7[%dma_wait3A_190, %dma_wait3A_200] : memref<2x2560xi32, #tpu.memory_space<vmem>> -> memref<1x2560xi32, #tpu.memory_space<vmem>>
        %dma_wait3A_202 = tpu.memref_squeeze %dma_wait3A_201 : memref<1x2560xi32, #tpu.memory_space<vmem>> -> memref<2560xi32, #tpu.memory_space<vmem>>
        %dma_wait3A_203 = arith.constant 512 : i32
        %dma_wait3A_204 = tpu.memref_slice %dma_wait3A_202[%dma_wait3A_203] : memref<2560xi32, #tpu.memory_space<vmem>> -> memref<128xi32, #tpu.memory_space<vmem>>
        %dma_wait3A_205 = arith.constant 0 : i32
        %dma_wait3A_206 = arith.constant 0 : i32
        %dma_wait3A_207 = tpu.memref_slice %arg5[%dma_wait3A_205, %dma_wait3A_206] : memref<100000x8xf32, #tpu.memory_space<vmem_shared>> -> memref<100000x8xf32, #tpu.memory_space<vmem_shared>>
        tpu.wait_indirect_dma semaphore(%arg11 : memref<!tpu.dma_semaphore, #tpu.memory_space<semaphore_mem>>) src(%dma_wait3A_199 : memref<128x8xf32, #tpu.memory_space<vmem>>) dst(%dma_wait3A_207 : memref<100000x8xf32, #tpu.memory_space<vmem_shared>>)
        %dma_wait3A_208 = arith.constant 1 : i32
        %dma_wait3A_209 = arith.constant 5 : i32
        %dma_wait3A_210 = arith.constant 1 : i32
        %dma_wait3A_211 = arith.constant 0 : i32
        %dma_wait3A_212 = arith.constant 0 : i32
        %dma_wait3A_213 = arith.constant 0 : i32
        %dma_wait3A_214 = tpu.memref_slice %arg8[%dma_wait3A_208, %dma_wait3A_211, %dma_wait3A_212, %dma_wait3A_213] : memref<2x20x128x8xf32, #tpu.memory_space<vmem>> -> memref<1x20x128x8xf32, #tpu.memory_space<vmem>>
        %dma_wait3A_215 = tpu.memref_squeeze %dma_wait3A_214 : memref<1x20x128x8xf32, #tpu.memory_space<vmem>> -> memref<20x128x8xf32, #tpu.memory_space<vmem>>
        %dma_wait3A_216 = arith.constant 0 : i32
        %dma_wait3A_217 = arith.constant 0 : i32
        %dma_wait3A_218 = tpu.memref_slice %dma_wait3A_215[%dma_wait3A_209, %dma_wait3A_216, %dma_wait3A_217] : memref<20x128x8xf32, #tpu.memory_space<vmem>> -> memref<1x128x8xf32, #tpu.memory_space<vmem>>
        %dma_wait3A_219 = tpu.memref_squeeze %dma_wait3A_218 : memref<1x128x8xf32, #tpu.memory_space<vmem>> -> memref<128x8xf32, #tpu.memory_space<vmem>>
        %dma_wait3A_220 = arith.constant 0 : i32
        %dma_wait3A_221 = tpu.memref_slice %arg7[%dma_wait3A_210, %dma_wait3A_220] : memref<2x2560xi32, #tpu.memory_space<vmem>> -> memref<1x2560xi32, #tpu.memory_space<vmem>>
        %dma_wait3A_222 = tpu.memref_squeeze %dma_wait3A_221 : memref<1x2560xi32, #tpu.memory_space<vmem>> -> memref<2560xi32, #tpu.memory_space<vmem>>
        %dma_wait3A_223 = arith.constant 640 : i32
        %dma_wait3A_224 = tpu.memref_slice %dma_wait3A_222[%dma_wait3A_223] : memref<2560xi32, #tpu.memory_space<vmem>> -> memref<128xi32, #tpu.memory_space<vmem>>
        %dma_wait3A_225 = arith.constant 0 : i32
        %dma_wait3A_226 = arith.constant 0 : i32
        %dma_wait3A_227 = tpu.memref_slice %arg5[%dma_wait3A_225, %dma_wait3A_226] : memref<100000x8xf32, #tpu.memory_space<vmem_shared>> -> memref<100000x8xf32, #tpu.memory_space<vmem_shared>>
        tpu.wait_indirect_dma semaphore(%arg11 : memref<!tpu.dma_semaphore, #tpu.memory_space<semaphore_mem>>) src(%dma_wait3A_219 : memref<128x8xf32, #tpu.memory_space<vmem>>) dst(%dma_wait3A_227 : memref<100000x8xf32, #tpu.memory_space<vmem_shared>>)
        %dma_wait3A_228 = arith.constant 1 : i32
        %dma_wait3A_229 = arith.constant 6 : i32
        %dma_wait3A_230 = arith.constant 1 : i32
        %dma_wait3A_231 = arith.constant 0 : i32
        %dma_wait3A_232 = arith.constant 0 : i32
        %dma_wait3A_233 = arith.constant 0 : i32
        %dma_wait3A_234 = tpu.memref_slice %arg8[%dma_wait3A_228, %dma_wait3A_231, %dma_wait3A_232, %dma_wait3A_233] : memref<2x20x128x8xf32, #tpu.memory_space<vmem>> -> memref<1x20x128x8xf32, #tpu.memory_space<vmem>>
        %dma_wait3A_235 = tpu.memref_squeeze %dma_wait3A_234 : memref<1x20x128x8xf32, #tpu.memory_space<vmem>> -> memref<20x128x8xf32, #tpu.memory_space<vmem>>
        %dma_wait3A_236 = arith.constant 0 : i32
        %dma_wait3A_237 = arith.constant 0 : i32
        %dma_wait3A_238 = tpu.memref_slice %dma_wait3A_235[%dma_wait3A_229, %dma_wait3A_236, %dma_wait3A_237] : memref<20x128x8xf32, #tpu.memory_space<vmem>> -> memref<1x128x8xf32, #tpu.memory_space<vmem>>
        %dma_wait3A_239 = tpu.memref_squeeze %dma_wait3A_238 : memref<1x128x8xf32, #tpu.memory_space<vmem>> -> memref<128x8xf32, #tpu.memory_space<vmem>>
        %dma_wait3A_240 = arith.constant 0 : i32
        %dma_wait3A_241 = tpu.memref_slice %arg7[%dma_wait3A_230, %dma_wait3A_240] : memref<2x2560xi32, #tpu.memory_space<vmem>> -> memref<1x2560xi32, #tpu.memory_space<vmem>>
        %dma_wait3A_242 = tpu.memref_squeeze %dma_wait3A_241 : memref<1x2560xi32, #tpu.memory_space<vmem>> -> memref<2560xi32, #tpu.memory_space<vmem>>
        %dma_wait3A_243 = arith.constant 768 : i32
        %dma_wait3A_244 = tpu.memref_slice %dma_wait3A_242[%dma_wait3A_243] : memref<2560xi32, #tpu.memory_space<vmem>> -> memref<128xi32, #tpu.memory_space<vmem>>
        %dma_wait3A_245 = arith.constant 0 : i32
        %dma_wait3A_246 = arith.constant 0 : i32
        %dma_wait3A_247 = tpu.memref_slice %arg5[%dma_wait3A_245, %dma_wait3A_246] : memref<100000x8xf32, #tpu.memory_space<vmem_shared>> -> memref<100000x8xf32, #tpu.memory_space<vmem_shared>>
        tpu.wait_indirect_dma semaphore(%arg11 : memref<!tpu.dma_semaphore, #tpu.memory_space<semaphore_mem>>) src(%dma_wait3A_239 : memref<128x8xf32, #tpu.memory_space<vmem>>) dst(%dma_wait3A_247 : memref<100000x8xf32, #tpu.memory_space<vmem_shared>>)
        %dma_wait3A_248 = arith.constant 1 : i32
        %dma_wait3A_249 = arith.constant 7 : i32
        %dma_wait3A_250 = arith.constant 1 : i32
        %dma_wait3A_251 = arith.constant 0 : i32
        %dma_wait3A_252 = arith.constant 0 : i32
        %dma_wait3A_253 = arith.constant 0 : i32
        %dma_wait3A_254 = tpu.memref_slice %arg8[%dma_wait3A_248, %dma_wait3A_251, %dma_wait3A_252, %dma_wait3A_253] : memref<2x20x128x8xf32, #tpu.memory_space<vmem>> -> memref<1x20x128x8xf32, #tpu.memory_space<vmem>>
        %dma_wait3A_255 = tpu.memref_squeeze %dma_wait3A_254 : memref<1x20x128x8xf32, #tpu.memory_space<vmem>> -> memref<20x128x8xf32, #tpu.memory_space<vmem>>
        %dma_wait3A_256 = arith.constant 0 : i32
        %dma_wait3A_257 = arith.constant 0 : i32
        %dma_wait3A_258 = tpu.memref_slice %dma_wait3A_255[%dma_wait3A_249, %dma_wait3A_256, %dma_wait3A_257] : memref<20x128x8xf32, #tpu.memory_space<vmem>> -> memref<1x128x8xf32, #tpu.memory_space<vmem>>
        %dma_wait3A_259 = tpu.memref_squeeze %dma_wait3A_258 : memref<1x128x8xf32, #tpu.memory_space<vmem>> -> memref<128x8xf32, #tpu.memory_space<vmem>>
        %dma_wait3A_260 = arith.constant 0 : i32
        %dma_wait3A_261 = tpu.memref_slice %arg7[%dma_wait3A_250, %dma_wait3A_260] : memref<2x2560xi32, #tpu.memory_space<vmem>> -> memref<1x2560xi32, #tpu.memory_space<vmem>>
        %dma_wait3A_262 = tpu.memref_squeeze %dma_wait3A_261 : memref<1x2560xi32, #tpu.memory_space<vmem>> -> memref<2560xi32, #tpu.memory_space<vmem>>
        %dma_wait3A_263 = arith.constant 896 : i32
        %dma_wait3A_264 = tpu.memref_slice %dma_wait3A_262[%dma_wait3A_263] : memref<2560xi32, #tpu.memory_space<vmem>> -> memref<128xi32, #tpu.memory_space<vmem>>
        %dma_wait3A_265 = arith.constant 0 : i32
        %dma_wait3A_266 = arith.constant 0 : i32
        %dma_wait3A_267 = tpu.memref_slice %arg5[%dma_wait3A_265, %dma_wait3A_266] : memref<100000x8xf32, #tpu.memory_space<vmem_shared>> -> memref<100000x8xf32, #tpu.memory_space<vmem_shared>>
        tpu.wait_indirect_dma semaphore(%arg11 : memref<!tpu.dma_semaphore, #tpu.memory_space<semaphore_mem>>) src(%dma_wait3A_259 : memref<128x8xf32, #tpu.memory_space<vmem>>) dst(%dma_wait3A_267 : memref<100000x8xf32, #tpu.memory_space<vmem_shared>>)
        %dma_wait3A_268 = arith.constant 1 : i32
        %dma_wait3A_269 = arith.constant 8 : i32
        %dma_wait3A_270 = arith.constant 1 : i32
        %dma_wait3A_271 = arith.constant 0 : i32
        %dma_wait3A_272 = arith.constant 0 : i32
        %dma_wait3A_273 = arith.constant 0 : i32
        %dma_wait3A_274 = tpu.memref_slice %arg8[%dma_wait3A_268, %dma_wait3A_271, %dma_wait3A_272, %dma_wait3A_273] : memref<2x20x128x8xf32, #tpu.memory_space<vmem>> -> memref<1x20x128x8xf32, #tpu.memory_space<vmem>>
        %dma_wait3A_275 = tpu.memref_squeeze %dma_wait3A_274 : memref<1x20x128x8xf32, #tpu.memory_space<vmem>> -> memref<20x128x8xf32, #tpu.memory_space<vmem>>
        %dma_wait3A_276 = arith.constant 0 : i32
        %dma_wait3A_277 = arith.constant 0 : i32
        %dma_wait3A_278 = tpu.memref_slice %dma_wait3A_275[%dma_wait3A_269, %dma_wait3A_276, %dma_wait3A_277] : memref<20x128x8xf32, #tpu.memory_space<vmem>> -> memref<1x128x8xf32, #tpu.memory_space<vmem>>
        %dma_wait3A_279 = tpu.memref_squeeze %dma_wait3A_278 : memref<1x128x8xf32, #tpu.memory_space<vmem>> -> memref<128x8xf32, #tpu.memory_space<vmem>>
        %dma_wait3A_280 = arith.constant 0 : i32
        %dma_wait3A_281 = tpu.memref_slice %arg7[%dma_wait3A_270, %dma_wait3A_280] : memref<2x2560xi32, #tpu.memory_space<vmem>> -> memref<1x2560xi32, #tpu.memory_space<vmem>>
        %dma_wait3A_282 = tpu.memref_squeeze %dma_wait3A_281 : memref<1x2560xi32, #tpu.memory_space<vmem>> -> memref<2560xi32, #tpu.memory_space<vmem>>
        %dma_wait3A_283 = arith.constant 1024 : i32
        %dma_wait3A_284 = tpu.memref_slice %dma_wait3A_282[%dma_wait3A_283] : memref<2560xi32, #tpu.memory_space<vmem>> -> memref<128xi32, #tpu.memory_space<vmem>>
        %dma_wait3A_285 = arith.constant 0 : i32
        %dma_wait3A_286 = arith.constant 0 : i32
        %dma_wait3A_287 = tpu.memref_slice %arg5[%dma_wait3A_285, %dma_wait3A_286] : memref<100000x8xf32, #tpu.memory_space<vmem_shared>> -> memref<100000x8xf32, #tpu.memory_space<vmem_shared>>
        tpu.wait_indirect_dma semaphore(%arg11 : memref<!tpu.dma_semaphore, #tpu.memory_space<semaphore_mem>>) src(%dma_wait3A_279 : memref<128x8xf32, #tpu.memory_space<vmem>>) dst(%dma_wait3A_287 : memref<100000x8xf32, #tpu.memory_space<vmem_shared>>)
        %dma_wait3A_288 = arith.constant 1 : i32
        %dma_wait3A_289 = arith.constant 9 : i32
        %dma_wait3A_290 = arith.constant 1 : i32
        %dma_wait3A_291 = arith.constant 0 : i32
        %dma_wait3A_292 = arith.constant 0 : i32
        %dma_wait3A_293 = arith.constant 0 : i32
        %dma_wait3A_294 = tpu.memref_slice %arg8[%dma_wait3A_288, %dma_wait3A_291, %dma_wait3A_292, %dma_wait3A_293] : memref<2x20x128x8xf32, #tpu.memory_space<vmem>> -> memref<1x20x128x8xf32, #tpu.memory_space<vmem>>
        %dma_wait3A_295 = tpu.memref_squeeze %dma_wait3A_294 : memref<1x20x128x8xf32, #tpu.memory_space<vmem>> -> memref<20x128x8xf32, #tpu.memory_space<vmem>>
        %dma_wait3A_296 = arith.constant 0 : i32
        %dma_wait3A_297 = arith.constant 0 : i32
        %dma_wait3A_298 = tpu.memref_slice %dma_wait3A_295[%dma_wait3A_289, %dma_wait3A_296, %dma_wait3A_297] : memref<20x128x8xf32, #tpu.memory_space<vmem>> -> memref<1x128x8xf32, #tpu.memory_space<vmem>>
        %dma_wait3A_299 = tpu.memref_squeeze %dma_wait3A_298 : memref<1x128x8xf32, #tpu.memory_space<vmem>> -> memref<128x8xf32, #tpu.memory_space<vmem>>
        %dma_wait3A_300 = arith.constant 0 : i32
        %dma_wait3A_301 = tpu.memref_slice %arg7[%dma_wait3A_290, %dma_wait3A_300] : memref<2x2560xi32, #tpu.memory_space<vmem>> -> memref<1x2560xi32, #tpu.memory_space<vmem>>
        %dma_wait3A_302 = tpu.memref_squeeze %dma_wait3A_301 : memref<1x2560xi32, #tpu.memory_space<vmem>> -> memref<2560xi32, #tpu.memory_space<vmem>>
        %dma_wait3A_303 = arith.constant 1152 : i32
        %dma_wait3A_304 = tpu.memref_slice %dma_wait3A_302[%dma_wait3A_303] : memref<2560xi32, #tpu.memory_space<vmem>> -> memref<128xi32, #tpu.memory_space<vmem>>
        %dma_wait3A_305 = arith.constant 0 : i32
        %dma_wait3A_306 = arith.constant 0 : i32
        %dma_wait3A_307 = tpu.memref_slice %arg5[%dma_wait3A_305, %dma_wait3A_306] : memref<100000x8xf32, #tpu.memory_space<vmem_shared>> -> memref<100000x8xf32, #tpu.memory_space<vmem_shared>>
        tpu.wait_indirect_dma semaphore(%arg11 : memref<!tpu.dma_semaphore, #tpu.memory_space<semaphore_mem>>) src(%dma_wait3A_299 : memref<128x8xf32, #tpu.memory_space<vmem>>) dst(%dma_wait3A_307 : memref<100000x8xf32, #tpu.memory_space<vmem_shared>>)
        %dma_wait3A_308 = arith.constant 1 : i32
        %dma_wait3A_309 = arith.constant 10 : i32
        %dma_wait3A_310 = arith.constant 1 : i32
        %dma_wait3A_311 = arith.constant 0 : i32
        %dma_wait3A_312 = arith.constant 0 : i32
        %dma_wait3A_313 = arith.constant 0 : i32
        %dma_wait3A_314 = tpu.memref_slice %arg8[%dma_wait3A_308, %dma_wait3A_311, %dma_wait3A_312, %dma_wait3A_313] : memref<2x20x128x8xf32, #tpu.memory_space<vmem>> -> memref<1x20x128x8xf32, #tpu.memory_space<vmem>>
        %dma_wait3A_315 = tpu.memref_squeeze %dma_wait3A_314 : memref<1x20x128x8xf32, #tpu.memory_space<vmem>> -> memref<20x128x8xf32, #tpu.memory_space<vmem>>
        %dma_wait3A_316 = arith.constant 0 : i32
        %dma_wait3A_317 = arith.constant 0 : i32
        %dma_wait3A_318 = tpu.memref_slice %dma_wait3A_315[%dma_wait3A_309, %dma_wait3A_316, %dma_wait3A_317] : memref<20x128x8xf32, #tpu.memory_space<vmem>> -> memref<1x128x8xf32, #tpu.memory_space<vmem>>
        %dma_wait3A_319 = tpu.memref_squeeze %dma_wait3A_318 : memref<1x128x8xf32, #tpu.memory_space<vmem>> -> memref<128x8xf32, #tpu.memory_space<vmem>>
        %dma_wait3A_320 = arith.constant 0 : i32
        %dma_wait3A_321 = tpu.memref_slice %arg7[%dma_wait3A_310, %dma_wait3A_320] : memref<2x2560xi32, #tpu.memory_space<vmem>> -> memref<1x2560xi32, #tpu.memory_space<vmem>>
        %dma_wait3A_322 = tpu.memref_squeeze %dma_wait3A_321 : memref<1x2560xi32, #tpu.memory_space<vmem>> -> memref<2560xi32, #tpu.memory_space<vmem>>
        %dma_wait3A_323 = arith.constant 1280 : i32
        %dma_wait3A_324 = tpu.memref_slice %dma_wait3A_322[%dma_wait3A_323] : memref<2560xi32, #tpu.memory_space<vmem>> -> memref<128xi32, #tpu.memory_space<vmem>>
        %dma_wait3A_325 = arith.constant 0 : i32
        %dma_wait3A_326 = arith.constant 0 : i32
        %dma_wait3A_327 = tpu.memref_slice %arg5[%dma_wait3A_325, %dma_wait3A_326] : memref<100000x8xf32, #tpu.memory_space<vmem_shared>> -> memref<100000x8xf32, #tpu.memory_space<vmem_shared>>
        tpu.wait_indirect_dma semaphore(%arg11 : memref<!tpu.dma_semaphore, #tpu.memory_space<semaphore_mem>>) src(%dma_wait3A_319 : memref<128x8xf32, #tpu.memory_space<vmem>>) dst(%dma_wait3A_327 : memref<100000x8xf32, #tpu.memory_space<vmem_shared>>)
        %dma_wait3A_328 = arith.constant 1 : i32
        %dma_wait3A_329 = arith.constant 11 : i32
        %dma_wait3A_330 = arith.constant 1 : i32
        %dma_wait3A_331 = arith.constant 0 : i32
        %dma_wait3A_332 = arith.constant 0 : i32
        %dma_wait3A_333 = arith.constant 0 : i32
        %dma_wait3A_334 = tpu.memref_slice %arg8[%dma_wait3A_328, %dma_wait3A_331, %dma_wait3A_332, %dma_wait3A_333] : memref<2x20x128x8xf32, #tpu.memory_space<vmem>> -> memref<1x20x128x8xf32, #tpu.memory_space<vmem>>
        %dma_wait3A_335 = tpu.memref_squeeze %dma_wait3A_334 : memref<1x20x128x8xf32, #tpu.memory_space<vmem>> -> memref<20x128x8xf32, #tpu.memory_space<vmem>>
        %dma_wait3A_336 = arith.constant 0 : i32
        %dma_wait3A_337 = arith.constant 0 : i32
        %dma_wait3A_338 = tpu.memref_slice %dma_wait3A_335[%dma_wait3A_329, %dma_wait3A_336, %dma_wait3A_337] : memref<20x128x8xf32, #tpu.memory_space<vmem>> -> memref<1x128x8xf32, #tpu.memory_space<vmem>>
        %dma_wait3A_339 = tpu.memref_squeeze %dma_wait3A_338 : memref<1x128x8xf32, #tpu.memory_space<vmem>> -> memref<128x8xf32, #tpu.memory_space<vmem>>
        %dma_wait3A_340 = arith.constant 0 : i32
        %dma_wait3A_341 = tpu.memref_slice %arg7[%dma_wait3A_330, %dma_wait3A_340] : memref<2x2560xi32, #tpu.memory_space<vmem>> -> memref<1x2560xi32, #tpu.memory_space<vmem>>
        %dma_wait3A_342 = tpu.memref_squeeze %dma_wait3A_341 : memref<1x2560xi32, #tpu.memory_space<vmem>> -> memref<2560xi32, #tpu.memory_space<vmem>>
        %dma_wait3A_343 = arith.constant 1408 : i32
        %dma_wait3A_344 = tpu.memref_slice %dma_wait3A_342[%dma_wait3A_343] : memref<2560xi32, #tpu.memory_space<vmem>> -> memref<128xi32, #tpu.memory_space<vmem>>
        %dma_wait3A_345 = arith.constant 0 : i32
        %dma_wait3A_346 = arith.constant 0 : i32
        %dma_wait3A_347 = tpu.memref_slice %arg5[%dma_wait3A_345, %dma_wait3A_346] : memref<100000x8xf32, #tpu.memory_space<vmem_shared>> -> memref<100000x8xf32, #tpu.memory_space<vmem_shared>>
        tpu.wait_indirect_dma semaphore(%arg11 : memref<!tpu.dma_semaphore, #tpu.memory_space<semaphore_mem>>) src(%dma_wait3A_339 : memref<128x8xf32, #tpu.memory_space<vmem>>) dst(%dma_wait3A_347 : memref<100000x8xf32, #tpu.memory_space<vmem_shared>>)
        %dma_wait3A_348 = arith.constant 1 : i32
        %dma_wait3A_349 = arith.constant 12 : i32
        %dma_wait3A_350 = arith.constant 1 : i32
        %dma_wait3A_351 = arith.constant 0 : i32
        %dma_wait3A_352 = arith.constant 0 : i32
        %dma_wait3A_353 = arith.constant 0 : i32
        %dma_wait3A_354 = tpu.memref_slice %arg8[%dma_wait3A_348, %dma_wait3A_351, %dma_wait3A_352, %dma_wait3A_353] : memref<2x20x128x8xf32, #tpu.memory_space<vmem>> -> memref<1x20x128x8xf32, #tpu.memory_space<vmem>>
        %dma_wait3A_355 = tpu.memref_squeeze %dma_wait3A_354 : memref<1x20x128x8xf32, #tpu.memory_space<vmem>> -> memref<20x128x8xf32, #tpu.memory_space<vmem>>
        %dma_wait3A_356 = arith.constant 0 : i32
        %dma_wait3A_357 = arith.constant 0 : i32
        %dma_wait3A_358 = tpu.memref_slice %dma_wait3A_355[%dma_wait3A_349, %dma_wait3A_356, %dma_wait3A_357] : memref<20x128x8xf32, #tpu.memory_space<vmem>> -> memref<1x128x8xf32, #tpu.memory_space<vmem>>
        %dma_wait3A_359 = tpu.memref_squeeze %dma_wait3A_358 : memref<1x128x8xf32, #tpu.memory_space<vmem>> -> memref<128x8xf32, #tpu.memory_space<vmem>>
        %dma_wait3A_360 = arith.constant 0 : i32
        %dma_wait3A_361 = tpu.memref_slice %arg7[%dma_wait3A_350, %dma_wait3A_360] : memref<2x2560xi32, #tpu.memory_space<vmem>> -> memref<1x2560xi32, #tpu.memory_space<vmem>>
        %dma_wait3A_362 = tpu.memref_squeeze %dma_wait3A_361 : memref<1x2560xi32, #tpu.memory_space<vmem>> -> memref<2560xi32, #tpu.memory_space<vmem>>
        %dma_wait3A_363 = arith.constant 1536 : i32
        %dma_wait3A_364 = tpu.memref_slice %dma_wait3A_362[%dma_wait3A_363] : memref<2560xi32, #tpu.memory_space<vmem>> -> memref<128xi32, #tpu.memory_space<vmem>>
        %dma_wait3A_365 = arith.constant 0 : i32
        %dma_wait3A_366 = arith.constant 0 : i32
        %dma_wait3A_367 = tpu.memref_slice %arg5[%dma_wait3A_365, %dma_wait3A_366] : memref<100000x8xf32, #tpu.memory_space<vmem_shared>> -> memref<100000x8xf32, #tpu.memory_space<vmem_shared>>
        tpu.wait_indirect_dma semaphore(%arg11 : memref<!tpu.dma_semaphore, #tpu.memory_space<semaphore_mem>>) src(%dma_wait3A_359 : memref<128x8xf32, #tpu.memory_space<vmem>>) dst(%dma_wait3A_367 : memref<100000x8xf32, #tpu.memory_space<vmem_shared>>)
        %dma_wait3A_368 = arith.constant 1 : i32
        %dma_wait3A_369 = arith.constant 13 : i32
        %dma_wait3A_370 = arith.constant 1 : i32
        %dma_wait3A_371 = arith.constant 0 : i32
        %dma_wait3A_372 = arith.constant 0 : i32
        %dma_wait3A_373 = arith.constant 0 : i32
        %dma_wait3A_374 = tpu.memref_slice %arg8[%dma_wait3A_368, %dma_wait3A_371, %dma_wait3A_372, %dma_wait3A_373] : memref<2x20x128x8xf32, #tpu.memory_space<vmem>> -> memref<1x20x128x8xf32, #tpu.memory_space<vmem>>
        %dma_wait3A_375 = tpu.memref_squeeze %dma_wait3A_374 : memref<1x20x128x8xf32, #tpu.memory_space<vmem>> -> memref<20x128x8xf32, #tpu.memory_space<vmem>>
        %dma_wait3A_376 = arith.constant 0 : i32
        %dma_wait3A_377 = arith.constant 0 : i32
        %dma_wait3A_378 = tpu.memref_slice %dma_wait3A_375[%dma_wait3A_369, %dma_wait3A_376, %dma_wait3A_377] : memref<20x128x8xf32, #tpu.memory_space<vmem>> -> memref<1x128x8xf32, #tpu.memory_space<vmem>>
        %dma_wait3A_379 = tpu.memref_squeeze %dma_wait3A_378 : memref<1x128x8xf32, #tpu.memory_space<vmem>> -> memref<128x8xf32, #tpu.memory_space<vmem>>
        %dma_wait3A_380 = arith.constant 0 : i32
        %dma_wait3A_381 = tpu.memref_slice %arg7[%dma_wait3A_370, %dma_wait3A_380] : memref<2x2560xi32, #tpu.memory_space<vmem>> -> memref<1x2560xi32, #tpu.memory_space<vmem>>
        %dma_wait3A_382 = tpu.memref_squeeze %dma_wait3A_381 : memref<1x2560xi32, #tpu.memory_space<vmem>> -> memref<2560xi32, #tpu.memory_space<vmem>>
        %dma_wait3A_383 = arith.constant 1664 : i32
        %dma_wait3A_384 = tpu.memref_slice %dma_wait3A_382[%dma_wait3A_383] : memref<2560xi32, #tpu.memory_space<vmem>> -> memref<128xi32, #tpu.memory_space<vmem>>
        %dma_wait3A_385 = arith.constant 0 : i32
        %dma_wait3A_386 = arith.constant 0 : i32
        %dma_wait3A_387 = tpu.memref_slice %arg5[%dma_wait3A_385, %dma_wait3A_386] : memref<100000x8xf32, #tpu.memory_space<vmem_shared>> -> memref<100000x8xf32, #tpu.memory_space<vmem_shared>>
        tpu.wait_indirect_dma semaphore(%arg11 : memref<!tpu.dma_semaphore, #tpu.memory_space<semaphore_mem>>) src(%dma_wait3A_379 : memref<128x8xf32, #tpu.memory_space<vmem>>) dst(%dma_wait3A_387 : memref<100000x8xf32, #tpu.memory_space<vmem_shared>>)
        %dma_wait3A_388 = arith.constant 1 : i32
        %dma_wait3A_389 = arith.constant 14 : i32
        %dma_wait3A_390 = arith.constant 1 : i32
        %dma_wait3A_391 = arith.constant 0 : i32
        %dma_wait3A_392 = arith.constant 0 : i32
        %dma_wait3A_393 = arith.constant 0 : i32
        %dma_wait3A_394 = tpu.memref_slice %arg8[%dma_wait3A_388, %dma_wait3A_391, %dma_wait3A_392, %dma_wait3A_393] : memref<2x20x128x8xf32, #tpu.memory_space<vmem>> -> memref<1x20x128x8xf32, #tpu.memory_space<vmem>>
        %dma_wait3A_395 = tpu.memref_squeeze %dma_wait3A_394 : memref<1x20x128x8xf32, #tpu.memory_space<vmem>> -> memref<20x128x8xf32, #tpu.memory_space<vmem>>
        %dma_wait3A_396 = arith.constant 0 : i32
        %dma_wait3A_397 = arith.constant 0 : i32
        %dma_wait3A_398 = tpu.memref_slice %dma_wait3A_395[%dma_wait3A_389, %dma_wait3A_396, %dma_wait3A_397] : memref<20x128x8xf32, #tpu.memory_space<vmem>> -> memref<1x128x8xf32, #tpu.memory_space<vmem>>
        %dma_wait3A_399 = tpu.memref_squeeze %dma_wait3A_398 : memref<1x128x8xf32, #tpu.memory_space<vmem>> -> memref<128x8xf32, #tpu.memory_space<vmem>>
        %dma_wait3A_400 = arith.constant 0 : i32
        %dma_wait3A_401 = tpu.memref_slice %arg7[%dma_wait3A_390, %dma_wait3A_400] : memref<2x2560xi32, #tpu.memory_space<vmem>> -> memref<1x2560xi32, #tpu.memory_space<vmem>>
        %dma_wait3A_402 = tpu.memref_squeeze %dma_wait3A_401 : memref<1x2560xi32, #tpu.memory_space<vmem>> -> memref<2560xi32, #tpu.memory_space<vmem>>
        %dma_wait3A_403 = arith.constant 1792 : i32
        %dma_wait3A_404 = tpu.memref_slice %dma_wait3A_402[%dma_wait3A_403] : memref<2560xi32, #tpu.memory_space<vmem>> -> memref<128xi32, #tpu.memory_space<vmem>>
        %dma_wait3A_405 = arith.constant 0 : i32
        %dma_wait3A_406 = arith.constant 0 : i32
        %dma_wait3A_407 = tpu.memref_slice %arg5[%dma_wait3A_405, %dma_wait3A_406] : memref<100000x8xf32, #tpu.memory_space<vmem_shared>> -> memref<100000x8xf32, #tpu.memory_space<vmem_shared>>
        tpu.wait_indirect_dma semaphore(%arg11 : memref<!tpu.dma_semaphore, #tpu.memory_space<semaphore_mem>>) src(%dma_wait3A_399 : memref<128x8xf32, #tpu.memory_space<vmem>>) dst(%dma_wait3A_407 : memref<100000x8xf32, #tpu.memory_space<vmem_shared>>)
        %dma_wait3A_408 = arith.constant 1 : i32
        %dma_wait3A_409 = arith.constant 15 : i32
        %dma_wait3A_410 = arith.constant 1 : i32
        %dma_wait3A_411 = arith.constant 0 : i32
        %dma_wait3A_412 = arith.constant 0 : i32
        %dma_wait3A_413 = arith.constant 0 : i32
        %dma_wait3A_414 = tpu.memref_slice %arg8[%dma_wait3A_408, %dma_wait3A_411, %dma_wait3A_412, %dma_wait3A_413] : memref<2x20x128x8xf32, #tpu.memory_space<vmem>> -> memref<1x20x128x8xf32, #tpu.memory_space<vmem>>
        %dma_wait3A_415 = tpu.memref_squeeze %dma_wait3A_414 : memref<1x20x128x8xf32, #tpu.memory_space<vmem>> -> memref<20x128x8xf32, #tpu.memory_space<vmem>>
        %dma_wait3A_416 = arith.constant 0 : i32
        %dma_wait3A_417 = arith.constant 0 : i32
        %dma_wait3A_418 = tpu.memref_slice %dma_wait3A_415[%dma_wait3A_409, %dma_wait3A_416, %dma_wait3A_417] : memref<20x128x8xf32, #tpu.memory_space<vmem>> -> memref<1x128x8xf32, #tpu.memory_space<vmem>>
        %dma_wait3A_419 = tpu.memref_squeeze %dma_wait3A_418 : memref<1x128x8xf32, #tpu.memory_space<vmem>> -> memref<128x8xf32, #tpu.memory_space<vmem>>
        %dma_wait3A_420 = arith.constant 0 : i32
        %dma_wait3A_421 = tpu.memref_slice %arg7[%dma_wait3A_410, %dma_wait3A_420] : memref<2x2560xi32, #tpu.memory_space<vmem>> -> memref<1x2560xi32, #tpu.memory_space<vmem>>
        %dma_wait3A_422 = tpu.memref_squeeze %dma_wait3A_421 : memref<1x2560xi32, #tpu.memory_space<vmem>> -> memref<2560xi32, #tpu.memory_space<vmem>>
        %dma_wait3A_423 = arith.constant 1920 : i32
        %dma_wait3A_424 = tpu.memref_slice %dma_wait3A_422[%dma_wait3A_423] : memref<2560xi32, #tpu.memory_space<vmem>> -> memref<128xi32, #tpu.memory_space<vmem>>
        %dma_wait3A_425 = arith.constant 0 : i32
        %dma_wait3A_426 = arith.constant 0 : i32
        %dma_wait3A_427 = tpu.memref_slice %arg5[%dma_wait3A_425, %dma_wait3A_426] : memref<100000x8xf32, #tpu.memory_space<vmem_shared>> -> memref<100000x8xf32, #tpu.memory_space<vmem_shared>>
        tpu.wait_indirect_dma semaphore(%arg11 : memref<!tpu.dma_semaphore, #tpu.memory_space<semaphore_mem>>) src(%dma_wait3A_419 : memref<128x8xf32, #tpu.memory_space<vmem>>) dst(%dma_wait3A_427 : memref<100000x8xf32, #tpu.memory_space<vmem_shared>>)
        %dma_wait3A_428 = arith.constant 1 : i32
        %dma_wait3A_429 = arith.constant 16 : i32
        %dma_wait3A_430 = arith.constant 1 : i32
        %dma_wait3A_431 = arith.constant 0 : i32
        %dma_wait3A_432 = arith.constant 0 : i32
        %dma_wait3A_433 = arith.constant 0 : i32
        %dma_wait3A_434 = tpu.memref_slice %arg8[%dma_wait3A_428, %dma_wait3A_431, %dma_wait3A_432, %dma_wait3A_433] : memref<2x20x128x8xf32, #tpu.memory_space<vmem>> -> memref<1x20x128x8xf32, #tpu.memory_space<vmem>>
        %dma_wait3A_435 = tpu.memref_squeeze %dma_wait3A_434 : memref<1x20x128x8xf32, #tpu.memory_space<vmem>> -> memref<20x128x8xf32, #tpu.memory_space<vmem>>
        %dma_wait3A_436 = arith.constant 0 : i32
        %dma_wait3A_437 = arith.constant 0 : i32
        %dma_wait3A_438 = tpu.memref_slice %dma_wait3A_435[%dma_wait3A_429, %dma_wait3A_436, %dma_wait3A_437] : memref<20x128x8xf32, #tpu.memory_space<vmem>> -> memref<1x128x8xf32, #tpu.memory_space<vmem>>
        %dma_wait3A_439 = tpu.memref_squeeze %dma_wait3A_438 : memref<1x128x8xf32, #tpu.memory_space<vmem>> -> memref<128x8xf32, #tpu.memory_space<vmem>>
        %dma_wait3A_440 = arith.constant 0 : i32
        %dma_wait3A_441 = tpu.memref_slice %arg7[%dma_wait3A_430, %dma_wait3A_440] : memref<2x2560xi32, #tpu.memory_space<vmem>> -> memref<1x2560xi32, #tpu.memory_space<vmem>>
        %dma_wait3A_442 = tpu.memref_squeeze %dma_wait3A_441 : memref<1x2560xi32, #tpu.memory_space<vmem>> -> memref<2560xi32, #tpu.memory_space<vmem>>
        %dma_wait3A_443 = arith.constant 2048 : i32
        %dma_wait3A_444 = tpu.memref_slice %dma_wait3A_442[%dma_wait3A_443] : memref<2560xi32, #tpu.memory_space<vmem>> -> memref<128xi32, #tpu.memory_space<vmem>>
        %dma_wait3A_445 = arith.constant 0 : i32
        %dma_wait3A_446 = arith.constant 0 : i32
        %dma_wait3A_447 = tpu.memref_slice %arg5[%dma_wait3A_445, %dma_wait3A_446] : memref<100000x8xf32, #tpu.memory_space<vmem_shared>> -> memref<100000x8xf32, #tpu.memory_space<vmem_shared>>
        tpu.wait_indirect_dma semaphore(%arg11 : memref<!tpu.dma_semaphore, #tpu.memory_space<semaphore_mem>>) src(%dma_wait3A_439 : memref<128x8xf32, #tpu.memory_space<vmem>>) dst(%dma_wait3A_447 : memref<100000x8xf32, #tpu.memory_space<vmem_shared>>)
        %dma_wait3A_448 = arith.constant 1 : i32
        %dma_wait3A_449 = arith.constant 17 : i32
        %dma_wait3A_450 = arith.constant 1 : i32
        %dma_wait3A_451 = arith.constant 0 : i32
        %dma_wait3A_452 = arith.constant 0 : i32
        %dma_wait3A_453 = arith.constant 0 : i32
        %dma_wait3A_454 = tpu.memref_slice %arg8[%dma_wait3A_448, %dma_wait3A_451, %dma_wait3A_452, %dma_wait3A_453] : memref<2x20x128x8xf32, #tpu.memory_space<vmem>> -> memref<1x20x128x8xf32, #tpu.memory_space<vmem>>
        %dma_wait3A_455 = tpu.memref_squeeze %dma_wait3A_454 : memref<1x20x128x8xf32, #tpu.memory_space<vmem>> -> memref<20x128x8xf32, #tpu.memory_space<vmem>>
        %dma_wait3A_456 = arith.constant 0 : i32
        %dma_wait3A_457 = arith.constant 0 : i32
        %dma_wait3A_458 = tpu.memref_slice %dma_wait3A_455[%dma_wait3A_449, %dma_wait3A_456, %dma_wait3A_457] : memref<20x128x8xf32, #tpu.memory_space<vmem>> -> memref<1x128x8xf32, #tpu.memory_space<vmem>>
        %dma_wait3A_459 = tpu.memref_squeeze %dma_wait3A_458 : memref<1x128x8xf32, #tpu.memory_space<vmem>> -> memref<128x8xf32, #tpu.memory_space<vmem>>
        %dma_wait3A_460 = arith.constant 0 : i32
        %dma_wait3A_461 = tpu.memref_slice %arg7[%dma_wait3A_450, %dma_wait3A_460] : memref<2x2560xi32, #tpu.memory_space<vmem>> -> memref<1x2560xi32, #tpu.memory_space<vmem>>
        %dma_wait3A_462 = tpu.memref_squeeze %dma_wait3A_461 : memref<1x2560xi32, #tpu.memory_space<vmem>> -> memref<2560xi32, #tpu.memory_space<vmem>>
        %dma_wait3A_463 = arith.constant 2176 : i32
        %dma_wait3A_464 = tpu.memref_slice %dma_wait3A_462[%dma_wait3A_463] : memref<2560xi32, #tpu.memory_space<vmem>> -> memref<128xi32, #tpu.memory_space<vmem>>
        %dma_wait3A_465 = arith.constant 0 : i32
        %dma_wait3A_466 = arith.constant 0 : i32
        %dma_wait3A_467 = tpu.memref_slice %arg5[%dma_wait3A_465, %dma_wait3A_466] : memref<100000x8xf32, #tpu.memory_space<vmem_shared>> -> memref<100000x8xf32, #tpu.memory_space<vmem_shared>>
        tpu.wait_indirect_dma semaphore(%arg11 : memref<!tpu.dma_semaphore, #tpu.memory_space<semaphore_mem>>) src(%dma_wait3A_459 : memref<128x8xf32, #tpu.memory_space<vmem>>) dst(%dma_wait3A_467 : memref<100000x8xf32, #tpu.memory_space<vmem_shared>>)
        %dma_wait3A_468 = arith.constant 1 : i32
        %dma_wait3A_469 = arith.constant 18 : i32
        %dma_wait3A_470 = arith.constant 1 : i32
        %dma_wait3A_471 = arith.constant 0 : i32
        %dma_wait3A_472 = arith.constant 0 : i32
        %dma_wait3A_473 = arith.constant 0 : i32
        %dma_wait3A_474 = tpu.memref_slice %arg8[%dma_wait3A_468, %dma_wait3A_471, %dma_wait3A_472, %dma_wait3A_473] : memref<2x20x128x8xf32, #tpu.memory_space<vmem>> -> memref<1x20x128x8xf32, #tpu.memory_space<vmem>>
        %dma_wait3A_475 = tpu.memref_squeeze %dma_wait3A_474 : memref<1x20x128x8xf32, #tpu.memory_space<vmem>> -> memref<20x128x8xf32, #tpu.memory_space<vmem>>
        %dma_wait3A_476 = arith.constant 0 : i32
        %dma_wait3A_477 = arith.constant 0 : i32
        %dma_wait3A_478 = tpu.memref_slice %dma_wait3A_475[%dma_wait3A_469, %dma_wait3A_476, %dma_wait3A_477] : memref<20x128x8xf32, #tpu.memory_space<vmem>> -> memref<1x128x8xf32, #tpu.memory_space<vmem>>
        %dma_wait3A_479 = tpu.memref_squeeze %dma_wait3A_478 : memref<1x128x8xf32, #tpu.memory_space<vmem>> -> memref<128x8xf32, #tpu.memory_space<vmem>>
        %dma_wait3A_480 = arith.constant 0 : i32
        %dma_wait3A_481 = tpu.memref_slice %arg7[%dma_wait3A_470, %dma_wait3A_480] : memref<2x2560xi32, #tpu.memory_space<vmem>> -> memref<1x2560xi32, #tpu.memory_space<vmem>>
        %dma_wait3A_482 = tpu.memref_squeeze %dma_wait3A_481 : memref<1x2560xi32, #tpu.memory_space<vmem>> -> memref<2560xi32, #tpu.memory_space<vmem>>
        %dma_wait3A_483 = arith.constant 2304 : i32
        %dma_wait3A_484 = tpu.memref_slice %dma_wait3A_482[%dma_wait3A_483] : memref<2560xi32, #tpu.memory_space<vmem>> -> memref<128xi32, #tpu.memory_space<vmem>>
        %dma_wait3A_485 = arith.constant 0 : i32
        %dma_wait3A_486 = arith.constant 0 : i32
        %dma_wait3A_487 = tpu.memref_slice %arg5[%dma_wait3A_485, %dma_wait3A_486] : memref<100000x8xf32, #tpu.memory_space<vmem_shared>> -> memref<100000x8xf32, #tpu.memory_space<vmem_shared>>
        tpu.wait_indirect_dma semaphore(%arg11 : memref<!tpu.dma_semaphore, #tpu.memory_space<semaphore_mem>>) src(%dma_wait3A_479 : memref<128x8xf32, #tpu.memory_space<vmem>>) dst(%dma_wait3A_487 : memref<100000x8xf32, #tpu.memory_space<vmem_shared>>)
        %dma_wait3A_488 = arith.constant 1 : i32
        %dma_wait3A_489 = arith.constant 19 : i32
        %dma_wait3A_490 = arith.constant 1 : i32
        %dma_wait3A_491 = arith.constant 0 : i32
        %dma_wait3A_492 = arith.constant 0 : i32
        %dma_wait3A_493 = arith.constant 0 : i32
        %dma_wait3A_494 = tpu.memref_slice %arg8[%dma_wait3A_488, %dma_wait3A_491, %dma_wait3A_492, %dma_wait3A_493] : memref<2x20x128x8xf32, #tpu.memory_space<vmem>> -> memref<1x20x128x8xf32, #tpu.memory_space<vmem>>
        %dma_wait3A_495 = tpu.memref_squeeze %dma_wait3A_494 : memref<1x20x128x8xf32, #tpu.memory_space<vmem>> -> memref<20x128x8xf32, #tpu.memory_space<vmem>>
        %dma_wait3A_496 = arith.constant 0 : i32
        %dma_wait3A_497 = arith.constant 0 : i32
        %dma_wait3A_498 = tpu.memref_slice %dma_wait3A_495[%dma_wait3A_489, %dma_wait3A_496, %dma_wait3A_497] : memref<20x128x8xf32, #tpu.memory_space<vmem>> -> memref<1x128x8xf32, #tpu.memory_space<vmem>>
        %dma_wait3A_499 = tpu.memref_squeeze %dma_wait3A_498 : memref<1x128x8xf32, #tpu.memory_space<vmem>> -> memref<128x8xf32, #tpu.memory_space<vmem>>
        %dma_wait3A_500 = arith.constant 0 : i32
        %dma_wait3A_501 = tpu.memref_slice %arg7[%dma_wait3A_490, %dma_wait3A_500] : memref<2x2560xi32, #tpu.memory_space<vmem>> -> memref<1x2560xi32, #tpu.memory_space<vmem>>
        %dma_wait3A_502 = tpu.memref_squeeze %dma_wait3A_501 : memref<1x2560xi32, #tpu.memory_space<vmem>> -> memref<2560xi32, #tpu.memory_space<vmem>>
        %dma_wait3A_503 = arith.constant 2432 : i32
        %dma_wait3A_504 = tpu.memref_slice %dma_wait3A_502[%dma_wait3A_503] : memref<2560xi32, #tpu.memory_space<vmem>> -> memref<128xi32, #tpu.memory_space<vmem>>
        %dma_wait3A_505 = arith.constant 0 : i32
        %dma_wait3A_506 = arith.constant 0 : i32
        %dma_wait3A_507 = tpu.memref_slice %arg5[%dma_wait3A_505, %dma_wait3A_506] : memref<100000x8xf32, #tpu.memory_space<vmem_shared>> -> memref<100000x8xf32, #tpu.memory_space<vmem_shared>>
        tpu.wait_indirect_dma semaphore(%arg11 : memref<!tpu.dma_semaphore, #tpu.memory_space<semaphore_mem>>) src(%dma_wait3A_499 : memref<128x8xf32, #tpu.memory_space<vmem>>) dst(%dma_wait3A_507 : memref<100000x8xf32, #tpu.memory_space<vmem_shared>>)
      } else {
      }
      %add3A_63 = arith.constant 32 : i32
      %add3A_64 = arith.addi %add3A_50, %add3A_63 : i32
      %lt3A_65 = arith.constant 2500 : i32
      %lt3A_66 = arith.cmpi slt, %add3A_64, %lt3A_65 : i32
      %convert_element_type3A_67 = arith.extui %lt3A_66 : i1 to i32
      %cond3A_68 = arith.constant 0 : i32
      %cond3A_69 = arith.cmpi ne, %convert_element_type3A_67, %cond3A_68 : i32
      scf.if %cond3A_69 {
        %add3A_109 = arith.constant 32 : i32
        %add3A_110 = arith.addi %add3A_50, %add3A_109 : i32
        %mul3A_111 = arith.constant 2560 : i32
        %mul3A_112 = arith.muli %add3A_110, %mul3A_111 : i32
        %dma_start3A_113 = arith.constant 0 : i32
        %dma_start3A_114 = arith.constant 1 : i32
        %dma_start3A_115 = arith.constant 0 : i32
        %dma_start3A_116 = tpu.memref_slice %arg6[%dma_start3A_114, %dma_start3A_115] : memref<2x2560xi32, #tpu.memory_space<vmem>> -> memref<1x2560xi32, #tpu.memory_space<vmem>>
        %dma_start3A_117 = tpu.memref_squeeze %dma_start3A_116 : memref<1x2560xi32, #tpu.memory_space<vmem>> -> memref<2560xi32, #tpu.memory_space<vmem>>
        %dma_start3A_118 = tpu.memref_slice %arg3[%dma_start3A_113, %mul3A_112] : memref<2x6400000xi32, #tpu.memory_space<hbm>> -> memref<1x2560xi32, #tpu.memory_space<hbm>>
        %dma_start3A_119 = tpu.memref_squeeze %dma_start3A_118 : memref<1x2560xi32, #tpu.memory_space<hbm>> -> memref<2560xi32, #tpu.memory_space<hbm>>
        %dma_start3A_120 = arith.constant 0 : i32
        %dma_start3A_121 = tpu.memref_slice %arg6[%dma_start3A_114, %dma_start3A_120] : memref<2x2560xi32, #tpu.memory_space<vmem>> -> memref<1x2560xi32, #tpu.memory_space<vmem>>
        %dma_start3A_122 = tpu.memref_squeeze %dma_start3A_121 : memref<1x2560xi32, #tpu.memory_space<vmem>> -> memref<2560xi32, #tpu.memory_space<vmem>>
        %dma_start3A_123 = tpu.memref_slice %arg3[%dma_start3A_113, %mul3A_112] : memref<2x6400000xi32, #tpu.memory_space<hbm>> -> memref<1x2560xi32, #tpu.memory_space<hbm>>
        %dma_start3A_124 = tpu.memref_squeeze %dma_start3A_123 : memref<1x2560xi32, #tpu.memory_space<hbm>> -> memref<2560xi32, #tpu.memory_space<hbm>>
        tpu.enqueue_dma source(%dma_start3A_124 : memref<2560xi32, #tpu.memory_space<hbm>>) target(%dma_start3A_122 : memref<2560xi32, #tpu.memory_space<vmem>>) target_semaphore(%arg9 : memref<!tpu.dma_semaphore, #tpu.memory_space<semaphore_mem>>)
        %dma_start3A_125 = arith.constant 1 : i32
        %dma_start3A_126 = arith.constant 1 : i32
        %dma_start3A_127 = arith.constant 0 : i32
        %dma_start3A_128 = tpu.memref_slice %arg7[%dma_start3A_126, %dma_start3A_127] : memref<2x2560xi32, #tpu.memory_space<vmem>> -> memref<1x2560xi32, #tpu.memory_space<vmem>>
        %dma_start3A_129 = tpu.memref_squeeze %dma_start3A_128 : memref<1x2560xi32, #tpu.memory_space<vmem>> -> memref<2560xi32, #tpu.memory_space<vmem>>
        %dma_start3A_130 = tpu.memref_slice %arg3[%dma_start3A_125, %mul3A_112] : memref<2x6400000xi32, #tpu.memory_space<hbm>> -> memref<1x2560xi32, #tpu.memory_space<hbm>>
        %dma_start3A_131 = tpu.memref_squeeze %dma_start3A_130 : memref<1x2560xi32, #tpu.memory_space<hbm>> -> memref<2560xi32, #tpu.memory_space<hbm>>
        %dma_start3A_132 = arith.constant 0 : i32
        %dma_start3A_133 = tpu.memref_slice %arg7[%dma_start3A_126, %dma_start3A_132] : memref<2x2560xi32, #tpu.memory_space<vmem>> -> memref<1x2560xi32, #tpu.memory_space<vmem>>
        %dma_start3A_134 = tpu.memref_squeeze %dma_start3A_133 : memref<1x2560xi32, #tpu.memory_space<vmem>> -> memref<2560xi32, #tpu.memory_space<vmem>>
        %dma_start3A_135 = tpu.memref_slice %arg3[%dma_start3A_125, %mul3A_112] : memref<2x6400000xi32, #tpu.memory_space<hbm>> -> memref<1x2560xi32, #tpu.memory_space<hbm>>
        %dma_start3A_136 = tpu.memref_squeeze %dma_start3A_135 : memref<1x2560xi32, #tpu.memory_space<hbm>> -> memref<2560xi32, #tpu.memory_space<hbm>>
        tpu.enqueue_dma source(%dma_start3A_136 : memref<2560xi32, #tpu.memory_space<hbm>>) target(%dma_start3A_134 : memref<2560xi32, #tpu.memory_space<vmem>>) target_semaphore(%arg9 : memref<!tpu.dma_semaphore, #tpu.memory_space<semaphore_mem>>)
      } else {
      }
      %lt3A_70 = arith.constant 2500 : i32
      %lt3A_71 = arith.cmpi slt, %add3A_50, %lt3A_70 : i32
      %convert_element_type3A_72 = arith.extui %lt3A_71 : i1 to i32
      %cond3A_73 = arith.constant 0 : i32
      %cond3A_74 = arith.cmpi ne, %convert_element_type3A_72, %cond3A_73 : i32
      scf.if %cond3A_74 {
        %dma_wait3A = arith.constant 0 : i32
        %dma_wait3A_109 = arith.constant 0 : i32
        %dma_wait3A_110 = arith.constant 0 : i32
        %dma_wait3A_111 = arith.constant 0 : i32
        %dma_wait3A_112 = arith.constant 0 : i32
        %dma_wait3A_113 = arith.constant 0 : i32
        %dma_wait3A_114 = tpu.memref_slice %arg8[%dma_wait3A_109, %dma_wait3A_111, %dma_wait3A_112, %dma_wait3A_113] : memref<2x20x128x8xf32, #tpu.memory_space<vmem>> -> memref<1x20x128x8xf32, #tpu.memory_space<vmem>>
        %dma_wait3A_115 = tpu.memref_squeeze %dma_wait3A_114 : memref<1x20x128x8xf32, #tpu.memory_space<vmem>> -> memref<20x128x8xf32, #tpu.memory_space<vmem>>
        %dma_wait3A_116 = arith.constant 0 : i32
        %dma_wait3A_117 = arith.constant 0 : i32
        %dma_wait3A_118 = tpu.memref_slice %dma_wait3A_115[%dma_wait3A_110, %dma_wait3A_116, %dma_wait3A_117] : memref<20x128x8xf32, #tpu.memory_space<vmem>> -> memref<1x128x8xf32, #tpu.memory_space<vmem>>
        %dma_wait3A_119 = tpu.memref_squeeze %dma_wait3A_118 : memref<1x128x8xf32, #tpu.memory_space<vmem>> -> memref<128x8xf32, #tpu.memory_space<vmem>>
        %dma_wait3A_120 = arith.constant 0 : i32
        %dma_wait3A_121 = tpu.memref_slice %arg6[%dma_wait3A, %dma_wait3A_120] : memref<2x2560xi32, #tpu.memory_space<vmem>> -> memref<1x2560xi32, #tpu.memory_space<vmem>>
        %dma_wait3A_122 = tpu.memref_squeeze %dma_wait3A_121 : memref<1x2560xi32, #tpu.memory_space<vmem>> -> memref<2560xi32, #tpu.memory_space<vmem>>
        %dma_wait3A_123 = arith.constant 0 : i32
        %dma_wait3A_124 = tpu.memref_slice %dma_wait3A_122[%dma_wait3A_123] : memref<2560xi32, #tpu.memory_space<vmem>> -> memref<128xi32, #tpu.memory_space<vmem>>
        %dma_wait3A_125 = arith.constant 0 : i32
        %dma_wait3A_126 = arith.constant 0 : i32
        %dma_wait3A_127 = tpu.memref_slice %arg2[%dma_wait3A_125, %dma_wait3A_126] : memref<200000x8xf32, #tpu.memory_space<hbm>> -> memref<200000x8xf32, #tpu.memory_space<hbm>>
        tpu.wait_indirect_dma semaphore(%arg10 : memref<!tpu.dma_semaphore, #tpu.memory_space<semaphore_mem>>) src(%dma_wait3A_127 : memref<200000x8xf32, #tpu.memory_space<hbm>>) dst(%dma_wait3A_119 : memref<128x8xf32, #tpu.memory_space<vmem>>)
        %dma_wait3A_128 = arith.constant 0 : i32
        %dma_wait3A_129 = arith.constant 0 : i32
        %dma_wait3A_130 = arith.constant 1 : i32
        %dma_wait3A_131 = arith.constant 0 : i32
        %dma_wait3A_132 = arith.constant 0 : i32
        %dma_wait3A_133 = arith.constant 0 : i32
        %dma_wait3A_134 = tpu.memref_slice %arg8[%dma_wait3A_129, %dma_wait3A_131, %dma_wait3A_132, %dma_wait3A_133] : memref<2x20x128x8xf32, #tpu.memory_space<vmem>> -> memref<1x20x128x8xf32, #tpu.memory_space<vmem>>
        %dma_wait3A_135 = tpu.memref_squeeze %dma_wait3A_134 : memref<1x20x128x8xf32, #tpu.memory_space<vmem>> -> memref<20x128x8xf32, #tpu.memory_space<vmem>>
        %dma_wait3A_136 = arith.constant 0 : i32
        %dma_wait3A_137 = arith.constant 0 : i32
        %dma_wait3A_138 = tpu.memref_slice %dma_wait3A_135[%dma_wait3A_130, %dma_wait3A_136, %dma_wait3A_137] : memref<20x128x8xf32, #tpu.memory_space<vmem>> -> memref<1x128x8xf32, #tpu.memory_space<vmem>>
        %dma_wait3A_139 = tpu.memref_squeeze %dma_wait3A_138 : memref<1x128x8xf32, #tpu.memory_space<vmem>> -> memref<128x8xf32, #tpu.memory_space<vmem>>
        %dma_wait3A_140 = arith.constant 0 : i32
        %dma_wait3A_141 = tpu.memref_slice %arg6[%dma_wait3A_128, %dma_wait3A_140] : memref<2x2560xi32, #tpu.memory_space<vmem>> -> memref<1x2560xi32, #tpu.memory_space<vmem>>
        %dma_wait3A_142 = tpu.memref_squeeze %dma_wait3A_141 : memref<1x2560xi32, #tpu.memory_space<vmem>> -> memref<2560xi32, #tpu.memory_space<vmem>>
        %dma_wait3A_143 = arith.constant 128 : i32
        %dma_wait3A_144 = tpu.memref_slice %dma_wait3A_142[%dma_wait3A_143] : memref<2560xi32, #tpu.memory_space<vmem>> -> memref<128xi32, #tpu.memory_space<vmem>>
        %dma_wait3A_145 = arith.constant 0 : i32
        %dma_wait3A_146 = arith.constant 0 : i32
        %dma_wait3A_147 = tpu.memref_slice %arg2[%dma_wait3A_145, %dma_wait3A_146] : memref<200000x8xf32, #tpu.memory_space<hbm>> -> memref<200000x8xf32, #tpu.memory_space<hbm>>
        tpu.wait_indirect_dma semaphore(%arg10 : memref<!tpu.dma_semaphore, #tpu.memory_space<semaphore_mem>>) src(%dma_wait3A_147 : memref<200000x8xf32, #tpu.memory_space<hbm>>) dst(%dma_wait3A_139 : memref<128x8xf32, #tpu.memory_space<vmem>>)
        %dma_wait3A_148 = arith.constant 0 : i32
        %dma_wait3A_149 = arith.constant 0 : i32
        %dma_wait3A_150 = arith.constant 2 : i32
        %dma_wait3A_151 = arith.constant 0 : i32
        %dma_wait3A_152 = arith.constant 0 : i32
        %dma_wait3A_153 = arith.constant 0 : i32
        %dma_wait3A_154 = tpu.memref_slice %arg8[%dma_wait3A_149, %dma_wait3A_151, %dma_wait3A_152, %dma_wait3A_153] : memref<2x20x128x8xf32, #tpu.memory_space<vmem>> -> memref<1x20x128x8xf32, #tpu.memory_space<vmem>>
        %dma_wait3A_155 = tpu.memref_squeeze %dma_wait3A_154 : memref<1x20x128x8xf32, #tpu.memory_space<vmem>> -> memref<20x128x8xf32, #tpu.memory_space<vmem>>
        %dma_wait3A_156 = arith.constant 0 : i32
        %dma_wait3A_157 = arith.constant 0 : i32
        %dma_wait3A_158 = tpu.memref_slice %dma_wait3A_155[%dma_wait3A_150, %dma_wait3A_156, %dma_wait3A_157] : memref<20x128x8xf32, #tpu.memory_space<vmem>> -> memref<1x128x8xf32, #tpu.memory_space<vmem>>
        %dma_wait3A_159 = tpu.memref_squeeze %dma_wait3A_158 : memref<1x128x8xf32, #tpu.memory_space<vmem>> -> memref<128x8xf32, #tpu.memory_space<vmem>>
        %dma_wait3A_160 = arith.constant 0 : i32
        %dma_wait3A_161 = tpu.memref_slice %arg6[%dma_wait3A_148, %dma_wait3A_160] : memref<2x2560xi32, #tpu.memory_space<vmem>> -> memref<1x2560xi32, #tpu.memory_space<vmem>>
        %dma_wait3A_162 = tpu.memref_squeeze %dma_wait3A_161 : memref<1x2560xi32, #tpu.memory_space<vmem>> -> memref<2560xi32, #tpu.memory_space<vmem>>
        %dma_wait3A_163 = arith.constant 256 : i32
        %dma_wait3A_164 = tpu.memref_slice %dma_wait3A_162[%dma_wait3A_163] : memref<2560xi32, #tpu.memory_space<vmem>> -> memref<128xi32, #tpu.memory_space<vmem>>
        %dma_wait3A_165 = arith.constant 0 : i32
        %dma_wait3A_166 = arith.constant 0 : i32
        %dma_wait3A_167 = tpu.memref_slice %arg2[%dma_wait3A_165, %dma_wait3A_166] : memref<200000x8xf32, #tpu.memory_space<hbm>> -> memref<200000x8xf32, #tpu.memory_space<hbm>>
        tpu.wait_indirect_dma semaphore(%arg10 : memref<!tpu.dma_semaphore, #tpu.memory_space<semaphore_mem>>) src(%dma_wait3A_167 : memref<200000x8xf32, #tpu.memory_space<hbm>>) dst(%dma_wait3A_159 : memref<128x8xf32, #tpu.memory_space<vmem>>)
        %dma_wait3A_168 = arith.constant 0 : i32
        %dma_wait3A_169 = arith.constant 0 : i32
        %dma_wait3A_170 = arith.constant 3 : i32
        %dma_wait3A_171 = arith.constant 0 : i32
        %dma_wait3A_172 = arith.constant 0 : i32
        %dma_wait3A_173 = arith.constant 0 : i32
        %dma_wait3A_174 = tpu.memref_slice %arg8[%dma_wait3A_169, %dma_wait3A_171, %dma_wait3A_172, %dma_wait3A_173] : memref<2x20x128x8xf32, #tpu.memory_space<vmem>> -> memref<1x20x128x8xf32, #tpu.memory_space<vmem>>
        %dma_wait3A_175 = tpu.memref_squeeze %dma_wait3A_174 : memref<1x20x128x8xf32, #tpu.memory_space<vmem>> -> memref<20x128x8xf32, #tpu.memory_space<vmem>>
        %dma_wait3A_176 = arith.constant 0 : i32
        %dma_wait3A_177 = arith.constant 0 : i32
        %dma_wait3A_178 = tpu.memref_slice %dma_wait3A_175[%dma_wait3A_170, %dma_wait3A_176, %dma_wait3A_177] : memref<20x128x8xf32, #tpu.memory_space<vmem>> -> memref<1x128x8xf32, #tpu.memory_space<vmem>>
        %dma_wait3A_179 = tpu.memref_squeeze %dma_wait3A_178 : memref<1x128x8xf32, #tpu.memory_space<vmem>> -> memref<128x8xf32, #tpu.memory_space<vmem>>
        %dma_wait3A_180 = arith.constant 0 : i32
        %dma_wait3A_181 = tpu.memref_slice %arg6[%dma_wait3A_168, %dma_wait3A_180] : memref<2x2560xi32, #tpu.memory_space<vmem>> -> memref<1x2560xi32, #tpu.memory_space<vmem>>
        %dma_wait3A_182 = tpu.memref_squeeze %dma_wait3A_181 : memref<1x2560xi32, #tpu.memory_space<vmem>> -> memref<2560xi32, #tpu.memory_space<vmem>>
        %dma_wait3A_183 = arith.constant 384 : i32
        %dma_wait3A_184 = tpu.memref_slice %dma_wait3A_182[%dma_wait3A_183] : memref<2560xi32, #tpu.memory_space<vmem>> -> memref<128xi32, #tpu.memory_space<vmem>>
        %dma_wait3A_185 = arith.constant 0 : i32
        %dma_wait3A_186 = arith.constant 0 : i32
        %dma_wait3A_187 = tpu.memref_slice %arg2[%dma_wait3A_185, %dma_wait3A_186] : memref<200000x8xf32, #tpu.memory_space<hbm>> -> memref<200000x8xf32, #tpu.memory_space<hbm>>
        tpu.wait_indirect_dma semaphore(%arg10 : memref<!tpu.dma_semaphore, #tpu.memory_space<semaphore_mem>>) src(%dma_wait3A_187 : memref<200000x8xf32, #tpu.memory_space<hbm>>) dst(%dma_wait3A_179 : memref<128x8xf32, #tpu.memory_space<vmem>>)
        %dma_wait3A_188 = arith.constant 0 : i32
        %dma_wait3A_189 = arith.constant 0 : i32
        %dma_wait3A_190 = arith.constant 4 : i32
        %dma_wait3A_191 = arith.constant 0 : i32
        %dma_wait3A_192 = arith.constant 0 : i32
        %dma_wait3A_193 = arith.constant 0 : i32
        %dma_wait3A_194 = tpu.memref_slice %arg8[%dma_wait3A_189, %dma_wait3A_191, %dma_wait3A_192, %dma_wait3A_193] : memref<2x20x128x8xf32, #tpu.memory_space<vmem>> -> memref<1x20x128x8xf32, #tpu.memory_space<vmem>>
        %dma_wait3A_195 = tpu.memref_squeeze %dma_wait3A_194 : memref<1x20x128x8xf32, #tpu.memory_space<vmem>> -> memref<20x128x8xf32, #tpu.memory_space<vmem>>
        %dma_wait3A_196 = arith.constant 0 : i32
        %dma_wait3A_197 = arith.constant 0 : i32
        %dma_wait3A_198 = tpu.memref_slice %dma_wait3A_195[%dma_wait3A_190, %dma_wait3A_196, %dma_wait3A_197] : memref<20x128x8xf32, #tpu.memory_space<vmem>> -> memref<1x128x8xf32, #tpu.memory_space<vmem>>
        %dma_wait3A_199 = tpu.memref_squeeze %dma_wait3A_198 : memref<1x128x8xf32, #tpu.memory_space<vmem>> -> memref<128x8xf32, #tpu.memory_space<vmem>>
        %dma_wait3A_200 = arith.constant 0 : i32
        %dma_wait3A_201 = tpu.memref_slice %arg6[%dma_wait3A_188, %dma_wait3A_200] : memref<2x2560xi32, #tpu.memory_space<vmem>> -> memref<1x2560xi32, #tpu.memory_space<vmem>>
        %dma_wait3A_202 = tpu.memref_squeeze %dma_wait3A_201 : memref<1x2560xi32, #tpu.memory_space<vmem>> -> memref<2560xi32, #tpu.memory_space<vmem>>
        %dma_wait3A_203 = arith.constant 512 : i32
        %dma_wait3A_204 = tpu.memref_slice %dma_wait3A_202[%dma_wait3A_203] : memref<2560xi32, #tpu.memory_space<vmem>> -> memref<128xi32, #tpu.memory_space<vmem>>
        %dma_wait3A_205 = arith.constant 0 : i32
        %dma_wait3A_206 = arith.constant 0 : i32
        %dma_wait3A_207 = tpu.memref_slice %arg2[%dma_wait3A_205, %dma_wait3A_206] : memref<200000x8xf32, #tpu.memory_space<hbm>> -> memref<200000x8xf32, #tpu.memory_space<hbm>>
        tpu.wait_indirect_dma semaphore(%arg10 : memref<!tpu.dma_semaphore, #tpu.memory_space<semaphore_mem>>) src(%dma_wait3A_207 : memref<200000x8xf32, #tpu.memory_space<hbm>>) dst(%dma_wait3A_199 : memref<128x8xf32, #tpu.memory_space<vmem>>)
        %dma_wait3A_208 = arith.constant 0 : i32
        %dma_wait3A_209 = arith.constant 0 : i32
        %dma_wait3A_210 = arith.constant 5 : i32
        %dma_wait3A_211 = arith.constant 0 : i32
        %dma_wait3A_212 = arith.constant 0 : i32
        %dma_wait3A_213 = arith.constant 0 : i32
        %dma_wait3A_214 = tpu.memref_slice %arg8[%dma_wait3A_209, %dma_wait3A_211, %dma_wait3A_212, %dma_wait3A_213] : memref<2x20x128x8xf32, #tpu.memory_space<vmem>> -> memref<1x20x128x8xf32, #tpu.memory_space<vmem>>
        %dma_wait3A_215 = tpu.memref_squeeze %dma_wait3A_214 : memref<1x20x128x8xf32, #tpu.memory_space<vmem>> -> memref<20x128x8xf32, #tpu.memory_space<vmem>>
        %dma_wait3A_216 = arith.constant 0 : i32
        %dma_wait3A_217 = arith.constant 0 : i32
        %dma_wait3A_218 = tpu.memref_slice %dma_wait3A_215[%dma_wait3A_210, %dma_wait3A_216, %dma_wait3A_217] : memref<20x128x8xf32, #tpu.memory_space<vmem>> -> memref<1x128x8xf32, #tpu.memory_space<vmem>>
        %dma_wait3A_219 = tpu.memref_squeeze %dma_wait3A_218 : memref<1x128x8xf32, #tpu.memory_space<vmem>> -> memref<128x8xf32, #tpu.memory_space<vmem>>
        %dma_wait3A_220 = arith.constant 0 : i32
        %dma_wait3A_221 = tpu.memref_slice %arg6[%dma_wait3A_208, %dma_wait3A_220] : memref<2x2560xi32, #tpu.memory_space<vmem>> -> memref<1x2560xi32, #tpu.memory_space<vmem>>
        %dma_wait3A_222 = tpu.memref_squeeze %dma_wait3A_221 : memref<1x2560xi32, #tpu.memory_space<vmem>> -> memref<2560xi32, #tpu.memory_space<vmem>>
        %dma_wait3A_223 = arith.constant 640 : i32
        %dma_wait3A_224 = tpu.memref_slice %dma_wait3A_222[%dma_wait3A_223] : memref<2560xi32, #tpu.memory_space<vmem>> -> memref<128xi32, #tpu.memory_space<vmem>>
        %dma_wait3A_225 = arith.constant 0 : i32
        %dma_wait3A_226 = arith.constant 0 : i32
        %dma_wait3A_227 = tpu.memref_slice %arg2[%dma_wait3A_225, %dma_wait3A_226] : memref<200000x8xf32, #tpu.memory_space<hbm>> -> memref<200000x8xf32, #tpu.memory_space<hbm>>
        tpu.wait_indirect_dma semaphore(%arg10 : memref<!tpu.dma_semaphore, #tpu.memory_space<semaphore_mem>>) src(%dma_wait3A_227 : memref<200000x8xf32, #tpu.memory_space<hbm>>) dst(%dma_wait3A_219 : memref<128x8xf32, #tpu.memory_space<vmem>>)
        %dma_wait3A_228 = arith.constant 0 : i32
        %dma_wait3A_229 = arith.constant 0 : i32
        %dma_wait3A_230 = arith.constant 6 : i32
        %dma_wait3A_231 = arith.constant 0 : i32
        %dma_wait3A_232 = arith.constant 0 : i32
        %dma_wait3A_233 = arith.constant 0 : i32
        %dma_wait3A_234 = tpu.memref_slice %arg8[%dma_wait3A_229, %dma_wait3A_231, %dma_wait3A_232, %dma_wait3A_233] : memref<2x20x128x8xf32, #tpu.memory_space<vmem>> -> memref<1x20x128x8xf32, #tpu.memory_space<vmem>>
        %dma_wait3A_235 = tpu.memref_squeeze %dma_wait3A_234 : memref<1x20x128x8xf32, #tpu.memory_space<vmem>> -> memref<20x128x8xf32, #tpu.memory_space<vmem>>
        %dma_wait3A_236 = arith.constant 0 : i32
        %dma_wait3A_237 = arith.constant 0 : i32
        %dma_wait3A_238 = tpu.memref_slice %dma_wait3A_235[%dma_wait3A_230, %dma_wait3A_236, %dma_wait3A_237] : memref<20x128x8xf32, #tpu.memory_space<vmem>> -> memref<1x128x8xf32, #tpu.memory_space<vmem>>
        %dma_wait3A_239 = tpu.memref_squeeze %dma_wait3A_238 : memref<1x128x8xf32, #tpu.memory_space<vmem>> -> memref<128x8xf32, #tpu.memory_space<vmem>>
        %dma_wait3A_240 = arith.constant 0 : i32
        %dma_wait3A_241 = tpu.memref_slice %arg6[%dma_wait3A_228, %dma_wait3A_240] : memref<2x2560xi32, #tpu.memory_space<vmem>> -> memref<1x2560xi32, #tpu.memory_space<vmem>>
        %dma_wait3A_242 = tpu.memref_squeeze %dma_wait3A_241 : memref<1x2560xi32, #tpu.memory_space<vmem>> -> memref<2560xi32, #tpu.memory_space<vmem>>
        %dma_wait3A_243 = arith.constant 768 : i32
        %dma_wait3A_244 = tpu.memref_slice %dma_wait3A_242[%dma_wait3A_243] : memref<2560xi32, #tpu.memory_space<vmem>> -> memref<128xi32, #tpu.memory_space<vmem>>
        %dma_wait3A_245 = arith.constant 0 : i32
        %dma_wait3A_246 = arith.constant 0 : i32
        %dma_wait3A_247 = tpu.memref_slice %arg2[%dma_wait3A_245, %dma_wait3A_246] : memref<200000x8xf32, #tpu.memory_space<hbm>> -> memref<200000x8xf32, #tpu.memory_space<hbm>>
        tpu.wait_indirect_dma semaphore(%arg10 : memref<!tpu.dma_semaphore, #tpu.memory_space<semaphore_mem>>) src(%dma_wait3A_247 : memref<200000x8xf32, #tpu.memory_space<hbm>>) dst(%dma_wait3A_239 : memref<128x8xf32, #tpu.memory_space<vmem>>)
        %dma_wait3A_248 = arith.constant 0 : i32
        %dma_wait3A_249 = arith.constant 0 : i32
        %dma_wait3A_250 = arith.constant 7 : i32
        %dma_wait3A_251 = arith.constant 0 : i32
        %dma_wait3A_252 = arith.constant 0 : i32
        %dma_wait3A_253 = arith.constant 0 : i32
        %dma_wait3A_254 = tpu.memref_slice %arg8[%dma_wait3A_249, %dma_wait3A_251, %dma_wait3A_252, %dma_wait3A_253] : memref<2x20x128x8xf32, #tpu.memory_space<vmem>> -> memref<1x20x128x8xf32, #tpu.memory_space<vmem>>
        %dma_wait3A_255 = tpu.memref_squeeze %dma_wait3A_254 : memref<1x20x128x8xf32, #tpu.memory_space<vmem>> -> memref<20x128x8xf32, #tpu.memory_space<vmem>>
        %dma_wait3A_256 = arith.constant 0 : i32
        %dma_wait3A_257 = arith.constant 0 : i32
        %dma_wait3A_258 = tpu.memref_slice %dma_wait3A_255[%dma_wait3A_250, %dma_wait3A_256, %dma_wait3A_257] : memref<20x128x8xf32, #tpu.memory_space<vmem>> -> memref<1x128x8xf32, #tpu.memory_space<vmem>>
        %dma_wait3A_259 = tpu.memref_squeeze %dma_wait3A_258 : memref<1x128x8xf32, #tpu.memory_space<vmem>> -> memref<128x8xf32, #tpu.memory_space<vmem>>
        %dma_wait3A_260 = arith.constant 0 : i32
        %dma_wait3A_261 = tpu.memref_slice %arg6[%dma_wait3A_248, %dma_wait3A_260] : memref<2x2560xi32, #tpu.memory_space<vmem>> -> memref<1x2560xi32, #tpu.memory_space<vmem>>
        %dma_wait3A_262 = tpu.memref_squeeze %dma_wait3A_261 : memref<1x2560xi32, #tpu.memory_space<vmem>> -> memref<2560xi32, #tpu.memory_space<vmem>>
        %dma_wait3A_263 = arith.constant 896 : i32
        %dma_wait3A_264 = tpu.memref_slice %dma_wait3A_262[%dma_wait3A_263] : memref<2560xi32, #tpu.memory_space<vmem>> -> memref<128xi32, #tpu.memory_space<vmem>>
        %dma_wait3A_265 = arith.constant 0 : i32
        %dma_wait3A_266 = arith.constant 0 : i32
        %dma_wait3A_267 = tpu.memref_slice %arg2[%dma_wait3A_265, %dma_wait3A_266] : memref<200000x8xf32, #tpu.memory_space<hbm>> -> memref<200000x8xf32, #tpu.memory_space<hbm>>
        tpu.wait_indirect_dma semaphore(%arg10 : memref<!tpu.dma_semaphore, #tpu.memory_space<semaphore_mem>>) src(%dma_wait3A_267 : memref<200000x8xf32, #tpu.memory_space<hbm>>) dst(%dma_wait3A_259 : memref<128x8xf32, #tpu.memory_space<vmem>>)
        %dma_wait3A_268 = arith.constant 0 : i32
        %dma_wait3A_269 = arith.constant 0 : i32
        %dma_wait3A_270 = arith.constant 8 : i32
        %dma_wait3A_271 = arith.constant 0 : i32
        %dma_wait3A_272 = arith.constant 0 : i32
        %dma_wait3A_273 = arith.constant 0 : i32
        %dma_wait3A_274 = tpu.memref_slice %arg8[%dma_wait3A_269, %dma_wait3A_271, %dma_wait3A_272, %dma_wait3A_273] : memref<2x20x128x8xf32, #tpu.memory_space<vmem>> -> memref<1x20x128x8xf32, #tpu.memory_space<vmem>>
        %dma_wait3A_275 = tpu.memref_squeeze %dma_wait3A_274 : memref<1x20x128x8xf32, #tpu.memory_space<vmem>> -> memref<20x128x8xf32, #tpu.memory_space<vmem>>
        %dma_wait3A_276 = arith.constant 0 : i32
        %dma_wait3A_277 = arith.constant 0 : i32
        %dma_wait3A_278 = tpu.memref_slice %dma_wait3A_275[%dma_wait3A_270, %dma_wait3A_276, %dma_wait3A_277] : memref<20x128x8xf32, #tpu.memory_space<vmem>> -> memref<1x128x8xf32, #tpu.memory_space<vmem>>
        %dma_wait3A_279 = tpu.memref_squeeze %dma_wait3A_278 : memref<1x128x8xf32, #tpu.memory_space<vmem>> -> memref<128x8xf32, #tpu.memory_space<vmem>>
        %dma_wait3A_280 = arith.constant 0 : i32
        %dma_wait3A_281 = tpu.memref_slice %arg6[%dma_wait3A_268, %dma_wait3A_280] : memref<2x2560xi32, #tpu.memory_space<vmem>> -> memref<1x2560xi32, #tpu.memory_space<vmem>>
        %dma_wait3A_282 = tpu.memref_squeeze %dma_wait3A_281 : memref<1x2560xi32, #tpu.memory_space<vmem>> -> memref<2560xi32, #tpu.memory_space<vmem>>
        %dma_wait3A_283 = arith.constant 1024 : i32
        %dma_wait3A_284 = tpu.memref_slice %dma_wait3A_282[%dma_wait3A_283] : memref<2560xi32, #tpu.memory_space<vmem>> -> memref<128xi32, #tpu.memory_space<vmem>>
        %dma_wait3A_285 = arith.constant 0 : i32
        %dma_wait3A_286 = arith.constant 0 : i32
        %dma_wait3A_287 = tpu.memref_slice %arg2[%dma_wait3A_285, %dma_wait3A_286] : memref<200000x8xf32, #tpu.memory_space<hbm>> -> memref<200000x8xf32, #tpu.memory_space<hbm>>
        tpu.wait_indirect_dma semaphore(%arg10 : memref<!tpu.dma_semaphore, #tpu.memory_space<semaphore_mem>>) src(%dma_wait3A_287 : memref<200000x8xf32, #tpu.memory_space<hbm>>) dst(%dma_wait3A_279 : memref<128x8xf32, #tpu.memory_space<vmem>>)
        %dma_wait3A_288 = arith.constant 0 : i32
        %dma_wait3A_289 = arith.constant 0 : i32
        %dma_wait3A_290 = arith.constant 9 : i32
        %dma_wait3A_291 = arith.constant 0 : i32
        %dma_wait3A_292 = arith.constant 0 : i32
        %dma_wait3A_293 = arith.constant 0 : i32
        %dma_wait3A_294 = tpu.memref_slice %arg8[%dma_wait3A_289, %dma_wait3A_291, %dma_wait3A_292, %dma_wait3A_293] : memref<2x20x128x8xf32, #tpu.memory_space<vmem>> -> memref<1x20x128x8xf32, #tpu.memory_space<vmem>>
        %dma_wait3A_295 = tpu.memref_squeeze %dma_wait3A_294 : memref<1x20x128x8xf32, #tpu.memory_space<vmem>> -> memref<20x128x8xf32, #tpu.memory_space<vmem>>
        %dma_wait3A_296 = arith.constant 0 : i32
        %dma_wait3A_297 = arith.constant 0 : i32
        %dma_wait3A_298 = tpu.memref_slice %dma_wait3A_295[%dma_wait3A_290, %dma_wait3A_296, %dma_wait3A_297] : memref<20x128x8xf32, #tpu.memory_space<vmem>> -> memref<1x128x8xf32, #tpu.memory_space<vmem>>
        %dma_wait3A_299 = tpu.memref_squeeze %dma_wait3A_298 : memref<1x128x8xf32, #tpu.memory_space<vmem>> -> memref<128x8xf32, #tpu.memory_space<vmem>>
        %dma_wait3A_300 = arith.constant 0 : i32
        %dma_wait3A_301 = tpu.memref_slice %arg6[%dma_wait3A_288, %dma_wait3A_300] : memref<2x2560xi32, #tpu.memory_space<vmem>> -> memref<1x2560xi32, #tpu.memory_space<vmem>>
        %dma_wait3A_302 = tpu.memref_squeeze %dma_wait3A_301 : memref<1x2560xi32, #tpu.memory_space<vmem>> -> memref<2560xi32, #tpu.memory_space<vmem>>
        %dma_wait3A_303 = arith.constant 1152 : i32
        %dma_wait3A_304 = tpu.memref_slice %dma_wait3A_302[%dma_wait3A_303] : memref<2560xi32, #tpu.memory_space<vmem>> -> memref<128xi32, #tpu.memory_space<vmem>>
        %dma_wait3A_305 = arith.constant 0 : i32
        %dma_wait3A_306 = arith.constant 0 : i32
        %dma_wait3A_307 = tpu.memref_slice %arg2[%dma_wait3A_305, %dma_wait3A_306] : memref<200000x8xf32, #tpu.memory_space<hbm>> -> memref<200000x8xf32, #tpu.memory_space<hbm>>
        tpu.wait_indirect_dma semaphore(%arg10 : memref<!tpu.dma_semaphore, #tpu.memory_space<semaphore_mem>>) src(%dma_wait3A_307 : memref<200000x8xf32, #tpu.memory_space<hbm>>) dst(%dma_wait3A_299 : memref<128x8xf32, #tpu.memory_space<vmem>>)
        %dma_wait3A_308 = arith.constant 0 : i32
        %dma_wait3A_309 = arith.constant 0 : i32
        %dma_wait3A_310 = arith.constant 10 : i32
        %dma_wait3A_311 = arith.constant 0 : i32
        %dma_wait3A_312 = arith.constant 0 : i32
        %dma_wait3A_313 = arith.constant 0 : i32
        %dma_wait3A_314 = tpu.memref_slice %arg8[%dma_wait3A_309, %dma_wait3A_311, %dma_wait3A_312, %dma_wait3A_313] : memref<2x20x128x8xf32, #tpu.memory_space<vmem>> -> memref<1x20x128x8xf32, #tpu.memory_space<vmem>>
        %dma_wait3A_315 = tpu.memref_squeeze %dma_wait3A_314 : memref<1x20x128x8xf32, #tpu.memory_space<vmem>> -> memref<20x128x8xf32, #tpu.memory_space<vmem>>
        %dma_wait3A_316 = arith.constant 0 : i32
        %dma_wait3A_317 = arith.constant 0 : i32
        %dma_wait3A_318 = tpu.memref_slice %dma_wait3A_315[%dma_wait3A_310, %dma_wait3A_316, %dma_wait3A_317] : memref<20x128x8xf32, #tpu.memory_space<vmem>> -> memref<1x128x8xf32, #tpu.memory_space<vmem>>
        %dma_wait3A_319 = tpu.memref_squeeze %dma_wait3A_318 : memref<1x128x8xf32, #tpu.memory_space<vmem>> -> memref<128x8xf32, #tpu.memory_space<vmem>>
        %dma_wait3A_320 = arith.constant 0 : i32
        %dma_wait3A_321 = tpu.memref_slice %arg6[%dma_wait3A_308, %dma_wait3A_320] : memref<2x2560xi32, #tpu.memory_space<vmem>> -> memref<1x2560xi32, #tpu.memory_space<vmem>>
        %dma_wait3A_322 = tpu.memref_squeeze %dma_wait3A_321 : memref<1x2560xi32, #tpu.memory_space<vmem>> -> memref<2560xi32, #tpu.memory_space<vmem>>
        %dma_wait3A_323 = arith.constant 1280 : i32
        %dma_wait3A_324 = tpu.memref_slice %dma_wait3A_322[%dma_wait3A_323] : memref<2560xi32, #tpu.memory_space<vmem>> -> memref<128xi32, #tpu.memory_space<vmem>>
        %dma_wait3A_325 = arith.constant 0 : i32
        %dma_wait3A_326 = arith.constant 0 : i32
        %dma_wait3A_327 = tpu.memref_slice %arg2[%dma_wait3A_325, %dma_wait3A_326] : memref<200000x8xf32, #tpu.memory_space<hbm>> -> memref<200000x8xf32, #tpu.memory_space<hbm>>
        tpu.wait_indirect_dma semaphore(%arg10 : memref<!tpu.dma_semaphore, #tpu.memory_space<semaphore_mem>>) src(%dma_wait3A_327 : memref<200000x8xf32, #tpu.memory_space<hbm>>) dst(%dma_wait3A_319 : memref<128x8xf32, #tpu.memory_space<vmem>>)
        %dma_wait3A_328 = arith.constant 0 : i32
        %dma_wait3A_329 = arith.constant 0 : i32
        %dma_wait3A_330 = arith.constant 11 : i32
        %dma_wait3A_331 = arith.constant 0 : i32
        %dma_wait3A_332 = arith.constant 0 : i32
        %dma_wait3A_333 = arith.constant 0 : i32
        %dma_wait3A_334 = tpu.memref_slice %arg8[%dma_wait3A_329, %dma_wait3A_331, %dma_wait3A_332, %dma_wait3A_333] : memref<2x20x128x8xf32, #tpu.memory_space<vmem>> -> memref<1x20x128x8xf32, #tpu.memory_space<vmem>>
        %dma_wait3A_335 = tpu.memref_squeeze %dma_wait3A_334 : memref<1x20x128x8xf32, #tpu.memory_space<vmem>> -> memref<20x128x8xf32, #tpu.memory_space<vmem>>
        %dma_wait3A_336 = arith.constant 0 : i32
        %dma_wait3A_337 = arith.constant 0 : i32
        %dma_wait3A_338 = tpu.memref_slice %dma_wait3A_335[%dma_wait3A_330, %dma_wait3A_336, %dma_wait3A_337] : memref<20x128x8xf32, #tpu.memory_space<vmem>> -> memref<1x128x8xf32, #tpu.memory_space<vmem>>
        %dma_wait3A_339 = tpu.memref_squeeze %dma_wait3A_338 : memref<1x128x8xf32, #tpu.memory_space<vmem>> -> memref<128x8xf32, #tpu.memory_space<vmem>>
        %dma_wait3A_340 = arith.constant 0 : i32
        %dma_wait3A_341 = tpu.memref_slice %arg6[%dma_wait3A_328, %dma_wait3A_340] : memref<2x2560xi32, #tpu.memory_space<vmem>> -> memref<1x2560xi32, #tpu.memory_space<vmem>>
        %dma_wait3A_342 = tpu.memref_squeeze %dma_wait3A_341 : memref<1x2560xi32, #tpu.memory_space<vmem>> -> memref<2560xi32, #tpu.memory_space<vmem>>
        %dma_wait3A_343 = arith.constant 1408 : i32
        %dma_wait3A_344 = tpu.memref_slice %dma_wait3A_342[%dma_wait3A_343] : memref<2560xi32, #tpu.memory_space<vmem>> -> memref<128xi32, #tpu.memory_space<vmem>>
        %dma_wait3A_345 = arith.constant 0 : i32
        %dma_wait3A_346 = arith.constant 0 : i32
        %dma_wait3A_347 = tpu.memref_slice %arg2[%dma_wait3A_345, %dma_wait3A_346] : memref<200000x8xf32, #tpu.memory_space<hbm>> -> memref<200000x8xf32, #tpu.memory_space<hbm>>
        tpu.wait_indirect_dma semaphore(%arg10 : memref<!tpu.dma_semaphore, #tpu.memory_space<semaphore_mem>>) src(%dma_wait3A_347 : memref<200000x8xf32, #tpu.memory_space<hbm>>) dst(%dma_wait3A_339 : memref<128x8xf32, #tpu.memory_space<vmem>>)
        %dma_wait3A_348 = arith.constant 0 : i32
        %dma_wait3A_349 = arith.constant 0 : i32
        %dma_wait3A_350 = arith.constant 12 : i32
        %dma_wait3A_351 = arith.constant 0 : i32
        %dma_wait3A_352 = arith.constant 0 : i32
        %dma_wait3A_353 = arith.constant 0 : i32
        %dma_wait3A_354 = tpu.memref_slice %arg8[%dma_wait3A_349, %dma_wait3A_351, %dma_wait3A_352, %dma_wait3A_353] : memref<2x20x128x8xf32, #tpu.memory_space<vmem>> -> memref<1x20x128x8xf32, #tpu.memory_space<vmem>>
        %dma_wait3A_355 = tpu.memref_squeeze %dma_wait3A_354 : memref<1x20x128x8xf32, #tpu.memory_space<vmem>> -> memref<20x128x8xf32, #tpu.memory_space<vmem>>
        %dma_wait3A_356 = arith.constant 0 : i32
        %dma_wait3A_357 = arith.constant 0 : i32
        %dma_wait3A_358 = tpu.memref_slice %dma_wait3A_355[%dma_wait3A_350, %dma_wait3A_356, %dma_wait3A_357] : memref<20x128x8xf32, #tpu.memory_space<vmem>> -> memref<1x128x8xf32, #tpu.memory_space<vmem>>
        %dma_wait3A_359 = tpu.memref_squeeze %dma_wait3A_358 : memref<1x128x8xf32, #tpu.memory_space<vmem>> -> memref<128x8xf32, #tpu.memory_space<vmem>>
        %dma_wait3A_360 = arith.constant 0 : i32
        %dma_wait3A_361 = tpu.memref_slice %arg6[%dma_wait3A_348, %dma_wait3A_360] : memref<2x2560xi32, #tpu.memory_space<vmem>> -> memref<1x2560xi32, #tpu.memory_space<vmem>>
        %dma_wait3A_362 = tpu.memref_squeeze %dma_wait3A_361 : memref<1x2560xi32, #tpu.memory_space<vmem>> -> memref<2560xi32, #tpu.memory_space<vmem>>
        %dma_wait3A_363 = arith.constant 1536 : i32
        %dma_wait3A_364 = tpu.memref_slice %dma_wait3A_362[%dma_wait3A_363] : memref<2560xi32, #tpu.memory_space<vmem>> -> memref<128xi32, #tpu.memory_space<vmem>>
        %dma_wait3A_365 = arith.constant 0 : i32
        %dma_wait3A_366 = arith.constant 0 : i32
        %dma_wait3A_367 = tpu.memref_slice %arg2[%dma_wait3A_365, %dma_wait3A_366] : memref<200000x8xf32, #tpu.memory_space<hbm>> -> memref<200000x8xf32, #tpu.memory_space<hbm>>
        tpu.wait_indirect_dma semaphore(%arg10 : memref<!tpu.dma_semaphore, #tpu.memory_space<semaphore_mem>>) src(%dma_wait3A_367 : memref<200000x8xf32, #tpu.memory_space<hbm>>) dst(%dma_wait3A_359 : memref<128x8xf32, #tpu.memory_space<vmem>>)
        %dma_wait3A_368 = arith.constant 0 : i32
        %dma_wait3A_369 = arith.constant 0 : i32
        %dma_wait3A_370 = arith.constant 13 : i32
        %dma_wait3A_371 = arith.constant 0 : i32
        %dma_wait3A_372 = arith.constant 0 : i32
        %dma_wait3A_373 = arith.constant 0 : i32
        %dma_wait3A_374 = tpu.memref_slice %arg8[%dma_wait3A_369, %dma_wait3A_371, %dma_wait3A_372, %dma_wait3A_373] : memref<2x20x128x8xf32, #tpu.memory_space<vmem>> -> memref<1x20x128x8xf32, #tpu.memory_space<vmem>>
        %dma_wait3A_375 = tpu.memref_squeeze %dma_wait3A_374 : memref<1x20x128x8xf32, #tpu.memory_space<vmem>> -> memref<20x128x8xf32, #tpu.memory_space<vmem>>
        %dma_wait3A_376 = arith.constant 0 : i32
        %dma_wait3A_377 = arith.constant 0 : i32
        %dma_wait3A_378 = tpu.memref_slice %dma_wait3A_375[%dma_wait3A_370, %dma_wait3A_376, %dma_wait3A_377] : memref<20x128x8xf32, #tpu.memory_space<vmem>> -> memref<1x128x8xf32, #tpu.memory_space<vmem>>
        %dma_wait3A_379 = tpu.memref_squeeze %dma_wait3A_378 : memref<1x128x8xf32, #tpu.memory_space<vmem>> -> memref<128x8xf32, #tpu.memory_space<vmem>>
        %dma_wait3A_380 = arith.constant 0 : i32
        %dma_wait3A_381 = tpu.memref_slice %arg6[%dma_wait3A_368, %dma_wait3A_380] : memref<2x2560xi32, #tpu.memory_space<vmem>> -> memref<1x2560xi32, #tpu.memory_space<vmem>>
        %dma_wait3A_382 = tpu.memref_squeeze %dma_wait3A_381 : memref<1x2560xi32, #tpu.memory_space<vmem>> -> memref<2560xi32, #tpu.memory_space<vmem>>
        %dma_wait3A_383 = arith.constant 1664 : i32
        %dma_wait3A_384 = tpu.memref_slice %dma_wait3A_382[%dma_wait3A_383] : memref<2560xi32, #tpu.memory_space<vmem>> -> memref<128xi32, #tpu.memory_space<vmem>>
        %dma_wait3A_385 = arith.constant 0 : i32
        %dma_wait3A_386 = arith.constant 0 : i32
        %dma_wait3A_387 = tpu.memref_slice %arg2[%dma_wait3A_385, %dma_wait3A_386] : memref<200000x8xf32, #tpu.memory_space<hbm>> -> memref<200000x8xf32, #tpu.memory_space<hbm>>
        tpu.wait_indirect_dma semaphore(%arg10 : memref<!tpu.dma_semaphore, #tpu.memory_space<semaphore_mem>>) src(%dma_wait3A_387 : memref<200000x8xf32, #tpu.memory_space<hbm>>) dst(%dma_wait3A_379 : memref<128x8xf32, #tpu.memory_space<vmem>>)
        %dma_wait3A_388 = arith.constant 0 : i32
        %dma_wait3A_389 = arith.constant 0 : i32
        %dma_wait3A_390 = arith.constant 14 : i32
        %dma_wait3A_391 = arith.constant 0 : i32
        %dma_wait3A_392 = arith.constant 0 : i32
        %dma_wait3A_393 = arith.constant 0 : i32
        %dma_wait3A_394 = tpu.memref_slice %arg8[%dma_wait3A_389, %dma_wait3A_391, %dma_wait3A_392, %dma_wait3A_393] : memref<2x20x128x8xf32, #tpu.memory_space<vmem>> -> memref<1x20x128x8xf32, #tpu.memory_space<vmem>>
        %dma_wait3A_395 = tpu.memref_squeeze %dma_wait3A_394 : memref<1x20x128x8xf32, #tpu.memory_space<vmem>> -> memref<20x128x8xf32, #tpu.memory_space<vmem>>
        %dma_wait3A_396 = arith.constant 0 : i32
        %dma_wait3A_397 = arith.constant 0 : i32
        %dma_wait3A_398 = tpu.memref_slice %dma_wait3A_395[%dma_wait3A_390, %dma_wait3A_396, %dma_wait3A_397] : memref<20x128x8xf32, #tpu.memory_space<vmem>> -> memref<1x128x8xf32, #tpu.memory_space<vmem>>
        %dma_wait3A_399 = tpu.memref_squeeze %dma_wait3A_398 : memref<1x128x8xf32, #tpu.memory_space<vmem>> -> memref<128x8xf32, #tpu.memory_space<vmem>>
        %dma_wait3A_400 = arith.constant 0 : i32
        %dma_wait3A_401 = tpu.memref_slice %arg6[%dma_wait3A_388, %dma_wait3A_400] : memref<2x2560xi32, #tpu.memory_space<vmem>> -> memref<1x2560xi32, #tpu.memory_space<vmem>>
        %dma_wait3A_402 = tpu.memref_squeeze %dma_wait3A_401 : memref<1x2560xi32, #tpu.memory_space<vmem>> -> memref<2560xi32, #tpu.memory_space<vmem>>
        %dma_wait3A_403 = arith.constant 1792 : i32
        %dma_wait3A_404 = tpu.memref_slice %dma_wait3A_402[%dma_wait3A_403] : memref<2560xi32, #tpu.memory_space<vmem>> -> memref<128xi32, #tpu.memory_space<vmem>>
        %dma_wait3A_405 = arith.constant 0 : i32
        %dma_wait3A_406 = arith.constant 0 : i32
        %dma_wait3A_407 = tpu.memref_slice %arg2[%dma_wait3A_405, %dma_wait3A_406] : memref<200000x8xf32, #tpu.memory_space<hbm>> -> memref<200000x8xf32, #tpu.memory_space<hbm>>
        tpu.wait_indirect_dma semaphore(%arg10 : memref<!tpu.dma_semaphore, #tpu.memory_space<semaphore_mem>>) src(%dma_wait3A_407 : memref<200000x8xf32, #tpu.memory_space<hbm>>) dst(%dma_wait3A_399 : memref<128x8xf32, #tpu.memory_space<vmem>>)
        %dma_wait3A_408 = arith.constant 0 : i32
        %dma_wait3A_409 = arith.constant 0 : i32
        %dma_wait3A_410 = arith.constant 15 : i32
        %dma_wait3A_411 = arith.constant 0 : i32
        %dma_wait3A_412 = arith.constant 0 : i32
        %dma_wait3A_413 = arith.constant 0 : i32
        %dma_wait3A_414 = tpu.memref_slice %arg8[%dma_wait3A_409, %dma_wait3A_411, %dma_wait3A_412, %dma_wait3A_413] : memref<2x20x128x8xf32, #tpu.memory_space<vmem>> -> memref<1x20x128x8xf32, #tpu.memory_space<vmem>>
        %dma_wait3A_415 = tpu.memref_squeeze %dma_wait3A_414 : memref<1x20x128x8xf32, #tpu.memory_space<vmem>> -> memref<20x128x8xf32, #tpu.memory_space<vmem>>
        %dma_wait3A_416 = arith.constant 0 : i32
        %dma_wait3A_417 = arith.constant 0 : i32
        %dma_wait3A_418 = tpu.memref_slice %dma_wait3A_415[%dma_wait3A_410, %dma_wait3A_416, %dma_wait3A_417] : memref<20x128x8xf32, #tpu.memory_space<vmem>> -> memref<1x128x8xf32, #tpu.memory_space<vmem>>
        %dma_wait3A_419 = tpu.memref_squeeze %dma_wait3A_418 : memref<1x128x8xf32, #tpu.memory_space<vmem>> -> memref<128x8xf32, #tpu.memory_space<vmem>>
        %dma_wait3A_420 = arith.constant 0 : i32
        %dma_wait3A_421 = tpu.memref_slice %arg6[%dma_wait3A_408, %dma_wait3A_420] : memref<2x2560xi32, #tpu.memory_space<vmem>> -> memref<1x2560xi32, #tpu.memory_space<vmem>>
        %dma_wait3A_422 = tpu.memref_squeeze %dma_wait3A_421 : memref<1x2560xi32, #tpu.memory_space<vmem>> -> memref<2560xi32, #tpu.memory_space<vmem>>
        %dma_wait3A_423 = arith.constant 1920 : i32
        %dma_wait3A_424 = tpu.memref_slice %dma_wait3A_422[%dma_wait3A_423] : memref<2560xi32, #tpu.memory_space<vmem>> -> memref<128xi32, #tpu.memory_space<vmem>>
        %dma_wait3A_425 = arith.constant 0 : i32
        %dma_wait3A_426 = arith.constant 0 : i32
        %dma_wait3A_427 = tpu.memref_slice %arg2[%dma_wait3A_425, %dma_wait3A_426] : memref<200000x8xf32, #tpu.memory_space<hbm>> -> memref<200000x8xf32, #tpu.memory_space<hbm>>
        tpu.wait_indirect_dma semaphore(%arg10 : memref<!tpu.dma_semaphore, #tpu.memory_space<semaphore_mem>>) src(%dma_wait3A_427 : memref<200000x8xf32, #tpu.memory_space<hbm>>) dst(%dma_wait3A_419 : memref<128x8xf32, #tpu.memory_space<vmem>>)
        %dma_wait3A_428 = arith.constant 0 : i32
        %dma_wait3A_429 = arith.constant 0 : i32
        %dma_wait3A_430 = arith.constant 16 : i32
        %dma_wait3A_431 = arith.constant 0 : i32
        %dma_wait3A_432 = arith.constant 0 : i32
        %dma_wait3A_433 = arith.constant 0 : i32
        %dma_wait3A_434 = tpu.memref_slice %arg8[%dma_wait3A_429, %dma_wait3A_431, %dma_wait3A_432, %dma_wait3A_433] : memref<2x20x128x8xf32, #tpu.memory_space<vmem>> -> memref<1x20x128x8xf32, #tpu.memory_space<vmem>>
        %dma_wait3A_435 = tpu.memref_squeeze %dma_wait3A_434 : memref<1x20x128x8xf32, #tpu.memory_space<vmem>> -> memref<20x128x8xf32, #tpu.memory_space<vmem>>
        %dma_wait3A_436 = arith.constant 0 : i32
        %dma_wait3A_437 = arith.constant 0 : i32
        %dma_wait3A_438 = tpu.memref_slice %dma_wait3A_435[%dma_wait3A_430, %dma_wait3A_436, %dma_wait3A_437] : memref<20x128x8xf32, #tpu.memory_space<vmem>> -> memref<1x128x8xf32, #tpu.memory_space<vmem>>
        %dma_wait3A_439 = tpu.memref_squeeze %dma_wait3A_438 : memref<1x128x8xf32, #tpu.memory_space<vmem>> -> memref<128x8xf32, #tpu.memory_space<vmem>>
        %dma_wait3A_440 = arith.constant 0 : i32
        %dma_wait3A_441 = tpu.memref_slice %arg6[%dma_wait3A_428, %dma_wait3A_440] : memref<2x2560xi32, #tpu.memory_space<vmem>> -> memref<1x2560xi32, #tpu.memory_space<vmem>>
        %dma_wait3A_442 = tpu.memref_squeeze %dma_wait3A_441 : memref<1x2560xi32, #tpu.memory_space<vmem>> -> memref<2560xi32, #tpu.memory_space<vmem>>
        %dma_wait3A_443 = arith.constant 2048 : i32
        %dma_wait3A_444 = tpu.memref_slice %dma_wait3A_442[%dma_wait3A_443] : memref<2560xi32, #tpu.memory_space<vmem>> -> memref<128xi32, #tpu.memory_space<vmem>>
        %dma_wait3A_445 = arith.constant 0 : i32
        %dma_wait3A_446 = arith.constant 0 : i32
        %dma_wait3A_447 = tpu.memref_slice %arg2[%dma_wait3A_445, %dma_wait3A_446] : memref<200000x8xf32, #tpu.memory_space<hbm>> -> memref<200000x8xf32, #tpu.memory_space<hbm>>
        tpu.wait_indirect_dma semaphore(%arg10 : memref<!tpu.dma_semaphore, #tpu.memory_space<semaphore_mem>>) src(%dma_wait3A_447 : memref<200000x8xf32, #tpu.memory_space<hbm>>) dst(%dma_wait3A_439 : memref<128x8xf32, #tpu.memory_space<vmem>>)
        %dma_wait3A_448 = arith.constant 0 : i32
        %dma_wait3A_449 = arith.constant 0 : i32
        %dma_wait3A_450 = arith.constant 17 : i32
        %dma_wait3A_451 = arith.constant 0 : i32
        %dma_wait3A_452 = arith.constant 0 : i32
        %dma_wait3A_453 = arith.constant 0 : i32
        %dma_wait3A_454 = tpu.memref_slice %arg8[%dma_wait3A_449, %dma_wait3A_451, %dma_wait3A_452, %dma_wait3A_453] : memref<2x20x128x8xf32, #tpu.memory_space<vmem>> -> memref<1x20x128x8xf32, #tpu.memory_space<vmem>>
        %dma_wait3A_455 = tpu.memref_squeeze %dma_wait3A_454 : memref<1x20x128x8xf32, #tpu.memory_space<vmem>> -> memref<20x128x8xf32, #tpu.memory_space<vmem>>
        %dma_wait3A_456 = arith.constant 0 : i32
        %dma_wait3A_457 = arith.constant 0 : i32
        %dma_wait3A_458 = tpu.memref_slice %dma_wait3A_455[%dma_wait3A_450, %dma_wait3A_456, %dma_wait3A_457] : memref<20x128x8xf32, #tpu.memory_space<vmem>> -> memref<1x128x8xf32, #tpu.memory_space<vmem>>
        %dma_wait3A_459 = tpu.memref_squeeze %dma_wait3A_458 : memref<1x128x8xf32, #tpu.memory_space<vmem>> -> memref<128x8xf32, #tpu.memory_space<vmem>>
        %dma_wait3A_460 = arith.constant 0 : i32
        %dma_wait3A_461 = tpu.memref_slice %arg6[%dma_wait3A_448, %dma_wait3A_460] : memref<2x2560xi32, #tpu.memory_space<vmem>> -> memref<1x2560xi32, #tpu.memory_space<vmem>>
        %dma_wait3A_462 = tpu.memref_squeeze %dma_wait3A_461 : memref<1x2560xi32, #tpu.memory_space<vmem>> -> memref<2560xi32, #tpu.memory_space<vmem>>
        %dma_wait3A_463 = arith.constant 2176 : i32
        %dma_wait3A_464 = tpu.memref_slice %dma_wait3A_462[%dma_wait3A_463] : memref<2560xi32, #tpu.memory_space<vmem>> -> memref<128xi32, #tpu.memory_space<vmem>>
        %dma_wait3A_465 = arith.constant 0 : i32
        %dma_wait3A_466 = arith.constant 0 : i32
        %dma_wait3A_467 = tpu.memref_slice %arg2[%dma_wait3A_465, %dma_wait3A_466] : memref<200000x8xf32, #tpu.memory_space<hbm>> -> memref<200000x8xf32, #tpu.memory_space<hbm>>
        tpu.wait_indirect_dma semaphore(%arg10 : memref<!tpu.dma_semaphore, #tpu.memory_space<semaphore_mem>>) src(%dma_wait3A_467 : memref<200000x8xf32, #tpu.memory_space<hbm>>) dst(%dma_wait3A_459 : memref<128x8xf32, #tpu.memory_space<vmem>>)
        %dma_wait3A_468 = arith.constant 0 : i32
        %dma_wait3A_469 = arith.constant 0 : i32
        %dma_wait3A_470 = arith.constant 18 : i32
        %dma_wait3A_471 = arith.constant 0 : i32
        %dma_wait3A_472 = arith.constant 0 : i32
        %dma_wait3A_473 = arith.constant 0 : i32
        %dma_wait3A_474 = tpu.memref_slice %arg8[%dma_wait3A_469, %dma_wait3A_471, %dma_wait3A_472, %dma_wait3A_473] : memref<2x20x128x8xf32, #tpu.memory_space<vmem>> -> memref<1x20x128x8xf32, #tpu.memory_space<vmem>>
        %dma_wait3A_475 = tpu.memref_squeeze %dma_wait3A_474 : memref<1x20x128x8xf32, #tpu.memory_space<vmem>> -> memref<20x128x8xf32, #tpu.memory_space<vmem>>
        %dma_wait3A_476 = arith.constant 0 : i32
        %dma_wait3A_477 = arith.constant 0 : i32
        %dma_wait3A_478 = tpu.memref_slice %dma_wait3A_475[%dma_wait3A_470, %dma_wait3A_476, %dma_wait3A_477] : memref<20x128x8xf32, #tpu.memory_space<vmem>> -> memref<1x128x8xf32, #tpu.memory_space<vmem>>
        %dma_wait3A_479 = tpu.memref_squeeze %dma_wait3A_478 : memref<1x128x8xf32, #tpu.memory_space<vmem>> -> memref<128x8xf32, #tpu.memory_space<vmem>>
        %dma_wait3A_480 = arith.constant 0 : i32
        %dma_wait3A_481 = tpu.memref_slice %arg6[%dma_wait3A_468, %dma_wait3A_480] : memref<2x2560xi32, #tpu.memory_space<vmem>> -> memref<1x2560xi32, #tpu.memory_space<vmem>>
        %dma_wait3A_482 = tpu.memref_squeeze %dma_wait3A_481 : memref<1x2560xi32, #tpu.memory_space<vmem>> -> memref<2560xi32, #tpu.memory_space<vmem>>
        %dma_wait3A_483 = arith.constant 2304 : i32
        %dma_wait3A_484 = tpu.memref_slice %dma_wait3A_482[%dma_wait3A_483] : memref<2560xi32, #tpu.memory_space<vmem>> -> memref<128xi32, #tpu.memory_space<vmem>>
        %dma_wait3A_485 = arith.constant 0 : i32
        %dma_wait3A_486 = arith.constant 0 : i32
        %dma_wait3A_487 = tpu.memref_slice %arg2[%dma_wait3A_485, %dma_wait3A_486] : memref<200000x8xf32, #tpu.memory_space<hbm>> -> memref<200000x8xf32, #tpu.memory_space<hbm>>
        tpu.wait_indirect_dma semaphore(%arg10 : memref<!tpu.dma_semaphore, #tpu.memory_space<semaphore_mem>>) src(%dma_wait3A_487 : memref<200000x8xf32, #tpu.memory_space<hbm>>) dst(%dma_wait3A_479 : memref<128x8xf32, #tpu.memory_space<vmem>>)
        %dma_wait3A_488 = arith.constant 0 : i32
        %dma_wait3A_489 = arith.constant 0 : i32
        %dma_wait3A_490 = arith.constant 19 : i32
        %dma_wait3A_491 = arith.constant 0 : i32
        %dma_wait3A_492 = arith.constant 0 : i32
        %dma_wait3A_493 = arith.constant 0 : i32
        %dma_wait3A_494 = tpu.memref_slice %arg8[%dma_wait3A_489, %dma_wait3A_491, %dma_wait3A_492, %dma_wait3A_493] : memref<2x20x128x8xf32, #tpu.memory_space<vmem>> -> memref<1x20x128x8xf32, #tpu.memory_space<vmem>>
        %dma_wait3A_495 = tpu.memref_squeeze %dma_wait3A_494 : memref<1x20x128x8xf32, #tpu.memory_space<vmem>> -> memref<20x128x8xf32, #tpu.memory_space<vmem>>
        %dma_wait3A_496 = arith.constant 0 : i32
        %dma_wait3A_497 = arith.constant 0 : i32
        %dma_wait3A_498 = tpu.memref_slice %dma_wait3A_495[%dma_wait3A_490, %dma_wait3A_496, %dma_wait3A_497] : memref<20x128x8xf32, #tpu.memory_space<vmem>> -> memref<1x128x8xf32, #tpu.memory_space<vmem>>
        %dma_wait3A_499 = tpu.memref_squeeze %dma_wait3A_498 : memref<1x128x8xf32, #tpu.memory_space<vmem>> -> memref<128x8xf32, #tpu.memory_space<vmem>>
        %dma_wait3A_500 = arith.constant 0 : i32
        %dma_wait3A_501 = tpu.memref_slice %arg6[%dma_wait3A_488, %dma_wait3A_500] : memref<2x2560xi32, #tpu.memory_space<vmem>> -> memref<1x2560xi32, #tpu.memory_space<vmem>>
        %dma_wait3A_502 = tpu.memref_squeeze %dma_wait3A_501 : memref<1x2560xi32, #tpu.memory_space<vmem>> -> memref<2560xi32, #tpu.memory_space<vmem>>
        %dma_wait3A_503 = arith.constant 2432 : i32
        %dma_wait3A_504 = tpu.memref_slice %dma_wait3A_502[%dma_wait3A_503] : memref<2560xi32, #tpu.memory_space<vmem>> -> memref<128xi32, #tpu.memory_space<vmem>>
        %dma_wait3A_505 = arith.constant 0 : i32
        %dma_wait3A_506 = arith.constant 0 : i32
        %dma_wait3A_507 = tpu.memref_slice %arg2[%dma_wait3A_505, %dma_wait3A_506] : memref<200000x8xf32, #tpu.memory_space<hbm>> -> memref<200000x8xf32, #tpu.memory_space<hbm>>
        tpu.wait_indirect_dma semaphore(%arg10 : memref<!tpu.dma_semaphore, #tpu.memory_space<semaphore_mem>>) src(%dma_wait3A_507 : memref<200000x8xf32, #tpu.memory_space<hbm>>) dst(%dma_wait3A_499 : memref<128x8xf32, #tpu.memory_space<vmem>>)
        %dma_start3A_508 = arith.constant 0 : i32
        %dma_start3A_509 = arith.constant 0 : i32
        %dma_start3A_510 = arith.constant 0 : i32
        %dma_start3A_511 = arith.constant 0 : i32
        %dma_start3A_512 = arith.constant 0 : i32
        %dma_start3A_513 = arith.constant 0 : i32
        %dma_start3A_514 = tpu.memref_slice %arg8[%dma_start3A_508, %dma_start3A_511, %dma_start3A_512, %dma_start3A_513] : memref<2x20x128x8xf32, #tpu.memory_space<vmem>> -> memref<1x20x128x8xf32, #tpu.memory_space<vmem>>
        %dma_start3A_515 = tpu.memref_squeeze %dma_start3A_514 : memref<1x20x128x8xf32, #tpu.memory_space<vmem>> -> memref<20x128x8xf32, #tpu.memory_space<vmem>>
        %dma_start3A_516 = arith.constant 0 : i32
        %dma_start3A_517 = arith.constant 0 : i32
        %dma_start3A_518 = tpu.memref_slice %dma_start3A_515[%dma_start3A_509, %dma_start3A_516, %dma_start3A_517] : memref<20x128x8xf32, #tpu.memory_space<vmem>> -> memref<1x128x8xf32, #tpu.memory_space<vmem>>
        %dma_start3A_519 = tpu.memref_squeeze %dma_start3A_518 : memref<1x128x8xf32, #tpu.memory_space<vmem>> -> memref<128x8xf32, #tpu.memory_space<vmem>>
        %dma_start3A_520 = arith.constant 0 : i32
        %dma_start3A_521 = tpu.memref_slice %arg7[%dma_start3A_510, %dma_start3A_520] : memref<2x2560xi32, #tpu.memory_space<vmem>> -> memref<1x2560xi32, #tpu.memory_space<vmem>>
        %dma_start3A_522 = tpu.memref_squeeze %dma_start3A_521 : memref<1x2560xi32, #tpu.memory_space<vmem>> -> memref<2560xi32, #tpu.memory_space<vmem>>
        %dma_start3A_523 = arith.constant 0 : i32
        %dma_start3A_524 = tpu.memref_slice %dma_start3A_522[%dma_start3A_523] : memref<2560xi32, #tpu.memory_space<vmem>> -> memref<128xi32, #tpu.memory_space<vmem>>
        %dma_start3A_525 = arith.constant 0 : i32
        %dma_start3A_526 = arith.constant 0 : i32
        %dma_start3A_527 = tpu.memref_slice %arg5[%dma_start3A_525, %dma_start3A_526] : memref<100000x8xf32, #tpu.memory_space<vmem_shared>> -> memref<100000x8xf32, #tpu.memory_space<vmem_shared>>
        tpu.enqueue_indirect_dma source(%dma_start3A_519 : memref<128x8xf32, #tpu.memory_space<vmem>>) target(%dma_start3A_527 : memref<100000x8xf32, #tpu.memory_space<vmem_shared>>) offsets(%dma_start3A_524 : memref<128xi32, #tpu.memory_space<vmem>>) semaphore(%arg11 : memref<!tpu.dma_semaphore, #tpu.memory_space<semaphore_mem>>) {add = true}
        %dma_start3A_528 = arith.constant 0 : i32
        %dma_start3A_529 = arith.constant 1 : i32
        %dma_start3A_530 = arith.constant 0 : i32
        %dma_start3A_531 = arith.constant 0 : i32
        %dma_start3A_532 = arith.constant 0 : i32
        %dma_start3A_533 = arith.constant 0 : i32
        %dma_start3A_534 = tpu.memref_slice %arg8[%dma_start3A_528, %dma_start3A_531, %dma_start3A_532, %dma_start3A_533] : memref<2x20x128x8xf32, #tpu.memory_space<vmem>> -> memref<1x20x128x8xf32, #tpu.memory_space<vmem>>
        %dma_start3A_535 = tpu.memref_squeeze %dma_start3A_534 : memref<1x20x128x8xf32, #tpu.memory_space<vmem>> -> memref<20x128x8xf32, #tpu.memory_space<vmem>>
        %dma_start3A_536 = arith.constant 0 : i32
        %dma_start3A_537 = arith.constant 0 : i32
        %dma_start3A_538 = tpu.memref_slice %dma_start3A_535[%dma_start3A_529, %dma_start3A_536, %dma_start3A_537] : memref<20x128x8xf32, #tpu.memory_space<vmem>> -> memref<1x128x8xf32, #tpu.memory_space<vmem>>
        %dma_start3A_539 = tpu.memref_squeeze %dma_start3A_538 : memref<1x128x8xf32, #tpu.memory_space<vmem>> -> memref<128x8xf32, #tpu.memory_space<vmem>>
        %dma_start3A_540 = arith.constant 0 : i32
        %dma_start3A_541 = tpu.memref_slice %arg7[%dma_start3A_530, %dma_start3A_540] : memref<2x2560xi32, #tpu.memory_space<vmem>> -> memref<1x2560xi32, #tpu.memory_space<vmem>>
        %dma_start3A_542 = tpu.memref_squeeze %dma_start3A_541 : memref<1x2560xi32, #tpu.memory_space<vmem>> -> memref<2560xi32, #tpu.memory_space<vmem>>
        %dma_start3A_543 = arith.constant 128 : i32
        %dma_start3A_544 = tpu.memref_slice %dma_start3A_542[%dma_start3A_543] : memref<2560xi32, #tpu.memory_space<vmem>> -> memref<128xi32, #tpu.memory_space<vmem>>
        %dma_start3A_545 = arith.constant 0 : i32
        %dma_start3A_546 = arith.constant 0 : i32
        %dma_start3A_547 = tpu.memref_slice %arg5[%dma_start3A_545, %dma_start3A_546] : memref<100000x8xf32, #tpu.memory_space<vmem_shared>> -> memref<100000x8xf32, #tpu.memory_space<vmem_shared>>
        tpu.enqueue_indirect_dma source(%dma_start3A_539 : memref<128x8xf32, #tpu.memory_space<vmem>>) target(%dma_start3A_547 : memref<100000x8xf32, #tpu.memory_space<vmem_shared>>) offsets(%dma_start3A_544 : memref<128xi32, #tpu.memory_space<vmem>>) semaphore(%arg11 : memref<!tpu.dma_semaphore, #tpu.memory_space<semaphore_mem>>) {add = true}
        %dma_start3A_548 = arith.constant 0 : i32
        %dma_start3A_549 = arith.constant 2 : i32
        %dma_start3A_550 = arith.constant 0 : i32
        %dma_start3A_551 = arith.constant 0 : i32
        %dma_start3A_552 = arith.constant 0 : i32
        %dma_start3A_553 = arith.constant 0 : i32
        %dma_start3A_554 = tpu.memref_slice %arg8[%dma_start3A_548, %dma_start3A_551, %dma_start3A_552, %dma_start3A_553] : memref<2x20x128x8xf32, #tpu.memory_space<vmem>> -> memref<1x20x128x8xf32, #tpu.memory_space<vmem>>
        %dma_start3A_555 = tpu.memref_squeeze %dma_start3A_554 : memref<1x20x128x8xf32, #tpu.memory_space<vmem>> -> memref<20x128x8xf32, #tpu.memory_space<vmem>>
        %dma_start3A_556 = arith.constant 0 : i32
        %dma_start3A_557 = arith.constant 0 : i32
        %dma_start3A_558 = tpu.memref_slice %dma_start3A_555[%dma_start3A_549, %dma_start3A_556, %dma_start3A_557] : memref<20x128x8xf32, #tpu.memory_space<vmem>> -> memref<1x128x8xf32, #tpu.memory_space<vmem>>
        %dma_start3A_559 = tpu.memref_squeeze %dma_start3A_558 : memref<1x128x8xf32, #tpu.memory_space<vmem>> -> memref<128x8xf32, #tpu.memory_space<vmem>>
        %dma_start3A_560 = arith.constant 0 : i32
        %dma_start3A_561 = tpu.memref_slice %arg7[%dma_start3A_550, %dma_start3A_560] : memref<2x2560xi32, #tpu.memory_space<vmem>> -> memref<1x2560xi32, #tpu.memory_space<vmem>>
        %dma_start3A_562 = tpu.memref_squeeze %dma_start3A_561 : memref<1x2560xi32, #tpu.memory_space<vmem>> -> memref<2560xi32, #tpu.memory_space<vmem>>
        %dma_start3A_563 = arith.constant 256 : i32
        %dma_start3A_564 = tpu.memref_slice %dma_start3A_562[%dma_start3A_563] : memref<2560xi32, #tpu.memory_space<vmem>> -> memref<128xi32, #tpu.memory_space<vmem>>
        %dma_start3A_565 = arith.constant 0 : i32
        %dma_start3A_566 = arith.constant 0 : i32
        %dma_start3A_567 = tpu.memref_slice %arg5[%dma_start3A_565, %dma_start3A_566] : memref<100000x8xf32, #tpu.memory_space<vmem_shared>> -> memref<100000x8xf32, #tpu.memory_space<vmem_shared>>
        tpu.enqueue_indirect_dma source(%dma_start3A_559 : memref<128x8xf32, #tpu.memory_space<vmem>>) target(%dma_start3A_567 : memref<100000x8xf32, #tpu.memory_space<vmem_shared>>) offsets(%dma_start3A_564 : memref<128xi32, #tpu.memory_space<vmem>>) semaphore(%arg11 : memref<!tpu.dma_semaphore, #tpu.memory_space<semaphore_mem>>) {add = true}
        %dma_start3A_568 = arith.constant 0 : i32
        %dma_start3A_569 = arith.constant 3 : i32
        %dma_start3A_570 = arith.constant 0 : i32
        %dma_start3A_571 = arith.constant 0 : i32
        %dma_start3A_572 = arith.constant 0 : i32
        %dma_start3A_573 = arith.constant 0 : i32
        %dma_start3A_574 = tpu.memref_slice %arg8[%dma_start3A_568, %dma_start3A_571, %dma_start3A_572, %dma_start3A_573] : memref<2x20x128x8xf32, #tpu.memory_space<vmem>> -> memref<1x20x128x8xf32, #tpu.memory_space<vmem>>
        %dma_start3A_575 = tpu.memref_squeeze %dma_start3A_574 : memref<1x20x128x8xf32, #tpu.memory_space<vmem>> -> memref<20x128x8xf32, #tpu.memory_space<vmem>>
        %dma_start3A_576 = arith.constant 0 : i32
        %dma_start3A_577 = arith.constant 0 : i32
        %dma_start3A_578 = tpu.memref_slice %dma_start3A_575[%dma_start3A_569, %dma_start3A_576, %dma_start3A_577] : memref<20x128x8xf32, #tpu.memory_space<vmem>> -> memref<1x128x8xf32, #tpu.memory_space<vmem>>
        %dma_start3A_579 = tpu.memref_squeeze %dma_start3A_578 : memref<1x128x8xf32, #tpu.memory_space<vmem>> -> memref<128x8xf32, #tpu.memory_space<vmem>>
        %dma_start3A_580 = arith.constant 0 : i32
        %dma_start3A_581 = tpu.memref_slice %arg7[%dma_start3A_570, %dma_start3A_580] : memref<2x2560xi32, #tpu.memory_space<vmem>> -> memref<1x2560xi32, #tpu.memory_space<vmem>>
        %dma_start3A_582 = tpu.memref_squeeze %dma_start3A_581 : memref<1x2560xi32, #tpu.memory_space<vmem>> -> memref<2560xi32, #tpu.memory_space<vmem>>
        %dma_start3A_583 = arith.constant 384 : i32
        %dma_start3A_584 = tpu.memref_slice %dma_start3A_582[%dma_start3A_583] : memref<2560xi32, #tpu.memory_space<vmem>> -> memref<128xi32, #tpu.memory_space<vmem>>
        %dma_start3A_585 = arith.constant 0 : i32
        %dma_start3A_586 = arith.constant 0 : i32
        %dma_start3A_587 = tpu.memref_slice %arg5[%dma_start3A_585, %dma_start3A_586] : memref<100000x8xf32, #tpu.memory_space<vmem_shared>> -> memref<100000x8xf32, #tpu.memory_space<vmem_shared>>
        tpu.enqueue_indirect_dma source(%dma_start3A_579 : memref<128x8xf32, #tpu.memory_space<vmem>>) target(%dma_start3A_587 : memref<100000x8xf32, #tpu.memory_space<vmem_shared>>) offsets(%dma_start3A_584 : memref<128xi32, #tpu.memory_space<vmem>>) semaphore(%arg11 : memref<!tpu.dma_semaphore, #tpu.memory_space<semaphore_mem>>) {add = true}
        %dma_start3A_588 = arith.constant 0 : i32
        %dma_start3A_589 = arith.constant 4 : i32
        %dma_start3A_590 = arith.constant 0 : i32
        %dma_start3A_591 = arith.constant 0 : i32
        %dma_start3A_592 = arith.constant 0 : i32
        %dma_start3A_593 = arith.constant 0 : i32
        %dma_start3A_594 = tpu.memref_slice %arg8[%dma_start3A_588, %dma_start3A_591, %dma_start3A_592, %dma_start3A_593] : memref<2x20x128x8xf32, #tpu.memory_space<vmem>> -> memref<1x20x128x8xf32, #tpu.memory_space<vmem>>
        %dma_start3A_595 = tpu.memref_squeeze %dma_start3A_594 : memref<1x20x128x8xf32, #tpu.memory_space<vmem>> -> memref<20x128x8xf32, #tpu.memory_space<vmem>>
        %dma_start3A_596 = arith.constant 0 : i32
        %dma_start3A_597 = arith.constant 0 : i32
        %dma_start3A_598 = tpu.memref_slice %dma_start3A_595[%dma_start3A_589, %dma_start3A_596, %dma_start3A_597] : memref<20x128x8xf32, #tpu.memory_space<vmem>> -> memref<1x128x8xf32, #tpu.memory_space<vmem>>
        %dma_start3A_599 = tpu.memref_squeeze %dma_start3A_598 : memref<1x128x8xf32, #tpu.memory_space<vmem>> -> memref<128x8xf32, #tpu.memory_space<vmem>>
        %dma_start3A_600 = arith.constant 0 : i32
        %dma_start3A_601 = tpu.memref_slice %arg7[%dma_start3A_590, %dma_start3A_600] : memref<2x2560xi32, #tpu.memory_space<vmem>> -> memref<1x2560xi32, #tpu.memory_space<vmem>>
        %dma_start3A_602 = tpu.memref_squeeze %dma_start3A_601 : memref<1x2560xi32, #tpu.memory_space<vmem>> -> memref<2560xi32, #tpu.memory_space<vmem>>
        %dma_start3A_603 = arith.constant 512 : i32
        %dma_start3A_604 = tpu.memref_slice %dma_start3A_602[%dma_start3A_603] : memref<2560xi32, #tpu.memory_space<vmem>> -> memref<128xi32, #tpu.memory_space<vmem>>
        %dma_start3A_605 = arith.constant 0 : i32
        %dma_start3A_606 = arith.constant 0 : i32
        %dma_start3A_607 = tpu.memref_slice %arg5[%dma_start3A_605, %dma_start3A_606] : memref<100000x8xf32, #tpu.memory_space<vmem_shared>> -> memref<100000x8xf32, #tpu.memory_space<vmem_shared>>
        tpu.enqueue_indirect_dma source(%dma_start3A_599 : memref<128x8xf32, #tpu.memory_space<vmem>>) target(%dma_start3A_607 : memref<100000x8xf32, #tpu.memory_space<vmem_shared>>) offsets(%dma_start3A_604 : memref<128xi32, #tpu.memory_space<vmem>>) semaphore(%arg11 : memref<!tpu.dma_semaphore, #tpu.memory_space<semaphore_mem>>) {add = true}
        %dma_start3A_608 = arith.constant 0 : i32
        %dma_start3A_609 = arith.constant 5 : i32
        %dma_start3A_610 = arith.constant 0 : i32
        %dma_start3A_611 = arith.constant 0 : i32
        %dma_start3A_612 = arith.constant 0 : i32
        %dma_start3A_613 = arith.constant 0 : i32
        %dma_start3A_614 = tpu.memref_slice %arg8[%dma_start3A_608, %dma_start3A_611, %dma_start3A_612, %dma_start3A_613] : memref<2x20x128x8xf32, #tpu.memory_space<vmem>> -> memref<1x20x128x8xf32, #tpu.memory_space<vmem>>
        %dma_start3A_615 = tpu.memref_squeeze %dma_start3A_614 : memref<1x20x128x8xf32, #tpu.memory_space<vmem>> -> memref<20x128x8xf32, #tpu.memory_space<vmem>>
        %dma_start3A_616 = arith.constant 0 : i32
        %dma_start3A_617 = arith.constant 0 : i32
        %dma_start3A_618 = tpu.memref_slice %dma_start3A_615[%dma_start3A_609, %dma_start3A_616, %dma_start3A_617] : memref<20x128x8xf32, #tpu.memory_space<vmem>> -> memref<1x128x8xf32, #tpu.memory_space<vmem>>
        %dma_start3A_619 = tpu.memref_squeeze %dma_start3A_618 : memref<1x128x8xf32, #tpu.memory_space<vmem>> -> memref<128x8xf32, #tpu.memory_space<vmem>>
        %dma_start3A_620 = arith.constant 0 : i32
        %dma_start3A_621 = tpu.memref_slice %arg7[%dma_start3A_610, %dma_start3A_620] : memref<2x2560xi32, #tpu.memory_space<vmem>> -> memref<1x2560xi32, #tpu.memory_space<vmem>>
        %dma_start3A_622 = tpu.memref_squeeze %dma_start3A_621 : memref<1x2560xi32, #tpu.memory_space<vmem>> -> memref<2560xi32, #tpu.memory_space<vmem>>
        %dma_start3A_623 = arith.constant 640 : i32
        %dma_start3A_624 = tpu.memref_slice %dma_start3A_622[%dma_start3A_623] : memref<2560xi32, #tpu.memory_space<vmem>> -> memref<128xi32, #tpu.memory_space<vmem>>
        %dma_start3A_625 = arith.constant 0 : i32
        %dma_start3A_626 = arith.constant 0 : i32
        %dma_start3A_627 = tpu.memref_slice %arg5[%dma_start3A_625, %dma_start3A_626] : memref<100000x8xf32, #tpu.memory_space<vmem_shared>> -> memref<100000x8xf32, #tpu.memory_space<vmem_shared>>
        tpu.enqueue_indirect_dma source(%dma_start3A_619 : memref<128x8xf32, #tpu.memory_space<vmem>>) target(%dma_start3A_627 : memref<100000x8xf32, #tpu.memory_space<vmem_shared>>) offsets(%dma_start3A_624 : memref<128xi32, #tpu.memory_space<vmem>>) semaphore(%arg11 : memref<!tpu.dma_semaphore, #tpu.memory_space<semaphore_mem>>) {add = true}
        %dma_start3A_628 = arith.constant 0 : i32
        %dma_start3A_629 = arith.constant 6 : i32
        %dma_start3A_630 = arith.constant 0 : i32
        %dma_start3A_631 = arith.constant 0 : i32
        %dma_start3A_632 = arith.constant 0 : i32
        %dma_start3A_633 = arith.constant 0 : i32
        %dma_start3A_634 = tpu.memref_slice %arg8[%dma_start3A_628, %dma_start3A_631, %dma_start3A_632, %dma_start3A_633] : memref<2x20x128x8xf32, #tpu.memory_space<vmem>> -> memref<1x20x128x8xf32, #tpu.memory_space<vmem>>
        %dma_start3A_635 = tpu.memref_squeeze %dma_start3A_634 : memref<1x20x128x8xf32, #tpu.memory_space<vmem>> -> memref<20x128x8xf32, #tpu.memory_space<vmem>>
        %dma_start3A_636 = arith.constant 0 : i32
        %dma_start3A_637 = arith.constant 0 : i32
        %dma_start3A_638 = tpu.memref_slice %dma_start3A_635[%dma_start3A_629, %dma_start3A_636, %dma_start3A_637] : memref<20x128x8xf32, #tpu.memory_space<vmem>> -> memref<1x128x8xf32, #tpu.memory_space<vmem>>
        %dma_start3A_639 = tpu.memref_squeeze %dma_start3A_638 : memref<1x128x8xf32, #tpu.memory_space<vmem>> -> memref<128x8xf32, #tpu.memory_space<vmem>>
        %dma_start3A_640 = arith.constant 0 : i32
        %dma_start3A_641 = tpu.memref_slice %arg7[%dma_start3A_630, %dma_start3A_640] : memref<2x2560xi32, #tpu.memory_space<vmem>> -> memref<1x2560xi32, #tpu.memory_space<vmem>>
        %dma_start3A_642 = tpu.memref_squeeze %dma_start3A_641 : memref<1x2560xi32, #tpu.memory_space<vmem>> -> memref<2560xi32, #tpu.memory_space<vmem>>
        %dma_start3A_643 = arith.constant 768 : i32
        %dma_start3A_644 = tpu.memref_slice %dma_start3A_642[%dma_start3A_643] : memref<2560xi32, #tpu.memory_space<vmem>> -> memref<128xi32, #tpu.memory_space<vmem>>
        %dma_start3A_645 = arith.constant 0 : i32
        %dma_start3A_646 = arith.constant 0 : i32
        %dma_start3A_647 = tpu.memref_slice %arg5[%dma_start3A_645, %dma_start3A_646] : memref<100000x8xf32, #tpu.memory_space<vmem_shared>> -> memref<100000x8xf32, #tpu.memory_space<vmem_shared>>
        tpu.enqueue_indirect_dma source(%dma_start3A_639 : memref<128x8xf32, #tpu.memory_space<vmem>>) target(%dma_start3A_647 : memref<100000x8xf32, #tpu.memory_space<vmem_shared>>) offsets(%dma_start3A_644 : memref<128xi32, #tpu.memory_space<vmem>>) semaphore(%arg11 : memref<!tpu.dma_semaphore, #tpu.memory_space<semaphore_mem>>) {add = true}
        %dma_start3A_648 = arith.constant 0 : i32
        %dma_start3A_649 = arith.constant 7 : i32
        %dma_start3A_650 = arith.constant 0 : i32
        %dma_start3A_651 = arith.constant 0 : i32
        %dma_start3A_652 = arith.constant 0 : i32
        %dma_start3A_653 = arith.constant 0 : i32
        %dma_start3A_654 = tpu.memref_slice %arg8[%dma_start3A_648, %dma_start3A_651, %dma_start3A_652, %dma_start3A_653] : memref<2x20x128x8xf32, #tpu.memory_space<vmem>> -> memref<1x20x128x8xf32, #tpu.memory_space<vmem>>
        %dma_start3A_655 = tpu.memref_squeeze %dma_start3A_654 : memref<1x20x128x8xf32, #tpu.memory_space<vmem>> -> memref<20x128x8xf32, #tpu.memory_space<vmem>>
        %dma_start3A_656 = arith.constant 0 : i32
        %dma_start3A_657 = arith.constant 0 : i32
        %dma_start3A_658 = tpu.memref_slice %dma_start3A_655[%dma_start3A_649, %dma_start3A_656, %dma_start3A_657] : memref<20x128x8xf32, #tpu.memory_space<vmem>> -> memref<1x128x8xf32, #tpu.memory_space<vmem>>
        %dma_start3A_659 = tpu.memref_squeeze %dma_start3A_658 : memref<1x128x8xf32, #tpu.memory_space<vmem>> -> memref<128x8xf32, #tpu.memory_space<vmem>>
        %dma_start3A_660 = arith.constant 0 : i32
        %dma_start3A_661 = tpu.memref_slice %arg7[%dma_start3A_650, %dma_start3A_660] : memref<2x2560xi32, #tpu.memory_space<vmem>> -> memref<1x2560xi32, #tpu.memory_space<vmem>>
        %dma_start3A_662 = tpu.memref_squeeze %dma_start3A_661 : memref<1x2560xi32, #tpu.memory_space<vmem>> -> memref<2560xi32, #tpu.memory_space<vmem>>
        %dma_start3A_663 = arith.constant 896 : i32
        %dma_start3A_664 = tpu.memref_slice %dma_start3A_662[%dma_start3A_663] : memref<2560xi32, #tpu.memory_space<vmem>> -> memref<128xi32, #tpu.memory_space<vmem>>
        %dma_start3A_665 = arith.constant 0 : i32
        %dma_start3A_666 = arith.constant 0 : i32
        %dma_start3A_667 = tpu.memref_slice %arg5[%dma_start3A_665, %dma_start3A_666] : memref<100000x8xf32, #tpu.memory_space<vmem_shared>> -> memref<100000x8xf32, #tpu.memory_space<vmem_shared>>
        tpu.enqueue_indirect_dma source(%dma_start3A_659 : memref<128x8xf32, #tpu.memory_space<vmem>>) target(%dma_start3A_667 : memref<100000x8xf32, #tpu.memory_space<vmem_shared>>) offsets(%dma_start3A_664 : memref<128xi32, #tpu.memory_space<vmem>>) semaphore(%arg11 : memref<!tpu.dma_semaphore, #tpu.memory_space<semaphore_mem>>) {add = true}
        %dma_start3A_668 = arith.constant 0 : i32
        %dma_start3A_669 = arith.constant 8 : i32
        %dma_start3A_670 = arith.constant 0 : i32
        %dma_start3A_671 = arith.constant 0 : i32
        %dma_start3A_672 = arith.constant 0 : i32
        %dma_start3A_673 = arith.constant 0 : i32
        %dma_start3A_674 = tpu.memref_slice %arg8[%dma_start3A_668, %dma_start3A_671, %dma_start3A_672, %dma_start3A_673] : memref<2x20x128x8xf32, #tpu.memory_space<vmem>> -> memref<1x20x128x8xf32, #tpu.memory_space<vmem>>
        %dma_start3A_675 = tpu.memref_squeeze %dma_start3A_674 : memref<1x20x128x8xf32, #tpu.memory_space<vmem>> -> memref<20x128x8xf32, #tpu.memory_space<vmem>>
        %dma_start3A_676 = arith.constant 0 : i32
        %dma_start3A_677 = arith.constant 0 : i32
        %dma_start3A_678 = tpu.memref_slice %dma_start3A_675[%dma_start3A_669, %dma_start3A_676, %dma_start3A_677] : memref<20x128x8xf32, #tpu.memory_space<vmem>> -> memref<1x128x8xf32, #tpu.memory_space<vmem>>
        %dma_start3A_679 = tpu.memref_squeeze %dma_start3A_678 : memref<1x128x8xf32, #tpu.memory_space<vmem>> -> memref<128x8xf32, #tpu.memory_space<vmem>>
        %dma_start3A_680 = arith.constant 0 : i32
        %dma_start3A_681 = tpu.memref_slice %arg7[%dma_start3A_670, %dma_start3A_680] : memref<2x2560xi32, #tpu.memory_space<vmem>> -> memref<1x2560xi32, #tpu.memory_space<vmem>>
        %dma_start3A_682 = tpu.memref_squeeze %dma_start3A_681 : memref<1x2560xi32, #tpu.memory_space<vmem>> -> memref<2560xi32, #tpu.memory_space<vmem>>
        %dma_start3A_683 = arith.constant 1024 : i32
        %dma_start3A_684 = tpu.memref_slice %dma_start3A_682[%dma_start3A_683] : memref<2560xi32, #tpu.memory_space<vmem>> -> memref<128xi32, #tpu.memory_space<vmem>>
        %dma_start3A_685 = arith.constant 0 : i32
        %dma_start3A_686 = arith.constant 0 : i32
        %dma_start3A_687 = tpu.memref_slice %arg5[%dma_start3A_685, %dma_start3A_686] : memref<100000x8xf32, #tpu.memory_space<vmem_shared>> -> memref<100000x8xf32, #tpu.memory_space<vmem_shared>>
        tpu.enqueue_indirect_dma source(%dma_start3A_679 : memref<128x8xf32, #tpu.memory_space<vmem>>) target(%dma_start3A_687 : memref<100000x8xf32, #tpu.memory_space<vmem_shared>>) offsets(%dma_start3A_684 : memref<128xi32, #tpu.memory_space<vmem>>) semaphore(%arg11 : memref<!tpu.dma_semaphore, #tpu.memory_space<semaphore_mem>>) {add = true}
        %dma_start3A_688 = arith.constant 0 : i32
        %dma_start3A_689 = arith.constant 9 : i32
        %dma_start3A_690 = arith.constant 0 : i32
        %dma_start3A_691 = arith.constant 0 : i32
        %dma_start3A_692 = arith.constant 0 : i32
        %dma_start3A_693 = arith.constant 0 : i32
        %dma_start3A_694 = tpu.memref_slice %arg8[%dma_start3A_688, %dma_start3A_691, %dma_start3A_692, %dma_start3A_693] : memref<2x20x128x8xf32, #tpu.memory_space<vmem>> -> memref<1x20x128x8xf32, #tpu.memory_space<vmem>>
        %dma_start3A_695 = tpu.memref_squeeze %dma_start3A_694 : memref<1x20x128x8xf32, #tpu.memory_space<vmem>> -> memref<20x128x8xf32, #tpu.memory_space<vmem>>
        %dma_start3A_696 = arith.constant 0 : i32
        %dma_start3A_697 = arith.constant 0 : i32
        %dma_start3A_698 = tpu.memref_slice %dma_start3A_695[%dma_start3A_689, %dma_start3A_696, %dma_start3A_697] : memref<20x128x8xf32, #tpu.memory_space<vmem>> -> memref<1x128x8xf32, #tpu.memory_space<vmem>>
        %dma_start3A_699 = tpu.memref_squeeze %dma_start3A_698 : memref<1x128x8xf32, #tpu.memory_space<vmem>> -> memref<128x8xf32, #tpu.memory_space<vmem>>
        %dma_start3A_700 = arith.constant 0 : i32
        %dma_start3A_701 = tpu.memref_slice %arg7[%dma_start3A_690, %dma_start3A_700] : memref<2x2560xi32, #tpu.memory_space<vmem>> -> memref<1x2560xi32, #tpu.memory_space<vmem>>
        %dma_start3A_702 = tpu.memref_squeeze %dma_start3A_701 : memref<1x2560xi32, #tpu.memory_space<vmem>> -> memref<2560xi32, #tpu.memory_space<vmem>>
        %dma_start3A_703 = arith.constant 1152 : i32
        %dma_start3A_704 = tpu.memref_slice %dma_start3A_702[%dma_start3A_703] : memref<2560xi32, #tpu.memory_space<vmem>> -> memref<128xi32, #tpu.memory_space<vmem>>
        %dma_start3A_705 = arith.constant 0 : i32
        %dma_start3A_706 = arith.constant 0 : i32
        %dma_start3A_707 = tpu.memref_slice %arg5[%dma_start3A_705, %dma_start3A_706] : memref<100000x8xf32, #tpu.memory_space<vmem_shared>> -> memref<100000x8xf32, #tpu.memory_space<vmem_shared>>
        tpu.enqueue_indirect_dma source(%dma_start3A_699 : memref<128x8xf32, #tpu.memory_space<vmem>>) target(%dma_start3A_707 : memref<100000x8xf32, #tpu.memory_space<vmem_shared>>) offsets(%dma_start3A_704 : memref<128xi32, #tpu.memory_space<vmem>>) semaphore(%arg11 : memref<!tpu.dma_semaphore, #tpu.memory_space<semaphore_mem>>) {add = true}
        %dma_start3A_708 = arith.constant 0 : i32
        %dma_start3A_709 = arith.constant 10 : i32
        %dma_start3A_710 = arith.constant 0 : i32
        %dma_start3A_711 = arith.constant 0 : i32
        %dma_start3A_712 = arith.constant 0 : i32
        %dma_start3A_713 = arith.constant 0 : i32
        %dma_start3A_714 = tpu.memref_slice %arg8[%dma_start3A_708, %dma_start3A_711, %dma_start3A_712, %dma_start3A_713] : memref<2x20x128x8xf32, #tpu.memory_space<vmem>> -> memref<1x20x128x8xf32, #tpu.memory_space<vmem>>
        %dma_start3A_715 = tpu.memref_squeeze %dma_start3A_714 : memref<1x20x128x8xf32, #tpu.memory_space<vmem>> -> memref<20x128x8xf32, #tpu.memory_space<vmem>>
        %dma_start3A_716 = arith.constant 0 : i32
        %dma_start3A_717 = arith.constant 0 : i32
        %dma_start3A_718 = tpu.memref_slice %dma_start3A_715[%dma_start3A_709, %dma_start3A_716, %dma_start3A_717] : memref<20x128x8xf32, #tpu.memory_space<vmem>> -> memref<1x128x8xf32, #tpu.memory_space<vmem>>
        %dma_start3A_719 = tpu.memref_squeeze %dma_start3A_718 : memref<1x128x8xf32, #tpu.memory_space<vmem>> -> memref<128x8xf32, #tpu.memory_space<vmem>>
        %dma_start3A_720 = arith.constant 0 : i32
        %dma_start3A_721 = tpu.memref_slice %arg7[%dma_start3A_710, %dma_start3A_720] : memref<2x2560xi32, #tpu.memory_space<vmem>> -> memref<1x2560xi32, #tpu.memory_space<vmem>>
        %dma_start3A_722 = tpu.memref_squeeze %dma_start3A_721 : memref<1x2560xi32, #tpu.memory_space<vmem>> -> memref<2560xi32, #tpu.memory_space<vmem>>
        %dma_start3A_723 = arith.constant 1280 : i32
        %dma_start3A_724 = tpu.memref_slice %dma_start3A_722[%dma_start3A_723] : memref<2560xi32, #tpu.memory_space<vmem>> -> memref<128xi32, #tpu.memory_space<vmem>>
        %dma_start3A_725 = arith.constant 0 : i32
        %dma_start3A_726 = arith.constant 0 : i32
        %dma_start3A_727 = tpu.memref_slice %arg5[%dma_start3A_725, %dma_start3A_726] : memref<100000x8xf32, #tpu.memory_space<vmem_shared>> -> memref<100000x8xf32, #tpu.memory_space<vmem_shared>>
        tpu.enqueue_indirect_dma source(%dma_start3A_719 : memref<128x8xf32, #tpu.memory_space<vmem>>) target(%dma_start3A_727 : memref<100000x8xf32, #tpu.memory_space<vmem_shared>>) offsets(%dma_start3A_724 : memref<128xi32, #tpu.memory_space<vmem>>) semaphore(%arg11 : memref<!tpu.dma_semaphore, #tpu.memory_space<semaphore_mem>>) {add = true}
        %dma_start3A_728 = arith.constant 0 : i32
        %dma_start3A_729 = arith.constant 11 : i32
        %dma_start3A_730 = arith.constant 0 : i32
        %dma_start3A_731 = arith.constant 0 : i32
        %dma_start3A_732 = arith.constant 0 : i32
        %dma_start3A_733 = arith.constant 0 : i32
        %dma_start3A_734 = tpu.memref_slice %arg8[%dma_start3A_728, %dma_start3A_731, %dma_start3A_732, %dma_start3A_733] : memref<2x20x128x8xf32, #tpu.memory_space<vmem>> -> memref<1x20x128x8xf32, #tpu.memory_space<vmem>>
        %dma_start3A_735 = tpu.memref_squeeze %dma_start3A_734 : memref<1x20x128x8xf32, #tpu.memory_space<vmem>> -> memref<20x128x8xf32, #tpu.memory_space<vmem>>
        %dma_start3A_736 = arith.constant 0 : i32
        %dma_start3A_737 = arith.constant 0 : i32
        %dma_start3A_738 = tpu.memref_slice %dma_start3A_735[%dma_start3A_729, %dma_start3A_736, %dma_start3A_737] : memref<20x128x8xf32, #tpu.memory_space<vmem>> -> memref<1x128x8xf32, #tpu.memory_space<vmem>>
        %dma_start3A_739 = tpu.memref_squeeze %dma_start3A_738 : memref<1x128x8xf32, #tpu.memory_space<vmem>> -> memref<128x8xf32, #tpu.memory_space<vmem>>
        %dma_start3A_740 = arith.constant 0 : i32
        %dma_start3A_741 = tpu.memref_slice %arg7[%dma_start3A_730, %dma_start3A_740] : memref<2x2560xi32, #tpu.memory_space<vmem>> -> memref<1x2560xi32, #tpu.memory_space<vmem>>
        %dma_start3A_742 = tpu.memref_squeeze %dma_start3A_741 : memref<1x2560xi32, #tpu.memory_space<vmem>> -> memref<2560xi32, #tpu.memory_space<vmem>>
        %dma_start3A_743 = arith.constant 1408 : i32
        %dma_start3A_744 = tpu.memref_slice %dma_start3A_742[%dma_start3A_743] : memref<2560xi32, #tpu.memory_space<vmem>> -> memref<128xi32, #tpu.memory_space<vmem>>
        %dma_start3A_745 = arith.constant 0 : i32
        %dma_start3A_746 = arith.constant 0 : i32
        %dma_start3A_747 = tpu.memref_slice %arg5[%dma_start3A_745, %dma_start3A_746] : memref<100000x8xf32, #tpu.memory_space<vmem_shared>> -> memref<100000x8xf32, #tpu.memory_space<vmem_shared>>
        tpu.enqueue_indirect_dma source(%dma_start3A_739 : memref<128x8xf32, #tpu.memory_space<vmem>>) target(%dma_start3A_747 : memref<100000x8xf32, #tpu.memory_space<vmem_shared>>) offsets(%dma_start3A_744 : memref<128xi32, #tpu.memory_space<vmem>>) semaphore(%arg11 : memref<!tpu.dma_semaphore, #tpu.memory_space<semaphore_mem>>) {add = true}
        %dma_start3A_748 = arith.constant 0 : i32
        %dma_start3A_749 = arith.constant 12 : i32
        %dma_start3A_750 = arith.constant 0 : i32
        %dma_start3A_751 = arith.constant 0 : i32
        %dma_start3A_752 = arith.constant 0 : i32
        %dma_start3A_753 = arith.constant 0 : i32
        %dma_start3A_754 = tpu.memref_slice %arg8[%dma_start3A_748, %dma_start3A_751, %dma_start3A_752, %dma_start3A_753] : memref<2x20x128x8xf32, #tpu.memory_space<vmem>> -> memref<1x20x128x8xf32, #tpu.memory_space<vmem>>
        %dma_start3A_755 = tpu.memref_squeeze %dma_start3A_754 : memref<1x20x128x8xf32, #tpu.memory_space<vmem>> -> memref<20x128x8xf32, #tpu.memory_space<vmem>>
        %dma_start3A_756 = arith.constant 0 : i32
        %dma_start3A_757 = arith.constant 0 : i32
        %dma_start3A_758 = tpu.memref_slice %dma_start3A_755[%dma_start3A_749, %dma_start3A_756, %dma_start3A_757] : memref<20x128x8xf32, #tpu.memory_space<vmem>> -> memref<1x128x8xf32, #tpu.memory_space<vmem>>
        %dma_start3A_759 = tpu.memref_squeeze %dma_start3A_758 : memref<1x128x8xf32, #tpu.memory_space<vmem>> -> memref<128x8xf32, #tpu.memory_space<vmem>>
        %dma_start3A_760 = arith.constant 0 : i32
        %dma_start3A_761 = tpu.memref_slice %arg7[%dma_start3A_750, %dma_start3A_760] : memref<2x2560xi32, #tpu.memory_space<vmem>> -> memref<1x2560xi32, #tpu.memory_space<vmem>>
        %dma_start3A_762 = tpu.memref_squeeze %dma_start3A_761 : memref<1x2560xi32, #tpu.memory_space<vmem>> -> memref<2560xi32, #tpu.memory_space<vmem>>
        %dma_start3A_763 = arith.constant 1536 : i32
        %dma_start3A_764 = tpu.memref_slice %dma_start3A_762[%dma_start3A_763] : memref<2560xi32, #tpu.memory_space<vmem>> -> memref<128xi32, #tpu.memory_space<vmem>>
        %dma_start3A_765 = arith.constant 0 : i32
        %dma_start3A_766 = arith.constant 0 : i32
        %dma_start3A_767 = tpu.memref_slice %arg5[%dma_start3A_765, %dma_start3A_766] : memref<100000x8xf32, #tpu.memory_space<vmem_shared>> -> memref<100000x8xf32, #tpu.memory_space<vmem_shared>>
        tpu.enqueue_indirect_dma source(%dma_start3A_759 : memref<128x8xf32, #tpu.memory_space<vmem>>) target(%dma_start3A_767 : memref<100000x8xf32, #tpu.memory_space<vmem_shared>>) offsets(%dma_start3A_764 : memref<128xi32, #tpu.memory_space<vmem>>) semaphore(%arg11 : memref<!tpu.dma_semaphore, #tpu.memory_space<semaphore_mem>>) {add = true}
        %dma_start3A_768 = arith.constant 0 : i32
        %dma_start3A_769 = arith.constant 13 : i32
        %dma_start3A_770 = arith.constant 0 : i32
        %dma_start3A_771 = arith.constant 0 : i32
        %dma_start3A_772 = arith.constant 0 : i32
        %dma_start3A_773 = arith.constant 0 : i32
        %dma_start3A_774 = tpu.memref_slice %arg8[%dma_start3A_768, %dma_start3A_771, %dma_start3A_772, %dma_start3A_773] : memref<2x20x128x8xf32, #tpu.memory_space<vmem>> -> memref<1x20x128x8xf32, #tpu.memory_space<vmem>>
        %dma_start3A_775 = tpu.memref_squeeze %dma_start3A_774 : memref<1x20x128x8xf32, #tpu.memory_space<vmem>> -> memref<20x128x8xf32, #tpu.memory_space<vmem>>
        %dma_start3A_776 = arith.constant 0 : i32
        %dma_start3A_777 = arith.constant 0 : i32
        %dma_start3A_778 = tpu.memref_slice %dma_start3A_775[%dma_start3A_769, %dma_start3A_776, %dma_start3A_777] : memref<20x128x8xf32, #tpu.memory_space<vmem>> -> memref<1x128x8xf32, #tpu.memory_space<vmem>>
        %dma_start3A_779 = tpu.memref_squeeze %dma_start3A_778 : memref<1x128x8xf32, #tpu.memory_space<vmem>> -> memref<128x8xf32, #tpu.memory_space<vmem>>
        %dma_start3A_780 = arith.constant 0 : i32
        %dma_start3A_781 = tpu.memref_slice %arg7[%dma_start3A_770, %dma_start3A_780] : memref<2x2560xi32, #tpu.memory_space<vmem>> -> memref<1x2560xi32, #tpu.memory_space<vmem>>
        %dma_start3A_782 = tpu.memref_squeeze %dma_start3A_781 : memref<1x2560xi32, #tpu.memory_space<vmem>> -> memref<2560xi32, #tpu.memory_space<vmem>>
        %dma_start3A_783 = arith.constant 1664 : i32
        %dma_start3A_784 = tpu.memref_slice %dma_start3A_782[%dma_start3A_783] : memref<2560xi32, #tpu.memory_space<vmem>> -> memref<128xi32, #tpu.memory_space<vmem>>
        %dma_start3A_785 = arith.constant 0 : i32
        %dma_start3A_786 = arith.constant 0 : i32
        %dma_start3A_787 = tpu.memref_slice %arg5[%dma_start3A_785, %dma_start3A_786] : memref<100000x8xf32, #tpu.memory_space<vmem_shared>> -> memref<100000x8xf32, #tpu.memory_space<vmem_shared>>
        tpu.enqueue_indirect_dma source(%dma_start3A_779 : memref<128x8xf32, #tpu.memory_space<vmem>>) target(%dma_start3A_787 : memref<100000x8xf32, #tpu.memory_space<vmem_shared>>) offsets(%dma_start3A_784 : memref<128xi32, #tpu.memory_space<vmem>>) semaphore(%arg11 : memref<!tpu.dma_semaphore, #tpu.memory_space<semaphore_mem>>) {add = true}
        %dma_start3A_788 = arith.constant 0 : i32
        %dma_start3A_789 = arith.constant 14 : i32
        %dma_start3A_790 = arith.constant 0 : i32
        %dma_start3A_791 = arith.constant 0 : i32
        %dma_start3A_792 = arith.constant 0 : i32
        %dma_start3A_793 = arith.constant 0 : i32
        %dma_start3A_794 = tpu.memref_slice %arg8[%dma_start3A_788, %dma_start3A_791, %dma_start3A_792, %dma_start3A_793] : memref<2x20x128x8xf32, #tpu.memory_space<vmem>> -> memref<1x20x128x8xf32, #tpu.memory_space<vmem>>
        %dma_start3A_795 = tpu.memref_squeeze %dma_start3A_794 : memref<1x20x128x8xf32, #tpu.memory_space<vmem>> -> memref<20x128x8xf32, #tpu.memory_space<vmem>>
        %dma_start3A_796 = arith.constant 0 : i32
        %dma_start3A_797 = arith.constant 0 : i32
        %dma_start3A_798 = tpu.memref_slice %dma_start3A_795[%dma_start3A_789, %dma_start3A_796, %dma_start3A_797] : memref<20x128x8xf32, #tpu.memory_space<vmem>> -> memref<1x128x8xf32, #tpu.memory_space<vmem>>
        %dma_start3A_799 = tpu.memref_squeeze %dma_start3A_798 : memref<1x128x8xf32, #tpu.memory_space<vmem>> -> memref<128x8xf32, #tpu.memory_space<vmem>>
        %dma_start3A_800 = arith.constant 0 : i32
        %dma_start3A_801 = tpu.memref_slice %arg7[%dma_start3A_790, %dma_start3A_800] : memref<2x2560xi32, #tpu.memory_space<vmem>> -> memref<1x2560xi32, #tpu.memory_space<vmem>>
        %dma_start3A_802 = tpu.memref_squeeze %dma_start3A_801 : memref<1x2560xi32, #tpu.memory_space<vmem>> -> memref<2560xi32, #tpu.memory_space<vmem>>
        %dma_start3A_803 = arith.constant 1792 : i32
        %dma_start3A_804 = tpu.memref_slice %dma_start3A_802[%dma_start3A_803] : memref<2560xi32, #tpu.memory_space<vmem>> -> memref<128xi32, #tpu.memory_space<vmem>>
        %dma_start3A_805 = arith.constant 0 : i32
        %dma_start3A_806 = arith.constant 0 : i32
        %dma_start3A_807 = tpu.memref_slice %arg5[%dma_start3A_805, %dma_start3A_806] : memref<100000x8xf32, #tpu.memory_space<vmem_shared>> -> memref<100000x8xf32, #tpu.memory_space<vmem_shared>>
        tpu.enqueue_indirect_dma source(%dma_start3A_799 : memref<128x8xf32, #tpu.memory_space<vmem>>) target(%dma_start3A_807 : memref<100000x8xf32, #tpu.memory_space<vmem_shared>>) offsets(%dma_start3A_804 : memref<128xi32, #tpu.memory_space<vmem>>) semaphore(%arg11 : memref<!tpu.dma_semaphore, #tpu.memory_space<semaphore_mem>>) {add = true}
        %dma_start3A_808 = arith.constant 0 : i32
        %dma_start3A_809 = arith.constant 15 : i32
        %dma_start3A_810 = arith.constant 0 : i32
        %dma_start3A_811 = arith.constant 0 : i32
        %dma_start3A_812 = arith.constant 0 : i32
        %dma_start3A_813 = arith.constant 0 : i32
        %dma_start3A_814 = tpu.memref_slice %arg8[%dma_start3A_808, %dma_start3A_811, %dma_start3A_812, %dma_start3A_813] : memref<2x20x128x8xf32, #tpu.memory_space<vmem>> -> memref<1x20x128x8xf32, #tpu.memory_space<vmem>>
        %dma_start3A_815 = tpu.memref_squeeze %dma_start3A_814 : memref<1x20x128x8xf32, #tpu.memory_space<vmem>> -> memref<20x128x8xf32, #tpu.memory_space<vmem>>
        %dma_start3A_816 = arith.constant 0 : i32
        %dma_start3A_817 = arith.constant 0 : i32
        %dma_start3A_818 = tpu.memref_slice %dma_start3A_815[%dma_start3A_809, %dma_start3A_816, %dma_start3A_817] : memref<20x128x8xf32, #tpu.memory_space<vmem>> -> memref<1x128x8xf32, #tpu.memory_space<vmem>>
        %dma_start3A_819 = tpu.memref_squeeze %dma_start3A_818 : memref<1x128x8xf32, #tpu.memory_space<vmem>> -> memref<128x8xf32, #tpu.memory_space<vmem>>
        %dma_start3A_820 = arith.constant 0 : i32
        %dma_start3A_821 = tpu.memref_slice %arg7[%dma_start3A_810, %dma_start3A_820] : memref<2x2560xi32, #tpu.memory_space<vmem>> -> memref<1x2560xi32, #tpu.memory_space<vmem>>
        %dma_start3A_822 = tpu.memref_squeeze %dma_start3A_821 : memref<1x2560xi32, #tpu.memory_space<vmem>> -> memref<2560xi32, #tpu.memory_space<vmem>>
        %dma_start3A_823 = arith.constant 1920 : i32
        %dma_start3A_824 = tpu.memref_slice %dma_start3A_822[%dma_start3A_823] : memref<2560xi32, #tpu.memory_space<vmem>> -> memref<128xi32, #tpu.memory_space<vmem>>
        %dma_start3A_825 = arith.constant 0 : i32
        %dma_start3A_826 = arith.constant 0 : i32
        %dma_start3A_827 = tpu.memref_slice %arg5[%dma_start3A_825, %dma_start3A_826] : memref<100000x8xf32, #tpu.memory_space<vmem_shared>> -> memref<100000x8xf32, #tpu.memory_space<vmem_shared>>
        tpu.enqueue_indirect_dma source(%dma_start3A_819 : memref<128x8xf32, #tpu.memory_space<vmem>>) target(%dma_start3A_827 : memref<100000x8xf32, #tpu.memory_space<vmem_shared>>) offsets(%dma_start3A_824 : memref<128xi32, #tpu.memory_space<vmem>>) semaphore(%arg11 : memref<!tpu.dma_semaphore, #tpu.memory_space<semaphore_mem>>) {add = true}
        %dma_start3A_828 = arith.constant 0 : i32
        %dma_start3A_829 = arith.constant 16 : i32
        %dma_start3A_830 = arith.constant 0 : i32
        %dma_start3A_831 = arith.constant 0 : i32
        %dma_start3A_832 = arith.constant 0 : i32
        %dma_start3A_833 = arith.constant 0 : i32
        %dma_start3A_834 = tpu.memref_slice %arg8[%dma_start3A_828, %dma_start3A_831, %dma_start3A_832, %dma_start3A_833] : memref<2x20x128x8xf32, #tpu.memory_space<vmem>> -> memref<1x20x128x8xf32, #tpu.memory_space<vmem>>
        %dma_start3A_835 = tpu.memref_squeeze %dma_start3A_834 : memref<1x20x128x8xf32, #tpu.memory_space<vmem>> -> memref<20x128x8xf32, #tpu.memory_space<vmem>>
        %dma_start3A_836 = arith.constant 0 : i32
        %dma_start3A_837 = arith.constant 0 : i32
        %dma_start3A_838 = tpu.memref_slice %dma_start3A_835[%dma_start3A_829, %dma_start3A_836, %dma_start3A_837] : memref<20x128x8xf32, #tpu.memory_space<vmem>> -> memref<1x128x8xf32, #tpu.memory_space<vmem>>
        %dma_start3A_839 = tpu.memref_squeeze %dma_start3A_838 : memref<1x128x8xf32, #tpu.memory_space<vmem>> -> memref<128x8xf32, #tpu.memory_space<vmem>>
        %dma_start3A_840 = arith.constant 0 : i32
        %dma_start3A_841 = tpu.memref_slice %arg7[%dma_start3A_830, %dma_start3A_840] : memref<2x2560xi32, #tpu.memory_space<vmem>> -> memref<1x2560xi32, #tpu.memory_space<vmem>>
        %dma_start3A_842 = tpu.memref_squeeze %dma_start3A_841 : memref<1x2560xi32, #tpu.memory_space<vmem>> -> memref<2560xi32, #tpu.memory_space<vmem>>
        %dma_start3A_843 = arith.constant 2048 : i32
        %dma_start3A_844 = tpu.memref_slice %dma_start3A_842[%dma_start3A_843] : memref<2560xi32, #tpu.memory_space<vmem>> -> memref<128xi32, #tpu.memory_space<vmem>>
        %dma_start3A_845 = arith.constant 0 : i32
        %dma_start3A_846 = arith.constant 0 : i32
        %dma_start3A_847 = tpu.memref_slice %arg5[%dma_start3A_845, %dma_start3A_846] : memref<100000x8xf32, #tpu.memory_space<vmem_shared>> -> memref<100000x8xf32, #tpu.memory_space<vmem_shared>>
        tpu.enqueue_indirect_dma source(%dma_start3A_839 : memref<128x8xf32, #tpu.memory_space<vmem>>) target(%dma_start3A_847 : memref<100000x8xf32, #tpu.memory_space<vmem_shared>>) offsets(%dma_start3A_844 : memref<128xi32, #tpu.memory_space<vmem>>) semaphore(%arg11 : memref<!tpu.dma_semaphore, #tpu.memory_space<semaphore_mem>>) {add = true}
        %dma_start3A_848 = arith.constant 0 : i32
        %dma_start3A_849 = arith.constant 17 : i32
        %dma_start3A_850 = arith.constant 0 : i32
        %dma_start3A_851 = arith.constant 0 : i32
        %dma_start3A_852 = arith.constant 0 : i32
        %dma_start3A_853 = arith.constant 0 : i32
        %dma_start3A_854 = tpu.memref_slice %arg8[%dma_start3A_848, %dma_start3A_851, %dma_start3A_852, %dma_start3A_853] : memref<2x20x128x8xf32, #tpu.memory_space<vmem>> -> memref<1x20x128x8xf32, #tpu.memory_space<vmem>>
        %dma_start3A_855 = tpu.memref_squeeze %dma_start3A_854 : memref<1x20x128x8xf32, #tpu.memory_space<vmem>> -> memref<20x128x8xf32, #tpu.memory_space<vmem>>
        %dma_start3A_856 = arith.constant 0 : i32
        %dma_start3A_857 = arith.constant 0 : i32
        %dma_start3A_858 = tpu.memref_slice %dma_start3A_855[%dma_start3A_849, %dma_start3A_856, %dma_start3A_857] : memref<20x128x8xf32, #tpu.memory_space<vmem>> -> memref<1x128x8xf32, #tpu.memory_space<vmem>>
        %dma_start3A_859 = tpu.memref_squeeze %dma_start3A_858 : memref<1x128x8xf32, #tpu.memory_space<vmem>> -> memref<128x8xf32, #tpu.memory_space<vmem>>
        %dma_start3A_860 = arith.constant 0 : i32
        %dma_start3A_861 = tpu.memref_slice %arg7[%dma_start3A_850, %dma_start3A_860] : memref<2x2560xi32, #tpu.memory_space<vmem>> -> memref<1x2560xi32, #tpu.memory_space<vmem>>
        %dma_start3A_862 = tpu.memref_squeeze %dma_start3A_861 : memref<1x2560xi32, #tpu.memory_space<vmem>> -> memref<2560xi32, #tpu.memory_space<vmem>>
        %dma_start3A_863 = arith.constant 2176 : i32
        %dma_start3A_864 = tpu.memref_slice %dma_start3A_862[%dma_start3A_863] : memref<2560xi32, #tpu.memory_space<vmem>> -> memref<128xi32, #tpu.memory_space<vmem>>
        %dma_start3A_865 = arith.constant 0 : i32
        %dma_start3A_866 = arith.constant 0 : i32
        %dma_start3A_867 = tpu.memref_slice %arg5[%dma_start3A_865, %dma_start3A_866] : memref<100000x8xf32, #tpu.memory_space<vmem_shared>> -> memref<100000x8xf32, #tpu.memory_space<vmem_shared>>
        tpu.enqueue_indirect_dma source(%dma_start3A_859 : memref<128x8xf32, #tpu.memory_space<vmem>>) target(%dma_start3A_867 : memref<100000x8xf32, #tpu.memory_space<vmem_shared>>) offsets(%dma_start3A_864 : memref<128xi32, #tpu.memory_space<vmem>>) semaphore(%arg11 : memref<!tpu.dma_semaphore, #tpu.memory_space<semaphore_mem>>) {add = true}
        %dma_start3A_868 = arith.constant 0 : i32
        %dma_start3A_869 = arith.constant 18 : i32
        %dma_start3A_870 = arith.constant 0 : i32
        %dma_start3A_871 = arith.constant 0 : i32
        %dma_start3A_872 = arith.constant 0 : i32
        %dma_start3A_873 = arith.constant 0 : i32
        %dma_start3A_874 = tpu.memref_slice %arg8[%dma_start3A_868, %dma_start3A_871, %dma_start3A_872, %dma_start3A_873] : memref<2x20x128x8xf32, #tpu.memory_space<vmem>> -> memref<1x20x128x8xf32, #tpu.memory_space<vmem>>
        %dma_start3A_875 = tpu.memref_squeeze %dma_start3A_874 : memref<1x20x128x8xf32, #tpu.memory_space<vmem>> -> memref<20x128x8xf32, #tpu.memory_space<vmem>>
        %dma_start3A_876 = arith.constant 0 : i32
        %dma_start3A_877 = arith.constant 0 : i32
        %dma_start3A_878 = tpu.memref_slice %dma_start3A_875[%dma_start3A_869, %dma_start3A_876, %dma_start3A_877] : memref<20x128x8xf32, #tpu.memory_space<vmem>> -> memref<1x128x8xf32, #tpu.memory_space<vmem>>
        %dma_start3A_879 = tpu.memref_squeeze %dma_start3A_878 : memref<1x128x8xf32, #tpu.memory_space<vmem>> -> memref<128x8xf32, #tpu.memory_space<vmem>>
        %dma_start3A_880 = arith.constant 0 : i32
        %dma_start3A_881 = tpu.memref_slice %arg7[%dma_start3A_870, %dma_start3A_880] : memref<2x2560xi32, #tpu.memory_space<vmem>> -> memref<1x2560xi32, #tpu.memory_space<vmem>>
        %dma_start3A_882 = tpu.memref_squeeze %dma_start3A_881 : memref<1x2560xi32, #tpu.memory_space<vmem>> -> memref<2560xi32, #tpu.memory_space<vmem>>
        %dma_start3A_883 = arith.constant 2304 : i32
        %dma_start3A_884 = tpu.memref_slice %dma_start3A_882[%dma_start3A_883] : memref<2560xi32, #tpu.memory_space<vmem>> -> memref<128xi32, #tpu.memory_space<vmem>>
        %dma_start3A_885 = arith.constant 0 : i32
        %dma_start3A_886 = arith.constant 0 : i32
        %dma_start3A_887 = tpu.memref_slice %arg5[%dma_start3A_885, %dma_start3A_886] : memref<100000x8xf32, #tpu.memory_space<vmem_shared>> -> memref<100000x8xf32, #tpu.memory_space<vmem_shared>>
        tpu.enqueue_indirect_dma source(%dma_start3A_879 : memref<128x8xf32, #tpu.memory_space<vmem>>) target(%dma_start3A_887 : memref<100000x8xf32, #tpu.memory_space<vmem_shared>>) offsets(%dma_start3A_884 : memref<128xi32, #tpu.memory_space<vmem>>) semaphore(%arg11 : memref<!tpu.dma_semaphore, #tpu.memory_space<semaphore_mem>>) {add = true}
        %dma_start3A_888 = arith.constant 0 : i32
        %dma_start3A_889 = arith.constant 19 : i32
        %dma_start3A_890 = arith.constant 0 : i32
        %dma_start3A_891 = arith.constant 0 : i32
        %dma_start3A_892 = arith.constant 0 : i32
        %dma_start3A_893 = arith.constant 0 : i32
        %dma_start3A_894 = tpu.memref_slice %arg8[%dma_start3A_888, %dma_start3A_891, %dma_start3A_892, %dma_start3A_893] : memref<2x20x128x8xf32, #tpu.memory_space<vmem>> -> memref<1x20x128x8xf32, #tpu.memory_space<vmem>>
        %dma_start3A_895 = tpu.memref_squeeze %dma_start3A_894 : memref<1x20x128x8xf32, #tpu.memory_space<vmem>> -> memref<20x128x8xf32, #tpu.memory_space<vmem>>
        %dma_start3A_896 = arith.constant 0 : i32
        %dma_start3A_897 = arith.constant 0 : i32
        %dma_start3A_898 = tpu.memref_slice %dma_start3A_895[%dma_start3A_889, %dma_start3A_896, %dma_start3A_897] : memref<20x128x8xf32, #tpu.memory_space<vmem>> -> memref<1x128x8xf32, #tpu.memory_space<vmem>>
        %dma_start3A_899 = tpu.memref_squeeze %dma_start3A_898 : memref<1x128x8xf32, #tpu.memory_space<vmem>> -> memref<128x8xf32, #tpu.memory_space<vmem>>
        %dma_start3A_900 = arith.constant 0 : i32
        %dma_start3A_901 = tpu.memref_slice %arg7[%dma_start3A_890, %dma_start3A_900] : memref<2x2560xi32, #tpu.memory_space<vmem>> -> memref<1x2560xi32, #tpu.memory_space<vmem>>
        %dma_start3A_902 = tpu.memref_squeeze %dma_start3A_901 : memref<1x2560xi32, #tpu.memory_space<vmem>> -> memref<2560xi32, #tpu.memory_space<vmem>>
        %dma_start3A_903 = arith.constant 2432 : i32
        %dma_start3A_904 = tpu.memref_slice %dma_start3A_902[%dma_start3A_903] : memref<2560xi32, #tpu.memory_space<vmem>> -> memref<128xi32, #tpu.memory_space<vmem>>
        %dma_start3A_905 = arith.constant 0 : i32
        %dma_start3A_906 = arith.constant 0 : i32
        %dma_start3A_907 = tpu.memref_slice %arg5[%dma_start3A_905, %dma_start3A_906] : memref<100000x8xf32, #tpu.memory_space<vmem_shared>> -> memref<100000x8xf32, #tpu.memory_space<vmem_shared>>
        tpu.enqueue_indirect_dma source(%dma_start3A_899 : memref<128x8xf32, #tpu.memory_space<vmem>>) target(%dma_start3A_907 : memref<100000x8xf32, #tpu.memory_space<vmem_shared>>) offsets(%dma_start3A_904 : memref<128xi32, #tpu.memory_space<vmem>>) semaphore(%arg11 : memref<!tpu.dma_semaphore, #tpu.memory_space<semaphore_mem>>) {add = true}
      } else {
      }
      %mul3A_75 = arith.constant 2 : i32
      %mul3A_76 = arith.muli %mul3A_75, %scan3A_43 : i32
      %add3A_77 = arith.constant 1 : i32
      %add3A_78 = arith.addi %mul3A_76, %add3A_77 : i32
      %mul3A_79 = arith.constant 32 : i32
      %mul3A_80 = arith.muli %add3A_78, %mul3A_79 : i32
      %add3A_81 = arith.addi %mul3A_80, %add3A : i32
      %lt3A_82 = arith.constant 2500 : i32
      %lt3A_83 = arith.cmpi slt, %add3A_81, %lt3A_82 : i32
      %convert_element_type3A_84 = arith.extui %lt3A_83 : i1 to i32
      %cond3A_85 = arith.constant 0 : i32
      %cond3A_86 = arith.cmpi ne, %convert_element_type3A_84, %cond3A_85 : i32
      scf.if %cond3A_86 {
        %dma_wait3A = arith.constant 0 : i32
        %dma_wait3A_109 = arith.constant 1 : i32
        %dma_wait3A_110 = arith.constant 0 : i32
        %dma_wait3A_111 = tpu.memref_slice %arg6[%dma_wait3A_109, %dma_wait3A_110] : memref<2x2560xi32, #tpu.memory_space<vmem>> -> memref<1x2560xi32, #tpu.memory_space<vmem>>
        %dma_wait3A_112 = tpu.memref_squeeze %dma_wait3A_111 : memref<1x2560xi32, #tpu.memory_space<vmem>> -> memref<2560xi32, #tpu.memory_space<vmem>>
        %dma_wait3A_113 = arith.constant 0 : i32
        %dma_wait3A_114 = tpu.memref_slice %arg3[%dma_wait3A, %dma_wait3A_113] : memref<2x6400000xi32, #tpu.memory_space<hbm>> -> memref<1x2560xi32, #tpu.memory_space<hbm>>
        %dma_wait3A_115 = tpu.memref_squeeze %dma_wait3A_114 : memref<1x2560xi32, #tpu.memory_space<hbm>> -> memref<2560xi32, #tpu.memory_space<hbm>>
        %dma_wait3A_116 = arith.constant 0 : i32
        %dma_wait3A_117 = tpu.memref_slice %arg6[%dma_wait3A_109, %dma_wait3A_116] : memref<2x2560xi32, #tpu.memory_space<vmem>> -> memref<1x2560xi32, #tpu.memory_space<vmem>>
        %dma_wait3A_118 = tpu.memref_squeeze %dma_wait3A_117 : memref<1x2560xi32, #tpu.memory_space<vmem>> -> memref<2560xi32, #tpu.memory_space<vmem>>
        %dma_wait3A_119 = arith.constant 0 : i32
        %dma_wait3A_120 = tpu.memref_slice %arg3[%dma_wait3A, %dma_wait3A_119] : memref<2x6400000xi32, #tpu.memory_space<hbm>> -> memref<1x2560xi32, #tpu.memory_space<hbm>>
        %dma_wait3A_121 = tpu.memref_squeeze %dma_wait3A_120 : memref<1x2560xi32, #tpu.memory_space<hbm>> -> memref<2560xi32, #tpu.memory_space<hbm>>
        tpu.wait_dma2 semaphore(%arg9 : memref<!tpu.dma_semaphore, #tpu.memory_space<semaphore_mem>>) src(%dma_wait3A_121 : memref<2560xi32, #tpu.memory_space<hbm>>) dst(%dma_wait3A_118 : memref<2560xi32, #tpu.memory_space<vmem>>)
        %dma_wait3A_122 = arith.constant 1 : i32
        %dma_wait3A_123 = arith.constant 1 : i32
        %dma_wait3A_124 = arith.constant 0 : i32
        %dma_wait3A_125 = tpu.memref_slice %arg7[%dma_wait3A_123, %dma_wait3A_124] : memref<2x2560xi32, #tpu.memory_space<vmem>> -> memref<1x2560xi32, #tpu.memory_space<vmem>>
        %dma_wait3A_126 = tpu.memref_squeeze %dma_wait3A_125 : memref<1x2560xi32, #tpu.memory_space<vmem>> -> memref<2560xi32, #tpu.memory_space<vmem>>
        %dma_wait3A_127 = arith.constant 0 : i32
        %dma_wait3A_128 = tpu.memref_slice %arg3[%dma_wait3A_122, %dma_wait3A_127] : memref<2x6400000xi32, #tpu.memory_space<hbm>> -> memref<1x2560xi32, #tpu.memory_space<hbm>>
        %dma_wait3A_129 = tpu.memref_squeeze %dma_wait3A_128 : memref<1x2560xi32, #tpu.memory_space<hbm>> -> memref<2560xi32, #tpu.memory_space<hbm>>
        %dma_wait3A_130 = arith.constant 0 : i32
        %dma_wait3A_131 = tpu.memref_slice %arg7[%dma_wait3A_123, %dma_wait3A_130] : memref<2x2560xi32, #tpu.memory_space<vmem>> -> memref<1x2560xi32, #tpu.memory_space<vmem>>
        %dma_wait3A_132 = tpu.memref_squeeze %dma_wait3A_131 : memref<1x2560xi32, #tpu.memory_space<vmem>> -> memref<2560xi32, #tpu.memory_space<vmem>>
        %dma_wait3A_133 = arith.constant 0 : i32
        %dma_wait3A_134 = tpu.memref_slice %arg3[%dma_wait3A_122, %dma_wait3A_133] : memref<2x6400000xi32, #tpu.memory_space<hbm>> -> memref<1x2560xi32, #tpu.memory_space<hbm>>
        %dma_wait3A_135 = tpu.memref_squeeze %dma_wait3A_134 : memref<1x2560xi32, #tpu.memory_space<hbm>> -> memref<2560xi32, #tpu.memory_space<hbm>>
        tpu.wait_dma2 semaphore(%arg9 : memref<!tpu.dma_semaphore, #tpu.memory_space<semaphore_mem>>) src(%dma_wait3A_135 : memref<2560xi32, #tpu.memory_space<hbm>>) dst(%dma_wait3A_132 : memref<2560xi32, #tpu.memory_space<vmem>>)
        %dma_start3A_136 = arith.constant 1 : i32
        %dma_start3A_137 = arith.constant 1 : i32
        %dma_start3A_138 = arith.constant 0 : i32
        %dma_start3A_139 = arith.constant 0 : i32
        %dma_start3A_140 = arith.constant 0 : i32
        %dma_start3A_141 = arith.constant 0 : i32
        %dma_start3A_142 = tpu.memref_slice %arg8[%dma_start3A_137, %dma_start3A_139, %dma_start3A_140, %dma_start3A_141] : memref<2x20x128x8xf32, #tpu.memory_space<vmem>> -> memref<1x20x128x8xf32, #tpu.memory_space<vmem>>
        %dma_start3A_143 = tpu.memref_squeeze %dma_start3A_142 : memref<1x20x128x8xf32, #tpu.memory_space<vmem>> -> memref<20x128x8xf32, #tpu.memory_space<vmem>>
        %dma_start3A_144 = arith.constant 0 : i32
        %dma_start3A_145 = arith.constant 0 : i32
        %dma_start3A_146 = tpu.memref_slice %dma_start3A_143[%dma_start3A_138, %dma_start3A_144, %dma_start3A_145] : memref<20x128x8xf32, #tpu.memory_space<vmem>> -> memref<1x128x8xf32, #tpu.memory_space<vmem>>
        %dma_start3A_147 = tpu.memref_squeeze %dma_start3A_146 : memref<1x128x8xf32, #tpu.memory_space<vmem>> -> memref<128x8xf32, #tpu.memory_space<vmem>>
        %dma_start3A_148 = arith.constant 0 : i32
        %dma_start3A_149 = tpu.memref_slice %arg6[%dma_start3A_136, %dma_start3A_148] : memref<2x2560xi32, #tpu.memory_space<vmem>> -> memref<1x2560xi32, #tpu.memory_space<vmem>>
        %dma_start3A_150 = tpu.memref_squeeze %dma_start3A_149 : memref<1x2560xi32, #tpu.memory_space<vmem>> -> memref<2560xi32, #tpu.memory_space<vmem>>
        %dma_start3A_151 = arith.constant 0 : i32
        %dma_start3A_152 = tpu.memref_slice %dma_start3A_150[%dma_start3A_151] : memref<2560xi32, #tpu.memory_space<vmem>> -> memref<128xi32, #tpu.memory_space<vmem>>
        %dma_start3A_153 = arith.constant 0 : i32
        %dma_start3A_154 = arith.constant 0 : i32
        %dma_start3A_155 = tpu.memref_slice %arg2[%dma_start3A_153, %dma_start3A_154] : memref<200000x8xf32, #tpu.memory_space<hbm>> -> memref<200000x8xf32, #tpu.memory_space<hbm>>
        tpu.enqueue_indirect_dma source(%dma_start3A_155 : memref<200000x8xf32, #tpu.memory_space<hbm>>) target(%dma_start3A_147 : memref<128x8xf32, #tpu.memory_space<vmem>>) offsets(%dma_start3A_152 : memref<128xi32, #tpu.memory_space<vmem>>) semaphore(%arg10 : memref<!tpu.dma_semaphore, #tpu.memory_space<semaphore_mem>>)
        %dma_start3A_156 = arith.constant 1 : i32
        %dma_start3A_157 = arith.constant 1 : i32
        %dma_start3A_158 = arith.constant 1 : i32
        %dma_start3A_159 = arith.constant 0 : i32
        %dma_start3A_160 = arith.constant 0 : i32
        %dma_start3A_161 = arith.constant 0 : i32
        %dma_start3A_162 = tpu.memref_slice %arg8[%dma_start3A_157, %dma_start3A_159, %dma_start3A_160, %dma_start3A_161] : memref<2x20x128x8xf32, #tpu.memory_space<vmem>> -> memref<1x20x128x8xf32, #tpu.memory_space<vmem>>
        %dma_start3A_163 = tpu.memref_squeeze %dma_start3A_162 : memref<1x20x128x8xf32, #tpu.memory_space<vmem>> -> memref<20x128x8xf32, #tpu.memory_space<vmem>>
        %dma_start3A_164 = arith.constant 0 : i32
        %dma_start3A_165 = arith.constant 0 : i32
        %dma_start3A_166 = tpu.memref_slice %dma_start3A_163[%dma_start3A_158, %dma_start3A_164, %dma_start3A_165] : memref<20x128x8xf32, #tpu.memory_space<vmem>> -> memref<1x128x8xf32, #tpu.memory_space<vmem>>
        %dma_start3A_167 = tpu.memref_squeeze %dma_start3A_166 : memref<1x128x8xf32, #tpu.memory_space<vmem>> -> memref<128x8xf32, #tpu.memory_space<vmem>>
        %dma_start3A_168 = arith.constant 0 : i32
        %dma_start3A_169 = tpu.memref_slice %arg6[%dma_start3A_156, %dma_start3A_168] : memref<2x2560xi32, #tpu.memory_space<vmem>> -> memref<1x2560xi32, #tpu.memory_space<vmem>>
        %dma_start3A_170 = tpu.memref_squeeze %dma_start3A_169 : memref<1x2560xi32, #tpu.memory_space<vmem>> -> memref<2560xi32, #tpu.memory_space<vmem>>
        %dma_start3A_171 = arith.constant 128 : i32
        %dma_start3A_172 = tpu.memref_slice %dma_start3A_170[%dma_start3A_171] : memref<2560xi32, #tpu.memory_space<vmem>> -> memref<128xi32, #tpu.memory_space<vmem>>
        %dma_start3A_173 = arith.constant 0 : i32
        %dma_start3A_174 = arith.constant 0 : i32
        %dma_start3A_175 = tpu.memref_slice %arg2[%dma_start3A_173, %dma_start3A_174] : memref<200000x8xf32, #tpu.memory_space<hbm>> -> memref<200000x8xf32, #tpu.memory_space<hbm>>
        tpu.enqueue_indirect_dma source(%dma_start3A_175 : memref<200000x8xf32, #tpu.memory_space<hbm>>) target(%dma_start3A_167 : memref<128x8xf32, #tpu.memory_space<vmem>>) offsets(%dma_start3A_172 : memref<128xi32, #tpu.memory_space<vmem>>) semaphore(%arg10 : memref<!tpu.dma_semaphore, #tpu.memory_space<semaphore_mem>>)
        %dma_start3A_176 = arith.constant 1 : i32
        %dma_start3A_177 = arith.constant 1 : i32
        %dma_start3A_178 = arith.constant 2 : i32
        %dma_start3A_179 = arith.constant 0 : i32
        %dma_start3A_180 = arith.constant 0 : i32
        %dma_start3A_181 = arith.constant 0 : i32
        %dma_start3A_182 = tpu.memref_slice %arg8[%dma_start3A_177, %dma_start3A_179, %dma_start3A_180, %dma_start3A_181] : memref<2x20x128x8xf32, #tpu.memory_space<vmem>> -> memref<1x20x128x8xf32, #tpu.memory_space<vmem>>
        %dma_start3A_183 = tpu.memref_squeeze %dma_start3A_182 : memref<1x20x128x8xf32, #tpu.memory_space<vmem>> -> memref<20x128x8xf32, #tpu.memory_space<vmem>>
        %dma_start3A_184 = arith.constant 0 : i32
        %dma_start3A_185 = arith.constant 0 : i32
        %dma_start3A_186 = tpu.memref_slice %dma_start3A_183[%dma_start3A_178, %dma_start3A_184, %dma_start3A_185] : memref<20x128x8xf32, #tpu.memory_space<vmem>> -> memref<1x128x8xf32, #tpu.memory_space<vmem>>
        %dma_start3A_187 = tpu.memref_squeeze %dma_start3A_186 : memref<1x128x8xf32, #tpu.memory_space<vmem>> -> memref<128x8xf32, #tpu.memory_space<vmem>>
        %dma_start3A_188 = arith.constant 0 : i32
        %dma_start3A_189 = tpu.memref_slice %arg6[%dma_start3A_176, %dma_start3A_188] : memref<2x2560xi32, #tpu.memory_space<vmem>> -> memref<1x2560xi32, #tpu.memory_space<vmem>>
        %dma_start3A_190 = tpu.memref_squeeze %dma_start3A_189 : memref<1x2560xi32, #tpu.memory_space<vmem>> -> memref<2560xi32, #tpu.memory_space<vmem>>
        %dma_start3A_191 = arith.constant 256 : i32
        %dma_start3A_192 = tpu.memref_slice %dma_start3A_190[%dma_start3A_191] : memref<2560xi32, #tpu.memory_space<vmem>> -> memref<128xi32, #tpu.memory_space<vmem>>
        %dma_start3A_193 = arith.constant 0 : i32
        %dma_start3A_194 = arith.constant 0 : i32
        %dma_start3A_195 = tpu.memref_slice %arg2[%dma_start3A_193, %dma_start3A_194] : memref<200000x8xf32, #tpu.memory_space<hbm>> -> memref<200000x8xf32, #tpu.memory_space<hbm>>
        tpu.enqueue_indirect_dma source(%dma_start3A_195 : memref<200000x8xf32, #tpu.memory_space<hbm>>) target(%dma_start3A_187 : memref<128x8xf32, #tpu.memory_space<vmem>>) offsets(%dma_start3A_192 : memref<128xi32, #tpu.memory_space<vmem>>) semaphore(%arg10 : memref<!tpu.dma_semaphore, #tpu.memory_space<semaphore_mem>>)
        %dma_start3A_196 = arith.constant 1 : i32
        %dma_start3A_197 = arith.constant 1 : i32
        %dma_start3A_198 = arith.constant 3 : i32
        %dma_start3A_199 = arith.constant 0 : i32
        %dma_start3A_200 = arith.constant 0 : i32
        %dma_start3A_201 = arith.constant 0 : i32
        %dma_start3A_202 = tpu.memref_slice %arg8[%dma_start3A_197, %dma_start3A_199, %dma_start3A_200, %dma_start3A_201] : memref<2x20x128x8xf32, #tpu.memory_space<vmem>> -> memref<1x20x128x8xf32, #tpu.memory_space<vmem>>
        %dma_start3A_203 = tpu.memref_squeeze %dma_start3A_202 : memref<1x20x128x8xf32, #tpu.memory_space<vmem>> -> memref<20x128x8xf32, #tpu.memory_space<vmem>>
        %dma_start3A_204 = arith.constant 0 : i32
        %dma_start3A_205 = arith.constant 0 : i32
        %dma_start3A_206 = tpu.memref_slice %dma_start3A_203[%dma_start3A_198, %dma_start3A_204, %dma_start3A_205] : memref<20x128x8xf32, #tpu.memory_space<vmem>> -> memref<1x128x8xf32, #tpu.memory_space<vmem>>
        %dma_start3A_207 = tpu.memref_squeeze %dma_start3A_206 : memref<1x128x8xf32, #tpu.memory_space<vmem>> -> memref<128x8xf32, #tpu.memory_space<vmem>>
        %dma_start3A_208 = arith.constant 0 : i32
        %dma_start3A_209 = tpu.memref_slice %arg6[%dma_start3A_196, %dma_start3A_208] : memref<2x2560xi32, #tpu.memory_space<vmem>> -> memref<1x2560xi32, #tpu.memory_space<vmem>>
        %dma_start3A_210 = tpu.memref_squeeze %dma_start3A_209 : memref<1x2560xi32, #tpu.memory_space<vmem>> -> memref<2560xi32, #tpu.memory_space<vmem>>
        %dma_start3A_211 = arith.constant 384 : i32
        %dma_start3A_212 = tpu.memref_slice %dma_start3A_210[%dma_start3A_211] : memref<2560xi32, #tpu.memory_space<vmem>> -> memref<128xi32, #tpu.memory_space<vmem>>
        %dma_start3A_213 = arith.constant 0 : i32
        %dma_start3A_214 = arith.constant 0 : i32
        %dma_start3A_215 = tpu.memref_slice %arg2[%dma_start3A_213, %dma_start3A_214] : memref<200000x8xf32, #tpu.memory_space<hbm>> -> memref<200000x8xf32, #tpu.memory_space<hbm>>
        tpu.enqueue_indirect_dma source(%dma_start3A_215 : memref<200000x8xf32, #tpu.memory_space<hbm>>) target(%dma_start3A_207 : memref<128x8xf32, #tpu.memory_space<vmem>>) offsets(%dma_start3A_212 : memref<128xi32, #tpu.memory_space<vmem>>) semaphore(%arg10 : memref<!tpu.dma_semaphore, #tpu.memory_space<semaphore_mem>>)
        %dma_start3A_216 = arith.constant 1 : i32
        %dma_start3A_217 = arith.constant 1 : i32
        %dma_start3A_218 = arith.constant 4 : i32
        %dma_start3A_219 = arith.constant 0 : i32
        %dma_start3A_220 = arith.constant 0 : i32
        %dma_start3A_221 = arith.constant 0 : i32
        %dma_start3A_222 = tpu.memref_slice %arg8[%dma_start3A_217, %dma_start3A_219, %dma_start3A_220, %dma_start3A_221] : memref<2x20x128x8xf32, #tpu.memory_space<vmem>> -> memref<1x20x128x8xf32, #tpu.memory_space<vmem>>
        %dma_start3A_223 = tpu.memref_squeeze %dma_start3A_222 : memref<1x20x128x8xf32, #tpu.memory_space<vmem>> -> memref<20x128x8xf32, #tpu.memory_space<vmem>>
        %dma_start3A_224 = arith.constant 0 : i32
        %dma_start3A_225 = arith.constant 0 : i32
        %dma_start3A_226 = tpu.memref_slice %dma_start3A_223[%dma_start3A_218, %dma_start3A_224, %dma_start3A_225] : memref<20x128x8xf32, #tpu.memory_space<vmem>> -> memref<1x128x8xf32, #tpu.memory_space<vmem>>
        %dma_start3A_227 = tpu.memref_squeeze %dma_start3A_226 : memref<1x128x8xf32, #tpu.memory_space<vmem>> -> memref<128x8xf32, #tpu.memory_space<vmem>>
        %dma_start3A_228 = arith.constant 0 : i32
        %dma_start3A_229 = tpu.memref_slice %arg6[%dma_start3A_216, %dma_start3A_228] : memref<2x2560xi32, #tpu.memory_space<vmem>> -> memref<1x2560xi32, #tpu.memory_space<vmem>>
        %dma_start3A_230 = tpu.memref_squeeze %dma_start3A_229 : memref<1x2560xi32, #tpu.memory_space<vmem>> -> memref<2560xi32, #tpu.memory_space<vmem>>
        %dma_start3A_231 = arith.constant 512 : i32
        %dma_start3A_232 = tpu.memref_slice %dma_start3A_230[%dma_start3A_231] : memref<2560xi32, #tpu.memory_space<vmem>> -> memref<128xi32, #tpu.memory_space<vmem>>
        %dma_start3A_233 = arith.constant 0 : i32
        %dma_start3A_234 = arith.constant 0 : i32
        %dma_start3A_235 = tpu.memref_slice %arg2[%dma_start3A_233, %dma_start3A_234] : memref<200000x8xf32, #tpu.memory_space<hbm>> -> memref<200000x8xf32, #tpu.memory_space<hbm>>
        tpu.enqueue_indirect_dma source(%dma_start3A_235 : memref<200000x8xf32, #tpu.memory_space<hbm>>) target(%dma_start3A_227 : memref<128x8xf32, #tpu.memory_space<vmem>>) offsets(%dma_start3A_232 : memref<128xi32, #tpu.memory_space<vmem>>) semaphore(%arg10 : memref<!tpu.dma_semaphore, #tpu.memory_space<semaphore_mem>>)
        %dma_start3A_236 = arith.constant 1 : i32
        %dma_start3A_237 = arith.constant 1 : i32
        %dma_start3A_238 = arith.constant 5 : i32
        %dma_start3A_239 = arith.constant 0 : i32
        %dma_start3A_240 = arith.constant 0 : i32
        %dma_start3A_241 = arith.constant 0 : i32
        %dma_start3A_242 = tpu.memref_slice %arg8[%dma_start3A_237, %dma_start3A_239, %dma_start3A_240, %dma_start3A_241] : memref<2x20x128x8xf32, #tpu.memory_space<vmem>> -> memref<1x20x128x8xf32, #tpu.memory_space<vmem>>
        %dma_start3A_243 = tpu.memref_squeeze %dma_start3A_242 : memref<1x20x128x8xf32, #tpu.memory_space<vmem>> -> memref<20x128x8xf32, #tpu.memory_space<vmem>>
        %dma_start3A_244 = arith.constant 0 : i32
        %dma_start3A_245 = arith.constant 0 : i32
        %dma_start3A_246 = tpu.memref_slice %dma_start3A_243[%dma_start3A_238, %dma_start3A_244, %dma_start3A_245] : memref<20x128x8xf32, #tpu.memory_space<vmem>> -> memref<1x128x8xf32, #tpu.memory_space<vmem>>
        %dma_start3A_247 = tpu.memref_squeeze %dma_start3A_246 : memref<1x128x8xf32, #tpu.memory_space<vmem>> -> memref<128x8xf32, #tpu.memory_space<vmem>>
        %dma_start3A_248 = arith.constant 0 : i32
        %dma_start3A_249 = tpu.memref_slice %arg6[%dma_start3A_236, %dma_start3A_248] : memref<2x2560xi32, #tpu.memory_space<vmem>> -> memref<1x2560xi32, #tpu.memory_space<vmem>>
        %dma_start3A_250 = tpu.memref_squeeze %dma_start3A_249 : memref<1x2560xi32, #tpu.memory_space<vmem>> -> memref<2560xi32, #tpu.memory_space<vmem>>
        %dma_start3A_251 = arith.constant 640 : i32
        %dma_start3A_252 = tpu.memref_slice %dma_start3A_250[%dma_start3A_251] : memref<2560xi32, #tpu.memory_space<vmem>> -> memref<128xi32, #tpu.memory_space<vmem>>
        %dma_start3A_253 = arith.constant 0 : i32
        %dma_start3A_254 = arith.constant 0 : i32
        %dma_start3A_255 = tpu.memref_slice %arg2[%dma_start3A_253, %dma_start3A_254] : memref<200000x8xf32, #tpu.memory_space<hbm>> -> memref<200000x8xf32, #tpu.memory_space<hbm>>
        tpu.enqueue_indirect_dma source(%dma_start3A_255 : memref<200000x8xf32, #tpu.memory_space<hbm>>) target(%dma_start3A_247 : memref<128x8xf32, #tpu.memory_space<vmem>>) offsets(%dma_start3A_252 : memref<128xi32, #tpu.memory_space<vmem>>) semaphore(%arg10 : memref<!tpu.dma_semaphore, #tpu.memory_space<semaphore_mem>>)
        %dma_start3A_256 = arith.constant 1 : i32
        %dma_start3A_257 = arith.constant 1 : i32
        %dma_start3A_258 = arith.constant 6 : i32
        %dma_start3A_259 = arith.constant 0 : i32
        %dma_start3A_260 = arith.constant 0 : i32
        %dma_start3A_261 = arith.constant 0 : i32
        %dma_start3A_262 = tpu.memref_slice %arg8[%dma_start3A_257, %dma_start3A_259, %dma_start3A_260, %dma_start3A_261] : memref<2x20x128x8xf32, #tpu.memory_space<vmem>> -> memref<1x20x128x8xf32, #tpu.memory_space<vmem>>
        %dma_start3A_263 = tpu.memref_squeeze %dma_start3A_262 : memref<1x20x128x8xf32, #tpu.memory_space<vmem>> -> memref<20x128x8xf32, #tpu.memory_space<vmem>>
        %dma_start3A_264 = arith.constant 0 : i32
        %dma_start3A_265 = arith.constant 0 : i32
        %dma_start3A_266 = tpu.memref_slice %dma_start3A_263[%dma_start3A_258, %dma_start3A_264, %dma_start3A_265] : memref<20x128x8xf32, #tpu.memory_space<vmem>> -> memref<1x128x8xf32, #tpu.memory_space<vmem>>
        %dma_start3A_267 = tpu.memref_squeeze %dma_start3A_266 : memref<1x128x8xf32, #tpu.memory_space<vmem>> -> memref<128x8xf32, #tpu.memory_space<vmem>>
        %dma_start3A_268 = arith.constant 0 : i32
        %dma_start3A_269 = tpu.memref_slice %arg6[%dma_start3A_256, %dma_start3A_268] : memref<2x2560xi32, #tpu.memory_space<vmem>> -> memref<1x2560xi32, #tpu.memory_space<vmem>>
        %dma_start3A_270 = tpu.memref_squeeze %dma_start3A_269 : memref<1x2560xi32, #tpu.memory_space<vmem>> -> memref<2560xi32, #tpu.memory_space<vmem>>
        %dma_start3A_271 = arith.constant 768 : i32
        %dma_start3A_272 = tpu.memref_slice %dma_start3A_270[%dma_start3A_271] : memref<2560xi32, #tpu.memory_space<vmem>> -> memref<128xi32, #tpu.memory_space<vmem>>
        %dma_start3A_273 = arith.constant 0 : i32
        %dma_start3A_274 = arith.constant 0 : i32
        %dma_start3A_275 = tpu.memref_slice %arg2[%dma_start3A_273, %dma_start3A_274] : memref<200000x8xf32, #tpu.memory_space<hbm>> -> memref<200000x8xf32, #tpu.memory_space<hbm>>
        tpu.enqueue_indirect_dma source(%dma_start3A_275 : memref<200000x8xf32, #tpu.memory_space<hbm>>) target(%dma_start3A_267 : memref<128x8xf32, #tpu.memory_space<vmem>>) offsets(%dma_start3A_272 : memref<128xi32, #tpu.memory_space<vmem>>) semaphore(%arg10 : memref<!tpu.dma_semaphore, #tpu.memory_space<semaphore_mem>>)
        %dma_start3A_276 = arith.constant 1 : i32
        %dma_start3A_277 = arith.constant 1 : i32
        %dma_start3A_278 = arith.constant 7 : i32
        %dma_start3A_279 = arith.constant 0 : i32
        %dma_start3A_280 = arith.constant 0 : i32
        %dma_start3A_281 = arith.constant 0 : i32
        %dma_start3A_282 = tpu.memref_slice %arg8[%dma_start3A_277, %dma_start3A_279, %dma_start3A_280, %dma_start3A_281] : memref<2x20x128x8xf32, #tpu.memory_space<vmem>> -> memref<1x20x128x8xf32, #tpu.memory_space<vmem>>
        %dma_start3A_283 = tpu.memref_squeeze %dma_start3A_282 : memref<1x20x128x8xf32, #tpu.memory_space<vmem>> -> memref<20x128x8xf32, #tpu.memory_space<vmem>>
        %dma_start3A_284 = arith.constant 0 : i32
        %dma_start3A_285 = arith.constant 0 : i32
        %dma_start3A_286 = tpu.memref_slice %dma_start3A_283[%dma_start3A_278, %dma_start3A_284, %dma_start3A_285] : memref<20x128x8xf32, #tpu.memory_space<vmem>> -> memref<1x128x8xf32, #tpu.memory_space<vmem>>
        %dma_start3A_287 = tpu.memref_squeeze %dma_start3A_286 : memref<1x128x8xf32, #tpu.memory_space<vmem>> -> memref<128x8xf32, #tpu.memory_space<vmem>>
        %dma_start3A_288 = arith.constant 0 : i32
        %dma_start3A_289 = tpu.memref_slice %arg6[%dma_start3A_276, %dma_start3A_288] : memref<2x2560xi32, #tpu.memory_space<vmem>> -> memref<1x2560xi32, #tpu.memory_space<vmem>>
        %dma_start3A_290 = tpu.memref_squeeze %dma_start3A_289 : memref<1x2560xi32, #tpu.memory_space<vmem>> -> memref<2560xi32, #tpu.memory_space<vmem>>
        %dma_start3A_291 = arith.constant 896 : i32
        %dma_start3A_292 = tpu.memref_slice %dma_start3A_290[%dma_start3A_291] : memref<2560xi32, #tpu.memory_space<vmem>> -> memref<128xi32, #tpu.memory_space<vmem>>
        %dma_start3A_293 = arith.constant 0 : i32
        %dma_start3A_294 = arith.constant 0 : i32
        %dma_start3A_295 = tpu.memref_slice %arg2[%dma_start3A_293, %dma_start3A_294] : memref<200000x8xf32, #tpu.memory_space<hbm>> -> memref<200000x8xf32, #tpu.memory_space<hbm>>
        tpu.enqueue_indirect_dma source(%dma_start3A_295 : memref<200000x8xf32, #tpu.memory_space<hbm>>) target(%dma_start3A_287 : memref<128x8xf32, #tpu.memory_space<vmem>>) offsets(%dma_start3A_292 : memref<128xi32, #tpu.memory_space<vmem>>) semaphore(%arg10 : memref<!tpu.dma_semaphore, #tpu.memory_space<semaphore_mem>>)
        %dma_start3A_296 = arith.constant 1 : i32
        %dma_start3A_297 = arith.constant 1 : i32
        %dma_start3A_298 = arith.constant 8 : i32
        %dma_start3A_299 = arith.constant 0 : i32
        %dma_start3A_300 = arith.constant 0 : i32
        %dma_start3A_301 = arith.constant 0 : i32
        %dma_start3A_302 = tpu.memref_slice %arg8[%dma_start3A_297, %dma_start3A_299, %dma_start3A_300, %dma_start3A_301] : memref<2x20x128x8xf32, #tpu.memory_space<vmem>> -> memref<1x20x128x8xf32, #tpu.memory_space<vmem>>
        %dma_start3A_303 = tpu.memref_squeeze %dma_start3A_302 : memref<1x20x128x8xf32, #tpu.memory_space<vmem>> -> memref<20x128x8xf32, #tpu.memory_space<vmem>>
        %dma_start3A_304 = arith.constant 0 : i32
        %dma_start3A_305 = arith.constant 0 : i32
        %dma_start3A_306 = tpu.memref_slice %dma_start3A_303[%dma_start3A_298, %dma_start3A_304, %dma_start3A_305] : memref<20x128x8xf32, #tpu.memory_space<vmem>> -> memref<1x128x8xf32, #tpu.memory_space<vmem>>
        %dma_start3A_307 = tpu.memref_squeeze %dma_start3A_306 : memref<1x128x8xf32, #tpu.memory_space<vmem>> -> memref<128x8xf32, #tpu.memory_space<vmem>>
        %dma_start3A_308 = arith.constant 0 : i32
        %dma_start3A_309 = tpu.memref_slice %arg6[%dma_start3A_296, %dma_start3A_308] : memref<2x2560xi32, #tpu.memory_space<vmem>> -> memref<1x2560xi32, #tpu.memory_space<vmem>>
        %dma_start3A_310 = tpu.memref_squeeze %dma_start3A_309 : memref<1x2560xi32, #tpu.memory_space<vmem>> -> memref<2560xi32, #tpu.memory_space<vmem>>
        %dma_start3A_311 = arith.constant 1024 : i32
        %dma_start3A_312 = tpu.memref_slice %dma_start3A_310[%dma_start3A_311] : memref<2560xi32, #tpu.memory_space<vmem>> -> memref<128xi32, #tpu.memory_space<vmem>>
        %dma_start3A_313 = arith.constant 0 : i32
        %dma_start3A_314 = arith.constant 0 : i32
        %dma_start3A_315 = tpu.memref_slice %arg2[%dma_start3A_313, %dma_start3A_314] : memref<200000x8xf32, #tpu.memory_space<hbm>> -> memref<200000x8xf32, #tpu.memory_space<hbm>>
        tpu.enqueue_indirect_dma source(%dma_start3A_315 : memref<200000x8xf32, #tpu.memory_space<hbm>>) target(%dma_start3A_307 : memref<128x8xf32, #tpu.memory_space<vmem>>) offsets(%dma_start3A_312 : memref<128xi32, #tpu.memory_space<vmem>>) semaphore(%arg10 : memref<!tpu.dma_semaphore, #tpu.memory_space<semaphore_mem>>)
        %dma_start3A_316 = arith.constant 1 : i32
        %dma_start3A_317 = arith.constant 1 : i32
        %dma_start3A_318 = arith.constant 9 : i32
        %dma_start3A_319 = arith.constant 0 : i32
        %dma_start3A_320 = arith.constant 0 : i32
        %dma_start3A_321 = arith.constant 0 : i32
        %dma_start3A_322 = tpu.memref_slice %arg8[%dma_start3A_317, %dma_start3A_319, %dma_start3A_320, %dma_start3A_321] : memref<2x20x128x8xf32, #tpu.memory_space<vmem>> -> memref<1x20x128x8xf32, #tpu.memory_space<vmem>>
        %dma_start3A_323 = tpu.memref_squeeze %dma_start3A_322 : memref<1x20x128x8xf32, #tpu.memory_space<vmem>> -> memref<20x128x8xf32, #tpu.memory_space<vmem>>
        %dma_start3A_324 = arith.constant 0 : i32
        %dma_start3A_325 = arith.constant 0 : i32
        %dma_start3A_326 = tpu.memref_slice %dma_start3A_323[%dma_start3A_318, %dma_start3A_324, %dma_start3A_325] : memref<20x128x8xf32, #tpu.memory_space<vmem>> -> memref<1x128x8xf32, #tpu.memory_space<vmem>>
        %dma_start3A_327 = tpu.memref_squeeze %dma_start3A_326 : memref<1x128x8xf32, #tpu.memory_space<vmem>> -> memref<128x8xf32, #tpu.memory_space<vmem>>
        %dma_start3A_328 = arith.constant 0 : i32
        %dma_start3A_329 = tpu.memref_slice %arg6[%dma_start3A_316, %dma_start3A_328] : memref<2x2560xi32, #tpu.memory_space<vmem>> -> memref<1x2560xi32, #tpu.memory_space<vmem>>
        %dma_start3A_330 = tpu.memref_squeeze %dma_start3A_329 : memref<1x2560xi32, #tpu.memory_space<vmem>> -> memref<2560xi32, #tpu.memory_space<vmem>>
        %dma_start3A_331 = arith.constant 1152 : i32
        %dma_start3A_332 = tpu.memref_slice %dma_start3A_330[%dma_start3A_331] : memref<2560xi32, #tpu.memory_space<vmem>> -> memref<128xi32, #tpu.memory_space<vmem>>
        %dma_start3A_333 = arith.constant 0 : i32
        %dma_start3A_334 = arith.constant 0 : i32
        %dma_start3A_335 = tpu.memref_slice %arg2[%dma_start3A_333, %dma_start3A_334] : memref<200000x8xf32, #tpu.memory_space<hbm>> -> memref<200000x8xf32, #tpu.memory_space<hbm>>
        tpu.enqueue_indirect_dma source(%dma_start3A_335 : memref<200000x8xf32, #tpu.memory_space<hbm>>) target(%dma_start3A_327 : memref<128x8xf32, #tpu.memory_space<vmem>>) offsets(%dma_start3A_332 : memref<128xi32, #tpu.memory_space<vmem>>) semaphore(%arg10 : memref<!tpu.dma_semaphore, #tpu.memory_space<semaphore_mem>>)
        %dma_start3A_336 = arith.constant 1 : i32
        %dma_start3A_337 = arith.constant 1 : i32
        %dma_start3A_338 = arith.constant 10 : i32
        %dma_start3A_339 = arith.constant 0 : i32
        %dma_start3A_340 = arith.constant 0 : i32
        %dma_start3A_341 = arith.constant 0 : i32
        %dma_start3A_342 = tpu.memref_slice %arg8[%dma_start3A_337, %dma_start3A_339, %dma_start3A_340, %dma_start3A_341] : memref<2x20x128x8xf32, #tpu.memory_space<vmem>> -> memref<1x20x128x8xf32, #tpu.memory_space<vmem>>
        %dma_start3A_343 = tpu.memref_squeeze %dma_start3A_342 : memref<1x20x128x8xf32, #tpu.memory_space<vmem>> -> memref<20x128x8xf32, #tpu.memory_space<vmem>>
        %dma_start3A_344 = arith.constant 0 : i32
        %dma_start3A_345 = arith.constant 0 : i32
        %dma_start3A_346 = tpu.memref_slice %dma_start3A_343[%dma_start3A_338, %dma_start3A_344, %dma_start3A_345] : memref<20x128x8xf32, #tpu.memory_space<vmem>> -> memref<1x128x8xf32, #tpu.memory_space<vmem>>
        %dma_start3A_347 = tpu.memref_squeeze %dma_start3A_346 : memref<1x128x8xf32, #tpu.memory_space<vmem>> -> memref<128x8xf32, #tpu.memory_space<vmem>>
        %dma_start3A_348 = arith.constant 0 : i32
        %dma_start3A_349 = tpu.memref_slice %arg6[%dma_start3A_336, %dma_start3A_348] : memref<2x2560xi32, #tpu.memory_space<vmem>> -> memref<1x2560xi32, #tpu.memory_space<vmem>>
        %dma_start3A_350 = tpu.memref_squeeze %dma_start3A_349 : memref<1x2560xi32, #tpu.memory_space<vmem>> -> memref<2560xi32, #tpu.memory_space<vmem>>
        %dma_start3A_351 = arith.constant 1280 : i32
        %dma_start3A_352 = tpu.memref_slice %dma_start3A_350[%dma_start3A_351] : memref<2560xi32, #tpu.memory_space<vmem>> -> memref<128xi32, #tpu.memory_space<vmem>>
        %dma_start3A_353 = arith.constant 0 : i32
        %dma_start3A_354 = arith.constant 0 : i32
        %dma_start3A_355 = tpu.memref_slice %arg2[%dma_start3A_353, %dma_start3A_354] : memref<200000x8xf32, #tpu.memory_space<hbm>> -> memref<200000x8xf32, #tpu.memory_space<hbm>>
        tpu.enqueue_indirect_dma source(%dma_start3A_355 : memref<200000x8xf32, #tpu.memory_space<hbm>>) target(%dma_start3A_347 : memref<128x8xf32, #tpu.memory_space<vmem>>) offsets(%dma_start3A_352 : memref<128xi32, #tpu.memory_space<vmem>>) semaphore(%arg10 : memref<!tpu.dma_semaphore, #tpu.memory_space<semaphore_mem>>)
        %dma_start3A_356 = arith.constant 1 : i32
        %dma_start3A_357 = arith.constant 1 : i32
        %dma_start3A_358 = arith.constant 11 : i32
        %dma_start3A_359 = arith.constant 0 : i32
        %dma_start3A_360 = arith.constant 0 : i32
        %dma_start3A_361 = arith.constant 0 : i32
        %dma_start3A_362 = tpu.memref_slice %arg8[%dma_start3A_357, %dma_start3A_359, %dma_start3A_360, %dma_start3A_361] : memref<2x20x128x8xf32, #tpu.memory_space<vmem>> -> memref<1x20x128x8xf32, #tpu.memory_space<vmem>>
        %dma_start3A_363 = tpu.memref_squeeze %dma_start3A_362 : memref<1x20x128x8xf32, #tpu.memory_space<vmem>> -> memref<20x128x8xf32, #tpu.memory_space<vmem>>
        %dma_start3A_364 = arith.constant 0 : i32
        %dma_start3A_365 = arith.constant 0 : i32
        %dma_start3A_366 = tpu.memref_slice %dma_start3A_363[%dma_start3A_358, %dma_start3A_364, %dma_start3A_365] : memref<20x128x8xf32, #tpu.memory_space<vmem>> -> memref<1x128x8xf32, #tpu.memory_space<vmem>>
        %dma_start3A_367 = tpu.memref_squeeze %dma_start3A_366 : memref<1x128x8xf32, #tpu.memory_space<vmem>> -> memref<128x8xf32, #tpu.memory_space<vmem>>
        %dma_start3A_368 = arith.constant 0 : i32
        %dma_start3A_369 = tpu.memref_slice %arg6[%dma_start3A_356, %dma_start3A_368] : memref<2x2560xi32, #tpu.memory_space<vmem>> -> memref<1x2560xi32, #tpu.memory_space<vmem>>
        %dma_start3A_370 = tpu.memref_squeeze %dma_start3A_369 : memref<1x2560xi32, #tpu.memory_space<vmem>> -> memref<2560xi32, #tpu.memory_space<vmem>>
        %dma_start3A_371 = arith.constant 1408 : i32
        %dma_start3A_372 = tpu.memref_slice %dma_start3A_370[%dma_start3A_371] : memref<2560xi32, #tpu.memory_space<vmem>> -> memref<128xi32, #tpu.memory_space<vmem>>
        %dma_start3A_373 = arith.constant 0 : i32
        %dma_start3A_374 = arith.constant 0 : i32
        %dma_start3A_375 = tpu.memref_slice %arg2[%dma_start3A_373, %dma_start3A_374] : memref<200000x8xf32, #tpu.memory_space<hbm>> -> memref<200000x8xf32, #tpu.memory_space<hbm>>
        tpu.enqueue_indirect_dma source(%dma_start3A_375 : memref<200000x8xf32, #tpu.memory_space<hbm>>) target(%dma_start3A_367 : memref<128x8xf32, #tpu.memory_space<vmem>>) offsets(%dma_start3A_372 : memref<128xi32, #tpu.memory_space<vmem>>) semaphore(%arg10 : memref<!tpu.dma_semaphore, #tpu.memory_space<semaphore_mem>>)
        %dma_start3A_376 = arith.constant 1 : i32
        %dma_start3A_377 = arith.constant 1 : i32
        %dma_start3A_378 = arith.constant 12 : i32
        %dma_start3A_379 = arith.constant 0 : i32
        %dma_start3A_380 = arith.constant 0 : i32
        %dma_start3A_381 = arith.constant 0 : i32
        %dma_start3A_382 = tpu.memref_slice %arg8[%dma_start3A_377, %dma_start3A_379, %dma_start3A_380, %dma_start3A_381] : memref<2x20x128x8xf32, #tpu.memory_space<vmem>> -> memref<1x20x128x8xf32, #tpu.memory_space<vmem>>
        %dma_start3A_383 = tpu.memref_squeeze %dma_start3A_382 : memref<1x20x128x8xf32, #tpu.memory_space<vmem>> -> memref<20x128x8xf32, #tpu.memory_space<vmem>>
        %dma_start3A_384 = arith.constant 0 : i32
        %dma_start3A_385 = arith.constant 0 : i32
        %dma_start3A_386 = tpu.memref_slice %dma_start3A_383[%dma_start3A_378, %dma_start3A_384, %dma_start3A_385] : memref<20x128x8xf32, #tpu.memory_space<vmem>> -> memref<1x128x8xf32, #tpu.memory_space<vmem>>
        %dma_start3A_387 = tpu.memref_squeeze %dma_start3A_386 : memref<1x128x8xf32, #tpu.memory_space<vmem>> -> memref<128x8xf32, #tpu.memory_space<vmem>>
        %dma_start3A_388 = arith.constant 0 : i32
        %dma_start3A_389 = tpu.memref_slice %arg6[%dma_start3A_376, %dma_start3A_388] : memref<2x2560xi32, #tpu.memory_space<vmem>> -> memref<1x2560xi32, #tpu.memory_space<vmem>>
        %dma_start3A_390 = tpu.memref_squeeze %dma_start3A_389 : memref<1x2560xi32, #tpu.memory_space<vmem>> -> memref<2560xi32, #tpu.memory_space<vmem>>
        %dma_start3A_391 = arith.constant 1536 : i32
        %dma_start3A_392 = tpu.memref_slice %dma_start3A_390[%dma_start3A_391] : memref<2560xi32, #tpu.memory_space<vmem>> -> memref<128xi32, #tpu.memory_space<vmem>>
        %dma_start3A_393 = arith.constant 0 : i32
        %dma_start3A_394 = arith.constant 0 : i32
        %dma_start3A_395 = tpu.memref_slice %arg2[%dma_start3A_393, %dma_start3A_394] : memref<200000x8xf32, #tpu.memory_space<hbm>> -> memref<200000x8xf32, #tpu.memory_space<hbm>>
        tpu.enqueue_indirect_dma source(%dma_start3A_395 : memref<200000x8xf32, #tpu.memory_space<hbm>>) target(%dma_start3A_387 : memref<128x8xf32, #tpu.memory_space<vmem>>) offsets(%dma_start3A_392 : memref<128xi32, #tpu.memory_space<vmem>>) semaphore(%arg10 : memref<!tpu.dma_semaphore, #tpu.memory_space<semaphore_mem>>)
        %dma_start3A_396 = arith.constant 1 : i32
        %dma_start3A_397 = arith.constant 1 : i32
        %dma_start3A_398 = arith.constant 13 : i32
        %dma_start3A_399 = arith.constant 0 : i32
        %dma_start3A_400 = arith.constant 0 : i32
        %dma_start3A_401 = arith.constant 0 : i32
        %dma_start3A_402 = tpu.memref_slice %arg8[%dma_start3A_397, %dma_start3A_399, %dma_start3A_400, %dma_start3A_401] : memref<2x20x128x8xf32, #tpu.memory_space<vmem>> -> memref<1x20x128x8xf32, #tpu.memory_space<vmem>>
        %dma_start3A_403 = tpu.memref_squeeze %dma_start3A_402 : memref<1x20x128x8xf32, #tpu.memory_space<vmem>> -> memref<20x128x8xf32, #tpu.memory_space<vmem>>
        %dma_start3A_404 = arith.constant 0 : i32
        %dma_start3A_405 = arith.constant 0 : i32
        %dma_start3A_406 = tpu.memref_slice %dma_start3A_403[%dma_start3A_398, %dma_start3A_404, %dma_start3A_405] : memref<20x128x8xf32, #tpu.memory_space<vmem>> -> memref<1x128x8xf32, #tpu.memory_space<vmem>>
        %dma_start3A_407 = tpu.memref_squeeze %dma_start3A_406 : memref<1x128x8xf32, #tpu.memory_space<vmem>> -> memref<128x8xf32, #tpu.memory_space<vmem>>
        %dma_start3A_408 = arith.constant 0 : i32
        %dma_start3A_409 = tpu.memref_slice %arg6[%dma_start3A_396, %dma_start3A_408] : memref<2x2560xi32, #tpu.memory_space<vmem>> -> memref<1x2560xi32, #tpu.memory_space<vmem>>
        %dma_start3A_410 = tpu.memref_squeeze %dma_start3A_409 : memref<1x2560xi32, #tpu.memory_space<vmem>> -> memref<2560xi32, #tpu.memory_space<vmem>>
        %dma_start3A_411 = arith.constant 1664 : i32
        %dma_start3A_412 = tpu.memref_slice %dma_start3A_410[%dma_start3A_411] : memref<2560xi32, #tpu.memory_space<vmem>> -> memref<128xi32, #tpu.memory_space<vmem>>
        %dma_start3A_413 = arith.constant 0 : i32
        %dma_start3A_414 = arith.constant 0 : i32
        %dma_start3A_415 = tpu.memref_slice %arg2[%dma_start3A_413, %dma_start3A_414] : memref<200000x8xf32, #tpu.memory_space<hbm>> -> memref<200000x8xf32, #tpu.memory_space<hbm>>
        tpu.enqueue_indirect_dma source(%dma_start3A_415 : memref<200000x8xf32, #tpu.memory_space<hbm>>) target(%dma_start3A_407 : memref<128x8xf32, #tpu.memory_space<vmem>>) offsets(%dma_start3A_412 : memref<128xi32, #tpu.memory_space<vmem>>) semaphore(%arg10 : memref<!tpu.dma_semaphore, #tpu.memory_space<semaphore_mem>>)
        %dma_start3A_416 = arith.constant 1 : i32
        %dma_start3A_417 = arith.constant 1 : i32
        %dma_start3A_418 = arith.constant 14 : i32
        %dma_start3A_419 = arith.constant 0 : i32
        %dma_start3A_420 = arith.constant 0 : i32
        %dma_start3A_421 = arith.constant 0 : i32
        %dma_start3A_422 = tpu.memref_slice %arg8[%dma_start3A_417, %dma_start3A_419, %dma_start3A_420, %dma_start3A_421] : memref<2x20x128x8xf32, #tpu.memory_space<vmem>> -> memref<1x20x128x8xf32, #tpu.memory_space<vmem>>
        %dma_start3A_423 = tpu.memref_squeeze %dma_start3A_422 : memref<1x20x128x8xf32, #tpu.memory_space<vmem>> -> memref<20x128x8xf32, #tpu.memory_space<vmem>>
        %dma_start3A_424 = arith.constant 0 : i32
        %dma_start3A_425 = arith.constant 0 : i32
        %dma_start3A_426 = tpu.memref_slice %dma_start3A_423[%dma_start3A_418, %dma_start3A_424, %dma_start3A_425] : memref<20x128x8xf32, #tpu.memory_space<vmem>> -> memref<1x128x8xf32, #tpu.memory_space<vmem>>
        %dma_start3A_427 = tpu.memref_squeeze %dma_start3A_426 : memref<1x128x8xf32, #tpu.memory_space<vmem>> -> memref<128x8xf32, #tpu.memory_space<vmem>>
        %dma_start3A_428 = arith.constant 0 : i32
        %dma_start3A_429 = tpu.memref_slice %arg6[%dma_start3A_416, %dma_start3A_428] : memref<2x2560xi32, #tpu.memory_space<vmem>> -> memref<1x2560xi32, #tpu.memory_space<vmem>>
        %dma_start3A_430 = tpu.memref_squeeze %dma_start3A_429 : memref<1x2560xi32, #tpu.memory_space<vmem>> -> memref<2560xi32, #tpu.memory_space<vmem>>
        %dma_start3A_431 = arith.constant 1792 : i32
        %dma_start3A_432 = tpu.memref_slice %dma_start3A_430[%dma_start3A_431] : memref<2560xi32, #tpu.memory_space<vmem>> -> memref<128xi32, #tpu.memory_space<vmem>>
        %dma_start3A_433 = arith.constant 0 : i32
        %dma_start3A_434 = arith.constant 0 : i32
        %dma_start3A_435 = tpu.memref_slice %arg2[%dma_start3A_433, %dma_start3A_434] : memref<200000x8xf32, #tpu.memory_space<hbm>> -> memref<200000x8xf32, #tpu.memory_space<hbm>>
        tpu.enqueue_indirect_dma source(%dma_start3A_435 : memref<200000x8xf32, #tpu.memory_space<hbm>>) target(%dma_start3A_427 : memref<128x8xf32, #tpu.memory_space<vmem>>) offsets(%dma_start3A_432 : memref<128xi32, #tpu.memory_space<vmem>>) semaphore(%arg10 : memref<!tpu.dma_semaphore, #tpu.memory_space<semaphore_mem>>)
        %dma_start3A_436 = arith.constant 1 : i32
        %dma_start3A_437 = arith.constant 1 : i32
        %dma_start3A_438 = arith.constant 15 : i32
        %dma_start3A_439 = arith.constant 0 : i32
        %dma_start3A_440 = arith.constant 0 : i32
        %dma_start3A_441 = arith.constant 0 : i32
        %dma_start3A_442 = tpu.memref_slice %arg8[%dma_start3A_437, %dma_start3A_439, %dma_start3A_440, %dma_start3A_441] : memref<2x20x128x8xf32, #tpu.memory_space<vmem>> -> memref<1x20x128x8xf32, #tpu.memory_space<vmem>>
        %dma_start3A_443 = tpu.memref_squeeze %dma_start3A_442 : memref<1x20x128x8xf32, #tpu.memory_space<vmem>> -> memref<20x128x8xf32, #tpu.memory_space<vmem>>
        %dma_start3A_444 = arith.constant 0 : i32
        %dma_start3A_445 = arith.constant 0 : i32
        %dma_start3A_446 = tpu.memref_slice %dma_start3A_443[%dma_start3A_438, %dma_start3A_444, %dma_start3A_445] : memref<20x128x8xf32, #tpu.memory_space<vmem>> -> memref<1x128x8xf32, #tpu.memory_space<vmem>>
        %dma_start3A_447 = tpu.memref_squeeze %dma_start3A_446 : memref<1x128x8xf32, #tpu.memory_space<vmem>> -> memref<128x8xf32, #tpu.memory_space<vmem>>
        %dma_start3A_448 = arith.constant 0 : i32
        %dma_start3A_449 = tpu.memref_slice %arg6[%dma_start3A_436, %dma_start3A_448] : memref<2x2560xi32, #tpu.memory_space<vmem>> -> memref<1x2560xi32, #tpu.memory_space<vmem>>
        %dma_start3A_450 = tpu.memref_squeeze %dma_start3A_449 : memref<1x2560xi32, #tpu.memory_space<vmem>> -> memref<2560xi32, #tpu.memory_space<vmem>>
        %dma_start3A_451 = arith.constant 1920 : i32
        %dma_start3A_452 = tpu.memref_slice %dma_start3A_450[%dma_start3A_451] : memref<2560xi32, #tpu.memory_space<vmem>> -> memref<128xi32, #tpu.memory_space<vmem>>
        %dma_start3A_453 = arith.constant 0 : i32
        %dma_start3A_454 = arith.constant 0 : i32
        %dma_start3A_455 = tpu.memref_slice %arg2[%dma_start3A_453, %dma_start3A_454] : memref<200000x8xf32, #tpu.memory_space<hbm>> -> memref<200000x8xf32, #tpu.memory_space<hbm>>
        tpu.enqueue_indirect_dma source(%dma_start3A_455 : memref<200000x8xf32, #tpu.memory_space<hbm>>) target(%dma_start3A_447 : memref<128x8xf32, #tpu.memory_space<vmem>>) offsets(%dma_start3A_452 : memref<128xi32, #tpu.memory_space<vmem>>) semaphore(%arg10 : memref<!tpu.dma_semaphore, #tpu.memory_space<semaphore_mem>>)
        %dma_start3A_456 = arith.constant 1 : i32
        %dma_start3A_457 = arith.constant 1 : i32
        %dma_start3A_458 = arith.constant 16 : i32
        %dma_start3A_459 = arith.constant 0 : i32
        %dma_start3A_460 = arith.constant 0 : i32
        %dma_start3A_461 = arith.constant 0 : i32
        %dma_start3A_462 = tpu.memref_slice %arg8[%dma_start3A_457, %dma_start3A_459, %dma_start3A_460, %dma_start3A_461] : memref<2x20x128x8xf32, #tpu.memory_space<vmem>> -> memref<1x20x128x8xf32, #tpu.memory_space<vmem>>
        %dma_start3A_463 = tpu.memref_squeeze %dma_start3A_462 : memref<1x20x128x8xf32, #tpu.memory_space<vmem>> -> memref<20x128x8xf32, #tpu.memory_space<vmem>>
        %dma_start3A_464 = arith.constant 0 : i32
        %dma_start3A_465 = arith.constant 0 : i32
        %dma_start3A_466 = tpu.memref_slice %dma_start3A_463[%dma_start3A_458, %dma_start3A_464, %dma_start3A_465] : memref<20x128x8xf32, #tpu.memory_space<vmem>> -> memref<1x128x8xf32, #tpu.memory_space<vmem>>
        %dma_start3A_467 = tpu.memref_squeeze %dma_start3A_466 : memref<1x128x8xf32, #tpu.memory_space<vmem>> -> memref<128x8xf32, #tpu.memory_space<vmem>>
        %dma_start3A_468 = arith.constant 0 : i32
        %dma_start3A_469 = tpu.memref_slice %arg6[%dma_start3A_456, %dma_start3A_468] : memref<2x2560xi32, #tpu.memory_space<vmem>> -> memref<1x2560xi32, #tpu.memory_space<vmem>>
        %dma_start3A_470 = tpu.memref_squeeze %dma_start3A_469 : memref<1x2560xi32, #tpu.memory_space<vmem>> -> memref<2560xi32, #tpu.memory_space<vmem>>
        %dma_start3A_471 = arith.constant 2048 : i32
        %dma_start3A_472 = tpu.memref_slice %dma_start3A_470[%dma_start3A_471] : memref<2560xi32, #tpu.memory_space<vmem>> -> memref<128xi32, #tpu.memory_space<vmem>>
        %dma_start3A_473 = arith.constant 0 : i32
        %dma_start3A_474 = arith.constant 0 : i32
        %dma_start3A_475 = tpu.memref_slice %arg2[%dma_start3A_473, %dma_start3A_474] : memref<200000x8xf32, #tpu.memory_space<hbm>> -> memref<200000x8xf32, #tpu.memory_space<hbm>>
        tpu.enqueue_indirect_dma source(%dma_start3A_475 : memref<200000x8xf32, #tpu.memory_space<hbm>>) target(%dma_start3A_467 : memref<128x8xf32, #tpu.memory_space<vmem>>) offsets(%dma_start3A_472 : memref<128xi32, #tpu.memory_space<vmem>>) semaphore(%arg10 : memref<!tpu.dma_semaphore, #tpu.memory_space<semaphore_mem>>)
        %dma_start3A_476 = arith.constant 1 : i32
        %dma_start3A_477 = arith.constant 1 : i32
        %dma_start3A_478 = arith.constant 17 : i32
        %dma_start3A_479 = arith.constant 0 : i32
        %dma_start3A_480 = arith.constant 0 : i32
        %dma_start3A_481 = arith.constant 0 : i32
        %dma_start3A_482 = tpu.memref_slice %arg8[%dma_start3A_477, %dma_start3A_479, %dma_start3A_480, %dma_start3A_481] : memref<2x20x128x8xf32, #tpu.memory_space<vmem>> -> memref<1x20x128x8xf32, #tpu.memory_space<vmem>>
        %dma_start3A_483 = tpu.memref_squeeze %dma_start3A_482 : memref<1x20x128x8xf32, #tpu.memory_space<vmem>> -> memref<20x128x8xf32, #tpu.memory_space<vmem>>
        %dma_start3A_484 = arith.constant 0 : i32
        %dma_start3A_485 = arith.constant 0 : i32
        %dma_start3A_486 = tpu.memref_slice %dma_start3A_483[%dma_start3A_478, %dma_start3A_484, %dma_start3A_485] : memref<20x128x8xf32, #tpu.memory_space<vmem>> -> memref<1x128x8xf32, #tpu.memory_space<vmem>>
        %dma_start3A_487 = tpu.memref_squeeze %dma_start3A_486 : memref<1x128x8xf32, #tpu.memory_space<vmem>> -> memref<128x8xf32, #tpu.memory_space<vmem>>
        %dma_start3A_488 = arith.constant 0 : i32
        %dma_start3A_489 = tpu.memref_slice %arg6[%dma_start3A_476, %dma_start3A_488] : memref<2x2560xi32, #tpu.memory_space<vmem>> -> memref<1x2560xi32, #tpu.memory_space<vmem>>
        %dma_start3A_490 = tpu.memref_squeeze %dma_start3A_489 : memref<1x2560xi32, #tpu.memory_space<vmem>> -> memref<2560xi32, #tpu.memory_space<vmem>>
        %dma_start3A_491 = arith.constant 2176 : i32
        %dma_start3A_492 = tpu.memref_slice %dma_start3A_490[%dma_start3A_491] : memref<2560xi32, #tpu.memory_space<vmem>> -> memref<128xi32, #tpu.memory_space<vmem>>
        %dma_start3A_493 = arith.constant 0 : i32
        %dma_start3A_494 = arith.constant 0 : i32
        %dma_start3A_495 = tpu.memref_slice %arg2[%dma_start3A_493, %dma_start3A_494] : memref<200000x8xf32, #tpu.memory_space<hbm>> -> memref<200000x8xf32, #tpu.memory_space<hbm>>
        tpu.enqueue_indirect_dma source(%dma_start3A_495 : memref<200000x8xf32, #tpu.memory_space<hbm>>) target(%dma_start3A_487 : memref<128x8xf32, #tpu.memory_space<vmem>>) offsets(%dma_start3A_492 : memref<128xi32, #tpu.memory_space<vmem>>) semaphore(%arg10 : memref<!tpu.dma_semaphore, #tpu.memory_space<semaphore_mem>>)
        %dma_start3A_496 = arith.constant 1 : i32
        %dma_start3A_497 = arith.constant 1 : i32
        %dma_start3A_498 = arith.constant 18 : i32
        %dma_start3A_499 = arith.constant 0 : i32
        %dma_start3A_500 = arith.constant 0 : i32
        %dma_start3A_501 = arith.constant 0 : i32
        %dma_start3A_502 = tpu.memref_slice %arg8[%dma_start3A_497, %dma_start3A_499, %dma_start3A_500, %dma_start3A_501] : memref<2x20x128x8xf32, #tpu.memory_space<vmem>> -> memref<1x20x128x8xf32, #tpu.memory_space<vmem>>
        %dma_start3A_503 = tpu.memref_squeeze %dma_start3A_502 : memref<1x20x128x8xf32, #tpu.memory_space<vmem>> -> memref<20x128x8xf32, #tpu.memory_space<vmem>>
        %dma_start3A_504 = arith.constant 0 : i32
        %dma_start3A_505 = arith.constant 0 : i32
        %dma_start3A_506 = tpu.memref_slice %dma_start3A_503[%dma_start3A_498, %dma_start3A_504, %dma_start3A_505] : memref<20x128x8xf32, #tpu.memory_space<vmem>> -> memref<1x128x8xf32, #tpu.memory_space<vmem>>
        %dma_start3A_507 = tpu.memref_squeeze %dma_start3A_506 : memref<1x128x8xf32, #tpu.memory_space<vmem>> -> memref<128x8xf32, #tpu.memory_space<vmem>>
        %dma_start3A_508 = arith.constant 0 : i32
        %dma_start3A_509 = tpu.memref_slice %arg6[%dma_start3A_496, %dma_start3A_508] : memref<2x2560xi32, #tpu.memory_space<vmem>> -> memref<1x2560xi32, #tpu.memory_space<vmem>>
        %dma_start3A_510 = tpu.memref_squeeze %dma_start3A_509 : memref<1x2560xi32, #tpu.memory_space<vmem>> -> memref<2560xi32, #tpu.memory_space<vmem>>
        %dma_start3A_511 = arith.constant 2304 : i32
        %dma_start3A_512 = tpu.memref_slice %dma_start3A_510[%dma_start3A_511] : memref<2560xi32, #tpu.memory_space<vmem>> -> memref<128xi32, #tpu.memory_space<vmem>>
        %dma_start3A_513 = arith.constant 0 : i32
        %dma_start3A_514 = arith.constant 0 : i32
        %dma_start3A_515 = tpu.memref_slice %arg2[%dma_start3A_513, %dma_start3A_514] : memref<200000x8xf32, #tpu.memory_space<hbm>> -> memref<200000x8xf32, #tpu.memory_space<hbm>>
        tpu.enqueue_indirect_dma source(%dma_start3A_515 : memref<200000x8xf32, #tpu.memory_space<hbm>>) target(%dma_start3A_507 : memref<128x8xf32, #tpu.memory_space<vmem>>) offsets(%dma_start3A_512 : memref<128xi32, #tpu.memory_space<vmem>>) semaphore(%arg10 : memref<!tpu.dma_semaphore, #tpu.memory_space<semaphore_mem>>)
        %dma_start3A_516 = arith.constant 1 : i32
        %dma_start3A_517 = arith.constant 1 : i32
        %dma_start3A_518 = arith.constant 19 : i32
        %dma_start3A_519 = arith.constant 0 : i32
        %dma_start3A_520 = arith.constant 0 : i32
        %dma_start3A_521 = arith.constant 0 : i32
        %dma_start3A_522 = tpu.memref_slice %arg8[%dma_start3A_517, %dma_start3A_519, %dma_start3A_520, %dma_start3A_521] : memref<2x20x128x8xf32, #tpu.memory_space<vmem>> -> memref<1x20x128x8xf32, #tpu.memory_space<vmem>>
        %dma_start3A_523 = tpu.memref_squeeze %dma_start3A_522 : memref<1x20x128x8xf32, #tpu.memory_space<vmem>> -> memref<20x128x8xf32, #tpu.memory_space<vmem>>
        %dma_start3A_524 = arith.constant 0 : i32
        %dma_start3A_525 = arith.constant 0 : i32
        %dma_start3A_526 = tpu.memref_slice %dma_start3A_523[%dma_start3A_518, %dma_start3A_524, %dma_start3A_525] : memref<20x128x8xf32, #tpu.memory_space<vmem>> -> memref<1x128x8xf32, #tpu.memory_space<vmem>>
        %dma_start3A_527 = tpu.memref_squeeze %dma_start3A_526 : memref<1x128x8xf32, #tpu.memory_space<vmem>> -> memref<128x8xf32, #tpu.memory_space<vmem>>
        %dma_start3A_528 = arith.constant 0 : i32
        %dma_start3A_529 = tpu.memref_slice %arg6[%dma_start3A_516, %dma_start3A_528] : memref<2x2560xi32, #tpu.memory_space<vmem>> -> memref<1x2560xi32, #tpu.memory_space<vmem>>
        %dma_start3A_530 = tpu.memref_squeeze %dma_start3A_529 : memref<1x2560xi32, #tpu.memory_space<vmem>> -> memref<2560xi32, #tpu.memory_space<vmem>>
        %dma_start3A_531 = arith.constant 2432 : i32
        %dma_start3A_532 = tpu.memref_slice %dma_start3A_530[%dma_start3A_531] : memref<2560xi32, #tpu.memory_space<vmem>> -> memref<128xi32, #tpu.memory_space<vmem>>
        %dma_start3A_533 = arith.constant 0 : i32
        %dma_start3A_534 = arith.constant 0 : i32
        %dma_start3A_535 = tpu.memref_slice %arg2[%dma_start3A_533, %dma_start3A_534] : memref<200000x8xf32, #tpu.memory_space<hbm>> -> memref<200000x8xf32, #tpu.memory_space<hbm>>
        tpu.enqueue_indirect_dma source(%dma_start3A_535 : memref<200000x8xf32, #tpu.memory_space<hbm>>) target(%dma_start3A_527 : memref<128x8xf32, #tpu.memory_space<vmem>>) offsets(%dma_start3A_532 : memref<128xi32, #tpu.memory_space<vmem>>) semaphore(%arg10 : memref<!tpu.dma_semaphore, #tpu.memory_space<semaphore_mem>>)
      } else {
      }
      %ge3A_87 = arith.constant 1 : i32
      %ge3A_88 = arith.cmpi sge, %add3A_78, %ge3A_87 : i32
      %sub3A_89 = arith.constant 32 : i32
      %sub3A_90 = arith.subi %add3A_81, %sub3A_89 : i32
      %lt3A_91 = arith.constant 2500 : i32
      %lt3A_92 = arith.cmpi slt, %sub3A_90, %lt3A_91 : i32
      %and3A_93 = arith.andi %ge3A_88, %lt3A_92 : i1
      %convert_element_type3A_94 = arith.extui %and3A_93 : i1 to i32
      %cond3A_95 = arith.constant 0 : i32
      %cond3A_96 = arith.cmpi ne, %convert_element_type3A_94, %cond3A_95 : i32
      scf.if %cond3A_96 {
        %dma_wait3A = arith.constant 0 : i32
        %dma_wait3A_109 = arith.constant 0 : i32
        %dma_wait3A_110 = arith.constant 0 : i32
        %dma_wait3A_111 = arith.constant 0 : i32
        %dma_wait3A_112 = arith.constant 0 : i32
        %dma_wait3A_113 = arith.constant 0 : i32
        %dma_wait3A_114 = tpu.memref_slice %arg8[%dma_wait3A, %dma_wait3A_111, %dma_wait3A_112, %dma_wait3A_113] : memref<2x20x128x8xf32, #tpu.memory_space<vmem>> -> memref<1x20x128x8xf32, #tpu.memory_space<vmem>>
        %dma_wait3A_115 = tpu.memref_squeeze %dma_wait3A_114 : memref<1x20x128x8xf32, #tpu.memory_space<vmem>> -> memref<20x128x8xf32, #tpu.memory_space<vmem>>
        %dma_wait3A_116 = arith.constant 0 : i32
        %dma_wait3A_117 = arith.constant 0 : i32
        %dma_wait3A_118 = tpu.memref_slice %dma_wait3A_115[%dma_wait3A_109, %dma_wait3A_116, %dma_wait3A_117] : memref<20x128x8xf32, #tpu.memory_space<vmem>> -> memref<1x128x8xf32, #tpu.memory_space<vmem>>
        %dma_wait3A_119 = tpu.memref_squeeze %dma_wait3A_118 : memref<1x128x8xf32, #tpu.memory_space<vmem>> -> memref<128x8xf32, #tpu.memory_space<vmem>>
        %dma_wait3A_120 = arith.constant 0 : i32
        %dma_wait3A_121 = tpu.memref_slice %arg7[%dma_wait3A_110, %dma_wait3A_120] : memref<2x2560xi32, #tpu.memory_space<vmem>> -> memref<1x2560xi32, #tpu.memory_space<vmem>>
        %dma_wait3A_122 = tpu.memref_squeeze %dma_wait3A_121 : memref<1x2560xi32, #tpu.memory_space<vmem>> -> memref<2560xi32, #tpu.memory_space<vmem>>
        %dma_wait3A_123 = arith.constant 0 : i32
        %dma_wait3A_124 = tpu.memref_slice %dma_wait3A_122[%dma_wait3A_123] : memref<2560xi32, #tpu.memory_space<vmem>> -> memref<128xi32, #tpu.memory_space<vmem>>
        %dma_wait3A_125 = arith.constant 0 : i32
        %dma_wait3A_126 = arith.constant 0 : i32
        %dma_wait3A_127 = tpu.memref_slice %arg5[%dma_wait3A_125, %dma_wait3A_126] : memref<100000x8xf32, #tpu.memory_space<vmem_shared>> -> memref<100000x8xf32, #tpu.memory_space<vmem_shared>>
        tpu.wait_indirect_dma semaphore(%arg11 : memref<!tpu.dma_semaphore, #tpu.memory_space<semaphore_mem>>) src(%dma_wait3A_119 : memref<128x8xf32, #tpu.memory_space<vmem>>) dst(%dma_wait3A_127 : memref<100000x8xf32, #tpu.memory_space<vmem_shared>>)
        %dma_wait3A_128 = arith.constant 0 : i32
        %dma_wait3A_129 = arith.constant 1 : i32
        %dma_wait3A_130 = arith.constant 0 : i32
        %dma_wait3A_131 = arith.constant 0 : i32
        %dma_wait3A_132 = arith.constant 0 : i32
        %dma_wait3A_133 = arith.constant 0 : i32
        %dma_wait3A_134 = tpu.memref_slice %arg8[%dma_wait3A_128, %dma_wait3A_131, %dma_wait3A_132, %dma_wait3A_133] : memref<2x20x128x8xf32, #tpu.memory_space<vmem>> -> memref<1x20x128x8xf32, #tpu.memory_space<vmem>>
        %dma_wait3A_135 = tpu.memref_squeeze %dma_wait3A_134 : memref<1x20x128x8xf32, #tpu.memory_space<vmem>> -> memref<20x128x8xf32, #tpu.memory_space<vmem>>
        %dma_wait3A_136 = arith.constant 0 : i32
        %dma_wait3A_137 = arith.constant 0 : i32
        %dma_wait3A_138 = tpu.memref_slice %dma_wait3A_135[%dma_wait3A_129, %dma_wait3A_136, %dma_wait3A_137] : memref<20x128x8xf32, #tpu.memory_space<vmem>> -> memref<1x128x8xf32, #tpu.memory_space<vmem>>
        %dma_wait3A_139 = tpu.memref_squeeze %dma_wait3A_138 : memref<1x128x8xf32, #tpu.memory_space<vmem>> -> memref<128x8xf32, #tpu.memory_space<vmem>>
        %dma_wait3A_140 = arith.constant 0 : i32
        %dma_wait3A_141 = tpu.memref_slice %arg7[%dma_wait3A_130, %dma_wait3A_140] : memref<2x2560xi32, #tpu.memory_space<vmem>> -> memref<1x2560xi32, #tpu.memory_space<vmem>>
        %dma_wait3A_142 = tpu.memref_squeeze %dma_wait3A_141 : memref<1x2560xi32, #tpu.memory_space<vmem>> -> memref<2560xi32, #tpu.memory_space<vmem>>
        %dma_wait3A_143 = arith.constant 128 : i32
        %dma_wait3A_144 = tpu.memref_slice %dma_wait3A_142[%dma_wait3A_143] : memref<2560xi32, #tpu.memory_space<vmem>> -> memref<128xi32, #tpu.memory_space<vmem>>
        %dma_wait3A_145 = arith.constant 0 : i32
        %dma_wait3A_146 = arith.constant 0 : i32
        %dma_wait3A_147 = tpu.memref_slice %arg5[%dma_wait3A_145, %dma_wait3A_146] : memref<100000x8xf32, #tpu.memory_space<vmem_shared>> -> memref<100000x8xf32, #tpu.memory_space<vmem_shared>>
        tpu.wait_indirect_dma semaphore(%arg11 : memref<!tpu.dma_semaphore, #tpu.memory_space<semaphore_mem>>) src(%dma_wait3A_139 : memref<128x8xf32, #tpu.memory_space<vmem>>) dst(%dma_wait3A_147 : memref<100000x8xf32, #tpu.memory_space<vmem_shared>>)
        %dma_wait3A_148 = arith.constant 0 : i32
        %dma_wait3A_149 = arith.constant 2 : i32
        %dma_wait3A_150 = arith.constant 0 : i32
        %dma_wait3A_151 = arith.constant 0 : i32
        %dma_wait3A_152 = arith.constant 0 : i32
        %dma_wait3A_153 = arith.constant 0 : i32
        %dma_wait3A_154 = tpu.memref_slice %arg8[%dma_wait3A_148, %dma_wait3A_151, %dma_wait3A_152, %dma_wait3A_153] : memref<2x20x128x8xf32, #tpu.memory_space<vmem>> -> memref<1x20x128x8xf32, #tpu.memory_space<vmem>>
        %dma_wait3A_155 = tpu.memref_squeeze %dma_wait3A_154 : memref<1x20x128x8xf32, #tpu.memory_space<vmem>> -> memref<20x128x8xf32, #tpu.memory_space<vmem>>
        %dma_wait3A_156 = arith.constant 0 : i32
        %dma_wait3A_157 = arith.constant 0 : i32
        %dma_wait3A_158 = tpu.memref_slice %dma_wait3A_155[%dma_wait3A_149, %dma_wait3A_156, %dma_wait3A_157] : memref<20x128x8xf32, #tpu.memory_space<vmem>> -> memref<1x128x8xf32, #tpu.memory_space<vmem>>
        %dma_wait3A_159 = tpu.memref_squeeze %dma_wait3A_158 : memref<1x128x8xf32, #tpu.memory_space<vmem>> -> memref<128x8xf32, #tpu.memory_space<vmem>>
        %dma_wait3A_160 = arith.constant 0 : i32
        %dma_wait3A_161 = tpu.memref_slice %arg7[%dma_wait3A_150, %dma_wait3A_160] : memref<2x2560xi32, #tpu.memory_space<vmem>> -> memref<1x2560xi32, #tpu.memory_space<vmem>>
        %dma_wait3A_162 = tpu.memref_squeeze %dma_wait3A_161 : memref<1x2560xi32, #tpu.memory_space<vmem>> -> memref<2560xi32, #tpu.memory_space<vmem>>
        %dma_wait3A_163 = arith.constant 256 : i32
        %dma_wait3A_164 = tpu.memref_slice %dma_wait3A_162[%dma_wait3A_163] : memref<2560xi32, #tpu.memory_space<vmem>> -> memref<128xi32, #tpu.memory_space<vmem>>
        %dma_wait3A_165 = arith.constant 0 : i32
        %dma_wait3A_166 = arith.constant 0 : i32
        %dma_wait3A_167 = tpu.memref_slice %arg5[%dma_wait3A_165, %dma_wait3A_166] : memref<100000x8xf32, #tpu.memory_space<vmem_shared>> -> memref<100000x8xf32, #tpu.memory_space<vmem_shared>>
        tpu.wait_indirect_dma semaphore(%arg11 : memref<!tpu.dma_semaphore, #tpu.memory_space<semaphore_mem>>) src(%dma_wait3A_159 : memref<128x8xf32, #tpu.memory_space<vmem>>) dst(%dma_wait3A_167 : memref<100000x8xf32, #tpu.memory_space<vmem_shared>>)
        %dma_wait3A_168 = arith.constant 0 : i32
        %dma_wait3A_169 = arith.constant 3 : i32
        %dma_wait3A_170 = arith.constant 0 : i32
        %dma_wait3A_171 = arith.constant 0 : i32
        %dma_wait3A_172 = arith.constant 0 : i32
        %dma_wait3A_173 = arith.constant 0 : i32
        %dma_wait3A_174 = tpu.memref_slice %arg8[%dma_wait3A_168, %dma_wait3A_171, %dma_wait3A_172, %dma_wait3A_173] : memref<2x20x128x8xf32, #tpu.memory_space<vmem>> -> memref<1x20x128x8xf32, #tpu.memory_space<vmem>>
        %dma_wait3A_175 = tpu.memref_squeeze %dma_wait3A_174 : memref<1x20x128x8xf32, #tpu.memory_space<vmem>> -> memref<20x128x8xf32, #tpu.memory_space<vmem>>
        %dma_wait3A_176 = arith.constant 0 : i32
        %dma_wait3A_177 = arith.constant 0 : i32
        %dma_wait3A_178 = tpu.memref_slice %dma_wait3A_175[%dma_wait3A_169, %dma_wait3A_176, %dma_wait3A_177] : memref<20x128x8xf32, #tpu.memory_space<vmem>> -> memref<1x128x8xf32, #tpu.memory_space<vmem>>
        %dma_wait3A_179 = tpu.memref_squeeze %dma_wait3A_178 : memref<1x128x8xf32, #tpu.memory_space<vmem>> -> memref<128x8xf32, #tpu.memory_space<vmem>>
        %dma_wait3A_180 = arith.constant 0 : i32
        %dma_wait3A_181 = tpu.memref_slice %arg7[%dma_wait3A_170, %dma_wait3A_180] : memref<2x2560xi32, #tpu.memory_space<vmem>> -> memref<1x2560xi32, #tpu.memory_space<vmem>>
        %dma_wait3A_182 = tpu.memref_squeeze %dma_wait3A_181 : memref<1x2560xi32, #tpu.memory_space<vmem>> -> memref<2560xi32, #tpu.memory_space<vmem>>
        %dma_wait3A_183 = arith.constant 384 : i32
        %dma_wait3A_184 = tpu.memref_slice %dma_wait3A_182[%dma_wait3A_183] : memref<2560xi32, #tpu.memory_space<vmem>> -> memref<128xi32, #tpu.memory_space<vmem>>
        %dma_wait3A_185 = arith.constant 0 : i32
        %dma_wait3A_186 = arith.constant 0 : i32
        %dma_wait3A_187 = tpu.memref_slice %arg5[%dma_wait3A_185, %dma_wait3A_186] : memref<100000x8xf32, #tpu.memory_space<vmem_shared>> -> memref<100000x8xf32, #tpu.memory_space<vmem_shared>>
        tpu.wait_indirect_dma semaphore(%arg11 : memref<!tpu.dma_semaphore, #tpu.memory_space<semaphore_mem>>) src(%dma_wait3A_179 : memref<128x8xf32, #tpu.memory_space<vmem>>) dst(%dma_wait3A_187 : memref<100000x8xf32, #tpu.memory_space<vmem_shared>>)
        %dma_wait3A_188 = arith.constant 0 : i32
        %dma_wait3A_189 = arith.constant 4 : i32
        %dma_wait3A_190 = arith.constant 0 : i32
        %dma_wait3A_191 = arith.constant 0 : i32
        %dma_wait3A_192 = arith.constant 0 : i32
        %dma_wait3A_193 = arith.constant 0 : i32
        %dma_wait3A_194 = tpu.memref_slice %arg8[%dma_wait3A_188, %dma_wait3A_191, %dma_wait3A_192, %dma_wait3A_193] : memref<2x20x128x8xf32, #tpu.memory_space<vmem>> -> memref<1x20x128x8xf32, #tpu.memory_space<vmem>>
        %dma_wait3A_195 = tpu.memref_squeeze %dma_wait3A_194 : memref<1x20x128x8xf32, #tpu.memory_space<vmem>> -> memref<20x128x8xf32, #tpu.memory_space<vmem>>
        %dma_wait3A_196 = arith.constant 0 : i32
        %dma_wait3A_197 = arith.constant 0 : i32
        %dma_wait3A_198 = tpu.memref_slice %dma_wait3A_195[%dma_wait3A_189, %dma_wait3A_196, %dma_wait3A_197] : memref<20x128x8xf32, #tpu.memory_space<vmem>> -> memref<1x128x8xf32, #tpu.memory_space<vmem>>
        %dma_wait3A_199 = tpu.memref_squeeze %dma_wait3A_198 : memref<1x128x8xf32, #tpu.memory_space<vmem>> -> memref<128x8xf32, #tpu.memory_space<vmem>>
        %dma_wait3A_200 = arith.constant 0 : i32
        %dma_wait3A_201 = tpu.memref_slice %arg7[%dma_wait3A_190, %dma_wait3A_200] : memref<2x2560xi32, #tpu.memory_space<vmem>> -> memref<1x2560xi32, #tpu.memory_space<vmem>>
        %dma_wait3A_202 = tpu.memref_squeeze %dma_wait3A_201 : memref<1x2560xi32, #tpu.memory_space<vmem>> -> memref<2560xi32, #tpu.memory_space<vmem>>
        %dma_wait3A_203 = arith.constant 512 : i32
        %dma_wait3A_204 = tpu.memref_slice %dma_wait3A_202[%dma_wait3A_203] : memref<2560xi32, #tpu.memory_space<vmem>> -> memref<128xi32, #tpu.memory_space<vmem>>
        %dma_wait3A_205 = arith.constant 0 : i32
        %dma_wait3A_206 = arith.constant 0 : i32
        %dma_wait3A_207 = tpu.memref_slice %arg5[%dma_wait3A_205, %dma_wait3A_206] : memref<100000x8xf32, #tpu.memory_space<vmem_shared>> -> memref<100000x8xf32, #tpu.memory_space<vmem_shared>>
        tpu.wait_indirect_dma semaphore(%arg11 : memref<!tpu.dma_semaphore, #tpu.memory_space<semaphore_mem>>) src(%dma_wait3A_199 : memref<128x8xf32, #tpu.memory_space<vmem>>) dst(%dma_wait3A_207 : memref<100000x8xf32, #tpu.memory_space<vmem_shared>>)
        %dma_wait3A_208 = arith.constant 0 : i32
        %dma_wait3A_209 = arith.constant 5 : i32
        %dma_wait3A_210 = arith.constant 0 : i32
        %dma_wait3A_211 = arith.constant 0 : i32
        %dma_wait3A_212 = arith.constant 0 : i32
        %dma_wait3A_213 = arith.constant 0 : i32
        %dma_wait3A_214 = tpu.memref_slice %arg8[%dma_wait3A_208, %dma_wait3A_211, %dma_wait3A_212, %dma_wait3A_213] : memref<2x20x128x8xf32, #tpu.memory_space<vmem>> -> memref<1x20x128x8xf32, #tpu.memory_space<vmem>>
        %dma_wait3A_215 = tpu.memref_squeeze %dma_wait3A_214 : memref<1x20x128x8xf32, #tpu.memory_space<vmem>> -> memref<20x128x8xf32, #tpu.memory_space<vmem>>
        %dma_wait3A_216 = arith.constant 0 : i32
        %dma_wait3A_217 = arith.constant 0 : i32
        %dma_wait3A_218 = tpu.memref_slice %dma_wait3A_215[%dma_wait3A_209, %dma_wait3A_216, %dma_wait3A_217] : memref<20x128x8xf32, #tpu.memory_space<vmem>> -> memref<1x128x8xf32, #tpu.memory_space<vmem>>
        %dma_wait3A_219 = tpu.memref_squeeze %dma_wait3A_218 : memref<1x128x8xf32, #tpu.memory_space<vmem>> -> memref<128x8xf32, #tpu.memory_space<vmem>>
        %dma_wait3A_220 = arith.constant 0 : i32
        %dma_wait3A_221 = tpu.memref_slice %arg7[%dma_wait3A_210, %dma_wait3A_220] : memref<2x2560xi32, #tpu.memory_space<vmem>> -> memref<1x2560xi32, #tpu.memory_space<vmem>>
        %dma_wait3A_222 = tpu.memref_squeeze %dma_wait3A_221 : memref<1x2560xi32, #tpu.memory_space<vmem>> -> memref<2560xi32, #tpu.memory_space<vmem>>
        %dma_wait3A_223 = arith.constant 640 : i32
        %dma_wait3A_224 = tpu.memref_slice %dma_wait3A_222[%dma_wait3A_223] : memref<2560xi32, #tpu.memory_space<vmem>> -> memref<128xi32, #tpu.memory_space<vmem>>
        %dma_wait3A_225 = arith.constant 0 : i32
        %dma_wait3A_226 = arith.constant 0 : i32
        %dma_wait3A_227 = tpu.memref_slice %arg5[%dma_wait3A_225, %dma_wait3A_226] : memref<100000x8xf32, #tpu.memory_space<vmem_shared>> -> memref<100000x8xf32, #tpu.memory_space<vmem_shared>>
        tpu.wait_indirect_dma semaphore(%arg11 : memref<!tpu.dma_semaphore, #tpu.memory_space<semaphore_mem>>) src(%dma_wait3A_219 : memref<128x8xf32, #tpu.memory_space<vmem>>) dst(%dma_wait3A_227 : memref<100000x8xf32, #tpu.memory_space<vmem_shared>>)
        %dma_wait3A_228 = arith.constant 0 : i32
        %dma_wait3A_229 = arith.constant 6 : i32
        %dma_wait3A_230 = arith.constant 0 : i32
        %dma_wait3A_231 = arith.constant 0 : i32
        %dma_wait3A_232 = arith.constant 0 : i32
        %dma_wait3A_233 = arith.constant 0 : i32
        %dma_wait3A_234 = tpu.memref_slice %arg8[%dma_wait3A_228, %dma_wait3A_231, %dma_wait3A_232, %dma_wait3A_233] : memref<2x20x128x8xf32, #tpu.memory_space<vmem>> -> memref<1x20x128x8xf32, #tpu.memory_space<vmem>>
        %dma_wait3A_235 = tpu.memref_squeeze %dma_wait3A_234 : memref<1x20x128x8xf32, #tpu.memory_space<vmem>> -> memref<20x128x8xf32, #tpu.memory_space<vmem>>
        %dma_wait3A_236 = arith.constant 0 : i32
        %dma_wait3A_237 = arith.constant 0 : i32
        %dma_wait3A_238 = tpu.memref_slice %dma_wait3A_235[%dma_wait3A_229, %dma_wait3A_236, %dma_wait3A_237] : memref<20x128x8xf32, #tpu.memory_space<vmem>> -> memref<1x128x8xf32, #tpu.memory_space<vmem>>
        %dma_wait3A_239 = tpu.memref_squeeze %dma_wait3A_238 : memref<1x128x8xf32, #tpu.memory_space<vmem>> -> memref<128x8xf32, #tpu.memory_space<vmem>>
        %dma_wait3A_240 = arith.constant 0 : i32
        %dma_wait3A_241 = tpu.memref_slice %arg7[%dma_wait3A_230, %dma_wait3A_240] : memref<2x2560xi32, #tpu.memory_space<vmem>> -> memref<1x2560xi32, #tpu.memory_space<vmem>>
        %dma_wait3A_242 = tpu.memref_squeeze %dma_wait3A_241 : memref<1x2560xi32, #tpu.memory_space<vmem>> -> memref<2560xi32, #tpu.memory_space<vmem>>
        %dma_wait3A_243 = arith.constant 768 : i32
        %dma_wait3A_244 = tpu.memref_slice %dma_wait3A_242[%dma_wait3A_243] : memref<2560xi32, #tpu.memory_space<vmem>> -> memref<128xi32, #tpu.memory_space<vmem>>
        %dma_wait3A_245 = arith.constant 0 : i32
        %dma_wait3A_246 = arith.constant 0 : i32
        %dma_wait3A_247 = tpu.memref_slice %arg5[%dma_wait3A_245, %dma_wait3A_246] : memref<100000x8xf32, #tpu.memory_space<vmem_shared>> -> memref<100000x8xf32, #tpu.memory_space<vmem_shared>>
        tpu.wait_indirect_dma semaphore(%arg11 : memref<!tpu.dma_semaphore, #tpu.memory_space<semaphore_mem>>) src(%dma_wait3A_239 : memref<128x8xf32, #tpu.memory_space<vmem>>) dst(%dma_wait3A_247 : memref<100000x8xf32, #tpu.memory_space<vmem_shared>>)
        %dma_wait3A_248 = arith.constant 0 : i32
        %dma_wait3A_249 = arith.constant 7 : i32
        %dma_wait3A_250 = arith.constant 0 : i32
        %dma_wait3A_251 = arith.constant 0 : i32
        %dma_wait3A_252 = arith.constant 0 : i32
        %dma_wait3A_253 = arith.constant 0 : i32
        %dma_wait3A_254 = tpu.memref_slice %arg8[%dma_wait3A_248, %dma_wait3A_251, %dma_wait3A_252, %dma_wait3A_253] : memref<2x20x128x8xf32, #tpu.memory_space<vmem>> -> memref<1x20x128x8xf32, #tpu.memory_space<vmem>>
        %dma_wait3A_255 = tpu.memref_squeeze %dma_wait3A_254 : memref<1x20x128x8xf32, #tpu.memory_space<vmem>> -> memref<20x128x8xf32, #tpu.memory_space<vmem>>
        %dma_wait3A_256 = arith.constant 0 : i32
        %dma_wait3A_257 = arith.constant 0 : i32
        %dma_wait3A_258 = tpu.memref_slice %dma_wait3A_255[%dma_wait3A_249, %dma_wait3A_256, %dma_wait3A_257] : memref<20x128x8xf32, #tpu.memory_space<vmem>> -> memref<1x128x8xf32, #tpu.memory_space<vmem>>
        %dma_wait3A_259 = tpu.memref_squeeze %dma_wait3A_258 : memref<1x128x8xf32, #tpu.memory_space<vmem>> -> memref<128x8xf32, #tpu.memory_space<vmem>>
        %dma_wait3A_260 = arith.constant 0 : i32
        %dma_wait3A_261 = tpu.memref_slice %arg7[%dma_wait3A_250, %dma_wait3A_260] : memref<2x2560xi32, #tpu.memory_space<vmem>> -> memref<1x2560xi32, #tpu.memory_space<vmem>>
        %dma_wait3A_262 = tpu.memref_squeeze %dma_wait3A_261 : memref<1x2560xi32, #tpu.memory_space<vmem>> -> memref<2560xi32, #tpu.memory_space<vmem>>
        %dma_wait3A_263 = arith.constant 896 : i32
        %dma_wait3A_264 = tpu.memref_slice %dma_wait3A_262[%dma_wait3A_263] : memref<2560xi32, #tpu.memory_space<vmem>> -> memref<128xi32, #tpu.memory_space<vmem>>
        %dma_wait3A_265 = arith.constant 0 : i32
        %dma_wait3A_266 = arith.constant 0 : i32
        %dma_wait3A_267 = tpu.memref_slice %arg5[%dma_wait3A_265, %dma_wait3A_266] : memref<100000x8xf32, #tpu.memory_space<vmem_shared>> -> memref<100000x8xf32, #tpu.memory_space<vmem_shared>>
        tpu.wait_indirect_dma semaphore(%arg11 : memref<!tpu.dma_semaphore, #tpu.memory_space<semaphore_mem>>) src(%dma_wait3A_259 : memref<128x8xf32, #tpu.memory_space<vmem>>) dst(%dma_wait3A_267 : memref<100000x8xf32, #tpu.memory_space<vmem_shared>>)
        %dma_wait3A_268 = arith.constant 0 : i32
        %dma_wait3A_269 = arith.constant 8 : i32
        %dma_wait3A_270 = arith.constant 0 : i32
        %dma_wait3A_271 = arith.constant 0 : i32
        %dma_wait3A_272 = arith.constant 0 : i32
        %dma_wait3A_273 = arith.constant 0 : i32
        %dma_wait3A_274 = tpu.memref_slice %arg8[%dma_wait3A_268, %dma_wait3A_271, %dma_wait3A_272, %dma_wait3A_273] : memref<2x20x128x8xf32, #tpu.memory_space<vmem>> -> memref<1x20x128x8xf32, #tpu.memory_space<vmem>>
        %dma_wait3A_275 = tpu.memref_squeeze %dma_wait3A_274 : memref<1x20x128x8xf32, #tpu.memory_space<vmem>> -> memref<20x128x8xf32, #tpu.memory_space<vmem>>
        %dma_wait3A_276 = arith.constant 0 : i32
        %dma_wait3A_277 = arith.constant 0 : i32
        %dma_wait3A_278 = tpu.memref_slice %dma_wait3A_275[%dma_wait3A_269, %dma_wait3A_276, %dma_wait3A_277] : memref<20x128x8xf32, #tpu.memory_space<vmem>> -> memref<1x128x8xf32, #tpu.memory_space<vmem>>
        %dma_wait3A_279 = tpu.memref_squeeze %dma_wait3A_278 : memref<1x128x8xf32, #tpu.memory_space<vmem>> -> memref<128x8xf32, #tpu.memory_space<vmem>>
        %dma_wait3A_280 = arith.constant 0 : i32
        %dma_wait3A_281 = tpu.memref_slice %arg7[%dma_wait3A_270, %dma_wait3A_280] : memref<2x2560xi32, #tpu.memory_space<vmem>> -> memref<1x2560xi32, #tpu.memory_space<vmem>>
        %dma_wait3A_282 = tpu.memref_squeeze %dma_wait3A_281 : memref<1x2560xi32, #tpu.memory_space<vmem>> -> memref<2560xi32, #tpu.memory_space<vmem>>
        %dma_wait3A_283 = arith.constant 1024 : i32
        %dma_wait3A_284 = tpu.memref_slice %dma_wait3A_282[%dma_wait3A_283] : memref<2560xi32, #tpu.memory_space<vmem>> -> memref<128xi32, #tpu.memory_space<vmem>>
        %dma_wait3A_285 = arith.constant 0 : i32
        %dma_wait3A_286 = arith.constant 0 : i32
        %dma_wait3A_287 = tpu.memref_slice %arg5[%dma_wait3A_285, %dma_wait3A_286] : memref<100000x8xf32, #tpu.memory_space<vmem_shared>> -> memref<100000x8xf32, #tpu.memory_space<vmem_shared>>
        tpu.wait_indirect_dma semaphore(%arg11 : memref<!tpu.dma_semaphore, #tpu.memory_space<semaphore_mem>>) src(%dma_wait3A_279 : memref<128x8xf32, #tpu.memory_space<vmem>>) dst(%dma_wait3A_287 : memref<100000x8xf32, #tpu.memory_space<vmem_shared>>)
        %dma_wait3A_288 = arith.constant 0 : i32
        %dma_wait3A_289 = arith.constant 9 : i32
        %dma_wait3A_290 = arith.constant 0 : i32
        %dma_wait3A_291 = arith.constant 0 : i32
        %dma_wait3A_292 = arith.constant 0 : i32
        %dma_wait3A_293 = arith.constant 0 : i32
        %dma_wait3A_294 = tpu.memref_slice %arg8[%dma_wait3A_288, %dma_wait3A_291, %dma_wait3A_292, %dma_wait3A_293] : memref<2x20x128x8xf32, #tpu.memory_space<vmem>> -> memref<1x20x128x8xf32, #tpu.memory_space<vmem>>
        %dma_wait3A_295 = tpu.memref_squeeze %dma_wait3A_294 : memref<1x20x128x8xf32, #tpu.memory_space<vmem>> -> memref<20x128x8xf32, #tpu.memory_space<vmem>>
        %dma_wait3A_296 = arith.constant 0 : i32
        %dma_wait3A_297 = arith.constant 0 : i32
        %dma_wait3A_298 = tpu.memref_slice %dma_wait3A_295[%dma_wait3A_289, %dma_wait3A_296, %dma_wait3A_297] : memref<20x128x8xf32, #tpu.memory_space<vmem>> -> memref<1x128x8xf32, #tpu.memory_space<vmem>>
        %dma_wait3A_299 = tpu.memref_squeeze %dma_wait3A_298 : memref<1x128x8xf32, #tpu.memory_space<vmem>> -> memref<128x8xf32, #tpu.memory_space<vmem>>
        %dma_wait3A_300 = arith.constant 0 : i32
        %dma_wait3A_301 = tpu.memref_slice %arg7[%dma_wait3A_290, %dma_wait3A_300] : memref<2x2560xi32, #tpu.memory_space<vmem>> -> memref<1x2560xi32, #tpu.memory_space<vmem>>
        %dma_wait3A_302 = tpu.memref_squeeze %dma_wait3A_301 : memref<1x2560xi32, #tpu.memory_space<vmem>> -> memref<2560xi32, #tpu.memory_space<vmem>>
        %dma_wait3A_303 = arith.constant 1152 : i32
        %dma_wait3A_304 = tpu.memref_slice %dma_wait3A_302[%dma_wait3A_303] : memref<2560xi32, #tpu.memory_space<vmem>> -> memref<128xi32, #tpu.memory_space<vmem>>
        %dma_wait3A_305 = arith.constant 0 : i32
        %dma_wait3A_306 = arith.constant 0 : i32
        %dma_wait3A_307 = tpu.memref_slice %arg5[%dma_wait3A_305, %dma_wait3A_306] : memref<100000x8xf32, #tpu.memory_space<vmem_shared>> -> memref<100000x8xf32, #tpu.memory_space<vmem_shared>>
        tpu.wait_indirect_dma semaphore(%arg11 : memref<!tpu.dma_semaphore, #tpu.memory_space<semaphore_mem>>) src(%dma_wait3A_299 : memref<128x8xf32, #tpu.memory_space<vmem>>) dst(%dma_wait3A_307 : memref<100000x8xf32, #tpu.memory_space<vmem_shared>>)
        %dma_wait3A_308 = arith.constant 0 : i32
        %dma_wait3A_309 = arith.constant 10 : i32
        %dma_wait3A_310 = arith.constant 0 : i32
        %dma_wait3A_311 = arith.constant 0 : i32
        %dma_wait3A_312 = arith.constant 0 : i32
        %dma_wait3A_313 = arith.constant 0 : i32
        %dma_wait3A_314 = tpu.memref_slice %arg8[%dma_wait3A_308, %dma_wait3A_311, %dma_wait3A_312, %dma_wait3A_313] : memref<2x20x128x8xf32, #tpu.memory_space<vmem>> -> memref<1x20x128x8xf32, #tpu.memory_space<vmem>>
        %dma_wait3A_315 = tpu.memref_squeeze %dma_wait3A_314 : memref<1x20x128x8xf32, #tpu.memory_space<vmem>> -> memref<20x128x8xf32, #tpu.memory_space<vmem>>
        %dma_wait3A_316 = arith.constant 0 : i32
        %dma_wait3A_317 = arith.constant 0 : i32
        %dma_wait3A_318 = tpu.memref_slice %dma_wait3A_315[%dma_wait3A_309, %dma_wait3A_316, %dma_wait3A_317] : memref<20x128x8xf32, #tpu.memory_space<vmem>> -> memref<1x128x8xf32, #tpu.memory_space<vmem>>
        %dma_wait3A_319 = tpu.memref_squeeze %dma_wait3A_318 : memref<1x128x8xf32, #tpu.memory_space<vmem>> -> memref<128x8xf32, #tpu.memory_space<vmem>>
        %dma_wait3A_320 = arith.constant 0 : i32
        %dma_wait3A_321 = tpu.memref_slice %arg7[%dma_wait3A_310, %dma_wait3A_320] : memref<2x2560xi32, #tpu.memory_space<vmem>> -> memref<1x2560xi32, #tpu.memory_space<vmem>>
        %dma_wait3A_322 = tpu.memref_squeeze %dma_wait3A_321 : memref<1x2560xi32, #tpu.memory_space<vmem>> -> memref<2560xi32, #tpu.memory_space<vmem>>
        %dma_wait3A_323 = arith.constant 1280 : i32
        %dma_wait3A_324 = tpu.memref_slice %dma_wait3A_322[%dma_wait3A_323] : memref<2560xi32, #tpu.memory_space<vmem>> -> memref<128xi32, #tpu.memory_space<vmem>>
        %dma_wait3A_325 = arith.constant 0 : i32
        %dma_wait3A_326 = arith.constant 0 : i32
        %dma_wait3A_327 = tpu.memref_slice %arg5[%dma_wait3A_325, %dma_wait3A_326] : memref<100000x8xf32, #tpu.memory_space<vmem_shared>> -> memref<100000x8xf32, #tpu.memory_space<vmem_shared>>
        tpu.wait_indirect_dma semaphore(%arg11 : memref<!tpu.dma_semaphore, #tpu.memory_space<semaphore_mem>>) src(%dma_wait3A_319 : memref<128x8xf32, #tpu.memory_space<vmem>>) dst(%dma_wait3A_327 : memref<100000x8xf32, #tpu.memory_space<vmem_shared>>)
        %dma_wait3A_328 = arith.constant 0 : i32
        %dma_wait3A_329 = arith.constant 11 : i32
        %dma_wait3A_330 = arith.constant 0 : i32
        %dma_wait3A_331 = arith.constant 0 : i32
        %dma_wait3A_332 = arith.constant 0 : i32
        %dma_wait3A_333 = arith.constant 0 : i32
        %dma_wait3A_334 = tpu.memref_slice %arg8[%dma_wait3A_328, %dma_wait3A_331, %dma_wait3A_332, %dma_wait3A_333] : memref<2x20x128x8xf32, #tpu.memory_space<vmem>> -> memref<1x20x128x8xf32, #tpu.memory_space<vmem>>
        %dma_wait3A_335 = tpu.memref_squeeze %dma_wait3A_334 : memref<1x20x128x8xf32, #tpu.memory_space<vmem>> -> memref<20x128x8xf32, #tpu.memory_space<vmem>>
        %dma_wait3A_336 = arith.constant 0 : i32
        %dma_wait3A_337 = arith.constant 0 : i32
        %dma_wait3A_338 = tpu.memref_slice %dma_wait3A_335[%dma_wait3A_329, %dma_wait3A_336, %dma_wait3A_337] : memref<20x128x8xf32, #tpu.memory_space<vmem>> -> memref<1x128x8xf32, #tpu.memory_space<vmem>>
        %dma_wait3A_339 = tpu.memref_squeeze %dma_wait3A_338 : memref<1x128x8xf32, #tpu.memory_space<vmem>> -> memref<128x8xf32, #tpu.memory_space<vmem>>
        %dma_wait3A_340 = arith.constant 0 : i32
        %dma_wait3A_341 = tpu.memref_slice %arg7[%dma_wait3A_330, %dma_wait3A_340] : memref<2x2560xi32, #tpu.memory_space<vmem>> -> memref<1x2560xi32, #tpu.memory_space<vmem>>
        %dma_wait3A_342 = tpu.memref_squeeze %dma_wait3A_341 : memref<1x2560xi32, #tpu.memory_space<vmem>> -> memref<2560xi32, #tpu.memory_space<vmem>>
        %dma_wait3A_343 = arith.constant 1408 : i32
        %dma_wait3A_344 = tpu.memref_slice %dma_wait3A_342[%dma_wait3A_343] : memref<2560xi32, #tpu.memory_space<vmem>> -> memref<128xi32, #tpu.memory_space<vmem>>
        %dma_wait3A_345 = arith.constant 0 : i32
        %dma_wait3A_346 = arith.constant 0 : i32
        %dma_wait3A_347 = tpu.memref_slice %arg5[%dma_wait3A_345, %dma_wait3A_346] : memref<100000x8xf32, #tpu.memory_space<vmem_shared>> -> memref<100000x8xf32, #tpu.memory_space<vmem_shared>>
        tpu.wait_indirect_dma semaphore(%arg11 : memref<!tpu.dma_semaphore, #tpu.memory_space<semaphore_mem>>) src(%dma_wait3A_339 : memref<128x8xf32, #tpu.memory_space<vmem>>) dst(%dma_wait3A_347 : memref<100000x8xf32, #tpu.memory_space<vmem_shared>>)
        %dma_wait3A_348 = arith.constant 0 : i32
        %dma_wait3A_349 = arith.constant 12 : i32
        %dma_wait3A_350 = arith.constant 0 : i32
        %dma_wait3A_351 = arith.constant 0 : i32
        %dma_wait3A_352 = arith.constant 0 : i32
        %dma_wait3A_353 = arith.constant 0 : i32
        %dma_wait3A_354 = tpu.memref_slice %arg8[%dma_wait3A_348, %dma_wait3A_351, %dma_wait3A_352, %dma_wait3A_353] : memref<2x20x128x8xf32, #tpu.memory_space<vmem>> -> memref<1x20x128x8xf32, #tpu.memory_space<vmem>>
        %dma_wait3A_355 = tpu.memref_squeeze %dma_wait3A_354 : memref<1x20x128x8xf32, #tpu.memory_space<vmem>> -> memref<20x128x8xf32, #tpu.memory_space<vmem>>
        %dma_wait3A_356 = arith.constant 0 : i32
        %dma_wait3A_357 = arith.constant 0 : i32
        %dma_wait3A_358 = tpu.memref_slice %dma_wait3A_355[%dma_wait3A_349, %dma_wait3A_356, %dma_wait3A_357] : memref<20x128x8xf32, #tpu.memory_space<vmem>> -> memref<1x128x8xf32, #tpu.memory_space<vmem>>
        %dma_wait3A_359 = tpu.memref_squeeze %dma_wait3A_358 : memref<1x128x8xf32, #tpu.memory_space<vmem>> -> memref<128x8xf32, #tpu.memory_space<vmem>>
        %dma_wait3A_360 = arith.constant 0 : i32
        %dma_wait3A_361 = tpu.memref_slice %arg7[%dma_wait3A_350, %dma_wait3A_360] : memref<2x2560xi32, #tpu.memory_space<vmem>> -> memref<1x2560xi32, #tpu.memory_space<vmem>>
        %dma_wait3A_362 = tpu.memref_squeeze %dma_wait3A_361 : memref<1x2560xi32, #tpu.memory_space<vmem>> -> memref<2560xi32, #tpu.memory_space<vmem>>
        %dma_wait3A_363 = arith.constant 1536 : i32
        %dma_wait3A_364 = tpu.memref_slice %dma_wait3A_362[%dma_wait3A_363] : memref<2560xi32, #tpu.memory_space<vmem>> -> memref<128xi32, #tpu.memory_space<vmem>>
        %dma_wait3A_365 = arith.constant 0 : i32
        %dma_wait3A_366 = arith.constant 0 : i32
        %dma_wait3A_367 = tpu.memref_slice %arg5[%dma_wait3A_365, %dma_wait3A_366] : memref<100000x8xf32, #tpu.memory_space<vmem_shared>> -> memref<100000x8xf32, #tpu.memory_space<vmem_shared>>
        tpu.wait_indirect_dma semaphore(%arg11 : memref<!tpu.dma_semaphore, #tpu.memory_space<semaphore_mem>>) src(%dma_wait3A_359 : memref<128x8xf32, #tpu.memory_space<vmem>>) dst(%dma_wait3A_367 : memref<100000x8xf32, #tpu.memory_space<vmem_shared>>)
        %dma_wait3A_368 = arith.constant 0 : i32
        %dma_wait3A_369 = arith.constant 13 : i32
        %dma_wait3A_370 = arith.constant 0 : i32
        %dma_wait3A_371 = arith.constant 0 : i32
        %dma_wait3A_372 = arith.constant 0 : i32
        %dma_wait3A_373 = arith.constant 0 : i32
        %dma_wait3A_374 = tpu.memref_slice %arg8[%dma_wait3A_368, %dma_wait3A_371, %dma_wait3A_372, %dma_wait3A_373] : memref<2x20x128x8xf32, #tpu.memory_space<vmem>> -> memref<1x20x128x8xf32, #tpu.memory_space<vmem>>
        %dma_wait3A_375 = tpu.memref_squeeze %dma_wait3A_374 : memref<1x20x128x8xf32, #tpu.memory_space<vmem>> -> memref<20x128x8xf32, #tpu.memory_space<vmem>>
        %dma_wait3A_376 = arith.constant 0 : i32
        %dma_wait3A_377 = arith.constant 0 : i32
        %dma_wait3A_378 = tpu.memref_slice %dma_wait3A_375[%dma_wait3A_369, %dma_wait3A_376, %dma_wait3A_377] : memref<20x128x8xf32, #tpu.memory_space<vmem>> -> memref<1x128x8xf32, #tpu.memory_space<vmem>>
        %dma_wait3A_379 = tpu.memref_squeeze %dma_wait3A_378 : memref<1x128x8xf32, #tpu.memory_space<vmem>> -> memref<128x8xf32, #tpu.memory_space<vmem>>
        %dma_wait3A_380 = arith.constant 0 : i32
        %dma_wait3A_381 = tpu.memref_slice %arg7[%dma_wait3A_370, %dma_wait3A_380] : memref<2x2560xi32, #tpu.memory_space<vmem>> -> memref<1x2560xi32, #tpu.memory_space<vmem>>
        %dma_wait3A_382 = tpu.memref_squeeze %dma_wait3A_381 : memref<1x2560xi32, #tpu.memory_space<vmem>> -> memref<2560xi32, #tpu.memory_space<vmem>>
        %dma_wait3A_383 = arith.constant 1664 : i32
        %dma_wait3A_384 = tpu.memref_slice %dma_wait3A_382[%dma_wait3A_383] : memref<2560xi32, #tpu.memory_space<vmem>> -> memref<128xi32, #tpu.memory_space<vmem>>
        %dma_wait3A_385 = arith.constant 0 : i32
        %dma_wait3A_386 = arith.constant 0 : i32
        %dma_wait3A_387 = tpu.memref_slice %arg5[%dma_wait3A_385, %dma_wait3A_386] : memref<100000x8xf32, #tpu.memory_space<vmem_shared>> -> memref<100000x8xf32, #tpu.memory_space<vmem_shared>>
        tpu.wait_indirect_dma semaphore(%arg11 : memref<!tpu.dma_semaphore, #tpu.memory_space<semaphore_mem>>) src(%dma_wait3A_379 : memref<128x8xf32, #tpu.memory_space<vmem>>) dst(%dma_wait3A_387 : memref<100000x8xf32, #tpu.memory_space<vmem_shared>>)
        %dma_wait3A_388 = arith.constant 0 : i32
        %dma_wait3A_389 = arith.constant 14 : i32
        %dma_wait3A_390 = arith.constant 0 : i32
        %dma_wait3A_391 = arith.constant 0 : i32
        %dma_wait3A_392 = arith.constant 0 : i32
        %dma_wait3A_393 = arith.constant 0 : i32
        %dma_wait3A_394 = tpu.memref_slice %arg8[%dma_wait3A_388, %dma_wait3A_391, %dma_wait3A_392, %dma_wait3A_393] : memref<2x20x128x8xf32, #tpu.memory_space<vmem>> -> memref<1x20x128x8xf32, #tpu.memory_space<vmem>>
        %dma_wait3A_395 = tpu.memref_squeeze %dma_wait3A_394 : memref<1x20x128x8xf32, #tpu.memory_space<vmem>> -> memref<20x128x8xf32, #tpu.memory_space<vmem>>
        %dma_wait3A_396 = arith.constant 0 : i32
        %dma_wait3A_397 = arith.constant 0 : i32
        %dma_wait3A_398 = tpu.memref_slice %dma_wait3A_395[%dma_wait3A_389, %dma_wait3A_396, %dma_wait3A_397] : memref<20x128x8xf32, #tpu.memory_space<vmem>> -> memref<1x128x8xf32, #tpu.memory_space<vmem>>
        %dma_wait3A_399 = tpu.memref_squeeze %dma_wait3A_398 : memref<1x128x8xf32, #tpu.memory_space<vmem>> -> memref<128x8xf32, #tpu.memory_space<vmem>>
        %dma_wait3A_400 = arith.constant 0 : i32
        %dma_wait3A_401 = tpu.memref_slice %arg7[%dma_wait3A_390, %dma_wait3A_400] : memref<2x2560xi32, #tpu.memory_space<vmem>> -> memref<1x2560xi32, #tpu.memory_space<vmem>>
        %dma_wait3A_402 = tpu.memref_squeeze %dma_wait3A_401 : memref<1x2560xi32, #tpu.memory_space<vmem>> -> memref<2560xi32, #tpu.memory_space<vmem>>
        %dma_wait3A_403 = arith.constant 1792 : i32
        %dma_wait3A_404 = tpu.memref_slice %dma_wait3A_402[%dma_wait3A_403] : memref<2560xi32, #tpu.memory_space<vmem>> -> memref<128xi32, #tpu.memory_space<vmem>>
        %dma_wait3A_405 = arith.constant 0 : i32
        %dma_wait3A_406 = arith.constant 0 : i32
        %dma_wait3A_407 = tpu.memref_slice %arg5[%dma_wait3A_405, %dma_wait3A_406] : memref<100000x8xf32, #tpu.memory_space<vmem_shared>> -> memref<100000x8xf32, #tpu.memory_space<vmem_shared>>
        tpu.wait_indirect_dma semaphore(%arg11 : memref<!tpu.dma_semaphore, #tpu.memory_space<semaphore_mem>>) src(%dma_wait3A_399 : memref<128x8xf32, #tpu.memory_space<vmem>>) dst(%dma_wait3A_407 : memref<100000x8xf32, #tpu.memory_space<vmem_shared>>)
        %dma_wait3A_408 = arith.constant 0 : i32
        %dma_wait3A_409 = arith.constant 15 : i32
        %dma_wait3A_410 = arith.constant 0 : i32
        %dma_wait3A_411 = arith.constant 0 : i32
        %dma_wait3A_412 = arith.constant 0 : i32
        %dma_wait3A_413 = arith.constant 0 : i32
        %dma_wait3A_414 = tpu.memref_slice %arg8[%dma_wait3A_408, %dma_wait3A_411, %dma_wait3A_412, %dma_wait3A_413] : memref<2x20x128x8xf32, #tpu.memory_space<vmem>> -> memref<1x20x128x8xf32, #tpu.memory_space<vmem>>
        %dma_wait3A_415 = tpu.memref_squeeze %dma_wait3A_414 : memref<1x20x128x8xf32, #tpu.memory_space<vmem>> -> memref<20x128x8xf32, #tpu.memory_space<vmem>>
        %dma_wait3A_416 = arith.constant 0 : i32
        %dma_wait3A_417 = arith.constant 0 : i32
        %dma_wait3A_418 = tpu.memref_slice %dma_wait3A_415[%dma_wait3A_409, %dma_wait3A_416, %dma_wait3A_417] : memref<20x128x8xf32, #tpu.memory_space<vmem>> -> memref<1x128x8xf32, #tpu.memory_space<vmem>>
        %dma_wait3A_419 = tpu.memref_squeeze %dma_wait3A_418 : memref<1x128x8xf32, #tpu.memory_space<vmem>> -> memref<128x8xf32, #tpu.memory_space<vmem>>
        %dma_wait3A_420 = arith.constant 0 : i32
        %dma_wait3A_421 = tpu.memref_slice %arg7[%dma_wait3A_410, %dma_wait3A_420] : memref<2x2560xi32, #tpu.memory_space<vmem>> -> memref<1x2560xi32, #tpu.memory_space<vmem>>
        %dma_wait3A_422 = tpu.memref_squeeze %dma_wait3A_421 : memref<1x2560xi32, #tpu.memory_space<vmem>> -> memref<2560xi32, #tpu.memory_space<vmem>>
        %dma_wait3A_423 = arith.constant 1920 : i32
        %dma_wait3A_424 = tpu.memref_slice %dma_wait3A_422[%dma_wait3A_423] : memref<2560xi32, #tpu.memory_space<vmem>> -> memref<128xi32, #tpu.memory_space<vmem>>
        %dma_wait3A_425 = arith.constant 0 : i32
        %dma_wait3A_426 = arith.constant 0 : i32
        %dma_wait3A_427 = tpu.memref_slice %arg5[%dma_wait3A_425, %dma_wait3A_426] : memref<100000x8xf32, #tpu.memory_space<vmem_shared>> -> memref<100000x8xf32, #tpu.memory_space<vmem_shared>>
        tpu.wait_indirect_dma semaphore(%arg11 : memref<!tpu.dma_semaphore, #tpu.memory_space<semaphore_mem>>) src(%dma_wait3A_419 : memref<128x8xf32, #tpu.memory_space<vmem>>) dst(%dma_wait3A_427 : memref<100000x8xf32, #tpu.memory_space<vmem_shared>>)
        %dma_wait3A_428 = arith.constant 0 : i32
        %dma_wait3A_429 = arith.constant 16 : i32
        %dma_wait3A_430 = arith.constant 0 : i32
        %dma_wait3A_431 = arith.constant 0 : i32
        %dma_wait3A_432 = arith.constant 0 : i32
        %dma_wait3A_433 = arith.constant 0 : i32
        %dma_wait3A_434 = tpu.memref_slice %arg8[%dma_wait3A_428, %dma_wait3A_431, %dma_wait3A_432, %dma_wait3A_433] : memref<2x20x128x8xf32, #tpu.memory_space<vmem>> -> memref<1x20x128x8xf32, #tpu.memory_space<vmem>>
        %dma_wait3A_435 = tpu.memref_squeeze %dma_wait3A_434 : memref<1x20x128x8xf32, #tpu.memory_space<vmem>> -> memref<20x128x8xf32, #tpu.memory_space<vmem>>
        %dma_wait3A_436 = arith.constant 0 : i32
        %dma_wait3A_437 = arith.constant 0 : i32
        %dma_wait3A_438 = tpu.memref_slice %dma_wait3A_435[%dma_wait3A_429, %dma_wait3A_436, %dma_wait3A_437] : memref<20x128x8xf32, #tpu.memory_space<vmem>> -> memref<1x128x8xf32, #tpu.memory_space<vmem>>
        %dma_wait3A_439 = tpu.memref_squeeze %dma_wait3A_438 : memref<1x128x8xf32, #tpu.memory_space<vmem>> -> memref<128x8xf32, #tpu.memory_space<vmem>>
        %dma_wait3A_440 = arith.constant 0 : i32
        %dma_wait3A_441 = tpu.memref_slice %arg7[%dma_wait3A_430, %dma_wait3A_440] : memref<2x2560xi32, #tpu.memory_space<vmem>> -> memref<1x2560xi32, #tpu.memory_space<vmem>>
        %dma_wait3A_442 = tpu.memref_squeeze %dma_wait3A_441 : memref<1x2560xi32, #tpu.memory_space<vmem>> -> memref<2560xi32, #tpu.memory_space<vmem>>
        %dma_wait3A_443 = arith.constant 2048 : i32
        %dma_wait3A_444 = tpu.memref_slice %dma_wait3A_442[%dma_wait3A_443] : memref<2560xi32, #tpu.memory_space<vmem>> -> memref<128xi32, #tpu.memory_space<vmem>>
        %dma_wait3A_445 = arith.constant 0 : i32
        %dma_wait3A_446 = arith.constant 0 : i32
        %dma_wait3A_447 = tpu.memref_slice %arg5[%dma_wait3A_445, %dma_wait3A_446] : memref<100000x8xf32, #tpu.memory_space<vmem_shared>> -> memref<100000x8xf32, #tpu.memory_space<vmem_shared>>
        tpu.wait_indirect_dma semaphore(%arg11 : memref<!tpu.dma_semaphore, #tpu.memory_space<semaphore_mem>>) src(%dma_wait3A_439 : memref<128x8xf32, #tpu.memory_space<vmem>>) dst(%dma_wait3A_447 : memref<100000x8xf32, #tpu.memory_space<vmem_shared>>)
        %dma_wait3A_448 = arith.constant 0 : i32
        %dma_wait3A_449 = arith.constant 17 : i32
        %dma_wait3A_450 = arith.constant 0 : i32
        %dma_wait3A_451 = arith.constant 0 : i32
        %dma_wait3A_452 = arith.constant 0 : i32
        %dma_wait3A_453 = arith.constant 0 : i32
        %dma_wait3A_454 = tpu.memref_slice %arg8[%dma_wait3A_448, %dma_wait3A_451, %dma_wait3A_452, %dma_wait3A_453] : memref<2x20x128x8xf32, #tpu.memory_space<vmem>> -> memref<1x20x128x8xf32, #tpu.memory_space<vmem>>
        %dma_wait3A_455 = tpu.memref_squeeze %dma_wait3A_454 : memref<1x20x128x8xf32, #tpu.memory_space<vmem>> -> memref<20x128x8xf32, #tpu.memory_space<vmem>>
        %dma_wait3A_456 = arith.constant 0 : i32
        %dma_wait3A_457 = arith.constant 0 : i32
        %dma_wait3A_458 = tpu.memref_slice %dma_wait3A_455[%dma_wait3A_449, %dma_wait3A_456, %dma_wait3A_457] : memref<20x128x8xf32, #tpu.memory_space<vmem>> -> memref<1x128x8xf32, #tpu.memory_space<vmem>>
        %dma_wait3A_459 = tpu.memref_squeeze %dma_wait3A_458 : memref<1x128x8xf32, #tpu.memory_space<vmem>> -> memref<128x8xf32, #tpu.memory_space<vmem>>
        %dma_wait3A_460 = arith.constant 0 : i32
        %dma_wait3A_461 = tpu.memref_slice %arg7[%dma_wait3A_450, %dma_wait3A_460] : memref<2x2560xi32, #tpu.memory_space<vmem>> -> memref<1x2560xi32, #tpu.memory_space<vmem>>
        %dma_wait3A_462 = tpu.memref_squeeze %dma_wait3A_461 : memref<1x2560xi32, #tpu.memory_space<vmem>> -> memref<2560xi32, #tpu.memory_space<vmem>>
        %dma_wait3A_463 = arith.constant 2176 : i32
        %dma_wait3A_464 = tpu.memref_slice %dma_wait3A_462[%dma_wait3A_463] : memref<2560xi32, #tpu.memory_space<vmem>> -> memref<128xi32, #tpu.memory_space<vmem>>
        %dma_wait3A_465 = arith.constant 0 : i32
        %dma_wait3A_466 = arith.constant 0 : i32
        %dma_wait3A_467 = tpu.memref_slice %arg5[%dma_wait3A_465, %dma_wait3A_466] : memref<100000x8xf32, #tpu.memory_space<vmem_shared>> -> memref<100000x8xf32, #tpu.memory_space<vmem_shared>>
        tpu.wait_indirect_dma semaphore(%arg11 : memref<!tpu.dma_semaphore, #tpu.memory_space<semaphore_mem>>) src(%dma_wait3A_459 : memref<128x8xf32, #tpu.memory_space<vmem>>) dst(%dma_wait3A_467 : memref<100000x8xf32, #tpu.memory_space<vmem_shared>>)
        %dma_wait3A_468 = arith.constant 0 : i32
        %dma_wait3A_469 = arith.constant 18 : i32
        %dma_wait3A_470 = arith.constant 0 : i32
        %dma_wait3A_471 = arith.constant 0 : i32
        %dma_wait3A_472 = arith.constant 0 : i32
        %dma_wait3A_473 = arith.constant 0 : i32
        %dma_wait3A_474 = tpu.memref_slice %arg8[%dma_wait3A_468, %dma_wait3A_471, %dma_wait3A_472, %dma_wait3A_473] : memref<2x20x128x8xf32, #tpu.memory_space<vmem>> -> memref<1x20x128x8xf32, #tpu.memory_space<vmem>>
        %dma_wait3A_475 = tpu.memref_squeeze %dma_wait3A_474 : memref<1x20x128x8xf32, #tpu.memory_space<vmem>> -> memref<20x128x8xf32, #tpu.memory_space<vmem>>
        %dma_wait3A_476 = arith.constant 0 : i32
        %dma_wait3A_477 = arith.constant 0 : i32
        %dma_wait3A_478 = tpu.memref_slice %dma_wait3A_475[%dma_wait3A_469, %dma_wait3A_476, %dma_wait3A_477] : memref<20x128x8xf32, #tpu.memory_space<vmem>> -> memref<1x128x8xf32, #tpu.memory_space<vmem>>
        %dma_wait3A_479 = tpu.memref_squeeze %dma_wait3A_478 : memref<1x128x8xf32, #tpu.memory_space<vmem>> -> memref<128x8xf32, #tpu.memory_space<vmem>>
        %dma_wait3A_480 = arith.constant 0 : i32
        %dma_wait3A_481 = tpu.memref_slice %arg7[%dma_wait3A_470, %dma_wait3A_480] : memref<2x2560xi32, #tpu.memory_space<vmem>> -> memref<1x2560xi32, #tpu.memory_space<vmem>>
        %dma_wait3A_482 = tpu.memref_squeeze %dma_wait3A_481 : memref<1x2560xi32, #tpu.memory_space<vmem>> -> memref<2560xi32, #tpu.memory_space<vmem>>
        %dma_wait3A_483 = arith.constant 2304 : i32
        %dma_wait3A_484 = tpu.memref_slice %dma_wait3A_482[%dma_wait3A_483] : memref<2560xi32, #tpu.memory_space<vmem>> -> memref<128xi32, #tpu.memory_space<vmem>>
        %dma_wait3A_485 = arith.constant 0 : i32
        %dma_wait3A_486 = arith.constant 0 : i32
        %dma_wait3A_487 = tpu.memref_slice %arg5[%dma_wait3A_485, %dma_wait3A_486] : memref<100000x8xf32, #tpu.memory_space<vmem_shared>> -> memref<100000x8xf32, #tpu.memory_space<vmem_shared>>
        tpu.wait_indirect_dma semaphore(%arg11 : memref<!tpu.dma_semaphore, #tpu.memory_space<semaphore_mem>>) src(%dma_wait3A_479 : memref<128x8xf32, #tpu.memory_space<vmem>>) dst(%dma_wait3A_487 : memref<100000x8xf32, #tpu.memory_space<vmem_shared>>)
        %dma_wait3A_488 = arith.constant 0 : i32
        %dma_wait3A_489 = arith.constant 19 : i32
        %dma_wait3A_490 = arith.constant 0 : i32
        %dma_wait3A_491 = arith.constant 0 : i32
        %dma_wait3A_492 = arith.constant 0 : i32
        %dma_wait3A_493 = arith.constant 0 : i32
        %dma_wait3A_494 = tpu.memref_slice %arg8[%dma_wait3A_488, %dma_wait3A_491, %dma_wait3A_492, %dma_wait3A_493] : memref<2x20x128x8xf32, #tpu.memory_space<vmem>> -> memref<1x20x128x8xf32, #tpu.memory_space<vmem>>
        %dma_wait3A_495 = tpu.memref_squeeze %dma_wait3A_494 : memref<1x20x128x8xf32, #tpu.memory_space<vmem>> -> memref<20x128x8xf32, #tpu.memory_space<vmem>>
        %dma_wait3A_496 = arith.constant 0 : i32
        %dma_wait3A_497 = arith.constant 0 : i32
        %dma_wait3A_498 = tpu.memref_slice %dma_wait3A_495[%dma_wait3A_489, %dma_wait3A_496, %dma_wait3A_497] : memref<20x128x8xf32, #tpu.memory_space<vmem>> -> memref<1x128x8xf32, #tpu.memory_space<vmem>>
        %dma_wait3A_499 = tpu.memref_squeeze %dma_wait3A_498 : memref<1x128x8xf32, #tpu.memory_space<vmem>> -> memref<128x8xf32, #tpu.memory_space<vmem>>
        %dma_wait3A_500 = arith.constant 0 : i32
        %dma_wait3A_501 = tpu.memref_slice %arg7[%dma_wait3A_490, %dma_wait3A_500] : memref<2x2560xi32, #tpu.memory_space<vmem>> -> memref<1x2560xi32, #tpu.memory_space<vmem>>
        %dma_wait3A_502 = tpu.memref_squeeze %dma_wait3A_501 : memref<1x2560xi32, #tpu.memory_space<vmem>> -> memref<2560xi32, #tpu.memory_space<vmem>>
        %dma_wait3A_503 = arith.constant 2432 : i32
        %dma_wait3A_504 = tpu.memref_slice %dma_wait3A_502[%dma_wait3A_503] : memref<2560xi32, #tpu.memory_space<vmem>> -> memref<128xi32, #tpu.memory_space<vmem>>
        %dma_wait3A_505 = arith.constant 0 : i32
        %dma_wait3A_506 = arith.constant 0 : i32
        %dma_wait3A_507 = tpu.memref_slice %arg5[%dma_wait3A_505, %dma_wait3A_506] : memref<100000x8xf32, #tpu.memory_space<vmem_shared>> -> memref<100000x8xf32, #tpu.memory_space<vmem_shared>>
        tpu.wait_indirect_dma semaphore(%arg11 : memref<!tpu.dma_semaphore, #tpu.memory_space<semaphore_mem>>) src(%dma_wait3A_499 : memref<128x8xf32, #tpu.memory_space<vmem>>) dst(%dma_wait3A_507 : memref<100000x8xf32, #tpu.memory_space<vmem_shared>>)
      } else {
      }
      %add3A_97 = arith.constant 32 : i32
      %add3A_98 = arith.addi %add3A_81, %add3A_97 : i32
      %lt3A_99 = arith.constant 2500 : i32
      %lt3A_100 = arith.cmpi slt, %add3A_98, %lt3A_99 : i32
      %convert_element_type3A_101 = arith.extui %lt3A_100 : i1 to i32
      %cond3A_102 = arith.constant 0 : i32
      %cond3A_103 = arith.cmpi ne, %convert_element_type3A_101, %cond3A_102 : i32
      scf.if %cond3A_103 {
        %add3A_109 = arith.constant 32 : i32
        %add3A_110 = arith.addi %add3A_81, %add3A_109 : i32
        %mul3A_111 = arith.constant 2560 : i32
        %mul3A_112 = arith.muli %add3A_110, %mul3A_111 : i32
        %dma_start3A_113 = arith.constant 0 : i32
        %dma_start3A_114 = arith.constant 0 : i32
        %dma_start3A_115 = arith.constant 0 : i32
        %dma_start3A_116 = tpu.memref_slice %arg6[%dma_start3A_114, %dma_start3A_115] : memref<2x2560xi32, #tpu.memory_space<vmem>> -> memref<1x2560xi32, #tpu.memory_space<vmem>>
        %dma_start3A_117 = tpu.memref_squeeze %dma_start3A_116 : memref<1x2560xi32, #tpu.memory_space<vmem>> -> memref<2560xi32, #tpu.memory_space<vmem>>
        %dma_start3A_118 = tpu.memref_slice %arg3[%dma_start3A_113, %mul3A_112] : memref<2x6400000xi32, #tpu.memory_space<hbm>> -> memref<1x2560xi32, #tpu.memory_space<hbm>>
        %dma_start3A_119 = tpu.memref_squeeze %dma_start3A_118 : memref<1x2560xi32, #tpu.memory_space<hbm>> -> memref<2560xi32, #tpu.memory_space<hbm>>
        %dma_start3A_120 = arith.constant 0 : i32
        %dma_start3A_121 = tpu.memref_slice %arg6[%dma_start3A_114, %dma_start3A_120] : memref<2x2560xi32, #tpu.memory_space<vmem>> -> memref<1x2560xi32, #tpu.memory_space<vmem>>
        %dma_start3A_122 = tpu.memref_squeeze %dma_start3A_121 : memref<1x2560xi32, #tpu.memory_space<vmem>> -> memref<2560xi32, #tpu.memory_space<vmem>>
        %dma_start3A_123 = tpu.memref_slice %arg3[%dma_start3A_113, %mul3A_112] : memref<2x6400000xi32, #tpu.memory_space<hbm>> -> memref<1x2560xi32, #tpu.memory_space<hbm>>
        %dma_start3A_124 = tpu.memref_squeeze %dma_start3A_123 : memref<1x2560xi32, #tpu.memory_space<hbm>> -> memref<2560xi32, #tpu.memory_space<hbm>>
        tpu.enqueue_dma source(%dma_start3A_124 : memref<2560xi32, #tpu.memory_space<hbm>>) target(%dma_start3A_122 : memref<2560xi32, #tpu.memory_space<vmem>>) target_semaphore(%arg9 : memref<!tpu.dma_semaphore, #tpu.memory_space<semaphore_mem>>)
        %dma_start3A_125 = arith.constant 1 : i32
        %dma_start3A_126 = arith.constant 0 : i32
        %dma_start3A_127 = arith.constant 0 : i32
        %dma_start3A_128 = tpu.memref_slice %arg7[%dma_start3A_126, %dma_start3A_127] : memref<2x2560xi32, #tpu.memory_space<vmem>> -> memref<1x2560xi32, #tpu.memory_space<vmem>>
        %dma_start3A_129 = tpu.memref_squeeze %dma_start3A_128 : memref<1x2560xi32, #tpu.memory_space<vmem>> -> memref<2560xi32, #tpu.memory_space<vmem>>
        %dma_start3A_130 = tpu.memref_slice %arg3[%dma_start3A_125, %mul3A_112] : memref<2x6400000xi32, #tpu.memory_space<hbm>> -> memref<1x2560xi32, #tpu.memory_space<hbm>>
        %dma_start3A_131 = tpu.memref_squeeze %dma_start3A_130 : memref<1x2560xi32, #tpu.memory_space<hbm>> -> memref<2560xi32, #tpu.memory_space<hbm>>
        %dma_start3A_132 = arith.constant 0 : i32
        %dma_start3A_133 = tpu.memref_slice %arg7[%dma_start3A_126, %dma_start3A_132] : memref<2x2560xi32, #tpu.memory_space<vmem>> -> memref<1x2560xi32, #tpu.memory_space<vmem>>
        %dma_start3A_134 = tpu.memref_squeeze %dma_start3A_133 : memref<1x2560xi32, #tpu.memory_space<vmem>> -> memref<2560xi32, #tpu.memory_space<vmem>>
        %dma_start3A_135 = tpu.memref_slice %arg3[%dma_start3A_125, %mul3A_112] : memref<2x6400000xi32, #tpu.memory_space<hbm>> -> memref<1x2560xi32, #tpu.memory_space<hbm>>
        %dma_start3A_136 = tpu.memref_squeeze %dma_start3A_135 : memref<1x2560xi32, #tpu.memory_space<hbm>> -> memref<2560xi32, #tpu.memory_space<hbm>>
        tpu.enqueue_dma source(%dma_start3A_136 : memref<2560xi32, #tpu.memory_space<hbm>>) target(%dma_start3A_134 : memref<2560xi32, #tpu.memory_space<vmem>>) target_semaphore(%arg9 : memref<!tpu.dma_semaphore, #tpu.memory_space<semaphore_mem>>)
      } else {
      }
      %lt3A_104 = arith.constant 2500 : i32
      %lt3A_105 = arith.cmpi slt, %add3A_81, %lt3A_104 : i32
      %convert_element_type3A_106 = arith.extui %lt3A_105 : i1 to i32
      %cond3A_107 = arith.constant 0 : i32
      %cond3A_108 = arith.cmpi ne, %convert_element_type3A_106, %cond3A_107 : i32
      scf.if %cond3A_108 {
        %dma_wait3A = arith.constant 1 : i32
        %dma_wait3A_109 = arith.constant 1 : i32
        %dma_wait3A_110 = arith.constant 0 : i32
        %dma_wait3A_111 = arith.constant 0 : i32
        %dma_wait3A_112 = arith.constant 0 : i32
        %dma_wait3A_113 = arith.constant 0 : i32
        %dma_wait3A_114 = tpu.memref_slice %arg8[%dma_wait3A_109, %dma_wait3A_111, %dma_wait3A_112, %dma_wait3A_113] : memref<2x20x128x8xf32, #tpu.memory_space<vmem>> -> memref<1x20x128x8xf32, #tpu.memory_space<vmem>>
        %dma_wait3A_115 = tpu.memref_squeeze %dma_wait3A_114 : memref<1x20x128x8xf32, #tpu.memory_space<vmem>> -> memref<20x128x8xf32, #tpu.memory_space<vmem>>
        %dma_wait3A_116 = arith.constant 0 : i32
        %dma_wait3A_117 = arith.constant 0 : i32
        %dma_wait3A_118 = tpu.memref_slice %dma_wait3A_115[%dma_wait3A_110, %dma_wait3A_116, %dma_wait3A_117] : memref<20x128x8xf32, #tpu.memory_space<vmem>> -> memref<1x128x8xf32, #tpu.memory_space<vmem>>
        %dma_wait3A_119 = tpu.memref_squeeze %dma_wait3A_118 : memref<1x128x8xf32, #tpu.memory_space<vmem>> -> memref<128x8xf32, #tpu.memory_space<vmem>>
        %dma_wait3A_120 = arith.constant 0 : i32
        %dma_wait3A_121 = tpu.memref_slice %arg6[%dma_wait3A, %dma_wait3A_120] : memref<2x2560xi32, #tpu.memory_space<vmem>> -> memref<1x2560xi32, #tpu.memory_space<vmem>>
        %dma_wait3A_122 = tpu.memref_squeeze %dma_wait3A_121 : memref<1x2560xi32, #tpu.memory_space<vmem>> -> memref<2560xi32, #tpu.memory_space<vmem>>
        %dma_wait3A_123 = arith.constant 0 : i32
        %dma_wait3A_124 = tpu.memref_slice %dma_wait3A_122[%dma_wait3A_123] : memref<2560xi32, #tpu.memory_space<vmem>> -> memref<128xi32, #tpu.memory_space<vmem>>
        %dma_wait3A_125 = arith.constant 0 : i32
        %dma_wait3A_126 = arith.constant 0 : i32
        %dma_wait3A_127 = tpu.memref_slice %arg2[%dma_wait3A_125, %dma_wait3A_126] : memref<200000x8xf32, #tpu.memory_space<hbm>> -> memref<200000x8xf32, #tpu.memory_space<hbm>>
        tpu.wait_indirect_dma semaphore(%arg10 : memref<!tpu.dma_semaphore, #tpu.memory_space<semaphore_mem>>) src(%dma_wait3A_127 : memref<200000x8xf32, #tpu.memory_space<hbm>>) dst(%dma_wait3A_119 : memref<128x8xf32, #tpu.memory_space<vmem>>)
        %dma_wait3A_128 = arith.constant 1 : i32
        %dma_wait3A_129 = arith.constant 1 : i32
        %dma_wait3A_130 = arith.constant 1 : i32
        %dma_wait3A_131 = arith.constant 0 : i32
        %dma_wait3A_132 = arith.constant 0 : i32
        %dma_wait3A_133 = arith.constant 0 : i32
        %dma_wait3A_134 = tpu.memref_slice %arg8[%dma_wait3A_129, %dma_wait3A_131, %dma_wait3A_132, %dma_wait3A_133] : memref<2x20x128x8xf32, #tpu.memory_space<vmem>> -> memref<1x20x128x8xf32, #tpu.memory_space<vmem>>
        %dma_wait3A_135 = tpu.memref_squeeze %dma_wait3A_134 : memref<1x20x128x8xf32, #tpu.memory_space<vmem>> -> memref<20x128x8xf32, #tpu.memory_space<vmem>>
        %dma_wait3A_136 = arith.constant 0 : i32
        %dma_wait3A_137 = arith.constant 0 : i32
        %dma_wait3A_138 = tpu.memref_slice %dma_wait3A_135[%dma_wait3A_130, %dma_wait3A_136, %dma_wait3A_137] : memref<20x128x8xf32, #tpu.memory_space<vmem>> -> memref<1x128x8xf32, #tpu.memory_space<vmem>>
        %dma_wait3A_139 = tpu.memref_squeeze %dma_wait3A_138 : memref<1x128x8xf32, #tpu.memory_space<vmem>> -> memref<128x8xf32, #tpu.memory_space<vmem>>
        %dma_wait3A_140 = arith.constant 0 : i32
        %dma_wait3A_141 = tpu.memref_slice %arg6[%dma_wait3A_128, %dma_wait3A_140] : memref<2x2560xi32, #tpu.memory_space<vmem>> -> memref<1x2560xi32, #tpu.memory_space<vmem>>
        %dma_wait3A_142 = tpu.memref_squeeze %dma_wait3A_141 : memref<1x2560xi32, #tpu.memory_space<vmem>> -> memref<2560xi32, #tpu.memory_space<vmem>>
        %dma_wait3A_143 = arith.constant 128 : i32
        %dma_wait3A_144 = tpu.memref_slice %dma_wait3A_142[%dma_wait3A_143] : memref<2560xi32, #tpu.memory_space<vmem>> -> memref<128xi32, #tpu.memory_space<vmem>>
        %dma_wait3A_145 = arith.constant 0 : i32
        %dma_wait3A_146 = arith.constant 0 : i32
        %dma_wait3A_147 = tpu.memref_slice %arg2[%dma_wait3A_145, %dma_wait3A_146] : memref<200000x8xf32, #tpu.memory_space<hbm>> -> memref<200000x8xf32, #tpu.memory_space<hbm>>
        tpu.wait_indirect_dma semaphore(%arg10 : memref<!tpu.dma_semaphore, #tpu.memory_space<semaphore_mem>>) src(%dma_wait3A_147 : memref<200000x8xf32, #tpu.memory_space<hbm>>) dst(%dma_wait3A_139 : memref<128x8xf32, #tpu.memory_space<vmem>>)
        %dma_wait3A_148 = arith.constant 1 : i32
        %dma_wait3A_149 = arith.constant 1 : i32
        %dma_wait3A_150 = arith.constant 2 : i32
        %dma_wait3A_151 = arith.constant 0 : i32
        %dma_wait3A_152 = arith.constant 0 : i32
        %dma_wait3A_153 = arith.constant 0 : i32
        %dma_wait3A_154 = tpu.memref_slice %arg8[%dma_wait3A_149, %dma_wait3A_151, %dma_wait3A_152, %dma_wait3A_153] : memref<2x20x128x8xf32, #tpu.memory_space<vmem>> -> memref<1x20x128x8xf32, #tpu.memory_space<vmem>>
        %dma_wait3A_155 = tpu.memref_squeeze %dma_wait3A_154 : memref<1x20x128x8xf32, #tpu.memory_space<vmem>> -> memref<20x128x8xf32, #tpu.memory_space<vmem>>
        %dma_wait3A_156 = arith.constant 0 : i32
        %dma_wait3A_157 = arith.constant 0 : i32
        %dma_wait3A_158 = tpu.memref_slice %dma_wait3A_155[%dma_wait3A_150, %dma_wait3A_156, %dma_wait3A_157] : memref<20x128x8xf32, #tpu.memory_space<vmem>> -> memref<1x128x8xf32, #tpu.memory_space<vmem>>
        %dma_wait3A_159 = tpu.memref_squeeze %dma_wait3A_158 : memref<1x128x8xf32, #tpu.memory_space<vmem>> -> memref<128x8xf32, #tpu.memory_space<vmem>>
        %dma_wait3A_160 = arith.constant 0 : i32
        %dma_wait3A_161 = tpu.memref_slice %arg6[%dma_wait3A_148, %dma_wait3A_160] : memref<2x2560xi32, #tpu.memory_space<vmem>> -> memref<1x2560xi32, #tpu.memory_space<vmem>>
        %dma_wait3A_162 = tpu.memref_squeeze %dma_wait3A_161 : memref<1x2560xi32, #tpu.memory_space<vmem>> -> memref<2560xi32, #tpu.memory_space<vmem>>
        %dma_wait3A_163 = arith.constant 256 : i32
        %dma_wait3A_164 = tpu.memref_slice %dma_wait3A_162[%dma_wait3A_163] : memref<2560xi32, #tpu.memory_space<vmem>> -> memref<128xi32, #tpu.memory_space<vmem>>
        %dma_wait3A_165 = arith.constant 0 : i32
        %dma_wait3A_166 = arith.constant 0 : i32
        %dma_wait3A_167 = tpu.memref_slice %arg2[%dma_wait3A_165, %dma_wait3A_166] : memref<200000x8xf32, #tpu.memory_space<hbm>> -> memref<200000x8xf32, #tpu.memory_space<hbm>>
        tpu.wait_indirect_dma semaphore(%arg10 : memref<!tpu.dma_semaphore, #tpu.memory_space<semaphore_mem>>) src(%dma_wait3A_167 : memref<200000x8xf32, #tpu.memory_space<hbm>>) dst(%dma_wait3A_159 : memref<128x8xf32, #tpu.memory_space<vmem>>)
        %dma_wait3A_168 = arith.constant 1 : i32
        %dma_wait3A_169 = arith.constant 1 : i32
        %dma_wait3A_170 = arith.constant 3 : i32
        %dma_wait3A_171 = arith.constant 0 : i32
        %dma_wait3A_172 = arith.constant 0 : i32
        %dma_wait3A_173 = arith.constant 0 : i32
        %dma_wait3A_174 = tpu.memref_slice %arg8[%dma_wait3A_169, %dma_wait3A_171, %dma_wait3A_172, %dma_wait3A_173] : memref<2x20x128x8xf32, #tpu.memory_space<vmem>> -> memref<1x20x128x8xf32, #tpu.memory_space<vmem>>
        %dma_wait3A_175 = tpu.memref_squeeze %dma_wait3A_174 : memref<1x20x128x8xf32, #tpu.memory_space<vmem>> -> memref<20x128x8xf32, #tpu.memory_space<vmem>>
        %dma_wait3A_176 = arith.constant 0 : i32
        %dma_wait3A_177 = arith.constant 0 : i32
        %dma_wait3A_178 = tpu.memref_slice %dma_wait3A_175[%dma_wait3A_170, %dma_wait3A_176, %dma_wait3A_177] : memref<20x128x8xf32, #tpu.memory_space<vmem>> -> memref<1x128x8xf32, #tpu.memory_space<vmem>>
        %dma_wait3A_179 = tpu.memref_squeeze %dma_wait3A_178 : memref<1x128x8xf32, #tpu.memory_space<vmem>> -> memref<128x8xf32, #tpu.memory_space<vmem>>
        %dma_wait3A_180 = arith.constant 0 : i32
        %dma_wait3A_181 = tpu.memref_slice %arg6[%dma_wait3A_168, %dma_wait3A_180] : memref<2x2560xi32, #tpu.memory_space<vmem>> -> memref<1x2560xi32, #tpu.memory_space<vmem>>
        %dma_wait3A_182 = tpu.memref_squeeze %dma_wait3A_181 : memref<1x2560xi32, #tpu.memory_space<vmem>> -> memref<2560xi32, #tpu.memory_space<vmem>>
        %dma_wait3A_183 = arith.constant 384 : i32
        %dma_wait3A_184 = tpu.memref_slice %dma_wait3A_182[%dma_wait3A_183] : memref<2560xi32, #tpu.memory_space<vmem>> -> memref<128xi32, #tpu.memory_space<vmem>>
        %dma_wait3A_185 = arith.constant 0 : i32
        %dma_wait3A_186 = arith.constant 0 : i32
        %dma_wait3A_187 = tpu.memref_slice %arg2[%dma_wait3A_185, %dma_wait3A_186] : memref<200000x8xf32, #tpu.memory_space<hbm>> -> memref<200000x8xf32, #tpu.memory_space<hbm>>
        tpu.wait_indirect_dma semaphore(%arg10 : memref<!tpu.dma_semaphore, #tpu.memory_space<semaphore_mem>>) src(%dma_wait3A_187 : memref<200000x8xf32, #tpu.memory_space<hbm>>) dst(%dma_wait3A_179 : memref<128x8xf32, #tpu.memory_space<vmem>>)
        %dma_wait3A_188 = arith.constant 1 : i32
        %dma_wait3A_189 = arith.constant 1 : i32
        %dma_wait3A_190 = arith.constant 4 : i32
        %dma_wait3A_191 = arith.constant 0 : i32
        %dma_wait3A_192 = arith.constant 0 : i32
        %dma_wait3A_193 = arith.constant 0 : i32
        %dma_wait3A_194 = tpu.memref_slice %arg8[%dma_wait3A_189, %dma_wait3A_191, %dma_wait3A_192, %dma_wait3A_193] : memref<2x20x128x8xf32, #tpu.memory_space<vmem>> -> memref<1x20x128x8xf32, #tpu.memory_space<vmem>>
        %dma_wait3A_195 = tpu.memref_squeeze %dma_wait3A_194 : memref<1x20x128x8xf32, #tpu.memory_space<vmem>> -> memref<20x128x8xf32, #tpu.memory_space<vmem>>
        %dma_wait3A_196 = arith.constant 0 : i32
        %dma_wait3A_197 = arith.constant 0 : i32
        %dma_wait3A_198 = tpu.memref_slice %dma_wait3A_195[%dma_wait3A_190, %dma_wait3A_196, %dma_wait3A_197] : memref<20x128x8xf32, #tpu.memory_space<vmem>> -> memref<1x128x8xf32, #tpu.memory_space<vmem>>
        %dma_wait3A_199 = tpu.memref_squeeze %dma_wait3A_198 : memref<1x128x8xf32, #tpu.memory_space<vmem>> -> memref<128x8xf32, #tpu.memory_space<vmem>>
        %dma_wait3A_200 = arith.constant 0 : i32
        %dma_wait3A_201 = tpu.memref_slice %arg6[%dma_wait3A_188, %dma_wait3A_200] : memref<2x2560xi32, #tpu.memory_space<vmem>> -> memref<1x2560xi32, #tpu.memory_space<vmem>>
        %dma_wait3A_202 = tpu.memref_squeeze %dma_wait3A_201 : memref<1x2560xi32, #tpu.memory_space<vmem>> -> memref<2560xi32, #tpu.memory_space<vmem>>
        %dma_wait3A_203 = arith.constant 512 : i32
        %dma_wait3A_204 = tpu.memref_slice %dma_wait3A_202[%dma_wait3A_203] : memref<2560xi32, #tpu.memory_space<vmem>> -> memref<128xi32, #tpu.memory_space<vmem>>
        %dma_wait3A_205 = arith.constant 0 : i32
        %dma_wait3A_206 = arith.constant 0 : i32
        %dma_wait3A_207 = tpu.memref_slice %arg2[%dma_wait3A_205, %dma_wait3A_206] : memref<200000x8xf32, #tpu.memory_space<hbm>> -> memref<200000x8xf32, #tpu.memory_space<hbm>>
        tpu.wait_indirect_dma semaphore(%arg10 : memref<!tpu.dma_semaphore, #tpu.memory_space<semaphore_mem>>) src(%dma_wait3A_207 : memref<200000x8xf32, #tpu.memory_space<hbm>>) dst(%dma_wait3A_199 : memref<128x8xf32, #tpu.memory_space<vmem>>)
        %dma_wait3A_208 = arith.constant 1 : i32
        %dma_wait3A_209 = arith.constant 1 : i32
        %dma_wait3A_210 = arith.constant 5 : i32
        %dma_wait3A_211 = arith.constant 0 : i32
        %dma_wait3A_212 = arith.constant 0 : i32
        %dma_wait3A_213 = arith.constant 0 : i32
        %dma_wait3A_214 = tpu.memref_slice %arg8[%dma_wait3A_209, %dma_wait3A_211, %dma_wait3A_212, %dma_wait3A_213] : memref<2x20x128x8xf32, #tpu.memory_space<vmem>> -> memref<1x20x128x8xf32, #tpu.memory_space<vmem>>
        %dma_wait3A_215 = tpu.memref_squeeze %dma_wait3A_214 : memref<1x20x128x8xf32, #tpu.memory_space<vmem>> -> memref<20x128x8xf32, #tpu.memory_space<vmem>>
        %dma_wait3A_216 = arith.constant 0 : i32
        %dma_wait3A_217 = arith.constant 0 : i32
        %dma_wait3A_218 = tpu.memref_slice %dma_wait3A_215[%dma_wait3A_210, %dma_wait3A_216, %dma_wait3A_217] : memref<20x128x8xf32, #tpu.memory_space<vmem>> -> memref<1x128x8xf32, #tpu.memory_space<vmem>>
        %dma_wait3A_219 = tpu.memref_squeeze %dma_wait3A_218 : memref<1x128x8xf32, #tpu.memory_space<vmem>> -> memref<128x8xf32, #tpu.memory_space<vmem>>
        %dma_wait3A_220 = arith.constant 0 : i32
        %dma_wait3A_221 = tpu.memref_slice %arg6[%dma_wait3A_208, %dma_wait3A_220] : memref<2x2560xi32, #tpu.memory_space<vmem>> -> memref<1x2560xi32, #tpu.memory_space<vmem>>
        %dma_wait3A_222 = tpu.memref_squeeze %dma_wait3A_221 : memref<1x2560xi32, #tpu.memory_space<vmem>> -> memref<2560xi32, #tpu.memory_space<vmem>>
        %dma_wait3A_223 = arith.constant 640 : i32
        %dma_wait3A_224 = tpu.memref_slice %dma_wait3A_222[%dma_wait3A_223] : memref<2560xi32, #tpu.memory_space<vmem>> -> memref<128xi32, #tpu.memory_space<vmem>>
        %dma_wait3A_225 = arith.constant 0 : i32
        %dma_wait3A_226 = arith.constant 0 : i32
        %dma_wait3A_227 = tpu.memref_slice %arg2[%dma_wait3A_225, %dma_wait3A_226] : memref<200000x8xf32, #tpu.memory_space<hbm>> -> memref<200000x8xf32, #tpu.memory_space<hbm>>
        tpu.wait_indirect_dma semaphore(%arg10 : memref<!tpu.dma_semaphore, #tpu.memory_space<semaphore_mem>>) src(%dma_wait3A_227 : memref<200000x8xf32, #tpu.memory_space<hbm>>) dst(%dma_wait3A_219 : memref<128x8xf32, #tpu.memory_space<vmem>>)
        %dma_wait3A_228 = arith.constant 1 : i32
        %dma_wait3A_229 = arith.constant 1 : i32
        %dma_wait3A_230 = arith.constant 6 : i32
        %dma_wait3A_231 = arith.constant 0 : i32
        %dma_wait3A_232 = arith.constant 0 : i32
        %dma_wait3A_233 = arith.constant 0 : i32
        %dma_wait3A_234 = tpu.memref_slice %arg8[%dma_wait3A_229, %dma_wait3A_231, %dma_wait3A_232, %dma_wait3A_233] : memref<2x20x128x8xf32, #tpu.memory_space<vmem>> -> memref<1x20x128x8xf32, #tpu.memory_space<vmem>>
        %dma_wait3A_235 = tpu.memref_squeeze %dma_wait3A_234 : memref<1x20x128x8xf32, #tpu.memory_space<vmem>> -> memref<20x128x8xf32, #tpu.memory_space<vmem>>
        %dma_wait3A_236 = arith.constant 0 : i32
        %dma_wait3A_237 = arith.constant 0 : i32
        %dma_wait3A_238 = tpu.memref_slice %dma_wait3A_235[%dma_wait3A_230, %dma_wait3A_236, %dma_wait3A_237] : memref<20x128x8xf32, #tpu.memory_space<vmem>> -> memref<1x128x8xf32, #tpu.memory_space<vmem>>
        %dma_wait3A_239 = tpu.memref_squeeze %dma_wait3A_238 : memref<1x128x8xf32, #tpu.memory_space<vmem>> -> memref<128x8xf32, #tpu.memory_space<vmem>>
        %dma_wait3A_240 = arith.constant 0 : i32
        %dma_wait3A_241 = tpu.memref_slice %arg6[%dma_wait3A_228, %dma_wait3A_240] : memref<2x2560xi32, #tpu.memory_space<vmem>> -> memref<1x2560xi32, #tpu.memory_space<vmem>>
        %dma_wait3A_242 = tpu.memref_squeeze %dma_wait3A_241 : memref<1x2560xi32, #tpu.memory_space<vmem>> -> memref<2560xi32, #tpu.memory_space<vmem>>
        %dma_wait3A_243 = arith.constant 768 : i32
        %dma_wait3A_244 = tpu.memref_slice %dma_wait3A_242[%dma_wait3A_243] : memref<2560xi32, #tpu.memory_space<vmem>> -> memref<128xi32, #tpu.memory_space<vmem>>
        %dma_wait3A_245 = arith.constant 0 : i32
        %dma_wait3A_246 = arith.constant 0 : i32
        %dma_wait3A_247 = tpu.memref_slice %arg2[%dma_wait3A_245, %dma_wait3A_246] : memref<200000x8xf32, #tpu.memory_space<hbm>> -> memref<200000x8xf32, #tpu.memory_space<hbm>>
        tpu.wait_indirect_dma semaphore(%arg10 : memref<!tpu.dma_semaphore, #tpu.memory_space<semaphore_mem>>) src(%dma_wait3A_247 : memref<200000x8xf32, #tpu.memory_space<hbm>>) dst(%dma_wait3A_239 : memref<128x8xf32, #tpu.memory_space<vmem>>)
        %dma_wait3A_248 = arith.constant 1 : i32
        %dma_wait3A_249 = arith.constant 1 : i32
        %dma_wait3A_250 = arith.constant 7 : i32
        %dma_wait3A_251 = arith.constant 0 : i32
        %dma_wait3A_252 = arith.constant 0 : i32
        %dma_wait3A_253 = arith.constant 0 : i32
        %dma_wait3A_254 = tpu.memref_slice %arg8[%dma_wait3A_249, %dma_wait3A_251, %dma_wait3A_252, %dma_wait3A_253] : memref<2x20x128x8xf32, #tpu.memory_space<vmem>> -> memref<1x20x128x8xf32, #tpu.memory_space<vmem>>
        %dma_wait3A_255 = tpu.memref_squeeze %dma_wait3A_254 : memref<1x20x128x8xf32, #tpu.memory_space<vmem>> -> memref<20x128x8xf32, #tpu.memory_space<vmem>>
        %dma_wait3A_256 = arith.constant 0 : i32
        %dma_wait3A_257 = arith.constant 0 : i32
        %dma_wait3A_258 = tpu.memref_slice %dma_wait3A_255[%dma_wait3A_250, %dma_wait3A_256, %dma_wait3A_257] : memref<20x128x8xf32, #tpu.memory_space<vmem>> -> memref<1x128x8xf32, #tpu.memory_space<vmem>>
        %dma_wait3A_259 = tpu.memref_squeeze %dma_wait3A_258 : memref<1x128x8xf32, #tpu.memory_space<vmem>> -> memref<128x8xf32, #tpu.memory_space<vmem>>
        %dma_wait3A_260 = arith.constant 0 : i32
        %dma_wait3A_261 = tpu.memref_slice %arg6[%dma_wait3A_248, %dma_wait3A_260] : memref<2x2560xi32, #tpu.memory_space<vmem>> -> memref<1x2560xi32, #tpu.memory_space<vmem>>
        %dma_wait3A_262 = tpu.memref_squeeze %dma_wait3A_261 : memref<1x2560xi32, #tpu.memory_space<vmem>> -> memref<2560xi32, #tpu.memory_space<vmem>>
        %dma_wait3A_263 = arith.constant 896 : i32
        %dma_wait3A_264 = tpu.memref_slice %dma_wait3A_262[%dma_wait3A_263] : memref<2560xi32, #tpu.memory_space<vmem>> -> memref<128xi32, #tpu.memory_space<vmem>>
        %dma_wait3A_265 = arith.constant 0 : i32
        %dma_wait3A_266 = arith.constant 0 : i32
        %dma_wait3A_267 = tpu.memref_slice %arg2[%dma_wait3A_265, %dma_wait3A_266] : memref<200000x8xf32, #tpu.memory_space<hbm>> -> memref<200000x8xf32, #tpu.memory_space<hbm>>
        tpu.wait_indirect_dma semaphore(%arg10 : memref<!tpu.dma_semaphore, #tpu.memory_space<semaphore_mem>>) src(%dma_wait3A_267 : memref<200000x8xf32, #tpu.memory_space<hbm>>) dst(%dma_wait3A_259 : memref<128x8xf32, #tpu.memory_space<vmem>>)
        %dma_wait3A_268 = arith.constant 1 : i32
        %dma_wait3A_269 = arith.constant 1 : i32
        %dma_wait3A_270 = arith.constant 8 : i32
        %dma_wait3A_271 = arith.constant 0 : i32
        %dma_wait3A_272 = arith.constant 0 : i32
        %dma_wait3A_273 = arith.constant 0 : i32
        %dma_wait3A_274 = tpu.memref_slice %arg8[%dma_wait3A_269, %dma_wait3A_271, %dma_wait3A_272, %dma_wait3A_273] : memref<2x20x128x8xf32, #tpu.memory_space<vmem>> -> memref<1x20x128x8xf32, #tpu.memory_space<vmem>>
        %dma_wait3A_275 = tpu.memref_squeeze %dma_wait3A_274 : memref<1x20x128x8xf32, #tpu.memory_space<vmem>> -> memref<20x128x8xf32, #tpu.memory_space<vmem>>
        %dma_wait3A_276 = arith.constant 0 : i32
        %dma_wait3A_277 = arith.constant 0 : i32
        %dma_wait3A_278 = tpu.memref_slice %dma_wait3A_275[%dma_wait3A_270, %dma_wait3A_276, %dma_wait3A_277] : memref<20x128x8xf32, #tpu.memory_space<vmem>> -> memref<1x128x8xf32, #tpu.memory_space<vmem>>
        %dma_wait3A_279 = tpu.memref_squeeze %dma_wait3A_278 : memref<1x128x8xf32, #tpu.memory_space<vmem>> -> memref<128x8xf32, #tpu.memory_space<vmem>>
        %dma_wait3A_280 = arith.constant 0 : i32
        %dma_wait3A_281 = tpu.memref_slice %arg6[%dma_wait3A_268, %dma_wait3A_280] : memref<2x2560xi32, #tpu.memory_space<vmem>> -> memref<1x2560xi32, #tpu.memory_space<vmem>>
        %dma_wait3A_282 = tpu.memref_squeeze %dma_wait3A_281 : memref<1x2560xi32, #tpu.memory_space<vmem>> -> memref<2560xi32, #tpu.memory_space<vmem>>
        %dma_wait3A_283 = arith.constant 1024 : i32
        %dma_wait3A_284 = tpu.memref_slice %dma_wait3A_282[%dma_wait3A_283] : memref<2560xi32, #tpu.memory_space<vmem>> -> memref<128xi32, #tpu.memory_space<vmem>>
        %dma_wait3A_285 = arith.constant 0 : i32
        %dma_wait3A_286 = arith.constant 0 : i32
        %dma_wait3A_287 = tpu.memref_slice %arg2[%dma_wait3A_285, %dma_wait3A_286] : memref<200000x8xf32, #tpu.memory_space<hbm>> -> memref<200000x8xf32, #tpu.memory_space<hbm>>
        tpu.wait_indirect_dma semaphore(%arg10 : memref<!tpu.dma_semaphore, #tpu.memory_space<semaphore_mem>>) src(%dma_wait3A_287 : memref<200000x8xf32, #tpu.memory_space<hbm>>) dst(%dma_wait3A_279 : memref<128x8xf32, #tpu.memory_space<vmem>>)
        %dma_wait3A_288 = arith.constant 1 : i32
        %dma_wait3A_289 = arith.constant 1 : i32
        %dma_wait3A_290 = arith.constant 9 : i32
        %dma_wait3A_291 = arith.constant 0 : i32
        %dma_wait3A_292 = arith.constant 0 : i32
        %dma_wait3A_293 = arith.constant 0 : i32
        %dma_wait3A_294 = tpu.memref_slice %arg8[%dma_wait3A_289, %dma_wait3A_291, %dma_wait3A_292, %dma_wait3A_293] : memref<2x20x128x8xf32, #tpu.memory_space<vmem>> -> memref<1x20x128x8xf32, #tpu.memory_space<vmem>>
        %dma_wait3A_295 = tpu.memref_squeeze %dma_wait3A_294 : memref<1x20x128x8xf32, #tpu.memory_space<vmem>> -> memref<20x128x8xf32, #tpu.memory_space<vmem>>
        %dma_wait3A_296 = arith.constant 0 : i32
        %dma_wait3A_297 = arith.constant 0 : i32
        %dma_wait3A_298 = tpu.memref_slice %dma_wait3A_295[%dma_wait3A_290, %dma_wait3A_296, %dma_wait3A_297] : memref<20x128x8xf32, #tpu.memory_space<vmem>> -> memref<1x128x8xf32, #tpu.memory_space<vmem>>
        %dma_wait3A_299 = tpu.memref_squeeze %dma_wait3A_298 : memref<1x128x8xf32, #tpu.memory_space<vmem>> -> memref<128x8xf32, #tpu.memory_space<vmem>>
        %dma_wait3A_300 = arith.constant 0 : i32
        %dma_wait3A_301 = tpu.memref_slice %arg6[%dma_wait3A_288, %dma_wait3A_300] : memref<2x2560xi32, #tpu.memory_space<vmem>> -> memref<1x2560xi32, #tpu.memory_space<vmem>>
        %dma_wait3A_302 = tpu.memref_squeeze %dma_wait3A_301 : memref<1x2560xi32, #tpu.memory_space<vmem>> -> memref<2560xi32, #tpu.memory_space<vmem>>
        %dma_wait3A_303 = arith.constant 1152 : i32
        %dma_wait3A_304 = tpu.memref_slice %dma_wait3A_302[%dma_wait3A_303] : memref<2560xi32, #tpu.memory_space<vmem>> -> memref<128xi32, #tpu.memory_space<vmem>>
        %dma_wait3A_305 = arith.constant 0 : i32
        %dma_wait3A_306 = arith.constant 0 : i32
        %dma_wait3A_307 = tpu.memref_slice %arg2[%dma_wait3A_305, %dma_wait3A_306] : memref<200000x8xf32, #tpu.memory_space<hbm>> -> memref<200000x8xf32, #tpu.memory_space<hbm>>
        tpu.wait_indirect_dma semaphore(%arg10 : memref<!tpu.dma_semaphore, #tpu.memory_space<semaphore_mem>>) src(%dma_wait3A_307 : memref<200000x8xf32, #tpu.memory_space<hbm>>) dst(%dma_wait3A_299 : memref<128x8xf32, #tpu.memory_space<vmem>>)
        %dma_wait3A_308 = arith.constant 1 : i32
        %dma_wait3A_309 = arith.constant 1 : i32
        %dma_wait3A_310 = arith.constant 10 : i32
        %dma_wait3A_311 = arith.constant 0 : i32
        %dma_wait3A_312 = arith.constant 0 : i32
        %dma_wait3A_313 = arith.constant 0 : i32
        %dma_wait3A_314 = tpu.memref_slice %arg8[%dma_wait3A_309, %dma_wait3A_311, %dma_wait3A_312, %dma_wait3A_313] : memref<2x20x128x8xf32, #tpu.memory_space<vmem>> -> memref<1x20x128x8xf32, #tpu.memory_space<vmem>>
        %dma_wait3A_315 = tpu.memref_squeeze %dma_wait3A_314 : memref<1x20x128x8xf32, #tpu.memory_space<vmem>> -> memref<20x128x8xf32, #tpu.memory_space<vmem>>
        %dma_wait3A_316 = arith.constant 0 : i32
        %dma_wait3A_317 = arith.constant 0 : i32
        %dma_wait3A_318 = tpu.memref_slice %dma_wait3A_315[%dma_wait3A_310, %dma_wait3A_316, %dma_wait3A_317] : memref<20x128x8xf32, #tpu.memory_space<vmem>> -> memref<1x128x8xf32, #tpu.memory_space<vmem>>
        %dma_wait3A_319 = tpu.memref_squeeze %dma_wait3A_318 : memref<1x128x8xf32, #tpu.memory_space<vmem>> -> memref<128x8xf32, #tpu.memory_space<vmem>>
        %dma_wait3A_320 = arith.constant 0 : i32
        %dma_wait3A_321 = tpu.memref_slice %arg6[%dma_wait3A_308, %dma_wait3A_320] : memref<2x2560xi32, #tpu.memory_space<vmem>> -> memref<1x2560xi32, #tpu.memory_space<vmem>>
        %dma_wait3A_322 = tpu.memref_squeeze %dma_wait3A_321 : memref<1x2560xi32, #tpu.memory_space<vmem>> -> memref<2560xi32, #tpu.memory_space<vmem>>
        %dma_wait3A_323 = arith.constant 1280 : i32
        %dma_wait3A_324 = tpu.memref_slice %dma_wait3A_322[%dma_wait3A_323] : memref<2560xi32, #tpu.memory_space<vmem>> -> memref<128xi32, #tpu.memory_space<vmem>>
        %dma_wait3A_325 = arith.constant 0 : i32
        %dma_wait3A_326 = arith.constant 0 : i32
        %dma_wait3A_327 = tpu.memref_slice %arg2[%dma_wait3A_325, %dma_wait3A_326] : memref<200000x8xf32, #tpu.memory_space<hbm>> -> memref<200000x8xf32, #tpu.memory_space<hbm>>
        tpu.wait_indirect_dma semaphore(%arg10 : memref<!tpu.dma_semaphore, #tpu.memory_space<semaphore_mem>>) src(%dma_wait3A_327 : memref<200000x8xf32, #tpu.memory_space<hbm>>) dst(%dma_wait3A_319 : memref<128x8xf32, #tpu.memory_space<vmem>>)
        %dma_wait3A_328 = arith.constant 1 : i32
        %dma_wait3A_329 = arith.constant 1 : i32
        %dma_wait3A_330 = arith.constant 11 : i32
        %dma_wait3A_331 = arith.constant 0 : i32
        %dma_wait3A_332 = arith.constant 0 : i32
        %dma_wait3A_333 = arith.constant 0 : i32
        %dma_wait3A_334 = tpu.memref_slice %arg8[%dma_wait3A_329, %dma_wait3A_331, %dma_wait3A_332, %dma_wait3A_333] : memref<2x20x128x8xf32, #tpu.memory_space<vmem>> -> memref<1x20x128x8xf32, #tpu.memory_space<vmem>>
        %dma_wait3A_335 = tpu.memref_squeeze %dma_wait3A_334 : memref<1x20x128x8xf32, #tpu.memory_space<vmem>> -> memref<20x128x8xf32, #tpu.memory_space<vmem>>
        %dma_wait3A_336 = arith.constant 0 : i32
        %dma_wait3A_337 = arith.constant 0 : i32
        %dma_wait3A_338 = tpu.memref_slice %dma_wait3A_335[%dma_wait3A_330, %dma_wait3A_336, %dma_wait3A_337] : memref<20x128x8xf32, #tpu.memory_space<vmem>> -> memref<1x128x8xf32, #tpu.memory_space<vmem>>
        %dma_wait3A_339 = tpu.memref_squeeze %dma_wait3A_338 : memref<1x128x8xf32, #tpu.memory_space<vmem>> -> memref<128x8xf32, #tpu.memory_space<vmem>>
        %dma_wait3A_340 = arith.constant 0 : i32
        %dma_wait3A_341 = tpu.memref_slice %arg6[%dma_wait3A_328, %dma_wait3A_340] : memref<2x2560xi32, #tpu.memory_space<vmem>> -> memref<1x2560xi32, #tpu.memory_space<vmem>>
        %dma_wait3A_342 = tpu.memref_squeeze %dma_wait3A_341 : memref<1x2560xi32, #tpu.memory_space<vmem>> -> memref<2560xi32, #tpu.memory_space<vmem>>
        %dma_wait3A_343 = arith.constant 1408 : i32
        %dma_wait3A_344 = tpu.memref_slice %dma_wait3A_342[%dma_wait3A_343] : memref<2560xi32, #tpu.memory_space<vmem>> -> memref<128xi32, #tpu.memory_space<vmem>>
        %dma_wait3A_345 = arith.constant 0 : i32
        %dma_wait3A_346 = arith.constant 0 : i32
        %dma_wait3A_347 = tpu.memref_slice %arg2[%dma_wait3A_345, %dma_wait3A_346] : memref<200000x8xf32, #tpu.memory_space<hbm>> -> memref<200000x8xf32, #tpu.memory_space<hbm>>
        tpu.wait_indirect_dma semaphore(%arg10 : memref<!tpu.dma_semaphore, #tpu.memory_space<semaphore_mem>>) src(%dma_wait3A_347 : memref<200000x8xf32, #tpu.memory_space<hbm>>) dst(%dma_wait3A_339 : memref<128x8xf32, #tpu.memory_space<vmem>>)
        %dma_wait3A_348 = arith.constant 1 : i32
        %dma_wait3A_349 = arith.constant 1 : i32
        %dma_wait3A_350 = arith.constant 12 : i32
        %dma_wait3A_351 = arith.constant 0 : i32
        %dma_wait3A_352 = arith.constant 0 : i32
        %dma_wait3A_353 = arith.constant 0 : i32
        %dma_wait3A_354 = tpu.memref_slice %arg8[%dma_wait3A_349, %dma_wait3A_351, %dma_wait3A_352, %dma_wait3A_353] : memref<2x20x128x8xf32, #tpu.memory_space<vmem>> -> memref<1x20x128x8xf32, #tpu.memory_space<vmem>>
        %dma_wait3A_355 = tpu.memref_squeeze %dma_wait3A_354 : memref<1x20x128x8xf32, #tpu.memory_space<vmem>> -> memref<20x128x8xf32, #tpu.memory_space<vmem>>
        %dma_wait3A_356 = arith.constant 0 : i32
        %dma_wait3A_357 = arith.constant 0 : i32
        %dma_wait3A_358 = tpu.memref_slice %dma_wait3A_355[%dma_wait3A_350, %dma_wait3A_356, %dma_wait3A_357] : memref<20x128x8xf32, #tpu.memory_space<vmem>> -> memref<1x128x8xf32, #tpu.memory_space<vmem>>
        %dma_wait3A_359 = tpu.memref_squeeze %dma_wait3A_358 : memref<1x128x8xf32, #tpu.memory_space<vmem>> -> memref<128x8xf32, #tpu.memory_space<vmem>>
        %dma_wait3A_360 = arith.constant 0 : i32
        %dma_wait3A_361 = tpu.memref_slice %arg6[%dma_wait3A_348, %dma_wait3A_360] : memref<2x2560xi32, #tpu.memory_space<vmem>> -> memref<1x2560xi32, #tpu.memory_space<vmem>>
        %dma_wait3A_362 = tpu.memref_squeeze %dma_wait3A_361 : memref<1x2560xi32, #tpu.memory_space<vmem>> -> memref<2560xi32, #tpu.memory_space<vmem>>
        %dma_wait3A_363 = arith.constant 1536 : i32
        %dma_wait3A_364 = tpu.memref_slice %dma_wait3A_362[%dma_wait3A_363] : memref<2560xi32, #tpu.memory_space<vmem>> -> memref<128xi32, #tpu.memory_space<vmem>>
        %dma_wait3A_365 = arith.constant 0 : i32
        %dma_wait3A_366 = arith.constant 0 : i32
        %dma_wait3A_367 = tpu.memref_slice %arg2[%dma_wait3A_365, %dma_wait3A_366] : memref<200000x8xf32, #tpu.memory_space<hbm>> -> memref<200000x8xf32, #tpu.memory_space<hbm>>
        tpu.wait_indirect_dma semaphore(%arg10 : memref<!tpu.dma_semaphore, #tpu.memory_space<semaphore_mem>>) src(%dma_wait3A_367 : memref<200000x8xf32, #tpu.memory_space<hbm>>) dst(%dma_wait3A_359 : memref<128x8xf32, #tpu.memory_space<vmem>>)
        %dma_wait3A_368 = arith.constant 1 : i32
        %dma_wait3A_369 = arith.constant 1 : i32
        %dma_wait3A_370 = arith.constant 13 : i32
        %dma_wait3A_371 = arith.constant 0 : i32
        %dma_wait3A_372 = arith.constant 0 : i32
        %dma_wait3A_373 = arith.constant 0 : i32
        %dma_wait3A_374 = tpu.memref_slice %arg8[%dma_wait3A_369, %dma_wait3A_371, %dma_wait3A_372, %dma_wait3A_373] : memref<2x20x128x8xf32, #tpu.memory_space<vmem>> -> memref<1x20x128x8xf32, #tpu.memory_space<vmem>>
        %dma_wait3A_375 = tpu.memref_squeeze %dma_wait3A_374 : memref<1x20x128x8xf32, #tpu.memory_space<vmem>> -> memref<20x128x8xf32, #tpu.memory_space<vmem>>
        %dma_wait3A_376 = arith.constant 0 : i32
        %dma_wait3A_377 = arith.constant 0 : i32
        %dma_wait3A_378 = tpu.memref_slice %dma_wait3A_375[%dma_wait3A_370, %dma_wait3A_376, %dma_wait3A_377] : memref<20x128x8xf32, #tpu.memory_space<vmem>> -> memref<1x128x8xf32, #tpu.memory_space<vmem>>
        %dma_wait3A_379 = tpu.memref_squeeze %dma_wait3A_378 : memref<1x128x8xf32, #tpu.memory_space<vmem>> -> memref<128x8xf32, #tpu.memory_space<vmem>>
        %dma_wait3A_380 = arith.constant 0 : i32
        %dma_wait3A_381 = tpu.memref_slice %arg6[%dma_wait3A_368, %dma_wait3A_380] : memref<2x2560xi32, #tpu.memory_space<vmem>> -> memref<1x2560xi32, #tpu.memory_space<vmem>>
        %dma_wait3A_382 = tpu.memref_squeeze %dma_wait3A_381 : memref<1x2560xi32, #tpu.memory_space<vmem>> -> memref<2560xi32, #tpu.memory_space<vmem>>
        %dma_wait3A_383 = arith.constant 1664 : i32
        %dma_wait3A_384 = tpu.memref_slice %dma_wait3A_382[%dma_wait3A_383] : memref<2560xi32, #tpu.memory_space<vmem>> -> memref<128xi32, #tpu.memory_space<vmem>>
        %dma_wait3A_385 = arith.constant 0 : i32
        %dma_wait3A_386 = arith.constant 0 : i32
        %dma_wait3A_387 = tpu.memref_slice %arg2[%dma_wait3A_385, %dma_wait3A_386] : memref<200000x8xf32, #tpu.memory_space<hbm>> -> memref<200000x8xf32, #tpu.memory_space<hbm>>
        tpu.wait_indirect_dma semaphore(%arg10 : memref<!tpu.dma_semaphore, #tpu.memory_space<semaphore_mem>>) src(%dma_wait3A_387 : memref<200000x8xf32, #tpu.memory_space<hbm>>) dst(%dma_wait3A_379 : memref<128x8xf32, #tpu.memory_space<vmem>>)
        %dma_wait3A_388 = arith.constant 1 : i32
        %dma_wait3A_389 = arith.constant 1 : i32
        %dma_wait3A_390 = arith.constant 14 : i32
        %dma_wait3A_391 = arith.constant 0 : i32
        %dma_wait3A_392 = arith.constant 0 : i32
        %dma_wait3A_393 = arith.constant 0 : i32
        %dma_wait3A_394 = tpu.memref_slice %arg8[%dma_wait3A_389, %dma_wait3A_391, %dma_wait3A_392, %dma_wait3A_393] : memref<2x20x128x8xf32, #tpu.memory_space<vmem>> -> memref<1x20x128x8xf32, #tpu.memory_space<vmem>>
        %dma_wait3A_395 = tpu.memref_squeeze %dma_wait3A_394 : memref<1x20x128x8xf32, #tpu.memory_space<vmem>> -> memref<20x128x8xf32, #tpu.memory_space<vmem>>
        %dma_wait3A_396 = arith.constant 0 : i32
        %dma_wait3A_397 = arith.constant 0 : i32
        %dma_wait3A_398 = tpu.memref_slice %dma_wait3A_395[%dma_wait3A_390, %dma_wait3A_396, %dma_wait3A_397] : memref<20x128x8xf32, #tpu.memory_space<vmem>> -> memref<1x128x8xf32, #tpu.memory_space<vmem>>
        %dma_wait3A_399 = tpu.memref_squeeze %dma_wait3A_398 : memref<1x128x8xf32, #tpu.memory_space<vmem>> -> memref<128x8xf32, #tpu.memory_space<vmem>>
        %dma_wait3A_400 = arith.constant 0 : i32
        %dma_wait3A_401 = tpu.memref_slice %arg6[%dma_wait3A_388, %dma_wait3A_400] : memref<2x2560xi32, #tpu.memory_space<vmem>> -> memref<1x2560xi32, #tpu.memory_space<vmem>>
        %dma_wait3A_402 = tpu.memref_squeeze %dma_wait3A_401 : memref<1x2560xi32, #tpu.memory_space<vmem>> -> memref<2560xi32, #tpu.memory_space<vmem>>
        %dma_wait3A_403 = arith.constant 1792 : i32
        %dma_wait3A_404 = tpu.memref_slice %dma_wait3A_402[%dma_wait3A_403] : memref<2560xi32, #tpu.memory_space<vmem>> -> memref<128xi32, #tpu.memory_space<vmem>>
        %dma_wait3A_405 = arith.constant 0 : i32
        %dma_wait3A_406 = arith.constant 0 : i32
        %dma_wait3A_407 = tpu.memref_slice %arg2[%dma_wait3A_405, %dma_wait3A_406] : memref<200000x8xf32, #tpu.memory_space<hbm>> -> memref<200000x8xf32, #tpu.memory_space<hbm>>
        tpu.wait_indirect_dma semaphore(%arg10 : memref<!tpu.dma_semaphore, #tpu.memory_space<semaphore_mem>>) src(%dma_wait3A_407 : memref<200000x8xf32, #tpu.memory_space<hbm>>) dst(%dma_wait3A_399 : memref<128x8xf32, #tpu.memory_space<vmem>>)
        %dma_wait3A_408 = arith.constant 1 : i32
        %dma_wait3A_409 = arith.constant 1 : i32
        %dma_wait3A_410 = arith.constant 15 : i32
        %dma_wait3A_411 = arith.constant 0 : i32
        %dma_wait3A_412 = arith.constant 0 : i32
        %dma_wait3A_413 = arith.constant 0 : i32
        %dma_wait3A_414 = tpu.memref_slice %arg8[%dma_wait3A_409, %dma_wait3A_411, %dma_wait3A_412, %dma_wait3A_413] : memref<2x20x128x8xf32, #tpu.memory_space<vmem>> -> memref<1x20x128x8xf32, #tpu.memory_space<vmem>>
        %dma_wait3A_415 = tpu.memref_squeeze %dma_wait3A_414 : memref<1x20x128x8xf32, #tpu.memory_space<vmem>> -> memref<20x128x8xf32, #tpu.memory_space<vmem>>
        %dma_wait3A_416 = arith.constant 0 : i32
        %dma_wait3A_417 = arith.constant 0 : i32
        %dma_wait3A_418 = tpu.memref_slice %dma_wait3A_415[%dma_wait3A_410, %dma_wait3A_416, %dma_wait3A_417] : memref<20x128x8xf32, #tpu.memory_space<vmem>> -> memref<1x128x8xf32, #tpu.memory_space<vmem>>
        %dma_wait3A_419 = tpu.memref_squeeze %dma_wait3A_418 : memref<1x128x8xf32, #tpu.memory_space<vmem>> -> memref<128x8xf32, #tpu.memory_space<vmem>>
        %dma_wait3A_420 = arith.constant 0 : i32
        %dma_wait3A_421 = tpu.memref_slice %arg6[%dma_wait3A_408, %dma_wait3A_420] : memref<2x2560xi32, #tpu.memory_space<vmem>> -> memref<1x2560xi32, #tpu.memory_space<vmem>>
        %dma_wait3A_422 = tpu.memref_squeeze %dma_wait3A_421 : memref<1x2560xi32, #tpu.memory_space<vmem>> -> memref<2560xi32, #tpu.memory_space<vmem>>
        %dma_wait3A_423 = arith.constant 1920 : i32
        %dma_wait3A_424 = tpu.memref_slice %dma_wait3A_422[%dma_wait3A_423] : memref<2560xi32, #tpu.memory_space<vmem>> -> memref<128xi32, #tpu.memory_space<vmem>>
        %dma_wait3A_425 = arith.constant 0 : i32
        %dma_wait3A_426 = arith.constant 0 : i32
        %dma_wait3A_427 = tpu.memref_slice %arg2[%dma_wait3A_425, %dma_wait3A_426] : memref<200000x8xf32, #tpu.memory_space<hbm>> -> memref<200000x8xf32, #tpu.memory_space<hbm>>
        tpu.wait_indirect_dma semaphore(%arg10 : memref<!tpu.dma_semaphore, #tpu.memory_space<semaphore_mem>>) src(%dma_wait3A_427 : memref<200000x8xf32, #tpu.memory_space<hbm>>) dst(%dma_wait3A_419 : memref<128x8xf32, #tpu.memory_space<vmem>>)
        %dma_wait3A_428 = arith.constant 1 : i32
        %dma_wait3A_429 = arith.constant 1 : i32
        %dma_wait3A_430 = arith.constant 16 : i32
        %dma_wait3A_431 = arith.constant 0 : i32
        %dma_wait3A_432 = arith.constant 0 : i32
        %dma_wait3A_433 = arith.constant 0 : i32
        %dma_wait3A_434 = tpu.memref_slice %arg8[%dma_wait3A_429, %dma_wait3A_431, %dma_wait3A_432, %dma_wait3A_433] : memref<2x20x128x8xf32, #tpu.memory_space<vmem>> -> memref<1x20x128x8xf32, #tpu.memory_space<vmem>>
        %dma_wait3A_435 = tpu.memref_squeeze %dma_wait3A_434 : memref<1x20x128x8xf32, #tpu.memory_space<vmem>> -> memref<20x128x8xf32, #tpu.memory_space<vmem>>
        %dma_wait3A_436 = arith.constant 0 : i32
        %dma_wait3A_437 = arith.constant 0 : i32
        %dma_wait3A_438 = tpu.memref_slice %dma_wait3A_435[%dma_wait3A_430, %dma_wait3A_436, %dma_wait3A_437] : memref<20x128x8xf32, #tpu.memory_space<vmem>> -> memref<1x128x8xf32, #tpu.memory_space<vmem>>
        %dma_wait3A_439 = tpu.memref_squeeze %dma_wait3A_438 : memref<1x128x8xf32, #tpu.memory_space<vmem>> -> memref<128x8xf32, #tpu.memory_space<vmem>>
        %dma_wait3A_440 = arith.constant 0 : i32
        %dma_wait3A_441 = tpu.memref_slice %arg6[%dma_wait3A_428, %dma_wait3A_440] : memref<2x2560xi32, #tpu.memory_space<vmem>> -> memref<1x2560xi32, #tpu.memory_space<vmem>>
        %dma_wait3A_442 = tpu.memref_squeeze %dma_wait3A_441 : memref<1x2560xi32, #tpu.memory_space<vmem>> -> memref<2560xi32, #tpu.memory_space<vmem>>
        %dma_wait3A_443 = arith.constant 2048 : i32
        %dma_wait3A_444 = tpu.memref_slice %dma_wait3A_442[%dma_wait3A_443] : memref<2560xi32, #tpu.memory_space<vmem>> -> memref<128xi32, #tpu.memory_space<vmem>>
        %dma_wait3A_445 = arith.constant 0 : i32
        %dma_wait3A_446 = arith.constant 0 : i32
        %dma_wait3A_447 = tpu.memref_slice %arg2[%dma_wait3A_445, %dma_wait3A_446] : memref<200000x8xf32, #tpu.memory_space<hbm>> -> memref<200000x8xf32, #tpu.memory_space<hbm>>
        tpu.wait_indirect_dma semaphore(%arg10 : memref<!tpu.dma_semaphore, #tpu.memory_space<semaphore_mem>>) src(%dma_wait3A_447 : memref<200000x8xf32, #tpu.memory_space<hbm>>) dst(%dma_wait3A_439 : memref<128x8xf32, #tpu.memory_space<vmem>>)
        %dma_wait3A_448 = arith.constant 1 : i32
        %dma_wait3A_449 = arith.constant 1 : i32
        %dma_wait3A_450 = arith.constant 17 : i32
        %dma_wait3A_451 = arith.constant 0 : i32
        %dma_wait3A_452 = arith.constant 0 : i32
        %dma_wait3A_453 = arith.constant 0 : i32
        %dma_wait3A_454 = tpu.memref_slice %arg8[%dma_wait3A_449, %dma_wait3A_451, %dma_wait3A_452, %dma_wait3A_453] : memref<2x20x128x8xf32, #tpu.memory_space<vmem>> -> memref<1x20x128x8xf32, #tpu.memory_space<vmem>>
        %dma_wait3A_455 = tpu.memref_squeeze %dma_wait3A_454 : memref<1x20x128x8xf32, #tpu.memory_space<vmem>> -> memref<20x128x8xf32, #tpu.memory_space<vmem>>
        %dma_wait3A_456 = arith.constant 0 : i32
        %dma_wait3A_457 = arith.constant 0 : i32
        %dma_wait3A_458 = tpu.memref_slice %dma_wait3A_455[%dma_wait3A_450, %dma_wait3A_456, %dma_wait3A_457] : memref<20x128x8xf32, #tpu.memory_space<vmem>> -> memref<1x128x8xf32, #tpu.memory_space<vmem>>
        %dma_wait3A_459 = tpu.memref_squeeze %dma_wait3A_458 : memref<1x128x8xf32, #tpu.memory_space<vmem>> -> memref<128x8xf32, #tpu.memory_space<vmem>>
        %dma_wait3A_460 = arith.constant 0 : i32
        %dma_wait3A_461 = tpu.memref_slice %arg6[%dma_wait3A_448, %dma_wait3A_460] : memref<2x2560xi32, #tpu.memory_space<vmem>> -> memref<1x2560xi32, #tpu.memory_space<vmem>>
        %dma_wait3A_462 = tpu.memref_squeeze %dma_wait3A_461 : memref<1x2560xi32, #tpu.memory_space<vmem>> -> memref<2560xi32, #tpu.memory_space<vmem>>
        %dma_wait3A_463 = arith.constant 2176 : i32
        %dma_wait3A_464 = tpu.memref_slice %dma_wait3A_462[%dma_wait3A_463] : memref<2560xi32, #tpu.memory_space<vmem>> -> memref<128xi32, #tpu.memory_space<vmem>>
        %dma_wait3A_465 = arith.constant 0 : i32
        %dma_wait3A_466 = arith.constant 0 : i32
        %dma_wait3A_467 = tpu.memref_slice %arg2[%dma_wait3A_465, %dma_wait3A_466] : memref<200000x8xf32, #tpu.memory_space<hbm>> -> memref<200000x8xf32, #tpu.memory_space<hbm>>
        tpu.wait_indirect_dma semaphore(%arg10 : memref<!tpu.dma_semaphore, #tpu.memory_space<semaphore_mem>>) src(%dma_wait3A_467 : memref<200000x8xf32, #tpu.memory_space<hbm>>) dst(%dma_wait3A_459 : memref<128x8xf32, #tpu.memory_space<vmem>>)
        %dma_wait3A_468 = arith.constant 1 : i32
        %dma_wait3A_469 = arith.constant 1 : i32
        %dma_wait3A_470 = arith.constant 18 : i32
        %dma_wait3A_471 = arith.constant 0 : i32
        %dma_wait3A_472 = arith.constant 0 : i32
        %dma_wait3A_473 = arith.constant 0 : i32
        %dma_wait3A_474 = tpu.memref_slice %arg8[%dma_wait3A_469, %dma_wait3A_471, %dma_wait3A_472, %dma_wait3A_473] : memref<2x20x128x8xf32, #tpu.memory_space<vmem>> -> memref<1x20x128x8xf32, #tpu.memory_space<vmem>>
        %dma_wait3A_475 = tpu.memref_squeeze %dma_wait3A_474 : memref<1x20x128x8xf32, #tpu.memory_space<vmem>> -> memref<20x128x8xf32, #tpu.memory_space<vmem>>
        %dma_wait3A_476 = arith.constant 0 : i32
        %dma_wait3A_477 = arith.constant 0 : i32
        %dma_wait3A_478 = tpu.memref_slice %dma_wait3A_475[%dma_wait3A_470, %dma_wait3A_476, %dma_wait3A_477] : memref<20x128x8xf32, #tpu.memory_space<vmem>> -> memref<1x128x8xf32, #tpu.memory_space<vmem>>
        %dma_wait3A_479 = tpu.memref_squeeze %dma_wait3A_478 : memref<1x128x8xf32, #tpu.memory_space<vmem>> -> memref<128x8xf32, #tpu.memory_space<vmem>>
        %dma_wait3A_480 = arith.constant 0 : i32
        %dma_wait3A_481 = tpu.memref_slice %arg6[%dma_wait3A_468, %dma_wait3A_480] : memref<2x2560xi32, #tpu.memory_space<vmem>> -> memref<1x2560xi32, #tpu.memory_space<vmem>>
        %dma_wait3A_482 = tpu.memref_squeeze %dma_wait3A_481 : memref<1x2560xi32, #tpu.memory_space<vmem>> -> memref<2560xi32, #tpu.memory_space<vmem>>
        %dma_wait3A_483 = arith.constant 2304 : i32
        %dma_wait3A_484 = tpu.memref_slice %dma_wait3A_482[%dma_wait3A_483] : memref<2560xi32, #tpu.memory_space<vmem>> -> memref<128xi32, #tpu.memory_space<vmem>>
        %dma_wait3A_485 = arith.constant 0 : i32
        %dma_wait3A_486 = arith.constant 0 : i32
        %dma_wait3A_487 = tpu.memref_slice %arg2[%dma_wait3A_485, %dma_wait3A_486] : memref<200000x8xf32, #tpu.memory_space<hbm>> -> memref<200000x8xf32, #tpu.memory_space<hbm>>
        tpu.wait_indirect_dma semaphore(%arg10 : memref<!tpu.dma_semaphore, #tpu.memory_space<semaphore_mem>>) src(%dma_wait3A_487 : memref<200000x8xf32, #tpu.memory_space<hbm>>) dst(%dma_wait3A_479 : memref<128x8xf32, #tpu.memory_space<vmem>>)
        %dma_wait3A_488 = arith.constant 1 : i32
        %dma_wait3A_489 = arith.constant 1 : i32
        %dma_wait3A_490 = arith.constant 19 : i32
        %dma_wait3A_491 = arith.constant 0 : i32
        %dma_wait3A_492 = arith.constant 0 : i32
        %dma_wait3A_493 = arith.constant 0 : i32
        %dma_wait3A_494 = tpu.memref_slice %arg8[%dma_wait3A_489, %dma_wait3A_491, %dma_wait3A_492, %dma_wait3A_493] : memref<2x20x128x8xf32, #tpu.memory_space<vmem>> -> memref<1x20x128x8xf32, #tpu.memory_space<vmem>>
        %dma_wait3A_495 = tpu.memref_squeeze %dma_wait3A_494 : memref<1x20x128x8xf32, #tpu.memory_space<vmem>> -> memref<20x128x8xf32, #tpu.memory_space<vmem>>
        %dma_wait3A_496 = arith.constant 0 : i32
        %dma_wait3A_497 = arith.constant 0 : i32
        %dma_wait3A_498 = tpu.memref_slice %dma_wait3A_495[%dma_wait3A_490, %dma_wait3A_496, %dma_wait3A_497] : memref<20x128x8xf32, #tpu.memory_space<vmem>> -> memref<1x128x8xf32, #tpu.memory_space<vmem>>
        %dma_wait3A_499 = tpu.memref_squeeze %dma_wait3A_498 : memref<1x128x8xf32, #tpu.memory_space<vmem>> -> memref<128x8xf32, #tpu.memory_space<vmem>>
        %dma_wait3A_500 = arith.constant 0 : i32
        %dma_wait3A_501 = tpu.memref_slice %arg6[%dma_wait3A_488, %dma_wait3A_500] : memref<2x2560xi32, #tpu.memory_space<vmem>> -> memref<1x2560xi32, #tpu.memory_space<vmem>>
        %dma_wait3A_502 = tpu.memref_squeeze %dma_wait3A_501 : memref<1x2560xi32, #tpu.memory_space<vmem>> -> memref<2560xi32, #tpu.memory_space<vmem>>
        %dma_wait3A_503 = arith.constant 2432 : i32
        %dma_wait3A_504 = tpu.memref_slice %dma_wait3A_502[%dma_wait3A_503] : memref<2560xi32, #tpu.memory_space<vmem>> -> memref<128xi32, #tpu.memory_space<vmem>>
        %dma_wait3A_505 = arith.constant 0 : i32
        %dma_wait3A_506 = arith.constant 0 : i32
        %dma_wait3A_507 = tpu.memref_slice %arg2[%dma_wait3A_505, %dma_wait3A_506] : memref<200000x8xf32, #tpu.memory_space<hbm>> -> memref<200000x8xf32, #tpu.memory_space<hbm>>
        tpu.wait_indirect_dma semaphore(%arg10 : memref<!tpu.dma_semaphore, #tpu.memory_space<semaphore_mem>>) src(%dma_wait3A_507 : memref<200000x8xf32, #tpu.memory_space<hbm>>) dst(%dma_wait3A_499 : memref<128x8xf32, #tpu.memory_space<vmem>>)
        %dma_start3A_508 = arith.constant 1 : i32
        %dma_start3A_509 = arith.constant 0 : i32
        %dma_start3A_510 = arith.constant 1 : i32
        %dma_start3A_511 = arith.constant 0 : i32
        %dma_start3A_512 = arith.constant 0 : i32
        %dma_start3A_513 = arith.constant 0 : i32
        %dma_start3A_514 = tpu.memref_slice %arg8[%dma_start3A_508, %dma_start3A_511, %dma_start3A_512, %dma_start3A_513] : memref<2x20x128x8xf32, #tpu.memory_space<vmem>> -> memref<1x20x128x8xf32, #tpu.memory_space<vmem>>
        %dma_start3A_515 = tpu.memref_squeeze %dma_start3A_514 : memref<1x20x128x8xf32, #tpu.memory_space<vmem>> -> memref<20x128x8xf32, #tpu.memory_space<vmem>>
        %dma_start3A_516 = arith.constant 0 : i32
        %dma_start3A_517 = arith.constant 0 : i32
        %dma_start3A_518 = tpu.memref_slice %dma_start3A_515[%dma_start3A_509, %dma_start3A_516, %dma_start3A_517] : memref<20x128x8xf32, #tpu.memory_space<vmem>> -> memref<1x128x8xf32, #tpu.memory_space<vmem>>
        %dma_start3A_519 = tpu.memref_squeeze %dma_start3A_518 : memref<1x128x8xf32, #tpu.memory_space<vmem>> -> memref<128x8xf32, #tpu.memory_space<vmem>>
        %dma_start3A_520 = arith.constant 0 : i32
        %dma_start3A_521 = tpu.memref_slice %arg7[%dma_start3A_510, %dma_start3A_520] : memref<2x2560xi32, #tpu.memory_space<vmem>> -> memref<1x2560xi32, #tpu.memory_space<vmem>>
        %dma_start3A_522 = tpu.memref_squeeze %dma_start3A_521 : memref<1x2560xi32, #tpu.memory_space<vmem>> -> memref<2560xi32, #tpu.memory_space<vmem>>
        %dma_start3A_523 = arith.constant 0 : i32
        %dma_start3A_524 = tpu.memref_slice %dma_start3A_522[%dma_start3A_523] : memref<2560xi32, #tpu.memory_space<vmem>> -> memref<128xi32, #tpu.memory_space<vmem>>
        %dma_start3A_525 = arith.constant 0 : i32
        %dma_start3A_526 = arith.constant 0 : i32
        %dma_start3A_527 = tpu.memref_slice %arg5[%dma_start3A_525, %dma_start3A_526] : memref<100000x8xf32, #tpu.memory_space<vmem_shared>> -> memref<100000x8xf32, #tpu.memory_space<vmem_shared>>
        tpu.enqueue_indirect_dma source(%dma_start3A_519 : memref<128x8xf32, #tpu.memory_space<vmem>>) target(%dma_start3A_527 : memref<100000x8xf32, #tpu.memory_space<vmem_shared>>) offsets(%dma_start3A_524 : memref<128xi32, #tpu.memory_space<vmem>>) semaphore(%arg11 : memref<!tpu.dma_semaphore, #tpu.memory_space<semaphore_mem>>) {add = true}
        %dma_start3A_528 = arith.constant 1 : i32
        %dma_start3A_529 = arith.constant 1 : i32
        %dma_start3A_530 = arith.constant 1 : i32
        %dma_start3A_531 = arith.constant 0 : i32
        %dma_start3A_532 = arith.constant 0 : i32
        %dma_start3A_533 = arith.constant 0 : i32
        %dma_start3A_534 = tpu.memref_slice %arg8[%dma_start3A_528, %dma_start3A_531, %dma_start3A_532, %dma_start3A_533] : memref<2x20x128x8xf32, #tpu.memory_space<vmem>> -> memref<1x20x128x8xf32, #tpu.memory_space<vmem>>
        %dma_start3A_535 = tpu.memref_squeeze %dma_start3A_534 : memref<1x20x128x8xf32, #tpu.memory_space<vmem>> -> memref<20x128x8xf32, #tpu.memory_space<vmem>>
        %dma_start3A_536 = arith.constant 0 : i32
        %dma_start3A_537 = arith.constant 0 : i32
        %dma_start3A_538 = tpu.memref_slice %dma_start3A_535[%dma_start3A_529, %dma_start3A_536, %dma_start3A_537] : memref<20x128x8xf32, #tpu.memory_space<vmem>> -> memref<1x128x8xf32, #tpu.memory_space<vmem>>
        %dma_start3A_539 = tpu.memref_squeeze %dma_start3A_538 : memref<1x128x8xf32, #tpu.memory_space<vmem>> -> memref<128x8xf32, #tpu.memory_space<vmem>>
        %dma_start3A_540 = arith.constant 0 : i32
        %dma_start3A_541 = tpu.memref_slice %arg7[%dma_start3A_530, %dma_start3A_540] : memref<2x2560xi32, #tpu.memory_space<vmem>> -> memref<1x2560xi32, #tpu.memory_space<vmem>>
        %dma_start3A_542 = tpu.memref_squeeze %dma_start3A_541 : memref<1x2560xi32, #tpu.memory_space<vmem>> -> memref<2560xi32, #tpu.memory_space<vmem>>
        %dma_start3A_543 = arith.constant 128 : i32
        %dma_start3A_544 = tpu.memref_slice %dma_start3A_542[%dma_start3A_543] : memref<2560xi32, #tpu.memory_space<vmem>> -> memref<128xi32, #tpu.memory_space<vmem>>
        %dma_start3A_545 = arith.constant 0 : i32
        %dma_start3A_546 = arith.constant 0 : i32
        %dma_start3A_547 = tpu.memref_slice %arg5[%dma_start3A_545, %dma_start3A_546] : memref<100000x8xf32, #tpu.memory_space<vmem_shared>> -> memref<100000x8xf32, #tpu.memory_space<vmem_shared>>
        tpu.enqueue_indirect_dma source(%dma_start3A_539 : memref<128x8xf32, #tpu.memory_space<vmem>>) target(%dma_start3A_547 : memref<100000x8xf32, #tpu.memory_space<vmem_shared>>) offsets(%dma_start3A_544 : memref<128xi32, #tpu.memory_space<vmem>>) semaphore(%arg11 : memref<!tpu.dma_semaphore, #tpu.memory_space<semaphore_mem>>) {add = true}
        %dma_start3A_548 = arith.constant 1 : i32
        %dma_start3A_549 = arith.constant 2 : i32
        %dma_start3A_550 = arith.constant 1 : i32
        %dma_start3A_551 = arith.constant 0 : i32
        %dma_start3A_552 = arith.constant 0 : i32
        %dma_start3A_553 = arith.constant 0 : i32
        %dma_start3A_554 = tpu.memref_slice %arg8[%dma_start3A_548, %dma_start3A_551, %dma_start3A_552, %dma_start3A_553] : memref<2x20x128x8xf32, #tpu.memory_space<vmem>> -> memref<1x20x128x8xf32, #tpu.memory_space<vmem>>
        %dma_start3A_555 = tpu.memref_squeeze %dma_start3A_554 : memref<1x20x128x8xf32, #tpu.memory_space<vmem>> -> memref<20x128x8xf32, #tpu.memory_space<vmem>>
        %dma_start3A_556 = arith.constant 0 : i32
        %dma_start3A_557 = arith.constant 0 : i32
        %dma_start3A_558 = tpu.memref_slice %dma_start3A_555[%dma_start3A_549, %dma_start3A_556, %dma_start3A_557] : memref<20x128x8xf32, #tpu.memory_space<vmem>> -> memref<1x128x8xf32, #tpu.memory_space<vmem>>
        %dma_start3A_559 = tpu.memref_squeeze %dma_start3A_558 : memref<1x128x8xf32, #tpu.memory_space<vmem>> -> memref<128x8xf32, #tpu.memory_space<vmem>>
        %dma_start3A_560 = arith.constant 0 : i32
        %dma_start3A_561 = tpu.memref_slice %arg7[%dma_start3A_550, %dma_start3A_560] : memref<2x2560xi32, #tpu.memory_space<vmem>> -> memref<1x2560xi32, #tpu.memory_space<vmem>>
        %dma_start3A_562 = tpu.memref_squeeze %dma_start3A_561 : memref<1x2560xi32, #tpu.memory_space<vmem>> -> memref<2560xi32, #tpu.memory_space<vmem>>
        %dma_start3A_563 = arith.constant 256 : i32
        %dma_start3A_564 = tpu.memref_slice %dma_start3A_562[%dma_start3A_563] : memref<2560xi32, #tpu.memory_space<vmem>> -> memref<128xi32, #tpu.memory_space<vmem>>
        %dma_start3A_565 = arith.constant 0 : i32
        %dma_start3A_566 = arith.constant 0 : i32
        %dma_start3A_567 = tpu.memref_slice %arg5[%dma_start3A_565, %dma_start3A_566] : memref<100000x8xf32, #tpu.memory_space<vmem_shared>> -> memref<100000x8xf32, #tpu.memory_space<vmem_shared>>
        tpu.enqueue_indirect_dma source(%dma_start3A_559 : memref<128x8xf32, #tpu.memory_space<vmem>>) target(%dma_start3A_567 : memref<100000x8xf32, #tpu.memory_space<vmem_shared>>) offsets(%dma_start3A_564 : memref<128xi32, #tpu.memory_space<vmem>>) semaphore(%arg11 : memref<!tpu.dma_semaphore, #tpu.memory_space<semaphore_mem>>) {add = true}
        %dma_start3A_568 = arith.constant 1 : i32
        %dma_start3A_569 = arith.constant 3 : i32
        %dma_start3A_570 = arith.constant 1 : i32
        %dma_start3A_571 = arith.constant 0 : i32
        %dma_start3A_572 = arith.constant 0 : i32
        %dma_start3A_573 = arith.constant 0 : i32
        %dma_start3A_574 = tpu.memref_slice %arg8[%dma_start3A_568, %dma_start3A_571, %dma_start3A_572, %dma_start3A_573] : memref<2x20x128x8xf32, #tpu.memory_space<vmem>> -> memref<1x20x128x8xf32, #tpu.memory_space<vmem>>
        %dma_start3A_575 = tpu.memref_squeeze %dma_start3A_574 : memref<1x20x128x8xf32, #tpu.memory_space<vmem>> -> memref<20x128x8xf32, #tpu.memory_space<vmem>>
        %dma_start3A_576 = arith.constant 0 : i32
        %dma_start3A_577 = arith.constant 0 : i32
        %dma_start3A_578 = tpu.memref_slice %dma_start3A_575[%dma_start3A_569, %dma_start3A_576, %dma_start3A_577] : memref<20x128x8xf32, #tpu.memory_space<vmem>> -> memref<1x128x8xf32, #tpu.memory_space<vmem>>
        %dma_start3A_579 = tpu.memref_squeeze %dma_start3A_578 : memref<1x128x8xf32, #tpu.memory_space<vmem>> -> memref<128x8xf32, #tpu.memory_space<vmem>>
        %dma_start3A_580 = arith.constant 0 : i32
        %dma_start3A_581 = tpu.memref_slice %arg7[%dma_start3A_570, %dma_start3A_580] : memref<2x2560xi32, #tpu.memory_space<vmem>> -> memref<1x2560xi32, #tpu.memory_space<vmem>>
        %dma_start3A_582 = tpu.memref_squeeze %dma_start3A_581 : memref<1x2560xi32, #tpu.memory_space<vmem>> -> memref<2560xi32, #tpu.memory_space<vmem>>
        %dma_start3A_583 = arith.constant 384 : i32
        %dma_start3A_584 = tpu.memref_slice %dma_start3A_582[%dma_start3A_583] : memref<2560xi32, #tpu.memory_space<vmem>> -> memref<128xi32, #tpu.memory_space<vmem>>
        %dma_start3A_585 = arith.constant 0 : i32
        %dma_start3A_586 = arith.constant 0 : i32
        %dma_start3A_587 = tpu.memref_slice %arg5[%dma_start3A_585, %dma_start3A_586] : memref<100000x8xf32, #tpu.memory_space<vmem_shared>> -> memref<100000x8xf32, #tpu.memory_space<vmem_shared>>
        tpu.enqueue_indirect_dma source(%dma_start3A_579 : memref<128x8xf32, #tpu.memory_space<vmem>>) target(%dma_start3A_587 : memref<100000x8xf32, #tpu.memory_space<vmem_shared>>) offsets(%dma_start3A_584 : memref<128xi32, #tpu.memory_space<vmem>>) semaphore(%arg11 : memref<!tpu.dma_semaphore, #tpu.memory_space<semaphore_mem>>) {add = true}
        %dma_start3A_588 = arith.constant 1 : i32
        %dma_start3A_589 = arith.constant 4 : i32
        %dma_start3A_590 = arith.constant 1 : i32
        %dma_start3A_591 = arith.constant 0 : i32
        %dma_start3A_592 = arith.constant 0 : i32
        %dma_start3A_593 = arith.constant 0 : i32
        %dma_start3A_594 = tpu.memref_slice %arg8[%dma_start3A_588, %dma_start3A_591, %dma_start3A_592, %dma_start3A_593] : memref<2x20x128x8xf32, #tpu.memory_space<vmem>> -> memref<1x20x128x8xf32, #tpu.memory_space<vmem>>
        %dma_start3A_595 = tpu.memref_squeeze %dma_start3A_594 : memref<1x20x128x8xf32, #tpu.memory_space<vmem>> -> memref<20x128x8xf32, #tpu.memory_space<vmem>>
        %dma_start3A_596 = arith.constant 0 : i32
        %dma_start3A_597 = arith.constant 0 : i32
        %dma_start3A_598 = tpu.memref_slice %dma_start3A_595[%dma_start3A_589, %dma_start3A_596, %dma_start3A_597] : memref<20x128x8xf32, #tpu.memory_space<vmem>> -> memref<1x128x8xf32, #tpu.memory_space<vmem>>
        %dma_start3A_599 = tpu.memref_squeeze %dma_start3A_598 : memref<1x128x8xf32, #tpu.memory_space<vmem>> -> memref<128x8xf32, #tpu.memory_space<vmem>>
        %dma_start3A_600 = arith.constant 0 : i32
        %dma_start3A_601 = tpu.memref_slice %arg7[%dma_start3A_590, %dma_start3A_600] : memref<2x2560xi32, #tpu.memory_space<vmem>> -> memref<1x2560xi32, #tpu.memory_space<vmem>>
        %dma_start3A_602 = tpu.memref_squeeze %dma_start3A_601 : memref<1x2560xi32, #tpu.memory_space<vmem>> -> memref<2560xi32, #tpu.memory_space<vmem>>
        %dma_start3A_603 = arith.constant 512 : i32
        %dma_start3A_604 = tpu.memref_slice %dma_start3A_602[%dma_start3A_603] : memref<2560xi32, #tpu.memory_space<vmem>> -> memref<128xi32, #tpu.memory_space<vmem>>
        %dma_start3A_605 = arith.constant 0 : i32
        %dma_start3A_606 = arith.constant 0 : i32
        %dma_start3A_607 = tpu.memref_slice %arg5[%dma_start3A_605, %dma_start3A_606] : memref<100000x8xf32, #tpu.memory_space<vmem_shared>> -> memref<100000x8xf32, #tpu.memory_space<vmem_shared>>
        tpu.enqueue_indirect_dma source(%dma_start3A_599 : memref<128x8xf32, #tpu.memory_space<vmem>>) target(%dma_start3A_607 : memref<100000x8xf32, #tpu.memory_space<vmem_shared>>) offsets(%dma_start3A_604 : memref<128xi32, #tpu.memory_space<vmem>>) semaphore(%arg11 : memref<!tpu.dma_semaphore, #tpu.memory_space<semaphore_mem>>) {add = true}
        %dma_start3A_608 = arith.constant 1 : i32
        %dma_start3A_609 = arith.constant 5 : i32
        %dma_start3A_610 = arith.constant 1 : i32
        %dma_start3A_611 = arith.constant 0 : i32
        %dma_start3A_612 = arith.constant 0 : i32
        %dma_start3A_613 = arith.constant 0 : i32
        %dma_start3A_614 = tpu.memref_slice %arg8[%dma_start3A_608, %dma_start3A_611, %dma_start3A_612, %dma_start3A_613] : memref<2x20x128x8xf32, #tpu.memory_space<vmem>> -> memref<1x20x128x8xf32, #tpu.memory_space<vmem>>
        %dma_start3A_615 = tpu.memref_squeeze %dma_start3A_614 : memref<1x20x128x8xf32, #tpu.memory_space<vmem>> -> memref<20x128x8xf32, #tpu.memory_space<vmem>>
        %dma_start3A_616 = arith.constant 0 : i32
        %dma_start3A_617 = arith.constant 0 : i32
        %dma_start3A_618 = tpu.memref_slice %dma_start3A_615[%dma_start3A_609, %dma_start3A_616, %dma_start3A_617] : memref<20x128x8xf32, #tpu.memory_space<vmem>> -> memref<1x128x8xf32, #tpu.memory_space<vmem>>
        %dma_start3A_619 = tpu.memref_squeeze %dma_start3A_618 : memref<1x128x8xf32, #tpu.memory_space<vmem>> -> memref<128x8xf32, #tpu.memory_space<vmem>>
        %dma_start3A_620 = arith.constant 0 : i32
        %dma_start3A_621 = tpu.memref_slice %arg7[%dma_start3A_610, %dma_start3A_620] : memref<2x2560xi32, #tpu.memory_space<vmem>> -> memref<1x2560xi32, #tpu.memory_space<vmem>>
        %dma_start3A_622 = tpu.memref_squeeze %dma_start3A_621 : memref<1x2560xi32, #tpu.memory_space<vmem>> -> memref<2560xi32, #tpu.memory_space<vmem>>
        %dma_start3A_623 = arith.constant 640 : i32
        %dma_start3A_624 = tpu.memref_slice %dma_start3A_622[%dma_start3A_623] : memref<2560xi32, #tpu.memory_space<vmem>> -> memref<128xi32, #tpu.memory_space<vmem>>
        %dma_start3A_625 = arith.constant 0 : i32
        %dma_start3A_626 = arith.constant 0 : i32
        %dma_start3A_627 = tpu.memref_slice %arg5[%dma_start3A_625, %dma_start3A_626] : memref<100000x8xf32, #tpu.memory_space<vmem_shared>> -> memref<100000x8xf32, #tpu.memory_space<vmem_shared>>
        tpu.enqueue_indirect_dma source(%dma_start3A_619 : memref<128x8xf32, #tpu.memory_space<vmem>>) target(%dma_start3A_627 : memref<100000x8xf32, #tpu.memory_space<vmem_shared>>) offsets(%dma_start3A_624 : memref<128xi32, #tpu.memory_space<vmem>>) semaphore(%arg11 : memref<!tpu.dma_semaphore, #tpu.memory_space<semaphore_mem>>) {add = true}
        %dma_start3A_628 = arith.constant 1 : i32
        %dma_start3A_629 = arith.constant 6 : i32
        %dma_start3A_630 = arith.constant 1 : i32
        %dma_start3A_631 = arith.constant 0 : i32
        %dma_start3A_632 = arith.constant 0 : i32
        %dma_start3A_633 = arith.constant 0 : i32
        %dma_start3A_634 = tpu.memref_slice %arg8[%dma_start3A_628, %dma_start3A_631, %dma_start3A_632, %dma_start3A_633] : memref<2x20x128x8xf32, #tpu.memory_space<vmem>> -> memref<1x20x128x8xf32, #tpu.memory_space<vmem>>
        %dma_start3A_635 = tpu.memref_squeeze %dma_start3A_634 : memref<1x20x128x8xf32, #tpu.memory_space<vmem>> -> memref<20x128x8xf32, #tpu.memory_space<vmem>>
        %dma_start3A_636 = arith.constant 0 : i32
        %dma_start3A_637 = arith.constant 0 : i32
        %dma_start3A_638 = tpu.memref_slice %dma_start3A_635[%dma_start3A_629, %dma_start3A_636, %dma_start3A_637] : memref<20x128x8xf32, #tpu.memory_space<vmem>> -> memref<1x128x8xf32, #tpu.memory_space<vmem>>
        %dma_start3A_639 = tpu.memref_squeeze %dma_start3A_638 : memref<1x128x8xf32, #tpu.memory_space<vmem>> -> memref<128x8xf32, #tpu.memory_space<vmem>>
        %dma_start3A_640 = arith.constant 0 : i32
        %dma_start3A_641 = tpu.memref_slice %arg7[%dma_start3A_630, %dma_start3A_640] : memref<2x2560xi32, #tpu.memory_space<vmem>> -> memref<1x2560xi32, #tpu.memory_space<vmem>>
        %dma_start3A_642 = tpu.memref_squeeze %dma_start3A_641 : memref<1x2560xi32, #tpu.memory_space<vmem>> -> memref<2560xi32, #tpu.memory_space<vmem>>
        %dma_start3A_643 = arith.constant 768 : i32
        %dma_start3A_644 = tpu.memref_slice %dma_start3A_642[%dma_start3A_643] : memref<2560xi32, #tpu.memory_space<vmem>> -> memref<128xi32, #tpu.memory_space<vmem>>
        %dma_start3A_645 = arith.constant 0 : i32
        %dma_start3A_646 = arith.constant 0 : i32
        %dma_start3A_647 = tpu.memref_slice %arg5[%dma_start3A_645, %dma_start3A_646] : memref<100000x8xf32, #tpu.memory_space<vmem_shared>> -> memref<100000x8xf32, #tpu.memory_space<vmem_shared>>
        tpu.enqueue_indirect_dma source(%dma_start3A_639 : memref<128x8xf32, #tpu.memory_space<vmem>>) target(%dma_start3A_647 : memref<100000x8xf32, #tpu.memory_space<vmem_shared>>) offsets(%dma_start3A_644 : memref<128xi32, #tpu.memory_space<vmem>>) semaphore(%arg11 : memref<!tpu.dma_semaphore, #tpu.memory_space<semaphore_mem>>) {add = true}
        %dma_start3A_648 = arith.constant 1 : i32
        %dma_start3A_649 = arith.constant 7 : i32
        %dma_start3A_650 = arith.constant 1 : i32
        %dma_start3A_651 = arith.constant 0 : i32
        %dma_start3A_652 = arith.constant 0 : i32
        %dma_start3A_653 = arith.constant 0 : i32
        %dma_start3A_654 = tpu.memref_slice %arg8[%dma_start3A_648, %dma_start3A_651, %dma_start3A_652, %dma_start3A_653] : memref<2x20x128x8xf32, #tpu.memory_space<vmem>> -> memref<1x20x128x8xf32, #tpu.memory_space<vmem>>
        %dma_start3A_655 = tpu.memref_squeeze %dma_start3A_654 : memref<1x20x128x8xf32, #tpu.memory_space<vmem>> -> memref<20x128x8xf32, #tpu.memory_space<vmem>>
        %dma_start3A_656 = arith.constant 0 : i32
        %dma_start3A_657 = arith.constant 0 : i32
        %dma_start3A_658 = tpu.memref_slice %dma_start3A_655[%dma_start3A_649, %dma_start3A_656, %dma_start3A_657] : memref<20x128x8xf32, #tpu.memory_space<vmem>> -> memref<1x128x8xf32, #tpu.memory_space<vmem>>
        %dma_start3A_659 = tpu.memref_squeeze %dma_start3A_658 : memref<1x128x8xf32, #tpu.memory_space<vmem>> -> memref<128x8xf32, #tpu.memory_space<vmem>>
        %dma_start3A_660 = arith.constant 0 : i32
        %dma_start3A_661 = tpu.memref_slice %arg7[%dma_start3A_650, %dma_start3A_660] : memref<2x2560xi32, #tpu.memory_space<vmem>> -> memref<1x2560xi32, #tpu.memory_space<vmem>>
        %dma_start3A_662 = tpu.memref_squeeze %dma_start3A_661 : memref<1x2560xi32, #tpu.memory_space<vmem>> -> memref<2560xi32, #tpu.memory_space<vmem>>
        %dma_start3A_663 = arith.constant 896 : i32
        %dma_start3A_664 = tpu.memref_slice %dma_start3A_662[%dma_start3A_663] : memref<2560xi32, #tpu.memory_space<vmem>> -> memref<128xi32, #tpu.memory_space<vmem>>
        %dma_start3A_665 = arith.constant 0 : i32
        %dma_start3A_666 = arith.constant 0 : i32
        %dma_start3A_667 = tpu.memref_slice %arg5[%dma_start3A_665, %dma_start3A_666] : memref<100000x8xf32, #tpu.memory_space<vmem_shared>> -> memref<100000x8xf32, #tpu.memory_space<vmem_shared>>
        tpu.enqueue_indirect_dma source(%dma_start3A_659 : memref<128x8xf32, #tpu.memory_space<vmem>>) target(%dma_start3A_667 : memref<100000x8xf32, #tpu.memory_space<vmem_shared>>) offsets(%dma_start3A_664 : memref<128xi32, #tpu.memory_space<vmem>>) semaphore(%arg11 : memref<!tpu.dma_semaphore, #tpu.memory_space<semaphore_mem>>) {add = true}
        %dma_start3A_668 = arith.constant 1 : i32
        %dma_start3A_669 = arith.constant 8 : i32
        %dma_start3A_670 = arith.constant 1 : i32
        %dma_start3A_671 = arith.constant 0 : i32
        %dma_start3A_672 = arith.constant 0 : i32
        %dma_start3A_673 = arith.constant 0 : i32
        %dma_start3A_674 = tpu.memref_slice %arg8[%dma_start3A_668, %dma_start3A_671, %dma_start3A_672, %dma_start3A_673] : memref<2x20x128x8xf32, #tpu.memory_space<vmem>> -> memref<1x20x128x8xf32, #tpu.memory_space<vmem>>
        %dma_start3A_675 = tpu.memref_squeeze %dma_start3A_674 : memref<1x20x128x8xf32, #tpu.memory_space<vmem>> -> memref<20x128x8xf32, #tpu.memory_space<vmem>>
        %dma_start3A_676 = arith.constant 0 : i32
        %dma_start3A_677 = arith.constant 0 : i32
        %dma_start3A_678 = tpu.memref_slice %dma_start3A_675[%dma_start3A_669, %dma_start3A_676, %dma_start3A_677] : memref<20x128x8xf32, #tpu.memory_space<vmem>> -> memref<1x128x8xf32, #tpu.memory_space<vmem>>
        %dma_start3A_679 = tpu.memref_squeeze %dma_start3A_678 : memref<1x128x8xf32, #tpu.memory_space<vmem>> -> memref<128x8xf32, #tpu.memory_space<vmem>>
        %dma_start3A_680 = arith.constant 0 : i32
        %dma_start3A_681 = tpu.memref_slice %arg7[%dma_start3A_670, %dma_start3A_680] : memref<2x2560xi32, #tpu.memory_space<vmem>> -> memref<1x2560xi32, #tpu.memory_space<vmem>>
        %dma_start3A_682 = tpu.memref_squeeze %dma_start3A_681 : memref<1x2560xi32, #tpu.memory_space<vmem>> -> memref<2560xi32, #tpu.memory_space<vmem>>
        %dma_start3A_683 = arith.constant 1024 : i32
        %dma_start3A_684 = tpu.memref_slice %dma_start3A_682[%dma_start3A_683] : memref<2560xi32, #tpu.memory_space<vmem>> -> memref<128xi32, #tpu.memory_space<vmem>>
        %dma_start3A_685 = arith.constant 0 : i32
        %dma_start3A_686 = arith.constant 0 : i32
        %dma_start3A_687 = tpu.memref_slice %arg5[%dma_start3A_685, %dma_start3A_686] : memref<100000x8xf32, #tpu.memory_space<vmem_shared>> -> memref<100000x8xf32, #tpu.memory_space<vmem_shared>>
        tpu.enqueue_indirect_dma source(%dma_start3A_679 : memref<128x8xf32, #tpu.memory_space<vmem>>) target(%dma_start3A_687 : memref<100000x8xf32, #tpu.memory_space<vmem_shared>>) offsets(%dma_start3A_684 : memref<128xi32, #tpu.memory_space<vmem>>) semaphore(%arg11 : memref<!tpu.dma_semaphore, #tpu.memory_space<semaphore_mem>>) {add = true}
        %dma_start3A_688 = arith.constant 1 : i32
        %dma_start3A_689 = arith.constant 9 : i32
        %dma_start3A_690 = arith.constant 1 : i32
        %dma_start3A_691 = arith.constant 0 : i32
        %dma_start3A_692 = arith.constant 0 : i32
        %dma_start3A_693 = arith.constant 0 : i32
        %dma_start3A_694 = tpu.memref_slice %arg8[%dma_start3A_688, %dma_start3A_691, %dma_start3A_692, %dma_start3A_693] : memref<2x20x128x8xf32, #tpu.memory_space<vmem>> -> memref<1x20x128x8xf32, #tpu.memory_space<vmem>>
        %dma_start3A_695 = tpu.memref_squeeze %dma_start3A_694 : memref<1x20x128x8xf32, #tpu.memory_space<vmem>> -> memref<20x128x8xf32, #tpu.memory_space<vmem>>
        %dma_start3A_696 = arith.constant 0 : i32
        %dma_start3A_697 = arith.constant 0 : i32
        %dma_start3A_698 = tpu.memref_slice %dma_start3A_695[%dma_start3A_689, %dma_start3A_696, %dma_start3A_697] : memref<20x128x8xf32, #tpu.memory_space<vmem>> -> memref<1x128x8xf32, #tpu.memory_space<vmem>>
        %dma_start3A_699 = tpu.memref_squeeze %dma_start3A_698 : memref<1x128x8xf32, #tpu.memory_space<vmem>> -> memref<128x8xf32, #tpu.memory_space<vmem>>
        %dma_start3A_700 = arith.constant 0 : i32
        %dma_start3A_701 = tpu.memref_slice %arg7[%dma_start3A_690, %dma_start3A_700] : memref<2x2560xi32, #tpu.memory_space<vmem>> -> memref<1x2560xi32, #tpu.memory_space<vmem>>
        %dma_start3A_702 = tpu.memref_squeeze %dma_start3A_701 : memref<1x2560xi32, #tpu.memory_space<vmem>> -> memref<2560xi32, #tpu.memory_space<vmem>>
        %dma_start3A_703 = arith.constant 1152 : i32
        %dma_start3A_704 = tpu.memref_slice %dma_start3A_702[%dma_start3A_703] : memref<2560xi32, #tpu.memory_space<vmem>> -> memref<128xi32, #tpu.memory_space<vmem>>
        %dma_start3A_705 = arith.constant 0 : i32
        %dma_start3A_706 = arith.constant 0 : i32
        %dma_start3A_707 = tpu.memref_slice %arg5[%dma_start3A_705, %dma_start3A_706] : memref<100000x8xf32, #tpu.memory_space<vmem_shared>> -> memref<100000x8xf32, #tpu.memory_space<vmem_shared>>
        tpu.enqueue_indirect_dma source(%dma_start3A_699 : memref<128x8xf32, #tpu.memory_space<vmem>>) target(%dma_start3A_707 : memref<100000x8xf32, #tpu.memory_space<vmem_shared>>) offsets(%dma_start3A_704 : memref<128xi32, #tpu.memory_space<vmem>>) semaphore(%arg11 : memref<!tpu.dma_semaphore, #tpu.memory_space<semaphore_mem>>) {add = true}
        %dma_start3A_708 = arith.constant 1 : i32
        %dma_start3A_709 = arith.constant 10 : i32
        %dma_start3A_710 = arith.constant 1 : i32
        %dma_start3A_711 = arith.constant 0 : i32
        %dma_start3A_712 = arith.constant 0 : i32
        %dma_start3A_713 = arith.constant 0 : i32
        %dma_start3A_714 = tpu.memref_slice %arg8[%dma_start3A_708, %dma_start3A_711, %dma_start3A_712, %dma_start3A_713] : memref<2x20x128x8xf32, #tpu.memory_space<vmem>> -> memref<1x20x128x8xf32, #tpu.memory_space<vmem>>
        %dma_start3A_715 = tpu.memref_squeeze %dma_start3A_714 : memref<1x20x128x8xf32, #tpu.memory_space<vmem>> -> memref<20x128x8xf32, #tpu.memory_space<vmem>>
        %dma_start3A_716 = arith.constant 0 : i32
        %dma_start3A_717 = arith.constant 0 : i32
        %dma_start3A_718 = tpu.memref_slice %dma_start3A_715[%dma_start3A_709, %dma_start3A_716, %dma_start3A_717] : memref<20x128x8xf32, #tpu.memory_space<vmem>> -> memref<1x128x8xf32, #tpu.memory_space<vmem>>
        %dma_start3A_719 = tpu.memref_squeeze %dma_start3A_718 : memref<1x128x8xf32, #tpu.memory_space<vmem>> -> memref<128x8xf32, #tpu.memory_space<vmem>>
        %dma_start3A_720 = arith.constant 0 : i32
        %dma_start3A_721 = tpu.memref_slice %arg7[%dma_start3A_710, %dma_start3A_720] : memref<2x2560xi32, #tpu.memory_space<vmem>> -> memref<1x2560xi32, #tpu.memory_space<vmem>>
        %dma_start3A_722 = tpu.memref_squeeze %dma_start3A_721 : memref<1x2560xi32, #tpu.memory_space<vmem>> -> memref<2560xi32, #tpu.memory_space<vmem>>
        %dma_start3A_723 = arith.constant 1280 : i32
        %dma_start3A_724 = tpu.memref_slice %dma_start3A_722[%dma_start3A_723] : memref<2560xi32, #tpu.memory_space<vmem>> -> memref<128xi32, #tpu.memory_space<vmem>>
        %dma_start3A_725 = arith.constant 0 : i32
        %dma_start3A_726 = arith.constant 0 : i32
        %dma_start3A_727 = tpu.memref_slice %arg5[%dma_start3A_725, %dma_start3A_726] : memref<100000x8xf32, #tpu.memory_space<vmem_shared>> -> memref<100000x8xf32, #tpu.memory_space<vmem_shared>>
        tpu.enqueue_indirect_dma source(%dma_start3A_719 : memref<128x8xf32, #tpu.memory_space<vmem>>) target(%dma_start3A_727 : memref<100000x8xf32, #tpu.memory_space<vmem_shared>>) offsets(%dma_start3A_724 : memref<128xi32, #tpu.memory_space<vmem>>) semaphore(%arg11 : memref<!tpu.dma_semaphore, #tpu.memory_space<semaphore_mem>>) {add = true}
        %dma_start3A_728 = arith.constant 1 : i32
        %dma_start3A_729 = arith.constant 11 : i32
        %dma_start3A_730 = arith.constant 1 : i32
        %dma_start3A_731 = arith.constant 0 : i32
        %dma_start3A_732 = arith.constant 0 : i32
        %dma_start3A_733 = arith.constant 0 : i32
        %dma_start3A_734 = tpu.memref_slice %arg8[%dma_start3A_728, %dma_start3A_731, %dma_start3A_732, %dma_start3A_733] : memref<2x20x128x8xf32, #tpu.memory_space<vmem>> -> memref<1x20x128x8xf32, #tpu.memory_space<vmem>>
        %dma_start3A_735 = tpu.memref_squeeze %dma_start3A_734 : memref<1x20x128x8xf32, #tpu.memory_space<vmem>> -> memref<20x128x8xf32, #tpu.memory_space<vmem>>
        %dma_start3A_736 = arith.constant 0 : i32
        %dma_start3A_737 = arith.constant 0 : i32
        %dma_start3A_738 = tpu.memref_slice %dma_start3A_735[%dma_start3A_729, %dma_start3A_736, %dma_start3A_737] : memref<20x128x8xf32, #tpu.memory_space<vmem>> -> memref<1x128x8xf32, #tpu.memory_space<vmem>>
        %dma_start3A_739 = tpu.memref_squeeze %dma_start3A_738 : memref<1x128x8xf32, #tpu.memory_space<vmem>> -> memref<128x8xf32, #tpu.memory_space<vmem>>
        %dma_start3A_740 = arith.constant 0 : i32
        %dma_start3A_741 = tpu.memref_slice %arg7[%dma_start3A_730, %dma_start3A_740] : memref<2x2560xi32, #tpu.memory_space<vmem>> -> memref<1x2560xi32, #tpu.memory_space<vmem>>
        %dma_start3A_742 = tpu.memref_squeeze %dma_start3A_741 : memref<1x2560xi32, #tpu.memory_space<vmem>> -> memref<2560xi32, #tpu.memory_space<vmem>>
        %dma_start3A_743 = arith.constant 1408 : i32
        %dma_start3A_744 = tpu.memref_slice %dma_start3A_742[%dma_start3A_743] : memref<2560xi32, #tpu.memory_space<vmem>> -> memref<128xi32, #tpu.memory_space<vmem>>
        %dma_start3A_745 = arith.constant 0 : i32
        %dma_start3A_746 = arith.constant 0 : i32
        %dma_start3A_747 = tpu.memref_slice %arg5[%dma_start3A_745, %dma_start3A_746] : memref<100000x8xf32, #tpu.memory_space<vmem_shared>> -> memref<100000x8xf32, #tpu.memory_space<vmem_shared>>
        tpu.enqueue_indirect_dma source(%dma_start3A_739 : memref<128x8xf32, #tpu.memory_space<vmem>>) target(%dma_start3A_747 : memref<100000x8xf32, #tpu.memory_space<vmem_shared>>) offsets(%dma_start3A_744 : memref<128xi32, #tpu.memory_space<vmem>>) semaphore(%arg11 : memref<!tpu.dma_semaphore, #tpu.memory_space<semaphore_mem>>) {add = true}
        %dma_start3A_748 = arith.constant 1 : i32
        %dma_start3A_749 = arith.constant 12 : i32
        %dma_start3A_750 = arith.constant 1 : i32
        %dma_start3A_751 = arith.constant 0 : i32
        %dma_start3A_752 = arith.constant 0 : i32
        %dma_start3A_753 = arith.constant 0 : i32
        %dma_start3A_754 = tpu.memref_slice %arg8[%dma_start3A_748, %dma_start3A_751, %dma_start3A_752, %dma_start3A_753] : memref<2x20x128x8xf32, #tpu.memory_space<vmem>> -> memref<1x20x128x8xf32, #tpu.memory_space<vmem>>
        %dma_start3A_755 = tpu.memref_squeeze %dma_start3A_754 : memref<1x20x128x8xf32, #tpu.memory_space<vmem>> -> memref<20x128x8xf32, #tpu.memory_space<vmem>>
        %dma_start3A_756 = arith.constant 0 : i32
        %dma_start3A_757 = arith.constant 0 : i32
        %dma_start3A_758 = tpu.memref_slice %dma_start3A_755[%dma_start3A_749, %dma_start3A_756, %dma_start3A_757] : memref<20x128x8xf32, #tpu.memory_space<vmem>> -> memref<1x128x8xf32, #tpu.memory_space<vmem>>
        %dma_start3A_759 = tpu.memref_squeeze %dma_start3A_758 : memref<1x128x8xf32, #tpu.memory_space<vmem>> -> memref<128x8xf32, #tpu.memory_space<vmem>>
        %dma_start3A_760 = arith.constant 0 : i32
        %dma_start3A_761 = tpu.memref_slice %arg7[%dma_start3A_750, %dma_start3A_760] : memref<2x2560xi32, #tpu.memory_space<vmem>> -> memref<1x2560xi32, #tpu.memory_space<vmem>>
        %dma_start3A_762 = tpu.memref_squeeze %dma_start3A_761 : memref<1x2560xi32, #tpu.memory_space<vmem>> -> memref<2560xi32, #tpu.memory_space<vmem>>
        %dma_start3A_763 = arith.constant 1536 : i32
        %dma_start3A_764 = tpu.memref_slice %dma_start3A_762[%dma_start3A_763] : memref<2560xi32, #tpu.memory_space<vmem>> -> memref<128xi32, #tpu.memory_space<vmem>>
        %dma_start3A_765 = arith.constant 0 : i32
        %dma_start3A_766 = arith.constant 0 : i32
        %dma_start3A_767 = tpu.memref_slice %arg5[%dma_start3A_765, %dma_start3A_766] : memref<100000x8xf32, #tpu.memory_space<vmem_shared>> -> memref<100000x8xf32, #tpu.memory_space<vmem_shared>>
        tpu.enqueue_indirect_dma source(%dma_start3A_759 : memref<128x8xf32, #tpu.memory_space<vmem>>) target(%dma_start3A_767 : memref<100000x8xf32, #tpu.memory_space<vmem_shared>>) offsets(%dma_start3A_764 : memref<128xi32, #tpu.memory_space<vmem>>) semaphore(%arg11 : memref<!tpu.dma_semaphore, #tpu.memory_space<semaphore_mem>>) {add = true}
        %dma_start3A_768 = arith.constant 1 : i32
        %dma_start3A_769 = arith.constant 13 : i32
        %dma_start3A_770 = arith.constant 1 : i32
        %dma_start3A_771 = arith.constant 0 : i32
        %dma_start3A_772 = arith.constant 0 : i32
        %dma_start3A_773 = arith.constant 0 : i32
        %dma_start3A_774 = tpu.memref_slice %arg8[%dma_start3A_768, %dma_start3A_771, %dma_start3A_772, %dma_start3A_773] : memref<2x20x128x8xf32, #tpu.memory_space<vmem>> -> memref<1x20x128x8xf32, #tpu.memory_space<vmem>>
        %dma_start3A_775 = tpu.memref_squeeze %dma_start3A_774 : memref<1x20x128x8xf32, #tpu.memory_space<vmem>> -> memref<20x128x8xf32, #tpu.memory_space<vmem>>
        %dma_start3A_776 = arith.constant 0 : i32
        %dma_start3A_777 = arith.constant 0 : i32
        %dma_start3A_778 = tpu.memref_slice %dma_start3A_775[%dma_start3A_769, %dma_start3A_776, %dma_start3A_777] : memref<20x128x8xf32, #tpu.memory_space<vmem>> -> memref<1x128x8xf32, #tpu.memory_space<vmem>>
        %dma_start3A_779 = tpu.memref_squeeze %dma_start3A_778 : memref<1x128x8xf32, #tpu.memory_space<vmem>> -> memref<128x8xf32, #tpu.memory_space<vmem>>
        %dma_start3A_780 = arith.constant 0 : i32
        %dma_start3A_781 = tpu.memref_slice %arg7[%dma_start3A_770, %dma_start3A_780] : memref<2x2560xi32, #tpu.memory_space<vmem>> -> memref<1x2560xi32, #tpu.memory_space<vmem>>
        %dma_start3A_782 = tpu.memref_squeeze %dma_start3A_781 : memref<1x2560xi32, #tpu.memory_space<vmem>> -> memref<2560xi32, #tpu.memory_space<vmem>>
        %dma_start3A_783 = arith.constant 1664 : i32
        %dma_start3A_784 = tpu.memref_slice %dma_start3A_782[%dma_start3A_783] : memref<2560xi32, #tpu.memory_space<vmem>> -> memref<128xi32, #tpu.memory_space<vmem>>
        %dma_start3A_785 = arith.constant 0 : i32
        %dma_start3A_786 = arith.constant 0 : i32
        %dma_start3A_787 = tpu.memref_slice %arg5[%dma_start3A_785, %dma_start3A_786] : memref<100000x8xf32, #tpu.memory_space<vmem_shared>> -> memref<100000x8xf32, #tpu.memory_space<vmem_shared>>
        tpu.enqueue_indirect_dma source(%dma_start3A_779 : memref<128x8xf32, #tpu.memory_space<vmem>>) target(%dma_start3A_787 : memref<100000x8xf32, #tpu.memory_space<vmem_shared>>) offsets(%dma_start3A_784 : memref<128xi32, #tpu.memory_space<vmem>>) semaphore(%arg11 : memref<!tpu.dma_semaphore, #tpu.memory_space<semaphore_mem>>) {add = true}
        %dma_start3A_788 = arith.constant 1 : i32
        %dma_start3A_789 = arith.constant 14 : i32
        %dma_start3A_790 = arith.constant 1 : i32
        %dma_start3A_791 = arith.constant 0 : i32
        %dma_start3A_792 = arith.constant 0 : i32
        %dma_start3A_793 = arith.constant 0 : i32
        %dma_start3A_794 = tpu.memref_slice %arg8[%dma_start3A_788, %dma_start3A_791, %dma_start3A_792, %dma_start3A_793] : memref<2x20x128x8xf32, #tpu.memory_space<vmem>> -> memref<1x20x128x8xf32, #tpu.memory_space<vmem>>
        %dma_start3A_795 = tpu.memref_squeeze %dma_start3A_794 : memref<1x20x128x8xf32, #tpu.memory_space<vmem>> -> memref<20x128x8xf32, #tpu.memory_space<vmem>>
        %dma_start3A_796 = arith.constant 0 : i32
        %dma_start3A_797 = arith.constant 0 : i32
        %dma_start3A_798 = tpu.memref_slice %dma_start3A_795[%dma_start3A_789, %dma_start3A_796, %dma_start3A_797] : memref<20x128x8xf32, #tpu.memory_space<vmem>> -> memref<1x128x8xf32, #tpu.memory_space<vmem>>
        %dma_start3A_799 = tpu.memref_squeeze %dma_start3A_798 : memref<1x128x8xf32, #tpu.memory_space<vmem>> -> memref<128x8xf32, #tpu.memory_space<vmem>>
        %dma_start3A_800 = arith.constant 0 : i32
        %dma_start3A_801 = tpu.memref_slice %arg7[%dma_start3A_790, %dma_start3A_800] : memref<2x2560xi32, #tpu.memory_space<vmem>> -> memref<1x2560xi32, #tpu.memory_space<vmem>>
        %dma_start3A_802 = tpu.memref_squeeze %dma_start3A_801 : memref<1x2560xi32, #tpu.memory_space<vmem>> -> memref<2560xi32, #tpu.memory_space<vmem>>
        %dma_start3A_803 = arith.constant 1792 : i32
        %dma_start3A_804 = tpu.memref_slice %dma_start3A_802[%dma_start3A_803] : memref<2560xi32, #tpu.memory_space<vmem>> -> memref<128xi32, #tpu.memory_space<vmem>>
        %dma_start3A_805 = arith.constant 0 : i32
        %dma_start3A_806 = arith.constant 0 : i32
        %dma_start3A_807 = tpu.memref_slice %arg5[%dma_start3A_805, %dma_start3A_806] : memref<100000x8xf32, #tpu.memory_space<vmem_shared>> -> memref<100000x8xf32, #tpu.memory_space<vmem_shared>>
        tpu.enqueue_indirect_dma source(%dma_start3A_799 : memref<128x8xf32, #tpu.memory_space<vmem>>) target(%dma_start3A_807 : memref<100000x8xf32, #tpu.memory_space<vmem_shared>>) offsets(%dma_start3A_804 : memref<128xi32, #tpu.memory_space<vmem>>) semaphore(%arg11 : memref<!tpu.dma_semaphore, #tpu.memory_space<semaphore_mem>>) {add = true}
        %dma_start3A_808 = arith.constant 1 : i32
        %dma_start3A_809 = arith.constant 15 : i32
        %dma_start3A_810 = arith.constant 1 : i32
        %dma_start3A_811 = arith.constant 0 : i32
        %dma_start3A_812 = arith.constant 0 : i32
        %dma_start3A_813 = arith.constant 0 : i32
        %dma_start3A_814 = tpu.memref_slice %arg8[%dma_start3A_808, %dma_start3A_811, %dma_start3A_812, %dma_start3A_813] : memref<2x20x128x8xf32, #tpu.memory_space<vmem>> -> memref<1x20x128x8xf32, #tpu.memory_space<vmem>>
        %dma_start3A_815 = tpu.memref_squeeze %dma_start3A_814 : memref<1x20x128x8xf32, #tpu.memory_space<vmem>> -> memref<20x128x8xf32, #tpu.memory_space<vmem>>
        %dma_start3A_816 = arith.constant 0 : i32
        %dma_start3A_817 = arith.constant 0 : i32
        %dma_start3A_818 = tpu.memref_slice %dma_start3A_815[%dma_start3A_809, %dma_start3A_816, %dma_start3A_817] : memref<20x128x8xf32, #tpu.memory_space<vmem>> -> memref<1x128x8xf32, #tpu.memory_space<vmem>>
        %dma_start3A_819 = tpu.memref_squeeze %dma_start3A_818 : memref<1x128x8xf32, #tpu.memory_space<vmem>> -> memref<128x8xf32, #tpu.memory_space<vmem>>
        %dma_start3A_820 = arith.constant 0 : i32
        %dma_start3A_821 = tpu.memref_slice %arg7[%dma_start3A_810, %dma_start3A_820] : memref<2x2560xi32, #tpu.memory_space<vmem>> -> memref<1x2560xi32, #tpu.memory_space<vmem>>
        %dma_start3A_822 = tpu.memref_squeeze %dma_start3A_821 : memref<1x2560xi32, #tpu.memory_space<vmem>> -> memref<2560xi32, #tpu.memory_space<vmem>>
        %dma_start3A_823 = arith.constant 1920 : i32
        %dma_start3A_824 = tpu.memref_slice %dma_start3A_822[%dma_start3A_823] : memref<2560xi32, #tpu.memory_space<vmem>> -> memref<128xi32, #tpu.memory_space<vmem>>
        %dma_start3A_825 = arith.constant 0 : i32
        %dma_start3A_826 = arith.constant 0 : i32
        %dma_start3A_827 = tpu.memref_slice %arg5[%dma_start3A_825, %dma_start3A_826] : memref<100000x8xf32, #tpu.memory_space<vmem_shared>> -> memref<100000x8xf32, #tpu.memory_space<vmem_shared>>
        tpu.enqueue_indirect_dma source(%dma_start3A_819 : memref<128x8xf32, #tpu.memory_space<vmem>>) target(%dma_start3A_827 : memref<100000x8xf32, #tpu.memory_space<vmem_shared>>) offsets(%dma_start3A_824 : memref<128xi32, #tpu.memory_space<vmem>>) semaphore(%arg11 : memref<!tpu.dma_semaphore, #tpu.memory_space<semaphore_mem>>) {add = true}
        %dma_start3A_828 = arith.constant 1 : i32
        %dma_start3A_829 = arith.constant 16 : i32
        %dma_start3A_830 = arith.constant 1 : i32
        %dma_start3A_831 = arith.constant 0 : i32
        %dma_start3A_832 = arith.constant 0 : i32
        %dma_start3A_833 = arith.constant 0 : i32
        %dma_start3A_834 = tpu.memref_slice %arg8[%dma_start3A_828, %dma_start3A_831, %dma_start3A_832, %dma_start3A_833] : memref<2x20x128x8xf32, #tpu.memory_space<vmem>> -> memref<1x20x128x8xf32, #tpu.memory_space<vmem>>
        %dma_start3A_835 = tpu.memref_squeeze %dma_start3A_834 : memref<1x20x128x8xf32, #tpu.memory_space<vmem>> -> memref<20x128x8xf32, #tpu.memory_space<vmem>>
        %dma_start3A_836 = arith.constant 0 : i32
        %dma_start3A_837 = arith.constant 0 : i32
        %dma_start3A_838 = tpu.memref_slice %dma_start3A_835[%dma_start3A_829, %dma_start3A_836, %dma_start3A_837] : memref<20x128x8xf32, #tpu.memory_space<vmem>> -> memref<1x128x8xf32, #tpu.memory_space<vmem>>
        %dma_start3A_839 = tpu.memref_squeeze %dma_start3A_838 : memref<1x128x8xf32, #tpu.memory_space<vmem>> -> memref<128x8xf32, #tpu.memory_space<vmem>>
        %dma_start3A_840 = arith.constant 0 : i32
        %dma_start3A_841 = tpu.memref_slice %arg7[%dma_start3A_830, %dma_start3A_840] : memref<2x2560xi32, #tpu.memory_space<vmem>> -> memref<1x2560xi32, #tpu.memory_space<vmem>>
        %dma_start3A_842 = tpu.memref_squeeze %dma_start3A_841 : memref<1x2560xi32, #tpu.memory_space<vmem>> -> memref<2560xi32, #tpu.memory_space<vmem>>
        %dma_start3A_843 = arith.constant 2048 : i32
        %dma_start3A_844 = tpu.memref_slice %dma_start3A_842[%dma_start3A_843] : memref<2560xi32, #tpu.memory_space<vmem>> -> memref<128xi32, #tpu.memory_space<vmem>>
        %dma_start3A_845 = arith.constant 0 : i32
        %dma_start3A_846 = arith.constant 0 : i32
        %dma_start3A_847 = tpu.memref_slice %arg5[%dma_start3A_845, %dma_start3A_846] : memref<100000x8xf32, #tpu.memory_space<vmem_shared>> -> memref<100000x8xf32, #tpu.memory_space<vmem_shared>>
        tpu.enqueue_indirect_dma source(%dma_start3A_839 : memref<128x8xf32, #tpu.memory_space<vmem>>) target(%dma_start3A_847 : memref<100000x8xf32, #tpu.memory_space<vmem_shared>>) offsets(%dma_start3A_844 : memref<128xi32, #tpu.memory_space<vmem>>) semaphore(%arg11 : memref<!tpu.dma_semaphore, #tpu.memory_space<semaphore_mem>>) {add = true}
        %dma_start3A_848 = arith.constant 1 : i32
        %dma_start3A_849 = arith.constant 17 : i32
        %dma_start3A_850 = arith.constant 1 : i32
        %dma_start3A_851 = arith.constant 0 : i32
        %dma_start3A_852 = arith.constant 0 : i32
        %dma_start3A_853 = arith.constant 0 : i32
        %dma_start3A_854 = tpu.memref_slice %arg8[%dma_start3A_848, %dma_start3A_851, %dma_start3A_852, %dma_start3A_853] : memref<2x20x128x8xf32, #tpu.memory_space<vmem>> -> memref<1x20x128x8xf32, #tpu.memory_space<vmem>>
        %dma_start3A_855 = tpu.memref_squeeze %dma_start3A_854 : memref<1x20x128x8xf32, #tpu.memory_space<vmem>> -> memref<20x128x8xf32, #tpu.memory_space<vmem>>
        %dma_start3A_856 = arith.constant 0 : i32
        %dma_start3A_857 = arith.constant 0 : i32
        %dma_start3A_858 = tpu.memref_slice %dma_start3A_855[%dma_start3A_849, %dma_start3A_856, %dma_start3A_857] : memref<20x128x8xf32, #tpu.memory_space<vmem>> -> memref<1x128x8xf32, #tpu.memory_space<vmem>>
        %dma_start3A_859 = tpu.memref_squeeze %dma_start3A_858 : memref<1x128x8xf32, #tpu.memory_space<vmem>> -> memref<128x8xf32, #tpu.memory_space<vmem>>
        %dma_start3A_860 = arith.constant 0 : i32
        %dma_start3A_861 = tpu.memref_slice %arg7[%dma_start3A_850, %dma_start3A_860] : memref<2x2560xi32, #tpu.memory_space<vmem>> -> memref<1x2560xi32, #tpu.memory_space<vmem>>
        %dma_start3A_862 = tpu.memref_squeeze %dma_start3A_861 : memref<1x2560xi32, #tpu.memory_space<vmem>> -> memref<2560xi32, #tpu.memory_space<vmem>>
        %dma_start3A_863 = arith.constant 2176 : i32
        %dma_start3A_864 = tpu.memref_slice %dma_start3A_862[%dma_start3A_863] : memref<2560xi32, #tpu.memory_space<vmem>> -> memref<128xi32, #tpu.memory_space<vmem>>
        %dma_start3A_865 = arith.constant 0 : i32
        %dma_start3A_866 = arith.constant 0 : i32
        %dma_start3A_867 = tpu.memref_slice %arg5[%dma_start3A_865, %dma_start3A_866] : memref<100000x8xf32, #tpu.memory_space<vmem_shared>> -> memref<100000x8xf32, #tpu.memory_space<vmem_shared>>
        tpu.enqueue_indirect_dma source(%dma_start3A_859 : memref<128x8xf32, #tpu.memory_space<vmem>>) target(%dma_start3A_867 : memref<100000x8xf32, #tpu.memory_space<vmem_shared>>) offsets(%dma_start3A_864 : memref<128xi32, #tpu.memory_space<vmem>>) semaphore(%arg11 : memref<!tpu.dma_semaphore, #tpu.memory_space<semaphore_mem>>) {add = true}
        %dma_start3A_868 = arith.constant 1 : i32
        %dma_start3A_869 = arith.constant 18 : i32
        %dma_start3A_870 = arith.constant 1 : i32
        %dma_start3A_871 = arith.constant 0 : i32
        %dma_start3A_872 = arith.constant 0 : i32
        %dma_start3A_873 = arith.constant 0 : i32
        %dma_start3A_874 = tpu.memref_slice %arg8[%dma_start3A_868, %dma_start3A_871, %dma_start3A_872, %dma_start3A_873] : memref<2x20x128x8xf32, #tpu.memory_space<vmem>> -> memref<1x20x128x8xf32, #tpu.memory_space<vmem>>
        %dma_start3A_875 = tpu.memref_squeeze %dma_start3A_874 : memref<1x20x128x8xf32, #tpu.memory_space<vmem>> -> memref<20x128x8xf32, #tpu.memory_space<vmem>>
        %dma_start3A_876 = arith.constant 0 : i32
        %dma_start3A_877 = arith.constant 0 : i32
        %dma_start3A_878 = tpu.memref_slice %dma_start3A_875[%dma_start3A_869, %dma_start3A_876, %dma_start3A_877] : memref<20x128x8xf32, #tpu.memory_space<vmem>> -> memref<1x128x8xf32, #tpu.memory_space<vmem>>
        %dma_start3A_879 = tpu.memref_squeeze %dma_start3A_878 : memref<1x128x8xf32, #tpu.memory_space<vmem>> -> memref<128x8xf32, #tpu.memory_space<vmem>>
        %dma_start3A_880 = arith.constant 0 : i32
        %dma_start3A_881 = tpu.memref_slice %arg7[%dma_start3A_870, %dma_start3A_880] : memref<2x2560xi32, #tpu.memory_space<vmem>> -> memref<1x2560xi32, #tpu.memory_space<vmem>>
        %dma_start3A_882 = tpu.memref_squeeze %dma_start3A_881 : memref<1x2560xi32, #tpu.memory_space<vmem>> -> memref<2560xi32, #tpu.memory_space<vmem>>
        %dma_start3A_883 = arith.constant 2304 : i32
        %dma_start3A_884 = tpu.memref_slice %dma_start3A_882[%dma_start3A_883] : memref<2560xi32, #tpu.memory_space<vmem>> -> memref<128xi32, #tpu.memory_space<vmem>>
        %dma_start3A_885 = arith.constant 0 : i32
        %dma_start3A_886 = arith.constant 0 : i32
        %dma_start3A_887 = tpu.memref_slice %arg5[%dma_start3A_885, %dma_start3A_886] : memref<100000x8xf32, #tpu.memory_space<vmem_shared>> -> memref<100000x8xf32, #tpu.memory_space<vmem_shared>>
        tpu.enqueue_indirect_dma source(%dma_start3A_879 : memref<128x8xf32, #tpu.memory_space<vmem>>) target(%dma_start3A_887 : memref<100000x8xf32, #tpu.memory_space<vmem_shared>>) offsets(%dma_start3A_884 : memref<128xi32, #tpu.memory_space<vmem>>) semaphore(%arg11 : memref<!tpu.dma_semaphore, #tpu.memory_space<semaphore_mem>>) {add = true}
        %dma_start3A_888 = arith.constant 1 : i32
        %dma_start3A_889 = arith.constant 19 : i32
        %dma_start3A_890 = arith.constant 1 : i32
        %dma_start3A_891 = arith.constant 0 : i32
        %dma_start3A_892 = arith.constant 0 : i32
        %dma_start3A_893 = arith.constant 0 : i32
        %dma_start3A_894 = tpu.memref_slice %arg8[%dma_start3A_888, %dma_start3A_891, %dma_start3A_892, %dma_start3A_893] : memref<2x20x128x8xf32, #tpu.memory_space<vmem>> -> memref<1x20x128x8xf32, #tpu.memory_space<vmem>>
        %dma_start3A_895 = tpu.memref_squeeze %dma_start3A_894 : memref<1x20x128x8xf32, #tpu.memory_space<vmem>> -> memref<20x128x8xf32, #tpu.memory_space<vmem>>
        %dma_start3A_896 = arith.constant 0 : i32
        %dma_start3A_897 = arith.constant 0 : i32
        %dma_start3A_898 = tpu.memref_slice %dma_start3A_895[%dma_start3A_889, %dma_start3A_896, %dma_start3A_897] : memref<20x128x8xf32, #tpu.memory_space<vmem>> -> memref<1x128x8xf32, #tpu.memory_space<vmem>>
        %dma_start3A_899 = tpu.memref_squeeze %dma_start3A_898 : memref<1x128x8xf32, #tpu.memory_space<vmem>> -> memref<128x8xf32, #tpu.memory_space<vmem>>
        %dma_start3A_900 = arith.constant 0 : i32
        %dma_start3A_901 = tpu.memref_slice %arg7[%dma_start3A_890, %dma_start3A_900] : memref<2x2560xi32, #tpu.memory_space<vmem>> -> memref<1x2560xi32, #tpu.memory_space<vmem>>
        %dma_start3A_902 = tpu.memref_squeeze %dma_start3A_901 : memref<1x2560xi32, #tpu.memory_space<vmem>> -> memref<2560xi32, #tpu.memory_space<vmem>>
        %dma_start3A_903 = arith.constant 2432 : i32
        %dma_start3A_904 = tpu.memref_slice %dma_start3A_902[%dma_start3A_903] : memref<2560xi32, #tpu.memory_space<vmem>> -> memref<128xi32, #tpu.memory_space<vmem>>
        %dma_start3A_905 = arith.constant 0 : i32
        %dma_start3A_906 = arith.constant 0 : i32
        %dma_start3A_907 = tpu.memref_slice %arg5[%dma_start3A_905, %dma_start3A_906] : memref<100000x8xf32, #tpu.memory_space<vmem_shared>> -> memref<100000x8xf32, #tpu.memory_space<vmem_shared>>
        tpu.enqueue_indirect_dma source(%dma_start3A_899 : memref<128x8xf32, #tpu.memory_space<vmem>>) target(%dma_start3A_907 : memref<100000x8xf32, #tpu.memory_space<vmem_shared>>) offsets(%dma_start3A_904 : memref<128xi32, #tpu.memory_space<vmem>>) semaphore(%arg11 : memref<!tpu.dma_semaphore, #tpu.memory_space<semaphore_mem>>) {add = true}
      } else {
      }
    }
    %scan3A_34 = arith.constant 40 : i32
    %add3A_35 = arith.constant 2528 : i32
    %add3A_36 = arith.addi %add3A_35, %add3A : i32
    %lt3A = arith.constant 2500 : i32
    %lt3A_37 = arith.cmpi slt, %add3A_36, %lt3A : i32
    %convert_element_type3A = arith.extui %lt3A_37 : i1 to i32
    %cond3A = arith.constant 0 : i32
    %cond3A_38 = arith.cmpi ne, %convert_element_type3A, %cond3A : i32
    scf.if %cond3A_38 {
      %dma_wait3A = arith.constant 1 : i32
      %dma_wait3A_43 = arith.constant 0 : i32
      %dma_wait3A_44 = arith.constant 1 : i32
      %dma_wait3A_45 = arith.constant 0 : i32
      %dma_wait3A_46 = arith.constant 0 : i32
      %dma_wait3A_47 = arith.constant 0 : i32
      %dma_wait3A_48 = tpu.memref_slice %arg8[%dma_wait3A, %dma_wait3A_45, %dma_wait3A_46, %dma_wait3A_47] : memref<2x20x128x8xf32, #tpu.memory_space<vmem>> -> memref<1x20x128x8xf32, #tpu.memory_space<vmem>>
      %dma_wait3A_49 = tpu.memref_squeeze %dma_wait3A_48 : memref<1x20x128x8xf32, #tpu.memory_space<vmem>> -> memref<20x128x8xf32, #tpu.memory_space<vmem>>
      %dma_wait3A_50 = arith.constant 0 : i32
      %dma_wait3A_51 = arith.constant 0 : i32
      %dma_wait3A_52 = tpu.memref_slice %dma_wait3A_49[%dma_wait3A_43, %dma_wait3A_50, %dma_wait3A_51] : memref<20x128x8xf32, #tpu.memory_space<vmem>> -> memref<1x128x8xf32, #tpu.memory_space<vmem>>
      %dma_wait3A_53 = tpu.memref_squeeze %dma_wait3A_52 : memref<1x128x8xf32, #tpu.memory_space<vmem>> -> memref<128x8xf32, #tpu.memory_space<vmem>>
      %dma_wait3A_54 = arith.constant 0 : i32
      %dma_wait3A_55 = tpu.memref_slice %arg7[%dma_wait3A_44, %dma_wait3A_54] : memref<2x2560xi32, #tpu.memory_space<vmem>> -> memref<1x2560xi32, #tpu.memory_space<vmem>>
      %dma_wait3A_56 = tpu.memref_squeeze %dma_wait3A_55 : memref<1x2560xi32, #tpu.memory_space<vmem>> -> memref<2560xi32, #tpu.memory_space<vmem>>
      %dma_wait3A_57 = arith.constant 0 : i32
      %dma_wait3A_58 = tpu.memref_slice %dma_wait3A_56[%dma_wait3A_57] : memref<2560xi32, #tpu.memory_space<vmem>> -> memref<128xi32, #tpu.memory_space<vmem>>
      %dma_wait3A_59 = arith.constant 0 : i32
      %dma_wait3A_60 = arith.constant 0 : i32
      %dma_wait3A_61 = tpu.memref_slice %arg5[%dma_wait3A_59, %dma_wait3A_60] : memref<100000x8xf32, #tpu.memory_space<vmem_shared>> -> memref<100000x8xf32, #tpu.memory_space<vmem_shared>>
      tpu.wait_indirect_dma semaphore(%arg11 : memref<!tpu.dma_semaphore, #tpu.memory_space<semaphore_mem>>) src(%dma_wait3A_53 : memref<128x8xf32, #tpu.memory_space<vmem>>) dst(%dma_wait3A_61 : memref<100000x8xf32, #tpu.memory_space<vmem_shared>>)
      %dma_wait3A_62 = arith.constant 1 : i32
      %dma_wait3A_63 = arith.constant 1 : i32
      %dma_wait3A_64 = arith.constant 1 : i32
      %dma_wait3A_65 = arith.constant 0 : i32
      %dma_wait3A_66 = arith.constant 0 : i32
      %dma_wait3A_67 = arith.constant 0 : i32
      %dma_wait3A_68 = tpu.memref_slice %arg8[%dma_wait3A_62, %dma_wait3A_65, %dma_wait3A_66, %dma_wait3A_67] : memref<2x20x128x8xf32, #tpu.memory_space<vmem>> -> memref<1x20x128x8xf32, #tpu.memory_space<vmem>>
      %dma_wait3A_69 = tpu.memref_squeeze %dma_wait3A_68 : memref<1x20x128x8xf32, #tpu.memory_space<vmem>> -> memref<20x128x8xf32, #tpu.memory_space<vmem>>
      %dma_wait3A_70 = arith.constant 0 : i32
      %dma_wait3A_71 = arith.constant 0 : i32
      %dma_wait3A_72 = tpu.memref_slice %dma_wait3A_69[%dma_wait3A_63, %dma_wait3A_70, %dma_wait3A_71] : memref<20x128x8xf32, #tpu.memory_space<vmem>> -> memref<1x128x8xf32, #tpu.memory_space<vmem>>
      %dma_wait3A_73 = tpu.memref_squeeze %dma_wait3A_72 : memref<1x128x8xf32, #tpu.memory_space<vmem>> -> memref<128x8xf32, #tpu.memory_space<vmem>>
      %dma_wait3A_74 = arith.constant 0 : i32
      %dma_wait3A_75 = tpu.memref_slice %arg7[%dma_wait3A_64, %dma_wait3A_74] : memref<2x2560xi32, #tpu.memory_space<vmem>> -> memref<1x2560xi32, #tpu.memory_space<vmem>>
      %dma_wait3A_76 = tpu.memref_squeeze %dma_wait3A_75 : memref<1x2560xi32, #tpu.memory_space<vmem>> -> memref<2560xi32, #tpu.memory_space<vmem>>
      %dma_wait3A_77 = arith.constant 128 : i32
      %dma_wait3A_78 = tpu.memref_slice %dma_wait3A_76[%dma_wait3A_77] : memref<2560xi32, #tpu.memory_space<vmem>> -> memref<128xi32, #tpu.memory_space<vmem>>
      %dma_wait3A_79 = arith.constant 0 : i32
      %dma_wait3A_80 = arith.constant 0 : i32
      %dma_wait3A_81 = tpu.memref_slice %arg5[%dma_wait3A_79, %dma_wait3A_80] : memref<100000x8xf32, #tpu.memory_space<vmem_shared>> -> memref<100000x8xf32, #tpu.memory_space<vmem_shared>>
      tpu.wait_indirect_dma semaphore(%arg11 : memref<!tpu.dma_semaphore, #tpu.memory_space<semaphore_mem>>) src(%dma_wait3A_73 : memref<128x8xf32, #tpu.memory_space<vmem>>) dst(%dma_wait3A_81 : memref<100000x8xf32, #tpu.memory_space<vmem_shared>>)
      %dma_wait3A_82 = arith.constant 1 : i32
      %dma_wait3A_83 = arith.constant 2 : i32
      %dma_wait3A_84 = arith.constant 1 : i32
      %dma_wait3A_85 = arith.constant 0 : i32
      %dma_wait3A_86 = arith.constant 0 : i32
      %dma_wait3A_87 = arith.constant 0 : i32
      %dma_wait3A_88 = tpu.memref_slice %arg8[%dma_wait3A_82, %dma_wait3A_85, %dma_wait3A_86, %dma_wait3A_87] : memref<2x20x128x8xf32, #tpu.memory_space<vmem>> -> memref<1x20x128x8xf32, #tpu.memory_space<vmem>>
      %dma_wait3A_89 = tpu.memref_squeeze %dma_wait3A_88 : memref<1x20x128x8xf32, #tpu.memory_space<vmem>> -> memref<20x128x8xf32, #tpu.memory_space<vmem>>
      %dma_wait3A_90 = arith.constant 0 : i32
      %dma_wait3A_91 = arith.constant 0 : i32
      %dma_wait3A_92 = tpu.memref_slice %dma_wait3A_89[%dma_wait3A_83, %dma_wait3A_90, %dma_wait3A_91] : memref<20x128x8xf32, #tpu.memory_space<vmem>> -> memref<1x128x8xf32, #tpu.memory_space<vmem>>
      %dma_wait3A_93 = tpu.memref_squeeze %dma_wait3A_92 : memref<1x128x8xf32, #tpu.memory_space<vmem>> -> memref<128x8xf32, #tpu.memory_space<vmem>>
      %dma_wait3A_94 = arith.constant 0 : i32
      %dma_wait3A_95 = tpu.memref_slice %arg7[%dma_wait3A_84, %dma_wait3A_94] : memref<2x2560xi32, #tpu.memory_space<vmem>> -> memref<1x2560xi32, #tpu.memory_space<vmem>>
      %dma_wait3A_96 = tpu.memref_squeeze %dma_wait3A_95 : memref<1x2560xi32, #tpu.memory_space<vmem>> -> memref<2560xi32, #tpu.memory_space<vmem>>
      %dma_wait3A_97 = arith.constant 256 : i32
      %dma_wait3A_98 = tpu.memref_slice %dma_wait3A_96[%dma_wait3A_97] : memref<2560xi32, #tpu.memory_space<vmem>> -> memref<128xi32, #tpu.memory_space<vmem>>
      %dma_wait3A_99 = arith.constant 0 : i32
      %dma_wait3A_100 = arith.constant 0 : i32
      %dma_wait3A_101 = tpu.memref_slice %arg5[%dma_wait3A_99, %dma_wait3A_100] : memref<100000x8xf32, #tpu.memory_space<vmem_shared>> -> memref<100000x8xf32, #tpu.memory_space<vmem_shared>>
      tpu.wait_indirect_dma semaphore(%arg11 : memref<!tpu.dma_semaphore, #tpu.memory_space<semaphore_mem>>) src(%dma_wait3A_93 : memref<128x8xf32, #tpu.memory_space<vmem>>) dst(%dma_wait3A_101 : memref<100000x8xf32, #tpu.memory_space<vmem_shared>>)
      %dma_wait3A_102 = arith.constant 1 : i32
      %dma_wait3A_103 = arith.constant 3 : i32
      %dma_wait3A_104 = arith.constant 1 : i32
      %dma_wait3A_105 = arith.constant 0 : i32
      %dma_wait3A_106 = arith.constant 0 : i32
      %dma_wait3A_107 = arith.constant 0 : i32
      %dma_wait3A_108 = tpu.memref_slice %arg8[%dma_wait3A_102, %dma_wait3A_105, %dma_wait3A_106, %dma_wait3A_107] : memref<2x20x128x8xf32, #tpu.memory_space<vmem>> -> memref<1x20x128x8xf32, #tpu.memory_space<vmem>>
      %dma_wait3A_109 = tpu.memref_squeeze %dma_wait3A_108 : memref<1x20x128x8xf32, #tpu.memory_space<vmem>> -> memref<20x128x8xf32, #tpu.memory_space<vmem>>
      %dma_wait3A_110 = arith.constant 0 : i32
      %dma_wait3A_111 = arith.constant 0 : i32
      %dma_wait3A_112 = tpu.memref_slice %dma_wait3A_109[%dma_wait3A_103, %dma_wait3A_110, %dma_wait3A_111] : memref<20x128x8xf32, #tpu.memory_space<vmem>> -> memref<1x128x8xf32, #tpu.memory_space<vmem>>
      %dma_wait3A_113 = tpu.memref_squeeze %dma_wait3A_112 : memref<1x128x8xf32, #tpu.memory_space<vmem>> -> memref<128x8xf32, #tpu.memory_space<vmem>>
      %dma_wait3A_114 = arith.constant 0 : i32
      %dma_wait3A_115 = tpu.memref_slice %arg7[%dma_wait3A_104, %dma_wait3A_114] : memref<2x2560xi32, #tpu.memory_space<vmem>> -> memref<1x2560xi32, #tpu.memory_space<vmem>>
      %dma_wait3A_116 = tpu.memref_squeeze %dma_wait3A_115 : memref<1x2560xi32, #tpu.memory_space<vmem>> -> memref<2560xi32, #tpu.memory_space<vmem>>
      %dma_wait3A_117 = arith.constant 384 : i32
      %dma_wait3A_118 = tpu.memref_slice %dma_wait3A_116[%dma_wait3A_117] : memref<2560xi32, #tpu.memory_space<vmem>> -> memref<128xi32, #tpu.memory_space<vmem>>
      %dma_wait3A_119 = arith.constant 0 : i32
      %dma_wait3A_120 = arith.constant 0 : i32
      %dma_wait3A_121 = tpu.memref_slice %arg5[%dma_wait3A_119, %dma_wait3A_120] : memref<100000x8xf32, #tpu.memory_space<vmem_shared>> -> memref<100000x8xf32, #tpu.memory_space<vmem_shared>>
      tpu.wait_indirect_dma semaphore(%arg11 : memref<!tpu.dma_semaphore, #tpu.memory_space<semaphore_mem>>) src(%dma_wait3A_113 : memref<128x8xf32, #tpu.memory_space<vmem>>) dst(%dma_wait3A_121 : memref<100000x8xf32, #tpu.memory_space<vmem_shared>>)
      %dma_wait3A_122 = arith.constant 1 : i32
      %dma_wait3A_123 = arith.constant 4 : i32
      %dma_wait3A_124 = arith.constant 1 : i32
      %dma_wait3A_125 = arith.constant 0 : i32
      %dma_wait3A_126 = arith.constant 0 : i32
      %dma_wait3A_127 = arith.constant 0 : i32
      %dma_wait3A_128 = tpu.memref_slice %arg8[%dma_wait3A_122, %dma_wait3A_125, %dma_wait3A_126, %dma_wait3A_127] : memref<2x20x128x8xf32, #tpu.memory_space<vmem>> -> memref<1x20x128x8xf32, #tpu.memory_space<vmem>>
      %dma_wait3A_129 = tpu.memref_squeeze %dma_wait3A_128 : memref<1x20x128x8xf32, #tpu.memory_space<vmem>> -> memref<20x128x8xf32, #tpu.memory_space<vmem>>
      %dma_wait3A_130 = arith.constant 0 : i32
      %dma_wait3A_131 = arith.constant 0 : i32
      %dma_wait3A_132 = tpu.memref_slice %dma_wait3A_129[%dma_wait3A_123, %dma_wait3A_130, %dma_wait3A_131] : memref<20x128x8xf32, #tpu.memory_space<vmem>> -> memref<1x128x8xf32, #tpu.memory_space<vmem>>
      %dma_wait3A_133 = tpu.memref_squeeze %dma_wait3A_132 : memref<1x128x8xf32, #tpu.memory_space<vmem>> -> memref<128x8xf32, #tpu.memory_space<vmem>>
      %dma_wait3A_134 = arith.constant 0 : i32
      %dma_wait3A_135 = tpu.memref_slice %arg7[%dma_wait3A_124, %dma_wait3A_134] : memref<2x2560xi32, #tpu.memory_space<vmem>> -> memref<1x2560xi32, #tpu.memory_space<vmem>>
      %dma_wait3A_136 = tpu.memref_squeeze %dma_wait3A_135 : memref<1x2560xi32, #tpu.memory_space<vmem>> -> memref<2560xi32, #tpu.memory_space<vmem>>
      %dma_wait3A_137 = arith.constant 512 : i32
      %dma_wait3A_138 = tpu.memref_slice %dma_wait3A_136[%dma_wait3A_137] : memref<2560xi32, #tpu.memory_space<vmem>> -> memref<128xi32, #tpu.memory_space<vmem>>
      %dma_wait3A_139 = arith.constant 0 : i32
      %dma_wait3A_140 = arith.constant 0 : i32
      %dma_wait3A_141 = tpu.memref_slice %arg5[%dma_wait3A_139, %dma_wait3A_140] : memref<100000x8xf32, #tpu.memory_space<vmem_shared>> -> memref<100000x8xf32, #tpu.memory_space<vmem_shared>>
      tpu.wait_indirect_dma semaphore(%arg11 : memref<!tpu.dma_semaphore, #tpu.memory_space<semaphore_mem>>) src(%dma_wait3A_133 : memref<128x8xf32, #tpu.memory_space<vmem>>) dst(%dma_wait3A_141 : memref<100000x8xf32, #tpu.memory_space<vmem_shared>>)
      %dma_wait3A_142 = arith.constant 1 : i32
      %dma_wait3A_143 = arith.constant 5 : i32
      %dma_wait3A_144 = arith.constant 1 : i32
      %dma_wait3A_145 = arith.constant 0 : i32
      %dma_wait3A_146 = arith.constant 0 : i32
      %dma_wait3A_147 = arith.constant 0 : i32
      %dma_wait3A_148 = tpu.memref_slice %arg8[%dma_wait3A_142, %dma_wait3A_145, %dma_wait3A_146, %dma_wait3A_147] : memref<2x20x128x8xf32, #tpu.memory_space<vmem>> -> memref<1x20x128x8xf32, #tpu.memory_space<vmem>>
      %dma_wait3A_149 = tpu.memref_squeeze %dma_wait3A_148 : memref<1x20x128x8xf32, #tpu.memory_space<vmem>> -> memref<20x128x8xf32, #tpu.memory_space<vmem>>
      %dma_wait3A_150 = arith.constant 0 : i32
      %dma_wait3A_151 = arith.constant 0 : i32
      %dma_wait3A_152 = tpu.memref_slice %dma_wait3A_149[%dma_wait3A_143, %dma_wait3A_150, %dma_wait3A_151] : memref<20x128x8xf32, #tpu.memory_space<vmem>> -> memref<1x128x8xf32, #tpu.memory_space<vmem>>
      %dma_wait3A_153 = tpu.memref_squeeze %dma_wait3A_152 : memref<1x128x8xf32, #tpu.memory_space<vmem>> -> memref<128x8xf32, #tpu.memory_space<vmem>>
      %dma_wait3A_154 = arith.constant 0 : i32
      %dma_wait3A_155 = tpu.memref_slice %arg7[%dma_wait3A_144, %dma_wait3A_154] : memref<2x2560xi32, #tpu.memory_space<vmem>> -> memref<1x2560xi32, #tpu.memory_space<vmem>>
      %dma_wait3A_156 = tpu.memref_squeeze %dma_wait3A_155 : memref<1x2560xi32, #tpu.memory_space<vmem>> -> memref<2560xi32, #tpu.memory_space<vmem>>
      %dma_wait3A_157 = arith.constant 640 : i32
      %dma_wait3A_158 = tpu.memref_slice %dma_wait3A_156[%dma_wait3A_157] : memref<2560xi32, #tpu.memory_space<vmem>> -> memref<128xi32, #tpu.memory_space<vmem>>
      %dma_wait3A_159 = arith.constant 0 : i32
      %dma_wait3A_160 = arith.constant 0 : i32
      %dma_wait3A_161 = tpu.memref_slice %arg5[%dma_wait3A_159, %dma_wait3A_160] : memref<100000x8xf32, #tpu.memory_space<vmem_shared>> -> memref<100000x8xf32, #tpu.memory_space<vmem_shared>>
      tpu.wait_indirect_dma semaphore(%arg11 : memref<!tpu.dma_semaphore, #tpu.memory_space<semaphore_mem>>) src(%dma_wait3A_153 : memref<128x8xf32, #tpu.memory_space<vmem>>) dst(%dma_wait3A_161 : memref<100000x8xf32, #tpu.memory_space<vmem_shared>>)
      %dma_wait3A_162 = arith.constant 1 : i32
      %dma_wait3A_163 = arith.constant 6 : i32
      %dma_wait3A_164 = arith.constant 1 : i32
      %dma_wait3A_165 = arith.constant 0 : i32
      %dma_wait3A_166 = arith.constant 0 : i32
      %dma_wait3A_167 = arith.constant 0 : i32
      %dma_wait3A_168 = tpu.memref_slice %arg8[%dma_wait3A_162, %dma_wait3A_165, %dma_wait3A_166, %dma_wait3A_167] : memref<2x20x128x8xf32, #tpu.memory_space<vmem>> -> memref<1x20x128x8xf32, #tpu.memory_space<vmem>>
      %dma_wait3A_169 = tpu.memref_squeeze %dma_wait3A_168 : memref<1x20x128x8xf32, #tpu.memory_space<vmem>> -> memref<20x128x8xf32, #tpu.memory_space<vmem>>
      %dma_wait3A_170 = arith.constant 0 : i32
      %dma_wait3A_171 = arith.constant 0 : i32
      %dma_wait3A_172 = tpu.memref_slice %dma_wait3A_169[%dma_wait3A_163, %dma_wait3A_170, %dma_wait3A_171] : memref<20x128x8xf32, #tpu.memory_space<vmem>> -> memref<1x128x8xf32, #tpu.memory_space<vmem>>
      %dma_wait3A_173 = tpu.memref_squeeze %dma_wait3A_172 : memref<1x128x8xf32, #tpu.memory_space<vmem>> -> memref<128x8xf32, #tpu.memory_space<vmem>>
      %dma_wait3A_174 = arith.constant 0 : i32
      %dma_wait3A_175 = tpu.memref_slice %arg7[%dma_wait3A_164, %dma_wait3A_174] : memref<2x2560xi32, #tpu.memory_space<vmem>> -> memref<1x2560xi32, #tpu.memory_space<vmem>>
      %dma_wait3A_176 = tpu.memref_squeeze %dma_wait3A_175 : memref<1x2560xi32, #tpu.memory_space<vmem>> -> memref<2560xi32, #tpu.memory_space<vmem>>
      %dma_wait3A_177 = arith.constant 768 : i32
      %dma_wait3A_178 = tpu.memref_slice %dma_wait3A_176[%dma_wait3A_177] : memref<2560xi32, #tpu.memory_space<vmem>> -> memref<128xi32, #tpu.memory_space<vmem>>
      %dma_wait3A_179 = arith.constant 0 : i32
      %dma_wait3A_180 = arith.constant 0 : i32
      %dma_wait3A_181 = tpu.memref_slice %arg5[%dma_wait3A_179, %dma_wait3A_180] : memref<100000x8xf32, #tpu.memory_space<vmem_shared>> -> memref<100000x8xf32, #tpu.memory_space<vmem_shared>>
      tpu.wait_indirect_dma semaphore(%arg11 : memref<!tpu.dma_semaphore, #tpu.memory_space<semaphore_mem>>) src(%dma_wait3A_173 : memref<128x8xf32, #tpu.memory_space<vmem>>) dst(%dma_wait3A_181 : memref<100000x8xf32, #tpu.memory_space<vmem_shared>>)
      %dma_wait3A_182 = arith.constant 1 : i32
      %dma_wait3A_183 = arith.constant 7 : i32
      %dma_wait3A_184 = arith.constant 1 : i32
      %dma_wait3A_185 = arith.constant 0 : i32
      %dma_wait3A_186 = arith.constant 0 : i32
      %dma_wait3A_187 = arith.constant 0 : i32
      %dma_wait3A_188 = tpu.memref_slice %arg8[%dma_wait3A_182, %dma_wait3A_185, %dma_wait3A_186, %dma_wait3A_187] : memref<2x20x128x8xf32, #tpu.memory_space<vmem>> -> memref<1x20x128x8xf32, #tpu.memory_space<vmem>>
      %dma_wait3A_189 = tpu.memref_squeeze %dma_wait3A_188 : memref<1x20x128x8xf32, #tpu.memory_space<vmem>> -> memref<20x128x8xf32, #tpu.memory_space<vmem>>
      %dma_wait3A_190 = arith.constant 0 : i32
      %dma_wait3A_191 = arith.constant 0 : i32
      %dma_wait3A_192 = tpu.memref_slice %dma_wait3A_189[%dma_wait3A_183, %dma_wait3A_190, %dma_wait3A_191] : memref<20x128x8xf32, #tpu.memory_space<vmem>> -> memref<1x128x8xf32, #tpu.memory_space<vmem>>
      %dma_wait3A_193 = tpu.memref_squeeze %dma_wait3A_192 : memref<1x128x8xf32, #tpu.memory_space<vmem>> -> memref<128x8xf32, #tpu.memory_space<vmem>>
      %dma_wait3A_194 = arith.constant 0 : i32
      %dma_wait3A_195 = tpu.memref_slice %arg7[%dma_wait3A_184, %dma_wait3A_194] : memref<2x2560xi32, #tpu.memory_space<vmem>> -> memref<1x2560xi32, #tpu.memory_space<vmem>>
      %dma_wait3A_196 = tpu.memref_squeeze %dma_wait3A_195 : memref<1x2560xi32, #tpu.memory_space<vmem>> -> memref<2560xi32, #tpu.memory_space<vmem>>
      %dma_wait3A_197 = arith.constant 896 : i32
      %dma_wait3A_198 = tpu.memref_slice %dma_wait3A_196[%dma_wait3A_197] : memref<2560xi32, #tpu.memory_space<vmem>> -> memref<128xi32, #tpu.memory_space<vmem>>
      %dma_wait3A_199 = arith.constant 0 : i32
      %dma_wait3A_200 = arith.constant 0 : i32
      %dma_wait3A_201 = tpu.memref_slice %arg5[%dma_wait3A_199, %dma_wait3A_200] : memref<100000x8xf32, #tpu.memory_space<vmem_shared>> -> memref<100000x8xf32, #tpu.memory_space<vmem_shared>>
      tpu.wait_indirect_dma semaphore(%arg11 : memref<!tpu.dma_semaphore, #tpu.memory_space<semaphore_mem>>) src(%dma_wait3A_193 : memref<128x8xf32, #tpu.memory_space<vmem>>) dst(%dma_wait3A_201 : memref<100000x8xf32, #tpu.memory_space<vmem_shared>>)
      %dma_wait3A_202 = arith.constant 1 : i32
      %dma_wait3A_203 = arith.constant 8 : i32
      %dma_wait3A_204 = arith.constant 1 : i32
      %dma_wait3A_205 = arith.constant 0 : i32
      %dma_wait3A_206 = arith.constant 0 : i32
      %dma_wait3A_207 = arith.constant 0 : i32
      %dma_wait3A_208 = tpu.memref_slice %arg8[%dma_wait3A_202, %dma_wait3A_205, %dma_wait3A_206, %dma_wait3A_207] : memref<2x20x128x8xf32, #tpu.memory_space<vmem>> -> memref<1x20x128x8xf32, #tpu.memory_space<vmem>>
      %dma_wait3A_209 = tpu.memref_squeeze %dma_wait3A_208 : memref<1x20x128x8xf32, #tpu.memory_space<vmem>> -> memref<20x128x8xf32, #tpu.memory_space<vmem>>
      %dma_wait3A_210 = arith.constant 0 : i32
      %dma_wait3A_211 = arith.constant 0 : i32
      %dma_wait3A_212 = tpu.memref_slice %dma_wait3A_209[%dma_wait3A_203, %dma_wait3A_210, %dma_wait3A_211] : memref<20x128x8xf32, #tpu.memory_space<vmem>> -> memref<1x128x8xf32, #tpu.memory_space<vmem>>
      %dma_wait3A_213 = tpu.memref_squeeze %dma_wait3A_212 : memref<1x128x8xf32, #tpu.memory_space<vmem>> -> memref<128x8xf32, #tpu.memory_space<vmem>>
      %dma_wait3A_214 = arith.constant 0 : i32
      %dma_wait3A_215 = tpu.memref_slice %arg7[%dma_wait3A_204, %dma_wait3A_214] : memref<2x2560xi32, #tpu.memory_space<vmem>> -> memref<1x2560xi32, #tpu.memory_space<vmem>>
      %dma_wait3A_216 = tpu.memref_squeeze %dma_wait3A_215 : memref<1x2560xi32, #tpu.memory_space<vmem>> -> memref<2560xi32, #tpu.memory_space<vmem>>
      %dma_wait3A_217 = arith.constant 1024 : i32
      %dma_wait3A_218 = tpu.memref_slice %dma_wait3A_216[%dma_wait3A_217] : memref<2560xi32, #tpu.memory_space<vmem>> -> memref<128xi32, #tpu.memory_space<vmem>>
      %dma_wait3A_219 = arith.constant 0 : i32
      %dma_wait3A_220 = arith.constant 0 : i32
      %dma_wait3A_221 = tpu.memref_slice %arg5[%dma_wait3A_219, %dma_wait3A_220] : memref<100000x8xf32, #tpu.memory_space<vmem_shared>> -> memref<100000x8xf32, #tpu.memory_space<vmem_shared>>
      tpu.wait_indirect_dma semaphore(%arg11 : memref<!tpu.dma_semaphore, #tpu.memory_space<semaphore_mem>>) src(%dma_wait3A_213 : memref<128x8xf32, #tpu.memory_space<vmem>>) dst(%dma_wait3A_221 : memref<100000x8xf32, #tpu.memory_space<vmem_shared>>)
      %dma_wait3A_222 = arith.constant 1 : i32
      %dma_wait3A_223 = arith.constant 9 : i32
      %dma_wait3A_224 = arith.constant 1 : i32
      %dma_wait3A_225 = arith.constant 0 : i32
      %dma_wait3A_226 = arith.constant 0 : i32
      %dma_wait3A_227 = arith.constant 0 : i32
      %dma_wait3A_228 = tpu.memref_slice %arg8[%dma_wait3A_222, %dma_wait3A_225, %dma_wait3A_226, %dma_wait3A_227] : memref<2x20x128x8xf32, #tpu.memory_space<vmem>> -> memref<1x20x128x8xf32, #tpu.memory_space<vmem>>
      %dma_wait3A_229 = tpu.memref_squeeze %dma_wait3A_228 : memref<1x20x128x8xf32, #tpu.memory_space<vmem>> -> memref<20x128x8xf32, #tpu.memory_space<vmem>>
      %dma_wait3A_230 = arith.constant 0 : i32
      %dma_wait3A_231 = arith.constant 0 : i32
      %dma_wait3A_232 = tpu.memref_slice %dma_wait3A_229[%dma_wait3A_223, %dma_wait3A_230, %dma_wait3A_231] : memref<20x128x8xf32, #tpu.memory_space<vmem>> -> memref<1x128x8xf32, #tpu.memory_space<vmem>>
      %dma_wait3A_233 = tpu.memref_squeeze %dma_wait3A_232 : memref<1x128x8xf32, #tpu.memory_space<vmem>> -> memref<128x8xf32, #tpu.memory_space<vmem>>
      %dma_wait3A_234 = arith.constant 0 : i32
      %dma_wait3A_235 = tpu.memref_slice %arg7[%dma_wait3A_224, %dma_wait3A_234] : memref<2x2560xi32, #tpu.memory_space<vmem>> -> memref<1x2560xi32, #tpu.memory_space<vmem>>
      %dma_wait3A_236 = tpu.memref_squeeze %dma_wait3A_235 : memref<1x2560xi32, #tpu.memory_space<vmem>> -> memref<2560xi32, #tpu.memory_space<vmem>>
      %dma_wait3A_237 = arith.constant 1152 : i32
      %dma_wait3A_238 = tpu.memref_slice %dma_wait3A_236[%dma_wait3A_237] : memref<2560xi32, #tpu.memory_space<vmem>> -> memref<128xi32, #tpu.memory_space<vmem>>
      %dma_wait3A_239 = arith.constant 0 : i32
      %dma_wait3A_240 = arith.constant 0 : i32
      %dma_wait3A_241 = tpu.memref_slice %arg5[%dma_wait3A_239, %dma_wait3A_240] : memref<100000x8xf32, #tpu.memory_space<vmem_shared>> -> memref<100000x8xf32, #tpu.memory_space<vmem_shared>>
      tpu.wait_indirect_dma semaphore(%arg11 : memref<!tpu.dma_semaphore, #tpu.memory_space<semaphore_mem>>) src(%dma_wait3A_233 : memref<128x8xf32, #tpu.memory_space<vmem>>) dst(%dma_wait3A_241 : memref<100000x8xf32, #tpu.memory_space<vmem_shared>>)
      %dma_wait3A_242 = arith.constant 1 : i32
      %dma_wait3A_243 = arith.constant 10 : i32
      %dma_wait3A_244 = arith.constant 1 : i32
      %dma_wait3A_245 = arith.constant 0 : i32
      %dma_wait3A_246 = arith.constant 0 : i32
      %dma_wait3A_247 = arith.constant 0 : i32
      %dma_wait3A_248 = tpu.memref_slice %arg8[%dma_wait3A_242, %dma_wait3A_245, %dma_wait3A_246, %dma_wait3A_247] : memref<2x20x128x8xf32, #tpu.memory_space<vmem>> -> memref<1x20x128x8xf32, #tpu.memory_space<vmem>>
      %dma_wait3A_249 = tpu.memref_squeeze %dma_wait3A_248 : memref<1x20x128x8xf32, #tpu.memory_space<vmem>> -> memref<20x128x8xf32, #tpu.memory_space<vmem>>
      %dma_wait3A_250 = arith.constant 0 : i32
      %dma_wait3A_251 = arith.constant 0 : i32
      %dma_wait3A_252 = tpu.memref_slice %dma_wait3A_249[%dma_wait3A_243, %dma_wait3A_250, %dma_wait3A_251] : memref<20x128x8xf32, #tpu.memory_space<vmem>> -> memref<1x128x8xf32, #tpu.memory_space<vmem>>
      %dma_wait3A_253 = tpu.memref_squeeze %dma_wait3A_252 : memref<1x128x8xf32, #tpu.memory_space<vmem>> -> memref<128x8xf32, #tpu.memory_space<vmem>>
      %dma_wait3A_254 = arith.constant 0 : i32
      %dma_wait3A_255 = tpu.memref_slice %arg7[%dma_wait3A_244, %dma_wait3A_254] : memref<2x2560xi32, #tpu.memory_space<vmem>> -> memref<1x2560xi32, #tpu.memory_space<vmem>>
      %dma_wait3A_256 = tpu.memref_squeeze %dma_wait3A_255 : memref<1x2560xi32, #tpu.memory_space<vmem>> -> memref<2560xi32, #tpu.memory_space<vmem>>
      %dma_wait3A_257 = arith.constant 1280 : i32
      %dma_wait3A_258 = tpu.memref_slice %dma_wait3A_256[%dma_wait3A_257] : memref<2560xi32, #tpu.memory_space<vmem>> -> memref<128xi32, #tpu.memory_space<vmem>>
      %dma_wait3A_259 = arith.constant 0 : i32
      %dma_wait3A_260 = arith.constant 0 : i32
      %dma_wait3A_261 = tpu.memref_slice %arg5[%dma_wait3A_259, %dma_wait3A_260] : memref<100000x8xf32, #tpu.memory_space<vmem_shared>> -> memref<100000x8xf32, #tpu.memory_space<vmem_shared>>
      tpu.wait_indirect_dma semaphore(%arg11 : memref<!tpu.dma_semaphore, #tpu.memory_space<semaphore_mem>>) src(%dma_wait3A_253 : memref<128x8xf32, #tpu.memory_space<vmem>>) dst(%dma_wait3A_261 : memref<100000x8xf32, #tpu.memory_space<vmem_shared>>)
      %dma_wait3A_262 = arith.constant 1 : i32
      %dma_wait3A_263 = arith.constant 11 : i32
      %dma_wait3A_264 = arith.constant 1 : i32
      %dma_wait3A_265 = arith.constant 0 : i32
      %dma_wait3A_266 = arith.constant 0 : i32
      %dma_wait3A_267 = arith.constant 0 : i32
      %dma_wait3A_268 = tpu.memref_slice %arg8[%dma_wait3A_262, %dma_wait3A_265, %dma_wait3A_266, %dma_wait3A_267] : memref<2x20x128x8xf32, #tpu.memory_space<vmem>> -> memref<1x20x128x8xf32, #tpu.memory_space<vmem>>
      %dma_wait3A_269 = tpu.memref_squeeze %dma_wait3A_268 : memref<1x20x128x8xf32, #tpu.memory_space<vmem>> -> memref<20x128x8xf32, #tpu.memory_space<vmem>>
      %dma_wait3A_270 = arith.constant 0 : i32
      %dma_wait3A_271 = arith.constant 0 : i32
      %dma_wait3A_272 = tpu.memref_slice %dma_wait3A_269[%dma_wait3A_263, %dma_wait3A_270, %dma_wait3A_271] : memref<20x128x8xf32, #tpu.memory_space<vmem>> -> memref<1x128x8xf32, #tpu.memory_space<vmem>>
      %dma_wait3A_273 = tpu.memref_squeeze %dma_wait3A_272 : memref<1x128x8xf32, #tpu.memory_space<vmem>> -> memref<128x8xf32, #tpu.memory_space<vmem>>
      %dma_wait3A_274 = arith.constant 0 : i32
      %dma_wait3A_275 = tpu.memref_slice %arg7[%dma_wait3A_264, %dma_wait3A_274] : memref<2x2560xi32, #tpu.memory_space<vmem>> -> memref<1x2560xi32, #tpu.memory_space<vmem>>
      %dma_wait3A_276 = tpu.memref_squeeze %dma_wait3A_275 : memref<1x2560xi32, #tpu.memory_space<vmem>> -> memref<2560xi32, #tpu.memory_space<vmem>>
      %dma_wait3A_277 = arith.constant 1408 : i32
      %dma_wait3A_278 = tpu.memref_slice %dma_wait3A_276[%dma_wait3A_277] : memref<2560xi32, #tpu.memory_space<vmem>> -> memref<128xi32, #tpu.memory_space<vmem>>
      %dma_wait3A_279 = arith.constant 0 : i32
      %dma_wait3A_280 = arith.constant 0 : i32
      %dma_wait3A_281 = tpu.memref_slice %arg5[%dma_wait3A_279, %dma_wait3A_280] : memref<100000x8xf32, #tpu.memory_space<vmem_shared>> -> memref<100000x8xf32, #tpu.memory_space<vmem_shared>>
      tpu.wait_indirect_dma semaphore(%arg11 : memref<!tpu.dma_semaphore, #tpu.memory_space<semaphore_mem>>) src(%dma_wait3A_273 : memref<128x8xf32, #tpu.memory_space<vmem>>) dst(%dma_wait3A_281 : memref<100000x8xf32, #tpu.memory_space<vmem_shared>>)
      %dma_wait3A_282 = arith.constant 1 : i32
      %dma_wait3A_283 = arith.constant 12 : i32
      %dma_wait3A_284 = arith.constant 1 : i32
      %dma_wait3A_285 = arith.constant 0 : i32
      %dma_wait3A_286 = arith.constant 0 : i32
      %dma_wait3A_287 = arith.constant 0 : i32
      %dma_wait3A_288 = tpu.memref_slice %arg8[%dma_wait3A_282, %dma_wait3A_285, %dma_wait3A_286, %dma_wait3A_287] : memref<2x20x128x8xf32, #tpu.memory_space<vmem>> -> memref<1x20x128x8xf32, #tpu.memory_space<vmem>>
      %dma_wait3A_289 = tpu.memref_squeeze %dma_wait3A_288 : memref<1x20x128x8xf32, #tpu.memory_space<vmem>> -> memref<20x128x8xf32, #tpu.memory_space<vmem>>
      %dma_wait3A_290 = arith.constant 0 : i32
      %dma_wait3A_291 = arith.constant 0 : i32
      %dma_wait3A_292 = tpu.memref_slice %dma_wait3A_289[%dma_wait3A_283, %dma_wait3A_290, %dma_wait3A_291] : memref<20x128x8xf32, #tpu.memory_space<vmem>> -> memref<1x128x8xf32, #tpu.memory_space<vmem>>
      %dma_wait3A_293 = tpu.memref_squeeze %dma_wait3A_292 : memref<1x128x8xf32, #tpu.memory_space<vmem>> -> memref<128x8xf32, #tpu.memory_space<vmem>>
      %dma_wait3A_294 = arith.constant 0 : i32
      %dma_wait3A_295 = tpu.memref_slice %arg7[%dma_wait3A_284, %dma_wait3A_294] : memref<2x2560xi32, #tpu.memory_space<vmem>> -> memref<1x2560xi32, #tpu.memory_space<vmem>>
      %dma_wait3A_296 = tpu.memref_squeeze %dma_wait3A_295 : memref<1x2560xi32, #tpu.memory_space<vmem>> -> memref<2560xi32, #tpu.memory_space<vmem>>
      %dma_wait3A_297 = arith.constant 1536 : i32
      %dma_wait3A_298 = tpu.memref_slice %dma_wait3A_296[%dma_wait3A_297] : memref<2560xi32, #tpu.memory_space<vmem>> -> memref<128xi32, #tpu.memory_space<vmem>>
      %dma_wait3A_299 = arith.constant 0 : i32
      %dma_wait3A_300 = arith.constant 0 : i32
      %dma_wait3A_301 = tpu.memref_slice %arg5[%dma_wait3A_299, %dma_wait3A_300] : memref<100000x8xf32, #tpu.memory_space<vmem_shared>> -> memref<100000x8xf32, #tpu.memory_space<vmem_shared>>
      tpu.wait_indirect_dma semaphore(%arg11 : memref<!tpu.dma_semaphore, #tpu.memory_space<semaphore_mem>>) src(%dma_wait3A_293 : memref<128x8xf32, #tpu.memory_space<vmem>>) dst(%dma_wait3A_301 : memref<100000x8xf32, #tpu.memory_space<vmem_shared>>)
      %dma_wait3A_302 = arith.constant 1 : i32
      %dma_wait3A_303 = arith.constant 13 : i32
      %dma_wait3A_304 = arith.constant 1 : i32
      %dma_wait3A_305 = arith.constant 0 : i32
      %dma_wait3A_306 = arith.constant 0 : i32
      %dma_wait3A_307 = arith.constant 0 : i32
      %dma_wait3A_308 = tpu.memref_slice %arg8[%dma_wait3A_302, %dma_wait3A_305, %dma_wait3A_306, %dma_wait3A_307] : memref<2x20x128x8xf32, #tpu.memory_space<vmem>> -> memref<1x20x128x8xf32, #tpu.memory_space<vmem>>
      %dma_wait3A_309 = tpu.memref_squeeze %dma_wait3A_308 : memref<1x20x128x8xf32, #tpu.memory_space<vmem>> -> memref<20x128x8xf32, #tpu.memory_space<vmem>>
      %dma_wait3A_310 = arith.constant 0 : i32
      %dma_wait3A_311 = arith.constant 0 : i32
      %dma_wait3A_312 = tpu.memref_slice %dma_wait3A_309[%dma_wait3A_303, %dma_wait3A_310, %dma_wait3A_311] : memref<20x128x8xf32, #tpu.memory_space<vmem>> -> memref<1x128x8xf32, #tpu.memory_space<vmem>>
      %dma_wait3A_313 = tpu.memref_squeeze %dma_wait3A_312 : memref<1x128x8xf32, #tpu.memory_space<vmem>> -> memref<128x8xf32, #tpu.memory_space<vmem>>
      %dma_wait3A_314 = arith.constant 0 : i32
      %dma_wait3A_315 = tpu.memref_slice %arg7[%dma_wait3A_304, %dma_wait3A_314] : memref<2x2560xi32, #tpu.memory_space<vmem>> -> memref<1x2560xi32, #tpu.memory_space<vmem>>
      %dma_wait3A_316 = tpu.memref_squeeze %dma_wait3A_315 : memref<1x2560xi32, #tpu.memory_space<vmem>> -> memref<2560xi32, #tpu.memory_space<vmem>>
      %dma_wait3A_317 = arith.constant 1664 : i32
      %dma_wait3A_318 = tpu.memref_slice %dma_wait3A_316[%dma_wait3A_317] : memref<2560xi32, #tpu.memory_space<vmem>> -> memref<128xi32, #tpu.memory_space<vmem>>
      %dma_wait3A_319 = arith.constant 0 : i32
      %dma_wait3A_320 = arith.constant 0 : i32
      %dma_wait3A_321 = tpu.memref_slice %arg5[%dma_wait3A_319, %dma_wait3A_320] : memref<100000x8xf32, #tpu.memory_space<vmem_shared>> -> memref<100000x8xf32, #tpu.memory_space<vmem_shared>>
      tpu.wait_indirect_dma semaphore(%arg11 : memref<!tpu.dma_semaphore, #tpu.memory_space<semaphore_mem>>) src(%dma_wait3A_313 : memref<128x8xf32, #tpu.memory_space<vmem>>) dst(%dma_wait3A_321 : memref<100000x8xf32, #tpu.memory_space<vmem_shared>>)
      %dma_wait3A_322 = arith.constant 1 : i32
      %dma_wait3A_323 = arith.constant 14 : i32
      %dma_wait3A_324 = arith.constant 1 : i32
      %dma_wait3A_325 = arith.constant 0 : i32
      %dma_wait3A_326 = arith.constant 0 : i32
      %dma_wait3A_327 = arith.constant 0 : i32
      %dma_wait3A_328 = tpu.memref_slice %arg8[%dma_wait3A_322, %dma_wait3A_325, %dma_wait3A_326, %dma_wait3A_327] : memref<2x20x128x8xf32, #tpu.memory_space<vmem>> -> memref<1x20x128x8xf32, #tpu.memory_space<vmem>>
      %dma_wait3A_329 = tpu.memref_squeeze %dma_wait3A_328 : memref<1x20x128x8xf32, #tpu.memory_space<vmem>> -> memref<20x128x8xf32, #tpu.memory_space<vmem>>
      %dma_wait3A_330 = arith.constant 0 : i32
      %dma_wait3A_331 = arith.constant 0 : i32
      %dma_wait3A_332 = tpu.memref_slice %dma_wait3A_329[%dma_wait3A_323, %dma_wait3A_330, %dma_wait3A_331] : memref<20x128x8xf32, #tpu.memory_space<vmem>> -> memref<1x128x8xf32, #tpu.memory_space<vmem>>
      %dma_wait3A_333 = tpu.memref_squeeze %dma_wait3A_332 : memref<1x128x8xf32, #tpu.memory_space<vmem>> -> memref<128x8xf32, #tpu.memory_space<vmem>>
      %dma_wait3A_334 = arith.constant 0 : i32
      %dma_wait3A_335 = tpu.memref_slice %arg7[%dma_wait3A_324, %dma_wait3A_334] : memref<2x2560xi32, #tpu.memory_space<vmem>> -> memref<1x2560xi32, #tpu.memory_space<vmem>>
      %dma_wait3A_336 = tpu.memref_squeeze %dma_wait3A_335 : memref<1x2560xi32, #tpu.memory_space<vmem>> -> memref<2560xi32, #tpu.memory_space<vmem>>
      %dma_wait3A_337 = arith.constant 1792 : i32
      %dma_wait3A_338 = tpu.memref_slice %dma_wait3A_336[%dma_wait3A_337] : memref<2560xi32, #tpu.memory_space<vmem>> -> memref<128xi32, #tpu.memory_space<vmem>>
      %dma_wait3A_339 = arith.constant 0 : i32
      %dma_wait3A_340 = arith.constant 0 : i32
      %dma_wait3A_341 = tpu.memref_slice %arg5[%dma_wait3A_339, %dma_wait3A_340] : memref<100000x8xf32, #tpu.memory_space<vmem_shared>> -> memref<100000x8xf32, #tpu.memory_space<vmem_shared>>
      tpu.wait_indirect_dma semaphore(%arg11 : memref<!tpu.dma_semaphore, #tpu.memory_space<semaphore_mem>>) src(%dma_wait3A_333 : memref<128x8xf32, #tpu.memory_space<vmem>>) dst(%dma_wait3A_341 : memref<100000x8xf32, #tpu.memory_space<vmem_shared>>)
      %dma_wait3A_342 = arith.constant 1 : i32
      %dma_wait3A_343 = arith.constant 15 : i32
      %dma_wait3A_344 = arith.constant 1 : i32
      %dma_wait3A_345 = arith.constant 0 : i32
      %dma_wait3A_346 = arith.constant 0 : i32
      %dma_wait3A_347 = arith.constant 0 : i32
      %dma_wait3A_348 = tpu.memref_slice %arg8[%dma_wait3A_342, %dma_wait3A_345, %dma_wait3A_346, %dma_wait3A_347] : memref<2x20x128x8xf32, #tpu.memory_space<vmem>> -> memref<1x20x128x8xf32, #tpu.memory_space<vmem>>
      %dma_wait3A_349 = tpu.memref_squeeze %dma_wait3A_348 : memref<1x20x128x8xf32, #tpu.memory_space<vmem>> -> memref<20x128x8xf32, #tpu.memory_space<vmem>>
      %dma_wait3A_350 = arith.constant 0 : i32
      %dma_wait3A_351 = arith.constant 0 : i32
      %dma_wait3A_352 = tpu.memref_slice %dma_wait3A_349[%dma_wait3A_343, %dma_wait3A_350, %dma_wait3A_351] : memref<20x128x8xf32, #tpu.memory_space<vmem>> -> memref<1x128x8xf32, #tpu.memory_space<vmem>>
      %dma_wait3A_353 = tpu.memref_squeeze %dma_wait3A_352 : memref<1x128x8xf32, #tpu.memory_space<vmem>> -> memref<128x8xf32, #tpu.memory_space<vmem>>
      %dma_wait3A_354 = arith.constant 0 : i32
      %dma_wait3A_355 = tpu.memref_slice %arg7[%dma_wait3A_344, %dma_wait3A_354] : memref<2x2560xi32, #tpu.memory_space<vmem>> -> memref<1x2560xi32, #tpu.memory_space<vmem>>
      %dma_wait3A_356 = tpu.memref_squeeze %dma_wait3A_355 : memref<1x2560xi32, #tpu.memory_space<vmem>> -> memref<2560xi32, #tpu.memory_space<vmem>>
      %dma_wait3A_357 = arith.constant 1920 : i32
      %dma_wait3A_358 = tpu.memref_slice %dma_wait3A_356[%dma_wait3A_357] : memref<2560xi32, #tpu.memory_space<vmem>> -> memref<128xi32, #tpu.memory_space<vmem>>
      %dma_wait3A_359 = arith.constant 0 : i32
      %dma_wait3A_360 = arith.constant 0 : i32
      %dma_wait3A_361 = tpu.memref_slice %arg5[%dma_wait3A_359, %dma_wait3A_360] : memref<100000x8xf32, #tpu.memory_space<vmem_shared>> -> memref<100000x8xf32, #tpu.memory_space<vmem_shared>>
      tpu.wait_indirect_dma semaphore(%arg11 : memref<!tpu.dma_semaphore, #tpu.memory_space<semaphore_mem>>) src(%dma_wait3A_353 : memref<128x8xf32, #tpu.memory_space<vmem>>) dst(%dma_wait3A_361 : memref<100000x8xf32, #tpu.memory_space<vmem_shared>>)
      %dma_wait3A_362 = arith.constant 1 : i32
      %dma_wait3A_363 = arith.constant 16 : i32
      %dma_wait3A_364 = arith.constant 1 : i32
      %dma_wait3A_365 = arith.constant 0 : i32
      %dma_wait3A_366 = arith.constant 0 : i32
      %dma_wait3A_367 = arith.constant 0 : i32
      %dma_wait3A_368 = tpu.memref_slice %arg8[%dma_wait3A_362, %dma_wait3A_365, %dma_wait3A_366, %dma_wait3A_367] : memref<2x20x128x8xf32, #tpu.memory_space<vmem>> -> memref<1x20x128x8xf32, #tpu.memory_space<vmem>>
      %dma_wait3A_369 = tpu.memref_squeeze %dma_wait3A_368 : memref<1x20x128x8xf32, #tpu.memory_space<vmem>> -> memref<20x128x8xf32, #tpu.memory_space<vmem>>
      %dma_wait3A_370 = arith.constant 0 : i32
      %dma_wait3A_371 = arith.constant 0 : i32
      %dma_wait3A_372 = tpu.memref_slice %dma_wait3A_369[%dma_wait3A_363, %dma_wait3A_370, %dma_wait3A_371] : memref<20x128x8xf32, #tpu.memory_space<vmem>> -> memref<1x128x8xf32, #tpu.memory_space<vmem>>
      %dma_wait3A_373 = tpu.memref_squeeze %dma_wait3A_372 : memref<1x128x8xf32, #tpu.memory_space<vmem>> -> memref<128x8xf32, #tpu.memory_space<vmem>>
      %dma_wait3A_374 = arith.constant 0 : i32
      %dma_wait3A_375 = tpu.memref_slice %arg7[%dma_wait3A_364, %dma_wait3A_374] : memref<2x2560xi32, #tpu.memory_space<vmem>> -> memref<1x2560xi32, #tpu.memory_space<vmem>>
      %dma_wait3A_376 = tpu.memref_squeeze %dma_wait3A_375 : memref<1x2560xi32, #tpu.memory_space<vmem>> -> memref<2560xi32, #tpu.memory_space<vmem>>
      %dma_wait3A_377 = arith.constant 2048 : i32
      %dma_wait3A_378 = tpu.memref_slice %dma_wait3A_376[%dma_wait3A_377] : memref<2560xi32, #tpu.memory_space<vmem>> -> memref<128xi32, #tpu.memory_space<vmem>>
      %dma_wait3A_379 = arith.constant 0 : i32
      %dma_wait3A_380 = arith.constant 0 : i32
      %dma_wait3A_381 = tpu.memref_slice %arg5[%dma_wait3A_379, %dma_wait3A_380] : memref<100000x8xf32, #tpu.memory_space<vmem_shared>> -> memref<100000x8xf32, #tpu.memory_space<vmem_shared>>
      tpu.wait_indirect_dma semaphore(%arg11 : memref<!tpu.dma_semaphore, #tpu.memory_space<semaphore_mem>>) src(%dma_wait3A_373 : memref<128x8xf32, #tpu.memory_space<vmem>>) dst(%dma_wait3A_381 : memref<100000x8xf32, #tpu.memory_space<vmem_shared>>)
      %dma_wait3A_382 = arith.constant 1 : i32
      %dma_wait3A_383 = arith.constant 17 : i32
      %dma_wait3A_384 = arith.constant 1 : i32
      %dma_wait3A_385 = arith.constant 0 : i32
      %dma_wait3A_386 = arith.constant 0 : i32
      %dma_wait3A_387 = arith.constant 0 : i32
      %dma_wait3A_388 = tpu.memref_slice %arg8[%dma_wait3A_382, %dma_wait3A_385, %dma_wait3A_386, %dma_wait3A_387] : memref<2x20x128x8xf32, #tpu.memory_space<vmem>> -> memref<1x20x128x8xf32, #tpu.memory_space<vmem>>
      %dma_wait3A_389 = tpu.memref_squeeze %dma_wait3A_388 : memref<1x20x128x8xf32, #tpu.memory_space<vmem>> -> memref<20x128x8xf32, #tpu.memory_space<vmem>>
      %dma_wait3A_390 = arith.constant 0 : i32
      %dma_wait3A_391 = arith.constant 0 : i32
      %dma_wait3A_392 = tpu.memref_slice %dma_wait3A_389[%dma_wait3A_383, %dma_wait3A_390, %dma_wait3A_391] : memref<20x128x8xf32, #tpu.memory_space<vmem>> -> memref<1x128x8xf32, #tpu.memory_space<vmem>>
      %dma_wait3A_393 = tpu.memref_squeeze %dma_wait3A_392 : memref<1x128x8xf32, #tpu.memory_space<vmem>> -> memref<128x8xf32, #tpu.memory_space<vmem>>
      %dma_wait3A_394 = arith.constant 0 : i32
      %dma_wait3A_395 = tpu.memref_slice %arg7[%dma_wait3A_384, %dma_wait3A_394] : memref<2x2560xi32, #tpu.memory_space<vmem>> -> memref<1x2560xi32, #tpu.memory_space<vmem>>
      %dma_wait3A_396 = tpu.memref_squeeze %dma_wait3A_395 : memref<1x2560xi32, #tpu.memory_space<vmem>> -> memref<2560xi32, #tpu.memory_space<vmem>>
      %dma_wait3A_397 = arith.constant 2176 : i32
      %dma_wait3A_398 = tpu.memref_slice %dma_wait3A_396[%dma_wait3A_397] : memref<2560xi32, #tpu.memory_space<vmem>> -> memref<128xi32, #tpu.memory_space<vmem>>
      %dma_wait3A_399 = arith.constant 0 : i32
      %dma_wait3A_400 = arith.constant 0 : i32
      %dma_wait3A_401 = tpu.memref_slice %arg5[%dma_wait3A_399, %dma_wait3A_400] : memref<100000x8xf32, #tpu.memory_space<vmem_shared>> -> memref<100000x8xf32, #tpu.memory_space<vmem_shared>>
      tpu.wait_indirect_dma semaphore(%arg11 : memref<!tpu.dma_semaphore, #tpu.memory_space<semaphore_mem>>) src(%dma_wait3A_393 : memref<128x8xf32, #tpu.memory_space<vmem>>) dst(%dma_wait3A_401 : memref<100000x8xf32, #tpu.memory_space<vmem_shared>>)
      %dma_wait3A_402 = arith.constant 1 : i32
      %dma_wait3A_403 = arith.constant 18 : i32
      %dma_wait3A_404 = arith.constant 1 : i32
      %dma_wait3A_405 = arith.constant 0 : i32
      %dma_wait3A_406 = arith.constant 0 : i32
      %dma_wait3A_407 = arith.constant 0 : i32
      %dma_wait3A_408 = tpu.memref_slice %arg8[%dma_wait3A_402, %dma_wait3A_405, %dma_wait3A_406, %dma_wait3A_407] : memref<2x20x128x8xf32, #tpu.memory_space<vmem>> -> memref<1x20x128x8xf32, #tpu.memory_space<vmem>>
      %dma_wait3A_409 = tpu.memref_squeeze %dma_wait3A_408 : memref<1x20x128x8xf32, #tpu.memory_space<vmem>> -> memref<20x128x8xf32, #tpu.memory_space<vmem>>
      %dma_wait3A_410 = arith.constant 0 : i32
      %dma_wait3A_411 = arith.constant 0 : i32
      %dma_wait3A_412 = tpu.memref_slice %dma_wait3A_409[%dma_wait3A_403, %dma_wait3A_410, %dma_wait3A_411] : memref<20x128x8xf32, #tpu.memory_space<vmem>> -> memref<1x128x8xf32, #tpu.memory_space<vmem>>
      %dma_wait3A_413 = tpu.memref_squeeze %dma_wait3A_412 : memref<1x128x8xf32, #tpu.memory_space<vmem>> -> memref<128x8xf32, #tpu.memory_space<vmem>>
      %dma_wait3A_414 = arith.constant 0 : i32
      %dma_wait3A_415 = tpu.memref_slice %arg7[%dma_wait3A_404, %dma_wait3A_414] : memref<2x2560xi32, #tpu.memory_space<vmem>> -> memref<1x2560xi32, #tpu.memory_space<vmem>>
      %dma_wait3A_416 = tpu.memref_squeeze %dma_wait3A_415 : memref<1x2560xi32, #tpu.memory_space<vmem>> -> memref<2560xi32, #tpu.memory_space<vmem>>
      %dma_wait3A_417 = arith.constant 2304 : i32
      %dma_wait3A_418 = tpu.memref_slice %dma_wait3A_416[%dma_wait3A_417] : memref<2560xi32, #tpu.memory_space<vmem>> -> memref<128xi32, #tpu.memory_space<vmem>>
      %dma_wait3A_419 = arith.constant 0 : i32
      %dma_wait3A_420 = arith.constant 0 : i32
      %dma_wait3A_421 = tpu.memref_slice %arg5[%dma_wait3A_419, %dma_wait3A_420] : memref<100000x8xf32, #tpu.memory_space<vmem_shared>> -> memref<100000x8xf32, #tpu.memory_space<vmem_shared>>
      tpu.wait_indirect_dma semaphore(%arg11 : memref<!tpu.dma_semaphore, #tpu.memory_space<semaphore_mem>>) src(%dma_wait3A_413 : memref<128x8xf32, #tpu.memory_space<vmem>>) dst(%dma_wait3A_421 : memref<100000x8xf32, #tpu.memory_space<vmem_shared>>)
      %dma_wait3A_422 = arith.constant 1 : i32
      %dma_wait3A_423 = arith.constant 19 : i32
      %dma_wait3A_424 = arith.constant 1 : i32
      %dma_wait3A_425 = arith.constant 0 : i32
      %dma_wait3A_426 = arith.constant 0 : i32
      %dma_wait3A_427 = arith.constant 0 : i32
      %dma_wait3A_428 = tpu.memref_slice %arg8[%dma_wait3A_422, %dma_wait3A_425, %dma_wait3A_426, %dma_wait3A_427] : memref<2x20x128x8xf32, #tpu.memory_space<vmem>> -> memref<1x20x128x8xf32, #tpu.memory_space<vmem>>
      %dma_wait3A_429 = tpu.memref_squeeze %dma_wait3A_428 : memref<1x20x128x8xf32, #tpu.memory_space<vmem>> -> memref<20x128x8xf32, #tpu.memory_space<vmem>>
      %dma_wait3A_430 = arith.constant 0 : i32
      %dma_wait3A_431 = arith.constant 0 : i32
      %dma_wait3A_432 = tpu.memref_slice %dma_wait3A_429[%dma_wait3A_423, %dma_wait3A_430, %dma_wait3A_431] : memref<20x128x8xf32, #tpu.memory_space<vmem>> -> memref<1x128x8xf32, #tpu.memory_space<vmem>>
      %dma_wait3A_433 = tpu.memref_squeeze %dma_wait3A_432 : memref<1x128x8xf32, #tpu.memory_space<vmem>> -> memref<128x8xf32, #tpu.memory_space<vmem>>
      %dma_wait3A_434 = arith.constant 0 : i32
      %dma_wait3A_435 = tpu.memref_slice %arg7[%dma_wait3A_424, %dma_wait3A_434] : memref<2x2560xi32, #tpu.memory_space<vmem>> -> memref<1x2560xi32, #tpu.memory_space<vmem>>
      %dma_wait3A_436 = tpu.memref_squeeze %dma_wait3A_435 : memref<1x2560xi32, #tpu.memory_space<vmem>> -> memref<2560xi32, #tpu.memory_space<vmem>>
      %dma_wait3A_437 = arith.constant 2432 : i32
      %dma_wait3A_438 = tpu.memref_slice %dma_wait3A_436[%dma_wait3A_437] : memref<2560xi32, #tpu.memory_space<vmem>> -> memref<128xi32, #tpu.memory_space<vmem>>
      %dma_wait3A_439 = arith.constant 0 : i32
      %dma_wait3A_440 = arith.constant 0 : i32
      %dma_wait3A_441 = tpu.memref_slice %arg5[%dma_wait3A_439, %dma_wait3A_440] : memref<100000x8xf32, #tpu.memory_space<vmem_shared>> -> memref<100000x8xf32, #tpu.memory_space<vmem_shared>>
      tpu.wait_indirect_dma semaphore(%arg11 : memref<!tpu.dma_semaphore, #tpu.memory_space<semaphore_mem>>) src(%dma_wait3A_433 : memref<128x8xf32, #tpu.memory_space<vmem>>) dst(%dma_wait3A_441 : memref<100000x8xf32, #tpu.memory_space<vmem_shared>>)
    } else {
    }
    %barrier3A_39 = arith.constant 0 : index
    tpu.barrier barrier_id(%barrier3A_39)
    %mul3A_40 = arith.constant 100000 : i32
    %mul3A_41 = arith.muli %arg0, %mul3A_40 : i32
    %add3A_42 = arith.addi %mul3A_41, %mul3A_2 : i32
    "tpu.region"() ({
      %run_scoped3A = tpu.sem_alloc : memref<!tpu.dma_semaphore, #tpu.memory_space<semaphore_mem>>
      %dma_start3A_43 = arith.constant 0 : i32
      %dma_start3A_44 = tpu.memref_slice %arg4[%add3A_42, %dma_start3A_43] : memref<200000x8xf32, #tpu.memory_space<hbm>> -> memref<6250x8xf32, #tpu.memory_space<hbm>>
      %dma_start3A_45 = arith.constant 0 : i32
      %dma_start3A_46 = tpu.memref_slice %arg5[%mul3A_2, %dma_start3A_45] : memref<100000x8xf32, #tpu.memory_space<vmem_shared>> -> memref<6250x8xf32, #tpu.memory_space<vmem_shared>>
      tpu.enqueue_dma source(%dma_start3A_46 : memref<6250x8xf32, #tpu.memory_space<vmem_shared>>) target(%dma_start3A_44 : memref<6250x8xf32, #tpu.memory_space<hbm>>) target_semaphore(%run_scoped3A : memref<!tpu.dma_semaphore, #tpu.memory_space<semaphore_mem>>)
      %dma_wait3A = arith.constant 0 : i32
      %dma_wait3A_47 = tpu.memref_slice %arg4[%add3A_42, %dma_wait3A] : memref<200000x8xf32, #tpu.memory_space<hbm>> -> memref<6250x8xf32, #tpu.memory_space<hbm>>
      %dma_wait3A_48 = arith.constant 0 : i32
      %dma_wait3A_49 = tpu.memref_slice %arg5[%mul3A_2, %dma_wait3A_48] : memref<100000x8xf32, #tpu.memory_space<vmem_shared>> -> memref<6250x8xf32, #tpu.memory_space<vmem_shared>>
      tpu.wait_dma2 semaphore(%run_scoped3A : memref<!tpu.dma_semaphore, #tpu.memory_space<semaphore_mem>>) src(%dma_wait3A_49 : memref<6250x8xf32, #tpu.memory_space<vmem_shared>>) dst(%dma_wait3A_47 : memref<6250x8xf32, #tpu.memory_space<hbm>>)
      tpu.yield
    }) : () -> ()
    return
  }
}

module attributes {stable_mosaic.version = 14 : i64} {
  func.func @_mlp_pool_body(%arg0: i32, %arg1: memref<1xf32, #tpu.memory_space<smem>>, %arg2: memref<5000x4xf32, #tpu.memory_space<vmem>>, %arg3: memref<5000x8xf32, #tpu.memory_space<vmem>>, %arg4: memref<5000x8xf32, #tpu.memory_space<vmem>>, %arg5: memref<1x1x5000xi32, #tpu.memory_space<vmem>>, %arg6: memref<4x16xf32, #tpu.memory_space<vmem>>, %arg7: memref<1x16xf32, #tpu.memory_space<vmem>>, %arg8: memref<16x4xf32, #tpu.memory_space<vmem>>, %arg9: memref<1x4xf32, #tpu.memory_space<vmem>>, %arg10: memref<256x4xf32, #tpu.memory_space<vmem>>, %arg11: memref<256x4xf32, #tpu.memory_space<vmem>>, %arg12: memref<1x256xf32, #tpu.memory_space<vmem>>) attributes {dimension_semantics = [#tpu.dimension_semantics<arbitrary>], iteration_bounds = array<i64: 20>, scalar_prefetch = 0 : i64, scratch_operands = 2 : i64, tpu.core_type = #tpu.core_type<tc>, window_params = [{transform_indices = @transform_0, window_bounds = array<i64: 1>}, {transform_indices = @transform_1, window_bounds = array<i64: 5000, 4>}, {transform_indices = @transform_2, window_bounds = array<i64: 5000, 8>}, {transform_indices = @transform_3, window_bounds = array<i64: 5000, 8>}, {transform_indices = @transform_4, window_bounds = array<i64: 1, 1, 5000>}, {pipeline_mode = #tpu.pipeline_mode<synchronous>, transform_indices = @transform_5, window_bounds = array<i64: 4, 16>}, {pipeline_mode = #tpu.pipeline_mode<synchronous>, transform_indices = @transform_6, window_bounds = array<i64: 1, 16>}, {pipeline_mode = #tpu.pipeline_mode<synchronous>, transform_indices = @transform_7, window_bounds = array<i64: 16, 4>}, {pipeline_mode = #tpu.pipeline_mode<synchronous>, transform_indices = @transform_8, window_bounds = array<i64: 1, 4>}, {pipeline_mode = #tpu.pipeline_mode<synchronous>, transform_indices = @transform_9, window_bounds = array<i64: 256, 4>}]} {
    %eq3A = arith.constant 0 : i32
    %eq3A_0 = arith.cmpi eq, %arg0, %eq3A : i32
    %convert_element_type3A = arith.extui %eq3A_0 : i1 to i32
    %cond3A = arith.constant 0 : i32
    %cond3A_1 = arith.cmpi ne, %convert_element_type3A, %cond3A : i32
    scf.if %cond3A_1 {
      %broadcast_in_dim3A_71 = arith.constant 0.000000e+00 : f32
      %broadcast_in_dim3A_72 = vector.broadcast %broadcast_in_dim3A_71 : f32 to vector<256x4xf32>
      %swap3A_73 = arith.constant 0 : index
      %swap3A_74 = arith.constant 0 : index
      %swap3A_75 = vector.load %arg11[%swap3A_73, %swap3A_74] : memref<256x4xf32, #tpu.memory_space<vmem>>, vector<256x4xf32>
      tpu.vector_store %arg11[%swap3A_73, %swap3A_74], %broadcast_in_dim3A_72 {strides = array<i32>} : memref<256x4xf32, #tpu.memory_space<vmem>>, vector<256x4xf32>,
      %broadcast_in_dim3A_76 = arith.constant 0.000000e+00 : f32
      %broadcast_in_dim3A_77 = vector.broadcast %broadcast_in_dim3A_76 : f32 to vector<1x256xf32>
      %swap3A_78 = arith.constant 0 : index
      %swap3A_79 = arith.constant 0 : index
      %swap3A_80 = vector.load %arg12[%swap3A_78, %swap3A_79] : memref<1x256xf32, #tpu.memory_space<vmem>>, vector<1x256xf32>
      tpu.vector_store %arg12[%swap3A_78, %swap3A_79], %broadcast_in_dim3A_77 {strides = array<i32>} : memref<1x256xf32, #tpu.memory_space<vmem>>, vector<1x256xf32>,
    } else {
    }
    %get3A = arith.constant 0 : index
    %get3A_2 = memref.load %arg1[%get3A] : memref<1xf32, #tpu.memory_space<smem>>
    %add3A = arith.constant 1.000000e+00 : f32
    %add3A_3 = arith.addf %add3A, %get3A_2 : f32
    %get3A_4 = arith.constant 0 : index
    %get3A_5 = arith.constant 0 : index
    %get3A_6 = vector.load %arg2[%get3A_4, %get3A_5] : memref<5000x4xf32, #tpu.memory_space<vmem>>, vector<5000x4xf32>
    %mul3A = vector.broadcast %add3A_3 : f32 to vector<5000x4xf32>
    %mul3A_7 = arith.mulf %mul3A, %get3A_6 : vector<5000x4xf32>
    %get3A_8 = arith.constant 0 : index
    %get3A_9 = arith.constant 0 : index
    %get3A_10 = vector.load %arg3[%get3A_8, %get3A_9] : memref<5000x8xf32, #tpu.memory_space<vmem>>, vector<5000x4xf32>
    %add3A_11 = arith.addf %mul3A_7, %get3A_10 : vector<5000x4xf32>
    %get3A_12 = arith.constant 0 : index
    %get3A_13 = arith.constant 0 : index
    %get3A_14 = vector.load %arg4[%get3A_12, %get3A_13] : memref<5000x8xf32, #tpu.memory_space<vmem>>, vector<5000x4xf32>
    %add3A_15 = arith.addf %add3A_11, %get3A_14 : vector<5000x4xf32>
    %get3A_16 = arith.constant 0 : index
    %get3A_17 = arith.constant 0 : index
    %get3A_18 = vector.load %arg6[%get3A_16, %get3A_17] : memref<4x16xf32, #tpu.memory_space<vmem>>, vector<4x16xf32>
    %dot_general3A = arith.constant dense<0.000000e+00> : vector<5000x16xf32>
    %dot_general3A_19 = tpu.matmul %add3A_15, %get3A_18, %dot_general3A {dimension_numbers = #tpu.dot_dimension_numbers<[1], [0], [0], [1], [0, 0, 1, 1], [], []>, transpose_lhs_hint = false} : vector<5000x4xf32>, vector<4x16xf32>, vector<5000x16xf32> -> vector<5000x16xf32>
    %get3A_20 = arith.constant 0 : index
    %get3A_21 = arith.constant 0 : index
    %get3A_22 = vector.load %arg7[%get3A_20, %get3A_21] : memref<1x16xf32, #tpu.memory_space<vmem>>, vector<1x16xf32>
    %add3A_23 = vector.broadcast %get3A_22 : vector<1x16xf32> to vector<5000x16xf32>
    %add3A_24 = arith.addf %dot_general3A_19, %add3A_23 : vector<5000x16xf32>
    %max3A = arith.constant 0.000000e+00 : f32
    %max3A_25 = vector.broadcast %max3A : f32 to vector<5000x16xf32>
    %max3A_26 = arith.maximumf %add3A_24, %max3A_25 : vector<5000x16xf32>
    %get3A_27 = arith.constant 0 : index
    %get3A_28 = arith.constant 0 : index
    %get3A_29 = vector.load %arg8[%get3A_27, %get3A_28] : memref<16x4xf32, #tpu.memory_space<vmem>>, vector<16x4xf32>
    %dot_general3A_30 = arith.constant dense<0.000000e+00> : vector<5000x4xf32>
    %dot_general3A_31 = tpu.matmul %max3A_26, %get3A_29, %dot_general3A_30 {dimension_numbers = #tpu.dot_dimension_numbers<[1], [0], [0], [1], [0, 0, 1, 1], [], []>, transpose_lhs_hint = false} : vector<5000x16xf32>, vector<16x4xf32>, vector<5000x4xf32> -> vector<5000x4xf32>
    %get3A_32 = arith.constant 0 : index
    %get3A_33 = arith.constant 0 : index
    %get3A_34 = vector.load %arg9[%get3A_32, %get3A_33] : memref<1x4xf32, #tpu.memory_space<vmem>>, vector<1x4xf32>
    %add3A_35 = vector.broadcast %get3A_34 : vector<1x4xf32> to vector<5000x4xf32>
    %add3A_36 = arith.addf %dot_general3A_31, %add3A_35 : vector<5000x4xf32>
    %max3A_37 = arith.constant 0.000000e+00 : f32
    %max3A_38 = vector.broadcast %max3A_37 : f32 to vector<5000x4xf32>
    %max3A_39 = arith.maximumf %add3A_36, %max3A_38 : vector<5000x4xf32>
    %get3A_40 = arith.constant 0 : index
    %get3A_41 = arith.constant 0 : index
    %get3A_42 = arith.constant 0 : index
    %get3A_43 = vector.load %arg5[%get3A_40, %get3A_41, %get3A_42] : memref<1x1x5000xi32, #tpu.memory_space<vmem>>, vector<1x1x5000xi32>
    %get3A_44 = vector.shape_cast %get3A_43 : vector<1x1x5000xi32> to vector<5000xi32>
    %broadcast_in_dim3A = vector.shape_cast %get3A_44 : vector<5000xi32> to vector<5000x1xi32>
    %iota3A = tpu.iota {dimensions = array<i32: 1>} : vector<5000x256xi32>
    %eq3A_45 = vector.broadcast %broadcast_in_dim3A : vector<5000x1xi32> to vector<5000x256xi32>
    %eq3A_46 = arith.cmpi eq, %eq3A_45, %iota3A : vector<5000x256xi32>
    %convert_element_type3A_47 = arith.extui %eq3A_46 : vector<5000x256xi1> to vector<5000x256xi32>
    %convert_element_type3A_48 = arith.sitofp %convert_element_type3A_47 : vector<5000x256xi32> to vector<5000x256xf32>
    %get3A_49 = arith.constant 0 : index
    %get3A_50 = arith.constant 0 : index
    %get3A_51 = vector.load %arg11[%get3A_49, %get3A_50] : memref<256x4xf32, #tpu.memory_space<vmem>>, vector<256x4xf32>
    %dot_general3A_52 = arith.constant dense<0.000000e+00> : vector<256x4xf32>
    %dot_general3A_53 = tpu.matmul %convert_element_type3A_48, %max3A_39, %dot_general3A_52 {dimension_numbers = #tpu.dot_dimension_numbers<[0], [0], [1], [1], [0, 1, 1, 1], [], []>, transpose_lhs_hint = false} : vector<5000x256xf32>, vector<5000x4xf32>, vector<256x4xf32> -> vector<256x4xf32>
    %add3A_54 = arith.addf %get3A_51, %dot_general3A_53 : vector<256x4xf32>
    %swap3A = arith.constant 0 : index
    %swap3A_55 = arith.constant 0 : index
    %swap3A_56 = vector.load %arg11[%swap3A, %swap3A_55] : memref<256x4xf32, #tpu.memory_space<vmem>>, vector<256x4xf32>
    tpu.vector_store %arg11[%swap3A, %swap3A_55], %add3A_54 {strides = array<i32>} : memref<256x4xf32, #tpu.memory_space<vmem>>, vector<256x4xf32>,
    %get3A_57 = arith.constant 0 : index
    %get3A_58 = arith.constant 0 : index
    %get3A_59 = vector.load %arg12[%get3A_57, %get3A_58] : memref<1x256xf32, #tpu.memory_space<vmem>>, vector<1x256xf32>
    %reduce_sum3A = arith.constant dense<0.000000e+00> : vector<256xf32>
    %reduce_sum3A_60 = vector.multi_reduction <add>, %convert_element_type3A_48, %reduce_sum3A [0] : vector<5000x256xf32> to vector<256xf32>
    %broadcast_in_dim3A_61 = vector.shape_cast %reduce_sum3A_60 : vector<256xf32> to vector<1x256xf32>
    %add3A_62 = arith.addf %get3A_59, %broadcast_in_dim3A_61 : vector<1x256xf32>
    %swap3A_63 = arith.constant 0 : index
    %swap3A_64 = arith.constant 0 : index
    %swap3A_65 = vector.load %arg12[%swap3A_63, %swap3A_64] : memref<1x256xf32, #tpu.memory_space<vmem>>, vector<1x256xf32>
    tpu.vector_store %arg12[%swap3A_63, %swap3A_64], %add3A_62 {strides = array<i32>} : memref<1x256xf32, #tpu.memory_space<vmem>>, vector<1x256xf32>,
    %eq3A_66 = arith.constant 19 : i32
    %eq3A_67 = arith.cmpi eq, %arg0, %eq3A_66 : i32
    %convert_element_type3A_68 = arith.extui %eq3A_67 : i1 to i32
    %cond3A_69 = arith.constant 0 : i32
    %cond3A_70 = arith.cmpi ne, %convert_element_type3A_68, %cond3A_69 : i32
    scf.if %cond3A_70 {
      %get3A_71 = arith.constant 0 : index
      %get3A_72 = arith.constant 0 : index
      %get3A_73 = vector.load %arg12[%get3A_71, %get3A_72] : memref<1x256xf32, #tpu.memory_space<vmem>>, vector<1x256xf32>
      %get3A_74 = vector.shape_cast %get3A_73 : vector<1x256xf32> to vector<256xf32>
      %max3A_75 = arith.constant 1.000000e+00 : f32
      %max3A_76 = vector.broadcast %max3A_75 : f32 to vector<256xf32>
      %max3A_77 = arith.maximumf %get3A_74, %max3A_76 : vector<256xf32>
      %get3A_78 = arith.constant 0 : index
      %get3A_79 = arith.constant 0 : index
      %get3A_80 = vector.load %arg11[%get3A_78, %get3A_79] : memref<256x4xf32, #tpu.memory_space<vmem>>, vector<256x4xf32>
      %broadcast_in_dim3A_81 = vector.shape_cast %max3A_77 : vector<256xf32> to vector<256x1xf32>
      %div3A = vector.broadcast %broadcast_in_dim3A_81 : vector<256x1xf32> to vector<256x4xf32>
      %div3A_82 = arith.divf %get3A_80, %div3A : vector<256x4xf32>
      %reduce_max3A = arith.constant dense<0xFF800000> : vector<256xf32>
      %reduce_max3A_83 = vector.multi_reduction <maximumf>, %div3A_82, %reduce_max3A [1] : vector<256x4xf32> to vector<256xf32>
      %broadcast_in_dim3A_84 = vector.shape_cast %reduce_max3A_83 : vector<256xf32> to vector<256x1xf32>
      %sub3A = vector.broadcast %broadcast_in_dim3A_84 : vector<256x1xf32> to vector<256x4xf32>
      %sub3A_85 = arith.subf %div3A_82, %sub3A : vector<256x4xf32>
      %exp3A = math.exp %sub3A_85 : vector<256x4xf32>
      %reduce_sum3A_86 = arith.constant dense<0.000000e+00> : vector<256xf32>
      %reduce_sum3A_87 = vector.multi_reduction <add>, %exp3A, %reduce_sum3A_86 [1] : vector<256x4xf32> to vector<256xf32>
      %broadcast_in_dim3A_88 = vector.shape_cast %reduce_sum3A_87 : vector<256xf32> to vector<256x1xf32>
      %log3A = math.log %broadcast_in_dim3A_88 : vector<256x1xf32>
      %sub3A_89 = vector.broadcast %broadcast_in_dim3A_84 : vector<256x1xf32> to vector<256x4xf32>
      %sub3A_90 = arith.subf %div3A_82, %sub3A_89 : vector<256x4xf32>
      %sub3A_91 = vector.broadcast %log3A : vector<256x1xf32> to vector<256x4xf32>
      %sub3A_92 = arith.subf %sub3A_90, %sub3A_91 : vector<256x4xf32>
      %swap3A_93 = arith.constant 0 : index
      %swap3A_94 = arith.constant 0 : index
      %swap3A_95 = vector.load %arg10[%swap3A_93, %swap3A_94] : memref<256x4xf32, #tpu.memory_space<vmem>>, vector<256x4xf32>
      tpu.vector_store %arg10[%swap3A_93, %swap3A_94], %sub3A_92 {strides = array<i32>} : memref<256x4xf32, #tpu.memory_space<vmem>>, vector<256x4xf32>,
    } else {
    }
    return
  }
  func.func @transform_0(%arg0: i32) -> i32 {
    %c0_i32 = arith.constant 0 : i32
    %c0_i32_0 = arith.constant 0 : i32
    return %c0_i32 : i32
  }
  func.func @transform_1(%arg0: i32) -> (i32, i32) {
    %c0_i32 = arith.constant 0 : i32
    %c0_i32_0 = arith.constant 0 : i32
    return %arg0, %c0_i32 : i32, i32
  }
  func.func @transform_2(%arg0: i32) -> (i32, i32) {
    %c0_i32 = arith.constant 0 : i32
    %c0_i32_0 = arith.constant 0 : i32
    return %arg0, %c0_i32 : i32, i32
  }
  func.func @transform_3(%arg0: i32) -> (i32, i32) {
    %add3A = arith.constant 20 : i32
    %add3A_0 = arith.addi %arg0, %add3A : i32
    %c0_i32 = arith.constant 0 : i32
    %c0_i32_1 = arith.constant 0 : i32
    return %add3A_0, %c0_i32 : i32, i32
  }
  func.func @transform_4(%arg0: i32) -> (i32, i32, i32) {
    %c0_i32 = arith.constant 0 : i32
    %c0_i32_0 = arith.constant 0 : i32
    %c0_i32_1 = arith.constant 0 : i32
    return %arg0, %c0_i32, %c0_i32_0 : i32, i32, i32
  }
  func.func @transform_5(%arg0: i32) -> (i32, i32) {
    %c0_i32 = arith.constant 0 : i32
    %c0_i32_0 = arith.constant 0 : i32
    %c0_i32_1 = arith.constant 0 : i32
    return %c0_i32, %c0_i32_0 : i32, i32
  }
  func.func @transform_6(%arg0: i32) -> (i32, i32) {
    %c0_i32 = arith.constant 0 : i32
    %c0_i32_0 = arith.constant 0 : i32
    %c0_i32_1 = arith.constant 0 : i32
    return %c0_i32, %c0_i32_0 : i32, i32
  }
  func.func @transform_7(%arg0: i32) -> (i32, i32) {
    %c0_i32 = arith.constant 0 : i32
    %c0_i32_0 = arith.constant 0 : i32
    %c0_i32_1 = arith.constant 0 : i32
    return %c0_i32, %c0_i32_0 : i32, i32
  }
  func.func @transform_8(%arg0: i32) -> (i32, i32) {
    %c0_i32 = arith.constant 0 : i32
    %c0_i32_0 = arith.constant 0 : i32
    %c0_i32_1 = arith.constant 0 : i32
    return %c0_i32, %c0_i32_0 : i32, i32
  }
  func.func @transform_9(%arg0: i32) -> (i32, i32) {
    %c0_i32 = arith.constant 0 : i32
    %c0_i32_0 = arith.constant 0 : i32
    %c0_i32_1 = arith.constant 0 : i32
    return %c0_i32, %c0_i32_0 : i32, i32
  }
}

</mosaic_0001>

<sc_bundles>
// kernel: kernel.4.cloned.1.call-start
scs
__scs_entry_jumppad:
0x0: {  	(pc) =	sbr.rel $0x88, $3  }
0x1: {  	(tag) =	ssettag $0x0;
	lr =	simm.s32 $0x1  }
0x2: {  	[smem:$0x3F99] =	sst lr;
	_ =	strace $0xD0000000  }
0x3: {  	_ = 	snop  }
0x4: {  	_ = 	snop  }
0x5: {  	_ = 	snop  }
0x6: {  	_ = 	snop  }
0x7: {  	_ = 	snop  }
__scs_overlays_trampoline_lowered:
0x8: {  	[smem:$0x3FA8] =	sst s0  }
0x9: {  	[smem:$0x3FA9] =	sst s1  }
0xa: {  	[smem:$0x3FAA] =	sst s2  }
0xb: {  	[smem:$0x3FAB] =	sst s3  }
0xc: {  	[smem:$0x3FAC] =	sst s4  }
0xd: {  	[smem:$0x3FAD] =	sst s5  }
0xe: {  	[smem:$0x3FAE] =	sst s6  }
0xf: {  	[smem:$0x3FAF] =	sst s7  }
0x10: {  	[smem:$0x3FB0] =	sst s8  }
0x11: {  	[smem:$0x3FB1] =	sst s9;
	s0 =	simm.s32 @!p0 $0x0  }
0x12: {  	s1 =	sld [smem:$0x3F97];
	s0 =	simm.s32 @p0 $0x1  }
0x13: {  	[smem:$0x3FB2] =	sst s0;
	s0 =	simm.s32 @!p1 $0x0  }
0x14: {  	s2 =	sld [smem:$0x3F96];
	s0 =	simm.s32 @p1 $0x1  }
0x15: {  	[smem:$0x3FB3] =	sst s0;
	s0 =	simm.s32 @!p2 $0x0  }
0x16: {  	s3 =	sld [smem:$0x3FDB];
	s0 =	simm.s32 @p2 $0x1  }
0x17: {  	s4 =	simm.s32 $0x1BF5;
	[smem:$0x3FB5] =	sst s0  }
0x18: {  	s0 =	sld [smem:$0x3F98];
	_ =	swait.ge [sflag:s4], $0x0  }
0x19: {  	s7 =	sld [smem:$0x3F99]  }
0x1a: {  	s8 =	sadd.s32 $0xFFFFE003, lr  }
0x1b: {  	s9 =	sadd.s32 $0xFFFFFEF7, lr;
	s5 =	simm.s32 $0xFFFFFFFF;
	p2 =	slt.u32 s8, $0xFFFFF086  }
0x1c: {  	p1 =	slt.u32 s9, $0xF7A;
	s5 =	simm.s32 @!p2 $0x0  }
0x1d: {  	s5 =	simm.s32 @p1 $0x1;
	p0 =	seq.s32 s7, s2  }
0x1e: {  	s7 =	smul.u32 @!p0 $0xF7A, s2;
	p2 =	seq.s32 @!p0 s5, $0x0  }
0x1f: {  	s9 =	smul.u32 $0xF7A, s1;
	s8 =	simm.s32 @!p0 $0x1BF5;
	p2 =	por !p2, p0  }
0x20: {  	[sflag:s8] =	ssyncset.s32 @!p0 $0xFFFFF086;
	s6 =	sadd.s32 @!p0 s3, s7;
	s7 =	simm.s32 @!p0 $0x108  }
0x21: {  	s3 =	sadd.s32 s3, s9;
	s6 =	sadd.s32 @!p0 $0x88, s6;
	s7 =	simm.s32 @p2 $0x1082  }
0x22: {  	[simem:s7], [sflag:s8] =	dma.local @!p0 [hbm:s6], $0xF7A  }
0x23: {  	s9 =	sor.u32 $0xD0000000, s2;
	s6 =	simm.s32 $0x108;
	_ =	swait.ge @!p0 [sflag:s8], $0x0  }
0x24: {  	s3 =	sadd.s32 $0x88, s3;
	s6 =	simm.s32 @!p1 $0x1082;
	[sflag:s4] =	ssyncset.s32 $0xFFFFF086  }
0x25: {  	[simem:s6], [sflag:s4] =	dma.local [hbm:s3], $0xF7A  }
0x26: {  	[smem:$0x3F99] =	sst s1;
	(tag) =	ssettag s2;
	_ =	strace s9  }
0x27: {  	s1 =	sld [smem:$0x3FA9]  }
0x28: {  	s2 =	sld [smem:$0x3FAA]  }
0x29: {  	s4 =	sld [smem:$0x3FAC]  }
0x2a: {  	p0 =	seq.s32 s5, $0x0;
	s5 =	sld [smem:$0x3FAD]  }
0x2b: {  	s6 =	sld [smem:$0x3FAE]  }
0x2c: {  	s7 =	sld [smem:$0x3FAF]  }
0x2d: {  	s3 =	simm.s32 $0x108;
	s8 =	sld [smem:$0x3FB0]  }
0x2e: {  	s3 =	simm.s32 @!p0 $0x1082;
	s9 =	sld [smem:$0x3FB1]  }
0x2f: {  	lr =	sadd.s32 s0, s3;
	s0 =	sld [smem:$0x3FA8]  }
0x30: {  	s3 =	sld [smem:$0x3FAB]  }
0x31: {  	[smem:$0x3FB4] =	sst s10  }
0x32: {  	s10 =	sld [smem:$0x3FB2];
	_ =	sdelay $0x3  }
0x33: {  	p0 =	seq.s32 s10, $0x1;
	s10 =	sld [smem:$0x3FB4];
	_ =	sdelay $0x3  }
0x34: {  	[smem:$0x3FB4] =	sst s10  }
0x35: {  	s10 =	sld [smem:$0x3FB3];
	_ =	sdelay $0x3  }
0x36: {  	p1 =	seq.s32 s10, $0x1;
	s10 =	sld [smem:$0x3FB4];
	_ =	sdelay $0x3  }
0x37: {  	[smem:$0x3FB4] =	sst s10  }
0x38: {  	s10 =	sld [smem:$0x3FB5]  }
0x39: {  	_ = 	snop;
	(pc) =	sbr.ind lr, $3  }
0x3a: {  	_ = 	snop  }
0x3b: {  	_ = 	snop  }
0x3c: {  	p2 =	seq.s32 s10, $0x1;
	s10 =	sld [smem:$0x3FB4]  }
0x3d: {  	_ =	shalt  }
0x3e: {  	_ =	shalt  }
0x3f: {  	_ =	shalt  }
0x40: {  	_ =	shalt  }
0x41: {  	_ =	shalt  }
0x42: {  	_ =	shalt  }
0x43: {  	_ =	shalt  }
0x44: {  	_ =	shalt  }
0x45: {  	_ =	shalt  }
0x46: {  	_ =	shalt  }
0x47: {  	_ =	shalt  }
0x48: {  	_ =	shalt  }
0x49: {  	_ =	shalt  }
0x4a: {  	_ =	shalt  }
0x4b: {  	_ =	shalt  }
0x4c: {  	_ =	shalt  }
0x4d: {  	_ =	shalt  }
0x4e: {  	_ =	shalt  }
0x4f: {  	_ =	shalt  }
0x50: {  	_ =	shalt  }
0x51: {  	_ =	shalt  }
0x52: {  	_ =	shalt  }
0x53: {  	_ =	shalt  }
0x54: {  	_ =	shalt  }
0x55: {  	_ =	shalt  }
0x56: {  	_ =	shalt  }
0x57: {  	_ =	shalt  }
0x58: {  	_ =	shalt  }
0x59: {  	_ =	shalt  }
0x5a: {  	_ =	shalt  }
0x5b: {  	_ =	shalt  }
0x5c: {  	_ =	shalt  }
0x5d: {  	_ =	shalt  }
0x5e: {  	_ =	shalt  }
0x5f: {  	_ =	shalt  }
0x60: {  	_ =	shalt  }
0x61: {  	_ =	shalt  }
0x62: {  	_ =	shalt  }
0x63: {  	_ =	shalt  }
0x64: {  	_ =	shalt  }
0x65: {  	_ =	shalt  }
0x66: {  	_ =	shalt  }
0x67: {  	_ =	shalt  }
0x68: {  	_ =	shalt  }
0x69: {  	_ =	shalt  }
0x6a: {  	_ =	shalt  }
0x6b: {  	_ =	shalt  }
0x6c: {  	_ =	shalt  }
0x6d: {  	_ =	shalt  }
0x6e: {  	_ =	shalt  }
0x6f: {  	_ =	shalt  }
0x70: {  	_ =	shalt  }
0x71: {  	_ =	shalt  }
0x72: {  	_ =	shalt  }
0x73: {  	_ =	shalt  }
0x74: {  	_ =	shalt  }
0x75: {  	_ =	shalt  }
0x76: {  	_ =	shalt  }
0x77: {  	_ =	shalt  }
0x78: {  	_ =	shalt  }
0x79: {  	_ =	shalt  }
0x7a: {  	_ =	shalt  }
0x7b: {  	_ =	shalt  }
0x7c: {  	_ =	shalt  }
0x7d: {  	_ =	shalt  }
0x7e: {  	_ =	shalt  }
0x7f: {  	_ =	shalt  }
0x80: {  	_ =	shalt  }
0x81: {  	_ =	shalt  }
0x82: {  	_ =	shalt  }
0x83: {  	_ =	shalt  }
0x84: {  	_ =	shalt  }
0x85: {  	_ =	shalt  }
0x86: {  	_ =	shalt  }
0x87: {  	_ =	shalt  }
.Lfunc_end0:
.L_simem_size_0:
called_computation.1_lowered:
.L_overlay_start_0:
0x88: {  	s2 =	sld [smem:$0x3FD9]  }
0x89: {  	s3 =	sld [smem:$0x3FFE];
	_ =	sdelay $0x1  }
0x8a: {  	s1 =	srdreg.scid  }
0x8b: {  	s0 =	sand.u32 $0x1, s1  }
0x8c: {  	s16 =	sshll.u32 s0, $0xA;
	s2 =	sadd.s32 s3, s2  }
0x8d: {  	s2 =	sadd.s32 s2, s16  }
0x8e: {  	[smem:$0x3FC0] =	sst s2  }
0x8f: {  	_ = 	snop  }
0x90: {  	(tm) =	ssettm $0x1  }
0x91: {  	s17 =	sld [smem:$0x3FFB];
	_ =	sdelay $0x3  }
0x92: {  	_ =	strace s17  }
0x93: {  	s2 =	sld [smem:$0x3FFC];
	_ =	sdelay $0x3  }
0x94: {  	_ =	strace s2  }
0x95: {  	s2 =	sld [smem:$0x3FFD];
	_ =	sdelay $0x3  }
0x96: {  	_ =	strace s2  }
0x97: {  	_ =	strace $0x8FFFFFFF  }
0x98: {  	s18 =	sld [smem:$0x3FDB];
	_ =	sdelay $0x1  }
0x99: {  	s19 =	simm.s32 $_scs_section_size  }
0x9a: {  	s4 =	simm.s32 $_size__tile_overlayer_lowered;
	s5 =	simm.s32 $_tile_overlayer_lowered  }
0x9b: {  	s22 =	simm.s32 $0x1BFF;
	s21 =	sshll.u32 s5, $0x1;
	s2 =	sadd.s32 s19, s18  }
0x9c: {  	s6 =	simm.s32 $0x0;
	s20 =	sshll.u32 s4, $0x1;
	s4 =	sadd.s32 s21, s2  }
0x9d: {  	[timem:s6], [sflag:s22] =	dma.local [hbm:s4], s20  }
0x9e: {  	_ =	swait.ge [sflag:s22], s20  }
0x9f: {  	s3 =	ssub.s32 $0x0, s20;
	[sflag:s22] =	ssyncset.done $0x0  }
0xa0: {  	[sflag:s22] =	ssyncadd.s32 s3;
	_ =	sdelay $0x1  }
0xa1: {  	s23 =	simm.s32 $0x1B8B  }
0xa2: {  	_ =	swait.ge [sflag:s23], $0x1  }
0xa3: {  	[sflag:s23] =	ssyncset.done $0x0  }
0xa4: {  	s25 =	simm.s32 $0x1B8E;
	s24 =	sld [smem:$0x3FFE];
	[sflag:s23] =	ssyncadd.s32 $0xFFFFFFFF  }
0xa5: {  	s26 =	simm.s32 $execute0_lowered;
	[smem:$0x3FD2] =	sst s25  }
0xa6: {  	s4 =	sshll.u32 s26, $0x1;
	_ =	strace $0x80000049;
	[dreg:$0x1] =	wrdreg $0xFFFFFFFF  }
0xa7: {  	s28 =	simm.s32 $_size_execute0_lowered;
	s2 =	sadd.s32 s2, s4;
	[dreg:$0x0] =	wrdreg $0x0  }
0xa8: {  	s4 =	sshll.u32 s28, $0x1;
	[dreg:$0x2] =	wrdreg s2  }
0xa9: {  	[dreg:$0x3] =	wrdreg s4  }
0xaa: {  	[dreg:$0x4] =	wrdreg $0xC0  }
0xab: {  	_ =	task [dreg:s6], $0x5FFFF  }
0xac: {  	[dreg:$0x1] =	wrdreg $0xFFFFFFFF  }
0xad: {  	[dreg:$0x0] =	wrdreg $0x60  }
0xae: {  	[dreg:$0x2] =	wrdreg s24  }
0xaf: {  	[dreg:$0x3] =	wrdreg $0x0  }
0xb0: {  	[dreg:$0x4] =	wrdreg $0x9  }
0xb1: {  	_ =	task.clear_ibuf [dreg:s6], $0x5FFFF;
	_ =	strace $0x90000049  }
0xb2: {  	s29 =	simm.s32 $0x9;
	_ =	strace $0x8000004B  }
0xb3: {  	_ =	swait.ge [sflag:s29], $0x1  }
0xb4: {  	[sflag:s29] =	ssyncadd.s32 $0xFFFFFFFF  }
0xb5: {  	_ =	strace $0x9000004B  }
0xb6: {  	_ =	sfence  }
0xb7: {  	s30 =	sld [smem:$0x0];
	_ =	sdelay $0x2  }
0xb8: {  	s31 =	sshll.u32 s1, $0xD;
	s1 =	sshrl.u32 s1, $0x2  }
0xb9: {  	s3 =	sand.u32 $0x4000, s31;
	s1 =	sadd.s32 s1, s30  }
0xba: {  	s0 =	sor.u32 s3, s0;
	s1 =	sshll.u32 s1, $0x11  }
0xbb: {  	s0 =	sor.u32 s1, s0  }
0xbc: {  	s0 =	sadd.s32 $0x8F2B, s0  }
0xbd: {  	[sflag:s0] =	ssyncadd.remote.s32 $0x1  }
0xbe: {  	_ =	sfence.sel $0xFFFF  }
0xbf: {  	[dreg:$0x0] =	wrdreg $0xFFFFFFFF;
	(pc) =	sbr.abs _section_cstart, $3  }
0xc0: {  	[dreg:$0x1] =	wrdreg $0xFFFFFFFF  }
0xc1: {  	_ =	task.clear_ibuf [dreg:s6], $0x2FFFF;
	_ =	strace $0x9FFFFFFF  }
0xc2: {  	(tm) =	ssettm $0x7FFFFFFF  }
0xc3: {  	_ =	shalt  }
tec
execute0_lowered:
.L_overlay_start_1:
0x0: {  	(tag) =	ssettag $0x1  }
0x1: {  	s0 =	rddreg [dreg:$0x0]  }
0x2: {  	s1 =	rddreg [dreg:$0x1];
	s2 =	simm.s32 $0x0;
	s11 =	stileid.u32  }
0x3: {  	s14 =	srdreg.scid;
	s30 =	simm.s32 $0xF750;
	s3 =	smul.u32 $0x186A, s11  }
0x4: {  	s29 =	simm.s32 $0x11B50;
	s13 =	simm.s32 $0x2;
	s7 =	smul.u32 $0x30D40, s11  }
0x5: {  	s28 =	simm.s32 $0x0;
	[smem:$0x7FF] =	sst s2;
	s15 =	smul.u32 $0xC350, s11  }
0x6: {  	s4 =	sadd.s32 $0x61BC00, s0;
	s12 =	sadd.s32 $0x1400, s0;
	s10 =	smul.u32 $0xA00, s11  }
0x7: {  	s2 =	sand.u32 $0x1, s14;
	s20 =	sshll.u32 s11, $0x6;
	s24 =	smul.u32 $0x140, s11  }
0x8: {  	s14 =	simm.s32 $0x10B50;
	_ =	strace $0x8000004A;
	s18 =	smul.u32 $0x186A0, s2  }
0x9: {  	s5 =	ssub.s32 $0x2, s2;
	s6 =	sshll.u32 s2, $0x4;
	s19 =	smul.u32 $0xA000, s2  }
0xa: {  	s20 =	sor.u32 $0x1C04, s20;
	s2 =	smul.u32 $0x1400, s2;
	[dreg:$0x3] =	wrdreg s12  }
0xb: {  	s8 =	sshrl.u32 s5, $0x1;
	s9 =	sor.u32 s11, s6;
	s0 =	sadd.s32 s3, s0  }
0xc: {  	s7 =	sshrl.u32 s7, $0x2;
	s6 =	sshrl.u32 s15, $0x3;
	[dreg:$0x6] =	wrdreg s20  }
0xd: {  	s11 =	simm.s32 $0x10350;
	s16 =	ssub.s32 s5, s8;
	[dreg:$0x4] =	wrdreg s9  }
0xe: {  	s17 =	smul.u32 $0xA00, s9;
	s7 =	sadd.s32 s7, s1;
	s6 =	sadd.s32 s4, s6  }
0xf: {  	s0 =	sadd.s32 s18, s0;
	s21 =	sadd.s32 s10, s19;
	s2 =	sadd.s32 s2, s12  }
0x10: {  	s9 =	simm.s32 $0x12750;
	s18 =	simm.s32 $0x12B50;
	s10 =	simm.s32 $0x13350  }
0x11: {  	s8 =	simm.s32 $0x13750;
	s6 =	sadd.s32 $0x186A0, s6;
	s0 =	sadd.s32 $0x30E800, s0  }
0x12: {  	s22 =	sadd.s32 $0x642800, s21;
	s3 =	smax.u32 s16, $0x1;
	s25 =	sadd.s32 $0x62E800, s21  }
0x13: {  	s26 =	sadd.s32 s24, s2;
	s24 =	simm.s32 $0x11750;
	[dreg:$0x5] =	wrdreg s6  }
0x14: {  	s2 =	simm.s32 $0x11F50;
	s5 =	sshrl.u32 s17, $0x3;
	[dreg:$0x8] =	wrdreg s0  }
0x15: {  	[dreg:$0xa] =	wrdreg s3;
	s23 =	sshrl.u32 s22, $0x3;
	s0 =	sadd.s32 $0x28000, s21  }
0x16: {  	s31 =	sshrl.u32 s25, $0x3;
	s15 =	sadd.s32 $0x2800, s26;
	s25 =	simm.s32 $0x4  }
0x17: {  	s21 =	simm.s32 $0x1;
	s22 =	simm.s32 $0x80;
	s17 =	simm.s32 $0x10F50  }
0x18: {  	s6 =	simm.s32 $0x12350;
	s26 =	simm.s32 $0x12F50;
	s5 =	sadd.s32 s12, s5  }
.Ltmp0:
0x19: {  	s3 =	sadd.s32 s23, s12;
	[dreg:$0xc] =	wrdreg s0;
	(pc) =	sbr.rel .LBB2_1-.Ltmp0, $4  }
0x1a: {  	s16 =	sadd.s32 s31, s12;
	s23 =	sshrl.u32 s7, $0x3;
	[dreg:$0x7] =	wrdreg s5  }
0x1b: {  	s0 =	simm.s32 $0xFB50;
	s7 =	simm.s32 $0xFF50;
	[dreg:$0xb] =	wrdreg s3  }
0x1c: {  	s12 =	simm.s32 $0x10750;
	s5 =	sadd.s32 $0xC3500, s5;
	[dreg:$0xd] =	wrdreg s23  }
0x1d: {  	s3 =	simm.s32 $0x3;
	[dreg:$0x9] =	wrdreg s5;
	s5 =	simm.s32 $0x11350  }
.LBB2_12:
0x1e: {  	[bflag:$0x0] =	sbarrier.arrive $0xFFFF  }
0x1f: {  	s20 =	rddreg [dreg:$0x6]  }
0x20: {  	s19 =	rddreg [dreg:$0x8]  }
0x21: {  	s25 =	simm.s32 $0x4;
	s23 =	rddreg [dreg:$0xd]  }
0x22: {  	[hbm:s19], [sflag:s20] =	dma.local [spmem:s23], $0x186A  }
0x23: {  	_ =	swait.ge [sflag:s25], $0x186A  }
0x24: {  	s28 =	rddreg [dreg:$0xe]  }
0x25: {  	s31 =	rddreg [dreg:$0xa];
	s28 =	sadd.s32 $0x1, s28  }
0x26: {  	p0 =	sne.s32 s28, s31  }
.Ltmp1:
0x27: {  	_ = 	snop;
	(pc) =	sbr.rel @!p0 .LBB2_13-.Ltmp1, $3  }
0x28: {  	_ =	sdelay $0x1  }
0x29: {  	[sflag:s25] =	ssyncset.done $0x0  }
0x2a: {  	[sflag:s25] =	ssyncadd.s32 $0xFFFFE796  }
.LBB2_1:
0x2b: {  	[dreg:$0xe] =	wrdreg s28  }
0x2c: {  	s19 =	rddreg [dreg:$0x5]  }
0x2d: {  	[spmem:s23], [sflag:s20] =	dma.local [hbm:s19], $0x186A  }
0x2e: {  	_ =	swait.ge [sflag:s25], $0x186A  }
0x2f: {  	[sflag:s25] =	ssyncset.done $0x0  }
0x30: {  	[sflag:s25] =	ssyncadd.s32 $0xFFFFE796  }
0x31: {  	[bflag:$0x0] =	sbarrier.arrive $0xFFFF  }
0x32: {  	s28 =	simm.s32 $0xC350;
	s25 =	rddreg [dreg:$0x7]  }
.Ltmp2:
0x33: {  	s19 =	simm.s32 $0x0;
	s31 =	rddreg [dreg:$0x4];
	(pc) =	sbr.rel .LBB2_2-.Ltmp2, $4  }
0x34: {  	[tilespmem:s28], [sflag:$0x1] =	stream.linear.gather [hbm4b:s25+s19], $0xA00, $0x38;
	[tilespmem:$0x18B50] =	vst v63  }
0x35: {  	s25 =	rddreg [dreg:$0x9];
	s28 =	simm.s32 $0xD750  }
0x36: {  	[tilespmem:s28], [sflag:$0x1] =	stream.linear.gather [hbm4b:s25+s19], $0xA00, $0x38;
	[tilespmem:$0x18B50] =	vst v63  }
0x37: {  	s20 =	simm.s32 $0x0;
	s19 =	rddreg [dreg:$0xc]  }
.LBB2_8:
0x38: {  	s23 =	sshrl.u32 s19, $0x3;
	s25 =	rddreg [dreg:$0x3]  }
0x39: {  	s28 =	simm.s32 $0xC350;
	s23 =	sadd.s32 s25, s23;
	s25 =	simm.s32 $0x0  }
0x3a: {  	[tilespmem:s28], [sflag:$0x1] =	stream.linear.gather [hbm4b:s23+s25], $0xA00, $0x38;
	[tilespmem:$0x18B50] =	vst v63  }
0x3b: {  	s28 =	rddreg [dreg:$0xb]  }
0x3c: {  	s23 =	sadd.s32 s20, s28;
	s28 =	simm.s32 $0xD750  }
0x3d: {  	[tilespmem:s28], [sflag:$0x1] =	stream.linear.gather [hbm4b:s23+s25], $0xA00, $0x38;
	[tilespmem:$0x18B50] =	vst v63  }
.LBB2_10:
0x3e: {  	_ =	swait.ge [sflag:s13], $0x400  }
0x3f: {  	[sflag:s13] =	ssyncset.done $0x0  }
0x40: {  	[sflag:s13] =	ssyncadd.s32 $0xFFFFFC00  }
0x41: {  	_ =	swait.ge [sflag:s13], $0x400  }
0x42: {  	[sflag:s13] =	ssyncset.done $0x0  }
0x43: {  	[sflag:s13] =	ssyncadd.s32 $0xFFFFFC00  }
0x44: {  	_ =	swait.ge [sflag:s13], $0x400  }
0x45: {  	[sflag:s13] =	ssyncset.done $0x0  }
0x46: {  	[sflag:s13] =	ssyncadd.s32 $0xFFFFFC00  }
0x47: {  	_ =	swait.ge [sflag:s13], $0x400  }
0x48: {  	[sflag:s13] =	ssyncset.done $0x0  }
0x49: {  	[sflag:s13] =	ssyncadd.s32 $0xFFFFFC00  }
0x4a: {  	_ =	swait.ge [sflag:s13], $0x400  }
0x4b: {  	[sflag:s13] =	ssyncset.done $0x0  }
0x4c: {  	[sflag:s13] =	ssyncadd.s32 $0xFFFFFC00  }
0x4d: {  	_ =	swait.ge [sflag:s13], $0x400  }
0x4e: {  	[sflag:s13] =	ssyncset.done $0x0  }
0x4f: {  	[sflag:s13] =	ssyncadd.s32 $0xFFFFFC00  }
0x50: {  	_ =	swait.ge [sflag:s13], $0x400  }
0x51: {  	[sflag:s13] =	ssyncset.done $0x0  }
0x52: {  	[sflag:s13] =	ssyncadd.s32 $0xFFFFFC00  }
0x53: {  	_ =	swait.ge [sflag:s13], $0x400  }
0x54: {  	[sflag:s13] =	ssyncset.done $0x0  }
0x55: {  	[sflag:s13] =	ssyncadd.s32 $0xFFFFFC00  }
0x56: {  	_ =	swait.ge [sflag:s13], $0x400  }
0x57: {  	[sflag:s13] =	ssyncset.done $0x0  }
0x58: {  	[sflag:s13] =	ssyncadd.s32 $0xFFFFFC00  }
0x59: {  	_ =	swait.ge [sflag:s13], $0x400  }
0x5a: {  	[sflag:s13] =	ssyncset.done $0x0  }
0x5b: {  	[sflag:s13] =	ssyncadd.s32 $0xFFFFFC00  }
0x5c: {  	_ =	swait.ge [sflag:s13], $0x400  }
0x5d: {  	[sflag:s13] =	ssyncset.done $0x0  }
0x5e: {  	[sflag:s13] =	ssyncadd.s32 $0xFFFFFC00  }
0x5f: {  	_ =	swait.ge [sflag:s13], $0x400  }
0x60: {  	[sflag:s13] =	ssyncset.done $0x0  }
0x61: {  	[sflag:s13] =	ssyncadd.s32 $0xFFFFFC00  }
0x62: {  	_ =	swait.ge [sflag:s13], $0x400  }
0x63: {  	[sflag:s13] =	ssyncset.done $0x0  }
0x64: {  	[sflag:s13] =	ssyncadd.s32 $0xFFFFFC00  }
0x65: {  	_ =	swait.ge [sflag:s13], $0x400  }
0x66: {  	[sflag:s13] =	ssyncset.done $0x0  }
0x67: {  	[sflag:s13] =	ssyncadd.s32 $0xFFFFFC00  }
0x68: {  	_ =	swait.ge [sflag:s13], $0x400  }
0x69: {  	[sflag:s13] =	ssyncset.done $0x0  }
0x6a: {  	[sflag:s13] =	ssyncadd.s32 $0xFFFFFC00  }
0x6b: {  	_ =	swait.ge [sflag:s13], $0x400  }
0x6c: {  	[sflag:s13] =	ssyncset.done $0x0  }
0x6d: {  	[sflag:s13] =	ssyncadd.s32 $0xFFFFFC00  }
0x6e: {  	_ =	swait.ge [sflag:s13], $0x400  }
0x6f: {  	[sflag:s13] =	ssyncset.done $0x0  }
0x70: {  	[sflag:s13] =	ssyncadd.s32 $0xFFFFFC00  }
0x71: {  	_ =	swait.ge [sflag:s13], $0x400  }
0x72: {  	[sflag:s13] =	ssyncset.done $0x0  }
0x73: {  	[sflag:s13] =	ssyncadd.s32 $0xFFFFFC00  }
0x74: {  	_ =	swait.ge [sflag:s13], $0x400  }
0x75: {  	[sflag:s13] =	ssyncset.done $0x0  }
0x76: {  	[sflag:s13] =	ssyncadd.s32 $0xFFFFFC00  }
0x77: {  	_ =	swait.ge [sflag:s13], $0x400  }
0x78: {  	[sflag:s13] =	ssyncset.done $0x0  }
0x79: {  	s23 =	simm.s32 $0x13B50;
	s25 =	simm.s32 $0xE150;
	[sflag:s13] =	ssyncadd.s32 $0xFFFFFC00  }
0x7a: {  	[spmem:s1] =	stream.indirect.scatter.add.f32 [tilespmem:s23], [sflag:$0x3], $0x8, s25, s22, $0xb8;
	[tilespmem:$0x18B50] =	vst v63  }
0x7b: {  	s28 =	simm.s32 $0xE1D0;
	s25 =	simm.s32 $0x13F50  }
0x7c: {  	[spmem:s1] =	stream.indirect.scatter.add.f32 [tilespmem:s25], [sflag:$0x3], $0x8, s28, s22, $0xb8;
	[tilespmem:$0x18B50] =	vst v63  }
0x7d: {  	s25 =	simm.s32 $0x14350;
	s28 =	simm.s32 $0xE250  }
0x7e: {  	[spmem:s1] =	stream.indirect.scatter.add.f32 [tilespmem:s25], [sflag:$0x3], $0x8, s28, s22, $0xb8;
	[tilespmem:$0x18B50] =	vst v63  }
0x7f: {  	s25 =	simm.s32 $0x14750;
	s28 =	simm.s32 $0xE2D0  }
0x80: {  	[spmem:s1] =	stream.indirect.scatter.add.f32 [tilespmem:s25], [sflag:$0x3], $0x8, s28, s22, $0xb8;
	[tilespmem:$0x18B50] =	vst v63  }
0x81: {  	s25 =	simm.s32 $0x14B50;
	s28 =	simm.s32 $0xE350  }
0x82: {  	[spmem:s1] =	stream.indirect.scatter.add.f32 [tilespmem:s25], [sflag:$0x3], $0x8, s28, s22, $0xb8;
	[tilespmem:$0x18B50] =	vst v63  }
0x83: {  	s25 =	simm.s32 $0x14F50;
	s28 =	simm.s32 $0xE3D0  }
0x84: {  	[spmem:s1] =	stream.indirect.scatter.add.f32 [tilespmem:s25], [sflag:$0x3], $0x8, s28, s22, $0xb8;
	[tilespmem:$0x18B50] =	vst v63  }
0x85: {  	s25 =	simm.s32 $0x15350;
	s28 =	simm.s32 $0xE450  }
0x86: {  	[spmem:s1] =	stream.indirect.scatter.add.f32 [tilespmem:s25], [sflag:$0x3], $0x8, s28, s22, $0xb8;
	[tilespmem:$0x18B50] =	vst v63  }
0x87: {  	s25 =	simm.s32 $0x15750;
	s28 =	simm.s32 $0xE4D0  }
0x88: {  	[spmem:s1] =	stream.indirect.scatter.add.f32 [tilespmem:s25], [sflag:$0x3], $0x8, s28, s22, $0xb8;
	[tilespmem:$0x18B50] =	vst v63  }
0x89: {  	s25 =	simm.s32 $0x15B50;
	s28 =	simm.s32 $0xE550  }
0x8a: {  	[spmem:s1] =	stream.indirect.scatter.add.f32 [tilespmem:s25], [sflag:$0x3], $0x8, s28, s22, $0xb8;
	[tilespmem:$0x18B50] =	vst v63  }
0x8b: {  	s25 =	simm.s32 $0x15F50;
	s28 =	simm.s32 $0xE5D0  }
0x8c: {  	[spmem:s1] =	stream.indirect.scatter.add.f32 [tilespmem:s25], [sflag:$0x3], $0x8, s28, s22, $0xb8;
	[tilespmem:$0x18B50] =	vst v63  }
0x8d: {  	s25 =	simm.s32 $0x16350;
	s28 =	simm.s32 $0xE650  }
0x8e: {  	[spmem:s1] =	stream.indirect.scatter.add.f32 [tilespmem:s25], [sflag:$0x3], $0x8, s28, s22, $0xb8;
	[tilespmem:$0x18B50] =	vst v63  }
0x8f: {  	s25 =	simm.s32 $0x16750;
	s28 =	simm.s32 $0xE6D0  }
0x90: {  	[spmem:s1] =	stream.indirect.scatter.add.f32 [tilespmem:s25], [sflag:$0x3], $0x8, s28, s22, $0xb8;
	[tilespmem:$0x18B50] =	vst v63  }
0x91: {  	s25 =	simm.s32 $0x16B50;
	s28 =	simm.s32 $0xE750  }
0x92: {  	[spmem:s1] =	stream.indirect.scatter.add.f32 [tilespmem:s25], [sflag:$0x3], $0x8, s28, s22, $0xb8;
	[tilespmem:$0x18B50] =	vst v63  }
0x93: {  	s25 =	simm.s32 $0x16F50;
	s28 =	simm.s32 $0xE7D0  }
0x94: {  	[spmem:s1] =	stream.indirect.scatter.add.f32 [tilespmem:s25], [sflag:$0x3], $0x8, s28, s22, $0xb8;
	[tilespmem:$0x18B50] =	vst v63  }
0x95: {  	s25 =	simm.s32 $0x17350;
	s28 =	simm.s32 $0xE850  }
0x96: {  	[spmem:s1] =	stream.indirect.scatter.add.f32 [tilespmem:s25], [sflag:$0x3], $0x8, s28, s22, $0xb8;
	[tilespmem:$0x18B50] =	vst v63  }
0x97: {  	s25 =	simm.s32 $0x17750;
	s28 =	simm.s32 $0xE8D0  }
0x98: {  	[spmem:s1] =	stream.indirect.scatter.add.f32 [tilespmem:s25], [sflag:$0x3], $0x8, s28, s22, $0xb8;
	[tilespmem:$0x18B50] =	vst v63  }
0x99: {  	s25 =	simm.s32 $0x17B50;
	s28 =	simm.s32 $0xE950  }
0x9a: {  	[spmem:s1] =	stream.indirect.scatter.add.f32 [tilespmem:s25], [sflag:$0x3], $0x8, s28, s22, $0xb8;
	[tilespmem:$0x18B50] =	vst v63  }
0x9b: {  	s25 =	simm.s32 $0x17F50;
	s28 =	simm.s32 $0xE9D0  }
0x9c: {  	[spmem:s1] =	stream.indirect.scatter.add.f32 [tilespmem:s25], [sflag:$0x3], $0x8, s28, s22, $0xb8;
	[tilespmem:$0x18B50] =	vst v63  }
0x9d: {  	s25 =	simm.s32 $0x18350;
	s28 =	simm.s32 $0xEA50  }
0x9e: {  	[spmem:s1] =	stream.indirect.scatter.add.f32 [tilespmem:s25], [sflag:$0x3], $0x8, s28, s22, $0xb8;
	[tilespmem:$0x18B50] =	vst v63  }
0x9f: {  	s25 =	simm.s32 $0x18750;
	s28 =	simm.s32 $0xEAD0  }
0xa0: {  	[spmem:s1] =	stream.indirect.scatter.add.f32 [tilespmem:s25], [sflag:$0x3], $0x8, s28, s22, $0xb8;
	[tilespmem:$0x18B50] =	vst v63  }
.LBB2_11:
0xa1: {  	s20 =	sadd.s32 $0x5000, s20  }
0xa2: {  	p0 =	sne.s32 s20, $0xC8000  }
.Ltmp3:
0xa3: {  	_ = 	snop;
	(pc) =	sbr.rel @!p0 .LBB2_12-.Ltmp3, $2  }
0xa4: {  	_ =	sdelay $0x2  }
0xa5: {  	s19 =	sadd.s32 $0x28000, s19;
	s31 =	sadd.s32 $0x40, s31  }
.LBB2_2:
0xa6: {  	p1 =	sgt.u32 s31, $0x9C3  }
.Ltmp4:
0xa7: {  	_ = 	snop;
	(pc) =	sbr.rel @p1 .LBB2_4-.Ltmp4, $1  }
0xa8: {  	_ =	sdelay $0x3  }
0xa9: {  	_ =	swait.ge [sflag:s21], $0xA00  }
0xaa: {  	[sflag:s21] =	ssyncset.done $0x0  }
0xab: {  	[sflag:s21] =	ssyncadd.s32 $0xFFFFF600  }
0xac: {  	_ =	swait.ge [sflag:s21], $0xA00  }
0xad: {  	[sflag:s21] =	ssyncset.done $0x0  }
0xae: {  	s23 =	simm.s32 $0xC350;
	s25 =	simm.s32 $0xEB50;
	[sflag:s21] =	ssyncadd.s32 $0xFFFFF600  }
0xaf: {  	[tilespmem:s25], [sflag:$0x2] =	stream.indirect.gather [hbm4b:s4+s22], $0x8, s23, s22, $0xb8;
	[tilespmem:$0x18B50] =	vst v63  }
0xb0: {  	s28 =	simm.s32 $0xEF50;
	s25 =	simm.s32 $0xC3D0  }
0xb1: {  	[tilespmem:s28], [sflag:$0x2] =	stream.indirect.gather [hbm4b:s4+s22], $0x8, s25, s22, $0xb8;
	[tilespmem:$0x18B50] =	vst v63  }
0xb2: {  	s25 =	simm.s32 $0xC450;
	s28 =	simm.s32 $0xF350  }
0xb3: {  	[tilespmem:s28], [sflag:$0x2] =	stream.indirect.gather [hbm4b:s4+s22], $0x8, s25, s22, $0xb8;
	[tilespmem:$0x18B50] =	vst v63  }
0xb4: {  	s28 =	simm.s32 $0xC4D0  }
0xb5: {  	[tilespmem:s30], [sflag:$0x2] =	stream.indirect.gather [hbm4b:s4+s22], $0x8, s28, s22, $0xb8;
	[tilespmem:$0x18B50] =	vst v63  }
0xb6: {  	s25 =	simm.s32 $0xC550  }
0xb7: {  	[tilespmem:s0], [sflag:$0x2] =	stream.indirect.gather [hbm4b:s4+s22], $0x8, s25, s22, $0xb8;
	[tilespmem:$0x18B50] =	vst v63  }
0xb8: {  	s28 =	simm.s32 $0xC5D0  }
0xb9: {  	[tilespmem:s7], [sflag:$0x2] =	stream.indirect.gather [hbm4b:s4+s22], $0x8, s28, s22, $0xb8;
	[tilespmem:$0x18B50] =	vst v63  }
0xba: {  	s25 =	simm.s32 $0xC650  }
0xbb: {  	[tilespmem:s11], [sflag:$0x2] =	stream.indirect.gather [hbm4b:s4+s22], $0x8, s25, s22, $0xb8;
	[tilespmem:$0x18B50] =	vst v63  }
0xbc: {  	s28 =	simm.s32 $0xC6D0  }
0xbd: {  	[tilespmem:s12], [sflag:$0x2] =	stream.indirect.gather [hbm4b:s4+s22], $0x8, s28, s22, $0xb8;
	[tilespmem:$0x18B50] =	vst v63  }
0xbe: {  	s25 =	simm.s32 $0xC750  }
0xbf: {  	[tilespmem:s14], [sflag:$0x2] =	stream.indirect.gather [hbm4b:s4+s22], $0x8, s25, s22, $0xb8;
	[tilespmem:$0x18B50] =	vst v63  }
0xc0: {  	s28 =	simm.s32 $0xC7D0  }
0xc1: {  	[tilespmem:s17], [sflag:$0x2] =	stream.indirect.gather [hbm4b:s4+s22], $0x8, s28, s22, $0xb8;
	[tilespmem:$0x18B50] =	vst v63  }
0xc2: {  	s25 =	simm.s32 $0xC850  }
0xc3: {  	[tilespmem:s5], [sflag:$0x2] =	stream.indirect.gather [hbm4b:s4+s22], $0x8, s25, s22, $0xb8;
	[tilespmem:$0x18B50] =	vst v63  }
0xc4: {  	s28 =	simm.s32 $0xC8D0  }
0xc5: {  	[tilespmem:s24], [sflag:$0x2] =	stream.indirect.gather [hbm4b:s4+s22], $0x8, s28, s22, $0xb8;
	[tilespmem:$0x18B50] =	vst v63  }
0xc6: {  	s25 =	simm.s32 $0xC950  }
0xc7: {  	[tilespmem:s29], [sflag:$0x2] =	stream.indirect.gather [hbm4b:s4+s22], $0x8, s25, s22, $0xb8;
	[tilespmem:$0x18B50] =	vst v63  }
0xc8: {  	s28 =	simm.s32 $0xC9D0  }
0xc9: {  	[tilespmem:s2], [sflag:$0x2] =	stream.indirect.gather [hbm4b:s4+s22], $0x8, s28, s22, $0xb8;
	[tilespmem:$0x18B50] =	vst v63  }
0xca: {  	s25 =	simm.s32 $0xCA50  }
0xcb: {  	[tilespmem:s6], [sflag:$0x2] =	stream.indirect.gather [hbm4b:s4+s22], $0x8, s25, s22, $0xb8;
	[tilespmem:$0x18B50] =	vst v63  }
0xcc: {  	s28 =	simm.s32 $0xCAD0  }
0xcd: {  	[tilespmem:s9], [sflag:$0x2] =	stream.indirect.gather [hbm4b:s4+s22], $0x8, s28, s22, $0xb8;
	[tilespmem:$0x18B50] =	vst v63  }
0xce: {  	s25 =	simm.s32 $0xCB50  }
0xcf: {  	[tilespmem:s18], [sflag:$0x2] =	stream.indirect.gather [hbm4b:s4+s22], $0x8, s25, s22, $0xb8;
	[tilespmem:$0x18B50] =	vst v63  }
0xd0: {  	s28 =	simm.s32 $0xCBD0  }
0xd1: {  	[tilespmem:s26], [sflag:$0x2] =	stream.indirect.gather [hbm4b:s4+s22], $0x8, s28, s22, $0xb8;
	[tilespmem:$0x18B50] =	vst v63  }
0xd2: {  	s25 =	simm.s32 $0xCC50  }
0xd3: {  	[tilespmem:s10], [sflag:$0x2] =	stream.indirect.gather [hbm4b:s4+s22], $0x8, s25, s22, $0xb8;
	[tilespmem:$0x18B50] =	vst v63  }
0xd4: {  	s28 =	simm.s32 $0xCCD0  }
0xd5: {  	[tilespmem:s8], [sflag:$0x2] =	stream.indirect.gather [hbm4b:s4+s22], $0x8, s28, s22, $0xb8;
	[tilespmem:$0x18B50] =	vst v63  }
.LBB2_4:
0xd6: {  	p0 =	seq.s32 s20, $0x0  }
0xd7: {  	s23 =	simm.s32 @!p0 $0x3  }
0xd8: {  	_ =	swait.ge @!p0 [sflag:s23], $0x400  }
0xd9: {  	[sflag:s23] =	ssyncset.done @!p0 $0x0  }
0xda: {  	[sflag:s23] =	ssyncadd.s32 @!p0 $0xFFFFFC00  }
0xdb: {  	_ =	swait.ge @!p0 [sflag:s23], $0x400  }
0xdc: {  	[sflag:s23] =	ssyncset.done @!p0 $0x0  }
0xdd: {  	[sflag:s23] =	ssyncadd.s32 @!p0 $0xFFFFFC00  }
0xde: {  	_ =	swait.ge @!p0 [sflag:s23], $0x400  }
0xdf: {  	[sflag:s23] =	ssyncset.done @!p0 $0x0  }
0xe0: {  	[sflag:s23] =	ssyncadd.s32 @!p0 $0xFFFFFC00  }
0xe1: {  	_ =	swait.ge @!p0 [sflag:s23], $0x400  }
0xe2: {  	[sflag:s23] =	ssyncset.done @!p0 $0x0  }
0xe3: {  	[sflag:s23] =	ssyncadd.s32 @!p0 $0xFFFFFC00  }
0xe4: {  	_ =	swait.ge @!p0 [sflag:s23], $0x400  }
0xe5: {  	[sflag:s23] =	ssyncset.done @!p0 $0x0  }
0xe6: {  	[sflag:s23] =	ssyncadd.s32 @!p0 $0xFFFFFC00  }
0xe7: {  	_ =	swait.ge @!p0 [sflag:s23], $0x400  }
0xe8: {  	[sflag:s23] =	ssyncset.done @!p0 $0x0  }
0xe9: {  	[sflag:s23] =	ssyncadd.s32 @!p0 $0xFFFFFC00  }
0xea: {  	_ =	swait.ge @!p0 [sflag:s23], $0x400  }
0xeb: {  	[sflag:s23] =	ssyncset.done @!p0 $0x0  }
0xec: {  	[sflag:s23] =	ssyncadd.s32 @!p0 $0xFFFFFC00  }
0xed: {  	_ =	swait.ge @!p0 [sflag:s23], $0x400  }
0xee: {  	[sflag:s23] =	ssyncset.done @!p0 $0x0  }
0xef: {  	[sflag:s23] =	ssyncadd.s32 @!p0 $0xFFFFFC00  }
0xf0: {  	_ =	swait.ge @!p0 [sflag:s23], $0x400  }
0xf1: {  	[sflag:s23] =	ssyncset.done @!p0 $0x0  }
0xf2: {  	[sflag:s23] =	ssyncadd.s32 @!p0 $0xFFFFFC00  }
0xf3: {  	_ =	swait.ge @!p0 [sflag:s23], $0x400  }
0xf4: {  	[sflag:s23] =	ssyncset.done @!p0 $0x0  }
0xf5: {  	[sflag:s23] =	ssyncadd.s32 @!p0 $0xFFFFFC00  }
0xf6: {  	_ =	swait.ge @!p0 [sflag:s23], $0x400  }
0xf7: {  	[sflag:s23] =	ssyncset.done @!p0 $0x0  }
0xf8: {  	[sflag:s23] =	ssyncadd.s32 @!p0 $0xFFFFFC00  }
0xf9: {  	_ =	swait.ge @!p0 [sflag:s23], $0x400  }
0xfa: {  	[sflag:s23] =	ssyncset.done @!p0 $0x0  }
0xfb: {  	[sflag:s23] =	ssyncadd.s32 @!p0 $0xFFFFFC00  }
0xfc: {  	_ =	swait.ge @!p0 [sflag:s23], $0x400  }
0xfd: {  	[sflag:s23] =	ssyncset.done @!p0 $0x0  }
0xfe: {  	[sflag:s23] =	ssyncadd.s32 @!p0 $0xFFFFFC00  }
0xff: {  	_ =	swait.ge @!p0 [sflag:s23], $0x400  }
0x100: {  	[sflag:s23] =	ssyncset.done @!p0 $0x0  }
0x101: {  	[sflag:s23] =	ssyncadd.s32 @!p0 $0xFFFFFC00  }
0x102: {  	_ =	swait.ge @!p0 [sflag:s23], $0x400  }
0x103: {  	[sflag:s23] =	ssyncset.done @!p0 $0x0  }
0x104: {  	[sflag:s23] =	ssyncadd.s32 @!p0 $0xFFFFFC00  }
0x105: {  	_ =	swait.ge @!p0 [sflag:s23], $0x400  }
0x106: {  	[sflag:s23] =	ssyncset.done @!p0 $0x0  }
0x107: {  	[sflag:s23] =	ssyncadd.s32 @!p0 $0xFFFFFC00  }
0x108: {  	_ =	swait.ge @!p0 [sflag:s23], $0x400  }
0x109: {  	[sflag:s23] =	ssyncset.done @!p0 $0x0  }
0x10a: {  	[sflag:s23] =	ssyncadd.s32 @!p0 $0xFFFFFC00  }
0x10b: {  	_ =	swait.ge @!p0 [sflag:s23], $0x400  }
0x10c: {  	[sflag:s23] =	ssyncset.done @!p0 $0x0  }
0x10d: {  	[sflag:s23] =	ssyncadd.s32 @!p0 $0xFFFFFC00  }
0x10e: {  	_ =	swait.ge @!p0 [sflag:s23], $0x400  }
0x10f: {  	[sflag:s23] =	ssyncset.done @!p0 $0x0  }
0x110: {  	[sflag:s23] =	ssyncadd.s32 @!p0 $0xFFFFFC00  }
0x111: {  	_ =	swait.ge @!p0 [sflag:s23], $0x400  }
0x112: {  	s25 =	sadd.s32 $0x20, s31;
	[sflag:s23] =	ssyncset.done @!p0 $0x0  }
.Ltmp5:
0x113: {  	[sflag:s23] =	ssyncadd.s32 @!p0 $0xFFFFFC00;
	p0 =	sgt.u32 s25, $0x9C3;
	(pc) =	sbr.rel @p1 .LBB2_11-.Ltmp5, $4  }
0x114: {  	s23 =	sadd.s32 @!p0 s20, s15;
	s25 =	simm.s32 @!p0 $0x0;
	s28 =	simm.s32 @!p0 $0xCD50  }
0x115: {  	[tilespmem:s28], [sflag:$0x1] =	stream.linear.gather @!p0 [hbm4b:s23+s25], $0xA00, $0x38;
	[tilespmem:$0x18B50] =	vst v63  }
0x116: {  	s23 =	sadd.s32 @!p0 s20, s16;
	s28 =	simm.s32 @!p0 $0xE150  }
0x117: {  	[tilespmem:s28], [sflag:$0x1] =	stream.linear.gather @!p0 [hbm4b:s23+s25], $0xA00, $0x38;
	[tilespmem:$0x18B50] =	vst v63  }
0x118: {  	_ =	swait.ge [sflag:s13], $0x400  }
0x119: {  	[sflag:s13] =	ssyncset.done $0x0  }
0x11a: {  	[sflag:s13] =	ssyncadd.s32 $0xFFFFFC00  }
0x11b: {  	_ =	swait.ge [sflag:s13], $0x400  }
0x11c: {  	[sflag:s13] =	ssyncset.done $0x0  }
0x11d: {  	[sflag:s13] =	ssyncadd.s32 $0xFFFFFC00  }
0x11e: {  	_ =	swait.ge [sflag:s13], $0x400  }
0x11f: {  	[sflag:s13] =	ssyncset.done $0x0  }
0x120: {  	[sflag:s13] =	ssyncadd.s32 $0xFFFFFC00  }
0x121: {  	_ =	swait.ge [sflag:s13], $0x400  }
0x122: {  	[sflag:s13] =	ssyncset.done $0x0  }
0x123: {  	[sflag:s13] =	ssyncadd.s32 $0xFFFFFC00  }
0x124: {  	_ =	swait.ge [sflag:s13], $0x400  }
0x125: {  	[sflag:s13] =	ssyncset.done $0x0  }
0x126: {  	[sflag:s13] =	ssyncadd.s32 $0xFFFFFC00  }
0x127: {  	_ =	swait.ge [sflag:s13], $0x400  }
0x128: {  	[sflag:s13] =	ssyncset.done $0x0  }
0x129: {  	[sflag:s13] =	ssyncadd.s32 $0xFFFFFC00  }
0x12a: {  	_ =	swait.ge [sflag:s13], $0x400  }
0x12b: {  	[sflag:s13] =	ssyncset.done $0x0  }
0x12c: {  	[sflag:s13] =	ssyncadd.s32 $0xFFFFFC00  }
0x12d: {  	_ =	swait.ge [sflag:s13], $0x400  }
0x12e: {  	[sflag:s13] =	ssyncset.done $0x0  }
0x12f: {  	[sflag:s13] =	ssyncadd.s32 $0xFFFFFC00  }
0x130: {  	_ =	swait.ge [sflag:s13], $0x400  }
0x131: {  	[sflag:s13] =	ssyncset.done $0x0  }
0x132: {  	[sflag:s13] =	ssyncadd.s32 $0xFFFFFC00  }
0x133: {  	_ =	swait.ge [sflag:s13], $0x400  }
0x134: {  	[sflag:s13] =	ssyncset.done $0x0  }
0x135: {  	[sflag:s13] =	ssyncadd.s32 $0xFFFFFC00  }
0x136: {  	_ =	swait.ge [sflag:s13], $0x400  }
0x137: {  	[sflag:s13] =	ssyncset.done $0x0  }
0x138: {  	[sflag:s13] =	ssyncadd.s32 $0xFFFFFC00  }
0x139: {  	_ =	swait.ge [sflag:s13], $0x400  }
0x13a: {  	[sflag:s13] =	ssyncset.done $0x0  }
0x13b: {  	[sflag:s13] =	ssyncadd.s32 $0xFFFFFC00  }
0x13c: {  	_ =	swait.ge [sflag:s13], $0x400  }
0x13d: {  	[sflag:s13] =	ssyncset.done $0x0  }
0x13e: {  	[sflag:s13] =	ssyncadd.s32 $0xFFFFFC00  }
0x13f: {  	_ =	swait.ge [sflag:s13], $0x400  }
0x140: {  	[sflag:s13] =	ssyncset.done $0x0  }
0x141: {  	[sflag:s13] =	ssyncadd.s32 $0xFFFFFC00  }
0x142: {  	_ =	swait.ge [sflag:s13], $0x400  }
0x143: {  	[sflag:s13] =	ssyncset.done $0x0  }
0x144: {  	[sflag:s13] =	ssyncadd.s32 $0xFFFFFC00  }
0x145: {  	_ =	swait.ge [sflag:s13], $0x400  }
0x146: {  	[sflag:s13] =	ssyncset.done $0x0  }
0x147: {  	[sflag:s13] =	ssyncadd.s32 $0xFFFFFC00  }
0x148: {  	_ =	swait.ge [sflag:s13], $0x400  }
0x149: {  	[sflag:s13] =	ssyncset.done $0x0  }
0x14a: {  	[sflag:s13] =	ssyncadd.s32 $0xFFFFFC00  }
0x14b: {  	_ =	swait.ge [sflag:s13], $0x400  }
0x14c: {  	[sflag:s13] =	ssyncset.done $0x0  }
0x14d: {  	[sflag:s13] =	ssyncadd.s32 $0xFFFFFC00  }
0x14e: {  	_ =	swait.ge [sflag:s13], $0x400  }
0x14f: {  	[sflag:s13] =	ssyncset.done $0x0  }
0x150: {  	[sflag:s13] =	ssyncadd.s32 $0xFFFFFC00  }
0x151: {  	_ =	swait.ge [sflag:s13], $0x400  }
0x152: {  	[sflag:s13] =	ssyncset.done $0x0  }
0x153: {  	s23 =	simm.s32 $0xD750;
	s25 =	simm.s32 $0xEB50;
	[sflag:s13] =	ssyncadd.s32 $0xFFFFFC00  }
0x154: {  	[spmem:s1] =	stream.indirect.scatter.add.f32 [tilespmem:s25], [sflag:$0x3], $0x8, s23, s22, $0xb8;
	[tilespmem:$0x18B50] =	vst v63  }
0x155: {  	s28 =	simm.s32 $0xD7D0;
	s25 =	simm.s32 $0xEF50  }
0x156: {  	[spmem:s1] =	stream.indirect.scatter.add.f32 [tilespmem:s25], [sflag:$0x3], $0x8, s28, s22, $0xb8;
	[tilespmem:$0x18B50] =	vst v63  }
0x157: {  	s25 =	simm.s32 $0xF350;
	s28 =	simm.s32 $0xD850  }
0x158: {  	[spmem:s1] =	stream.indirect.scatter.add.f32 [tilespmem:s25], [sflag:$0x3], $0x8, s28, s22, $0xb8;
	[tilespmem:$0x18B50] =	vst v63  }
0x159: {  	s28 =	simm.s32 $0xD8D0  }
0x15a: {  	[spmem:s1] =	stream.indirect.scatter.add.f32 [tilespmem:s30], [sflag:$0x3], $0x8, s28, s22, $0xb8;
	[tilespmem:$0x18B50] =	vst v63  }
0x15b: {  	s25 =	simm.s32 $0xD950  }
0x15c: {  	[spmem:s1] =	stream.indirect.scatter.add.f32 [tilespmem:s0], [sflag:$0x3], $0x8, s25, s22, $0xb8;
	[tilespmem:$0x18B50] =	vst v63  }
0x15d: {  	s28 =	simm.s32 $0xD9D0  }
0x15e: {  	[spmem:s1] =	stream.indirect.scatter.add.f32 [tilespmem:s7], [sflag:$0x3], $0x8, s28, s22, $0xb8;
	[tilespmem:$0x18B50] =	vst v63  }
0x15f: {  	s25 =	simm.s32 $0xDA50  }
0x160: {  	[spmem:s1] =	stream.indirect.scatter.add.f32 [tilespmem:s11], [sflag:$0x3], $0x8, s25, s22, $0xb8;
	[tilespmem:$0x18B50] =	vst v63  }
0x161: {  	s28 =	simm.s32 $0xDAD0  }
0x162: {  	[spmem:s1] =	stream.indirect.scatter.add.f32 [tilespmem:s12], [sflag:$0x3], $0x8, s28, s22, $0xb8;
	[tilespmem:$0x18B50] =	vst v63  }
0x163: {  	s25 =	simm.s32 $0xDB50  }
0x164: {  	[spmem:s1] =	stream.indirect.scatter.add.f32 [tilespmem:s14], [sflag:$0x3], $0x8, s25, s22, $0xb8;
	[tilespmem:$0x18B50] =	vst v63  }
0x165: {  	s28 =	simm.s32 $0xDBD0  }
0x166: {  	[spmem:s1] =	stream.indirect.scatter.add.f32 [tilespmem:s17], [sflag:$0x3], $0x8, s28, s22, $0xb8;
	[tilespmem:$0x18B50] =	vst v63  }
0x167: {  	s25 =	simm.s32 $0xDC50  }
0x168: {  	[spmem:s1] =	stream.indirect.scatter.add.f32 [tilespmem:s5], [sflag:$0x3], $0x8, s25, s22, $0xb8;
	[tilespmem:$0x18B50] =	vst v63  }
0x169: {  	s28 =	simm.s32 $0xDCD0  }
0x16a: {  	[spmem:s1] =	stream.indirect.scatter.add.f32 [tilespmem:s24], [sflag:$0x3], $0x8, s28, s22, $0xb8;
	[tilespmem:$0x18B50] =	vst v63  }
0x16b: {  	s25 =	simm.s32 $0xDD50  }
0x16c: {  	[spmem:s1] =	stream.indirect.scatter.add.f32 [tilespmem:s29], [sflag:$0x3], $0x8, s25, s22, $0xb8;
	[tilespmem:$0x18B50] =	vst v63  }
0x16d: {  	s28 =	simm.s32 $0xDDD0  }
0x16e: {  	[spmem:s1] =	stream.indirect.scatter.add.f32 [tilespmem:s2], [sflag:$0x3], $0x8, s28, s22, $0xb8;
	[tilespmem:$0x18B50] =	vst v63  }
0x16f: {  	s25 =	simm.s32 $0xDE50  }
0x170: {  	[spmem:s1] =	stream.indirect.scatter.add.f32 [tilespmem:s6], [sflag:$0x3], $0x8, s25, s22, $0xb8;
	[tilespmem:$0x18B50] =	vst v63  }
0x171: {  	s28 =	simm.s32 $0xDED0  }
0x172: {  	[spmem:s1] =	stream.indirect.scatter.add.f32 [tilespmem:s9], [sflag:$0x3], $0x8, s28, s22, $0xb8;
	[tilespmem:$0x18B50] =	vst v63  }
0x173: {  	s25 =	simm.s32 $0xDF50  }
0x174: {  	[spmem:s1] =	stream.indirect.scatter.add.f32 [tilespmem:s18], [sflag:$0x3], $0x8, s25, s22, $0xb8;
	[tilespmem:$0x18B50] =	vst v63  }
0x175: {  	s28 =	simm.s32 $0xDFD0  }
0x176: {  	[spmem:s1] =	stream.indirect.scatter.add.f32 [tilespmem:s26], [sflag:$0x3], $0x8, s28, s22, $0xb8;
	[tilespmem:$0x18B50] =	vst v63  }
.Ltmp6:
0x177: {  	_ = 	snop;
	(pc) =	sbr.rel @p0 .LBB2_7-.Ltmp6, $4  }
0x178: {  	s25 =	simm.s32 $0xE050  }
0x179: {  	[spmem:s1] =	stream.indirect.scatter.add.f32 [tilespmem:s10], [sflag:$0x3], $0x8, s25, s22, $0xb8;
	[tilespmem:$0x18B50] =	vst v63  }
0x17a: {  	s28 =	simm.s32 $0xE0D0  }
0x17b: {  	[spmem:s1] =	stream.indirect.scatter.add.f32 [tilespmem:s8], [sflag:$0x3], $0x8, s28, s22, $0xb8;
	[tilespmem:$0x18B50] =	vst v63  }
0x17c: {  	_ =	swait.ge [sflag:s21], $0xA00  }
0x17d: {  	[sflag:s21] =	ssyncset.done $0x0  }
0x17e: {  	[sflag:s21] =	ssyncadd.s32 $0xFFFFF600  }
0x17f: {  	_ =	swait.ge [sflag:s21], $0xA00  }
0x180: {  	[sflag:s21] =	ssyncset.done $0x0  }
0x181: {  	s23 =	simm.s32 $0xCD50;
	s25 =	simm.s32 $0x13B50;
	[sflag:s21] =	ssyncadd.s32 $0xFFFFF600  }
0x182: {  	[tilespmem:s25], [sflag:$0x2] =	stream.indirect.gather [hbm4b:s4+s22], $0x8, s23, s22, $0xb8;
	[tilespmem:$0x18B50] =	vst v63  }
0x183: {  	s28 =	simm.s32 $0x13F50;
	s25 =	simm.s32 $0xCDD0  }
0x184: {  	[tilespmem:s28], [sflag:$0x2] =	stream.indirect.gather [hbm4b:s4+s22], $0x8, s25, s22, $0xb8;
	[tilespmem:$0x18B50] =	vst v63  }
0x185: {  	s25 =	simm.s32 $0xCE50;
	s28 =	simm.s32 $0x14350  }
0x186: {  	[tilespmem:s28], [sflag:$0x2] =	stream.indirect.gather [hbm4b:s4+s22], $0x8, s25, s22, $0xb8;
	[tilespmem:$0x18B50] =	vst v63  }
0x187: {  	s25 =	simm.s32 $0xCED0;
	s28 =	simm.s32 $0x14750  }
0x188: {  	[tilespmem:s28], [sflag:$0x2] =	stream.indirect.gather [hbm4b:s4+s22], $0x8, s25, s22, $0xb8;
	[tilespmem:$0x18B50] =	vst v63  }
0x189: {  	s25 =	simm.s32 $0xCF50;
	s28 =	simm.s32 $0x14B50  }
0x18a: {  	[tilespmem:s28], [sflag:$0x2] =	stream.indirect.gather [hbm4b:s4+s22], $0x8, s25, s22, $0xb8;
	[tilespmem:$0x18B50] =	vst v63  }
0x18b: {  	s25 =	simm.s32 $0xCFD0;
	s28 =	simm.s32 $0x14F50  }
0x18c: {  	[tilespmem:s28], [sflag:$0x2] =	stream.indirect.gather [hbm4b:s4+s22], $0x8, s25, s22, $0xb8;
	[tilespmem:$0x18B50] =	vst v63  }
0x18d: {  	s25 =	simm.s32 $0xD050;
	s28 =	simm.s32 $0x15350  }
0x18e: {  	[tilespmem:s28], [sflag:$0x2] =	stream.indirect.gather [hbm4b:s4+s22], $0x8, s25, s22, $0xb8;
	[tilespmem:$0x18B50] =	vst v63  }
0x18f: {  	s25 =	simm.s32 $0xD0D0;
	s28 =	simm.s32 $0x15750  }
0x190: {  	[tilespmem:s28], [sflag:$0x2] =	stream.indirect.gather [hbm4b:s4+s22], $0x8, s25, s22, $0xb8;
	[tilespmem:$0x18B50] =	vst v63  }
0x191: {  	s25 =	simm.s32 $0xD150;
	s28 =	simm.s32 $0x15B50  }
0x192: {  	[tilespmem:s28], [sflag:$0x2] =	stream.indirect.gather [hbm4b:s4+s22], $0x8, s25, s22, $0xb8;
	[tilespmem:$0x18B50] =	vst v63  }
0x193: {  	s25 =	simm.s32 $0xD1D0;
	s28 =	simm.s32 $0x15F50  }
0x194: {  	[tilespmem:s28], [sflag:$0x2] =	stream.indirect.gather [hbm4b:s4+s22], $0x8, s25, s22, $0xb8;
	[tilespmem:$0x18B50] =	vst v63  }
0x195: {  	s25 =	simm.s32 $0xD250;
	s28 =	simm.s32 $0x16350  }
0x196: {  	[tilespmem:s28], [sflag:$0x2] =	stream.indirect.gather [hbm4b:s4+s22], $0x8, s25, s22, $0xb8;
	[tilespmem:$0x18B50] =	vst v63  }
0x197: {  	s25 =	simm.s32 $0xD2D0;
	s28 =	simm.s32 $0x16750  }
0x198: {  	[tilespmem:s28], [sflag:$0x2] =	stream.indirect.gather [hbm4b:s4+s22], $0x8, s25, s22, $0xb8;
	[tilespmem:$0x18B50] =	vst v63  }
0x199: {  	s25 =	simm.s32 $0xD350;
	s28 =	simm.s32 $0x16B50  }
0x19a: {  	[tilespmem:s28], [sflag:$0x2] =	stream.indirect.gather [hbm4b:s4+s22], $0x8, s25, s22, $0xb8;
	[tilespmem:$0x18B50] =	vst v63  }
0x19b: {  	s25 =	simm.s32 $0xD3D0;
	s28 =	simm.s32 $0x16F50  }
0x19c: {  	[tilespmem:s28], [sflag:$0x2] =	stream.indirect.gather [hbm4b:s4+s22], $0x8, s25, s22, $0xb8;
	[tilespmem:$0x18B50] =	vst v63  }
0x19d: {  	s25 =	simm.s32 $0xD450;
	s28 =	simm.s32 $0x17350  }
0x19e: {  	[tilespmem:s28], [sflag:$0x2] =	stream.indirect.gather [hbm4b:s4+s22], $0x8, s25, s22, $0xb8;
	[tilespmem:$0x18B50] =	vst v63  }
0x19f: {  	s25 =	simm.s32 $0xD4D0;
	s28 =	simm.s32 $0x17750  }
0x1a0: {  	[tilespmem:s28], [sflag:$0x2] =	stream.indirect.gather [hbm4b:s4+s22], $0x8, s25, s22, $0xb8;
	[tilespmem:$0x18B50] =	vst v63  }
0x1a1: {  	s25 =	simm.s32 $0xD550;
	s28 =	simm.s32 $0x17B50  }
0x1a2: {  	[tilespmem:s28], [sflag:$0x2] =	stream.indirect.gather [hbm4b:s4+s22], $0x8, s25, s22, $0xb8;
	[tilespmem:$0x18B50] =	vst v63  }
0x1a3: {  	s25 =	simm.s32 $0xD5D0;
	s28 =	simm.s32 $0x17F50  }
0x1a4: {  	[tilespmem:s28], [sflag:$0x2] =	stream.indirect.gather [hbm4b:s4+s22], $0x8, s25, s22, $0xb8;
	[tilespmem:$0x18B50] =	vst v63  }
0x1a5: {  	s25 =	simm.s32 $0xD650;
	s28 =	simm.s32 $0x18350  }
0x1a6: {  	[tilespmem:s28], [sflag:$0x2] =	stream.indirect.gather [hbm4b:s4+s22], $0x8, s25, s22, $0xb8;
	[tilespmem:$0x18B50] =	vst v63  }
0x1a7: {  	s25 =	simm.s32 $0xD6D0;
	s28 =	simm.s32 $0x18750  }
0x1a8: {  	[tilespmem:s28], [sflag:$0x2] =	stream.indirect.gather [hbm4b:s4+s22], $0x8, s25, s22, $0xb8;
	[tilespmem:$0x18B50] =	vst v63  }
.LBB2_7:
0x1a9: {  	_ =	swait.ge [sflag:s3], $0x400  }
0x1aa: {  	[sflag:s3] =	ssyncset.done $0x0  }
0x1ab: {  	[sflag:s3] =	ssyncadd.s32 $0xFFFFFC00  }
0x1ac: {  	_ =	swait.ge [sflag:s3], $0x400  }
0x1ad: {  	[sflag:s3] =	ssyncset.done $0x0  }
0x1ae: {  	[sflag:s3] =	ssyncadd.s32 $0xFFFFFC00  }
0x1af: {  	_ =	swait.ge [sflag:s3], $0x400  }
0x1b0: {  	[sflag:s3] =	ssyncset.done $0x0  }
0x1b1: {  	[sflag:s3] =	ssyncadd.s32 $0xFFFFFC00  }
0x1b2: {  	_ =	swait.ge [sflag:s3], $0x400  }
0x1b3: {  	[sflag:s3] =	ssyncset.done $0x0  }
0x1b4: {  	[sflag:s3] =	ssyncadd.s32 $0xFFFFFC00  }
0x1b5: {  	_ =	swait.ge [sflag:s3], $0x400  }
0x1b6: {  	[sflag:s3] =	ssyncset.done $0x0  }
0x1b7: {  	[sflag:s3] =	ssyncadd.s32 $0xFFFFFC00  }
0x1b8: {  	_ =	swait.ge [sflag:s3], $0x400  }
0x1b9: {  	[sflag:s3] =	ssyncset.done $0x0  }
0x1ba: {  	[sflag:s3] =	ssyncadd.s32 $0xFFFFFC00  }
0x1bb: {  	_ =	swait.ge [sflag:s3], $0x400  }
0x1bc: {  	[sflag:s3] =	ssyncset.done $0x0  }
0x1bd: {  	[sflag:s3] =	ssyncadd.s32 $0xFFFFFC00  }
0x1be: {  	_ =	swait.ge [sflag:s3], $0x400  }
0x1bf: {  	[sflag:s3] =	ssyncset.done $0x0  }
0x1c0: {  	[sflag:s3] =	ssyncadd.s32 $0xFFFFFC00  }
0x1c1: {  	_ =	swait.ge [sflag:s3], $0x400  }
0x1c2: {  	[sflag:s3] =	ssyncset.done $0x0  }
0x1c3: {  	[sflag:s3] =	ssyncadd.s32 $0xFFFFFC00  }
0x1c4: {  	_ =	swait.ge [sflag:s3], $0x400  }
0x1c5: {  	[sflag:s3] =	ssyncset.done $0x0  }
0x1c6: {  	[sflag:s3] =	ssyncadd.s32 $0xFFFFFC00  }
0x1c7: {  	_ =	swait.ge [sflag:s3], $0x400  }
0x1c8: {  	[sflag:s3] =	ssyncset.done $0x0  }
0x1c9: {  	[sflag:s3] =	ssyncadd.s32 $0xFFFFFC00  }
0x1ca: {  	_ =	swait.ge [sflag:s3], $0x400  }
0x1cb: {  	[sflag:s3] =	ssyncset.done $0x0  }
0x1cc: {  	[sflag:s3] =	ssyncadd.s32 $0xFFFFFC00  }
0x1cd: {  	_ =	swait.ge [sflag:s3], $0x400  }
0x1ce: {  	[sflag:s3] =	ssyncset.done $0x0  }
0x1cf: {  	[sflag:s3] =	ssyncadd.s32 $0xFFFFFC00  }
0x1d0: {  	_ =	swait.ge [sflag:s3], $0x400  }
0x1d1: {  	[sflag:s3] =	ssyncset.done $0x0  }
0x1d2: {  	[sflag:s3] =	ssyncadd.s32 $0xFFFFFC00  }
0x1d3: {  	_ =	swait.ge [sflag:s3], $0x400  }
0x1d4: {  	[sflag:s3] =	ssyncset.done $0x0  }
0x1d5: {  	[sflag:s3] =	ssyncadd.s32 $0xFFFFFC00  }
0x1d6: {  	_ =	swait.ge [sflag:s3], $0x400  }
0x1d7: {  	[sflag:s3] =	ssyncset.done $0x0  }
0x1d8: {  	[sflag:s3] =	ssyncadd.s32 $0xFFFFFC00  }
0x1d9: {  	_ =	swait.ge [sflag:s3], $0x400  }
0x1da: {  	[sflag:s3] =	ssyncset.done $0x0  }
0x1db: {  	[sflag:s3] =	ssyncadd.s32 $0xFFFFFC00  }
0x1dc: {  	_ =	swait.ge [sflag:s3], $0x400  }
0x1dd: {  	[sflag:s3] =	ssyncset.done $0x0  }
0x1de: {  	[sflag:s3] =	ssyncadd.s32 $0xFFFFFC00  }
0x1df: {  	p1 =	sgt.u32 s31, $0x983;
	_ =	swait.ge [sflag:s3], $0x400  }
.Ltmp7:
0x1e0: {  	[sflag:s3] =	ssyncset.done $0x0;
	(pc) =	sbr.rel @!p1 .LBB2_8-.Ltmp7, $4  }
0x1e1: {  	[sflag:s3] =	ssyncadd.s32 $0xFFFFFC00  }
0x1e2: {  	_ =	swait.ge [sflag:s3], $0x400  }
0x1e3: {  	[sflag:s3] =	ssyncset.done $0x0  }
0x1e4: {  	[sflag:s3] =	ssyncadd.s32 $0xFFFFFC00  }
.Ltmp8:
0x1e5: {  	(pc) =	sbr.rel @p0 .LBB2_11-.Ltmp8, $4  }
.Ltmp9:
0x1e6: {  	(pc) =	sbr.rel @!p0 .LBB2_10-.Ltmp9, $4  }
0x1e7: {  	_ = 	snop  }
0x1e8: {  	_ = 	snop  }
0x1e9: {  	_ = 	snop  }
0x1ea: {  	_ = 	snop  }
.LBB2_13:
0x1eb: {  	_ =	sfence.sel $0x180000  }
0x1ec: {  	[bflag:$0x0] =	sbarrier.arrive $0xFFFF  }
0x1ed: {  	_ =	strace $0x9000004A  }
0x1ee: {  	s0 =	stileid.u32;
	[bflag:$0x2] =	sbarrier.arrive $0xFFFF  }
0x1ef: {  	p0 =	sne.s32 s0, $0x0;
	s0 =	rddreg [dreg:$0x2]  }
0x1f0: {  	s0 =	sadd.s32 @!p0 $0x100000, s0  }
0x1f1: {  	[sflag:s0] =	ssyncadd.tile.s32 @!p0 $0x1;
	_ =	shalt  }
.Lfunc_end2:
_tile_overlayer_lowered:
.L_overlay_start_2:
0x1f2: {  	(tag) =	ssettag $0x2  }
0x1f3: {  	s0 =	rddreg [dreg:$0x0];
	s2 =	stileid.u32  }
0x1f4: {  	s1 =	rddreg [dreg:$0x1];
	p0 =	sne.s32 s2, $0x0  }
0x1f5: {  	s3 =	rddreg [dreg:$0x2];
	[bflag:$0x3] =	sbarrier.arrive $0xFFFF;
	s2 =	simm.s32 @!p0 $0x1C04  }
0x1f6: {  	[timem:s3], [sflag:s2] =	dma.local @!p0 [hbm:s0], s1  }
0x1f7: {  	s0 =	simm.s32 @!p0 $0x4  }
0x1f8: {  	_ =	swait.ge @!p0 [sflag:s0], s1  }
0x1f9: {  	s1 =	ssub.s32 @!p0 $0x0, s1;
	[sflag:s0] =	ssyncset.done @!p0 $0x0  }
0x1fa: {  	[sflag:s0] =	ssyncadd.s32 @!p0 s1  }
0x1fb: {  	[bflag:$0x3] =	sbarrier.arrive $0xFFFF  }
0x1fc: {  	_ =	shalt  }

// kernel: sparse-core-data-format-call.cloned.1.call-start
scs
called_computation_lowered:
.L_overlay_start_0:
0x0: {  	s2 =	sld [smem:$0x3FD9]  }
0x1: {  	s3 =	sld [smem:$0x3FFE];
	_ =	sdelay $0x1  }
0x2: {  	s1 =	srdreg.scid  }
0x3: {  	s0 =	sand.u32 $0x1, s1  }
0x4: {  	s18 =	sshll.u32 s0, $0xA;
	s2 =	sadd.s32 s3, s2  }
0x5: {  	s2 =	sadd.s32 s2, s18  }
0x6: {  	[smem:$0x3FC0] =	sst s2  }
0x7: {  	_ = 	snop  }
0x8: {  	s2 =	sld [smem:$0x3FC8];
	(tm) =	ssettm $0x1  }
0x9: {  	s19 =	sld [smem:$0x3FFB];
	_ =	sdelay $0x3  }
0xa: {  	_ =	strace s19  }
0xb: {  	s3 =	sld [smem:$0x3FFC];
	_ =	sdelay $0x3  }
0xc: {  	_ =	strace s3  }
0xd: {  	s3 =	sld [smem:$0x3FFD];
	_ =	sdelay $0x3  }
0xe: {  	_ =	strace s3  }
0xf: {  	_ =	strace $0x8FFFFFFF  }
0x10: {  	s20 =	sld [smem:$0x3FDB];
	_ =	sdelay $0x1  }
0x11: {  	s4 =	simm.s32 $_scs_section_size  }
0x12: {  	s5 =	simm.s32 $_size__tile_overlayer_lowered;
	s6 =	simm.s32 $_tile_overlayer_lowered  }
0x13: {  	s23 =	simm.s32 $0x1BFF;
	s22 =	sshll.u32 s6, $0x1;
	s3 =	sadd.s32 s4, s20  }
0x14: {  	s7 =	simm.s32 $0x0;
	s21 =	sshll.u32 s5, $0x1;
	s5 =	sadd.s32 s22, s3  }
0x15: {  	[timem:s7], [sflag:s23] =	dma.local [hbm:s5], s21  }
0x16: {  	_ =	swait.ge [sflag:s23], s21  }
0x17: {  	s4 =	ssub.s32 $0x0, s21;
	[sflag:s23] =	ssyncset.done $0x0  }
0x18: {  	[sflag:s23] =	ssyncadd.s32 s4;
	_ =	sdelay $0x1  }
0x19: {  	s24 =	simm.s32 $0x1B8B  }
0x1a: {  	_ =	swait.ge [sflag:s24], $0x1  }
0x1b: {  	[sflag:s24] =	ssyncset.done $0x0  }
0x1c: {  	s26 =	simm.s32 $0x1B8E;
	s25 =	sld [smem:$0x3FFE];
	[sflag:s24] =	ssyncadd.s32 $0xFFFFFFFF  }
0x1d: {  	s27 =	simm.s32 $execute0_lowered;
	[smem:$0x3FD2] =	sst s26  }
0x1e: {  	s5 =	sshll.u32 s27, $0x1;
	_ =	strace $0x80000046;
	[dreg:$0x1] =	wrdreg $0xFFFFFFFF  }
0x1f: {  	s28 =	simm.s32 $_size_execute0_lowered;
	s3 =	sadd.s32 s3, s5;
	[dreg:$0x0] =	wrdreg $0x0  }
0x20: {  	s5 =	sshll.u32 s28, $0x1;
	[dreg:$0x2] =	wrdreg s3  }
0x21: {  	[dreg:$0x3] =	wrdreg s5  }
0x22: {  	[dreg:$0x4] =	wrdreg $0xC0  }
0x23: {  	_ =	task [dreg:s7], $0x5FFFF  }
0x24: {  	[dreg:$0x1] =	wrdreg $0xFFFFFFFF  }
0x25: {  	[dreg:$0x0] =	wrdreg $0x60  }
0x26: {  	[dreg:$0x2] =	wrdreg s2  }
0x27: {  	[dreg:$0x3] =	wrdreg s25  }
0x28: {  	[dreg:$0x4] =	wrdreg $0x9  }
0x29: {  	_ =	task.clear_ibuf [dreg:s7], $0x5FFFF;
	_ =	strace $0x90000046  }
0x2a: {  	s29 =	simm.s32 $0x9;
	_ =	strace $0x80000048  }
0x2b: {  	_ =	swait.ge [sflag:s29], $0x1  }
0x2c: {  	[sflag:s29] =	ssyncadd.s32 $0xFFFFFFFF  }
0x2d: {  	_ =	strace $0x90000048  }
0x2e: {  	_ =	sfence  }
0x2f: {  	s30 =	sld [smem:$0x0];
	_ =	sdelay $0x2  }
0x30: {  	s31 =	sshll.u32 s1, $0xD;
	s1 =	sshrl.u32 s1, $0x2  }
0x31: {  	s3 =	sand.u32 $0x4000, s31;
	s1 =	sadd.s32 s1, s30  }
0x32: {  	s0 =	sor.u32 s3, s0;
	s1 =	sshll.u32 s1, $0x11  }
0x33: {  	s0 =	sor.u32 s1, s0  }
0x34: {  	s0 =	sadd.s32 $0x8F2B, s0  }
0x35: {  	[sflag:s0] =	ssyncadd.remote.s32 $0x1  }
0x36: {  	_ =	sfence.sel $0xFFFF  }
0x37: {  	[dreg:$0x0] =	wrdreg $0xFFFFFFFF;
	(pc) =	sbr.abs _section_cstart, $3  }
0x38: {  	[dreg:$0x1] =	wrdreg $0xFFFFFFFF  }
0x39: {  	_ =	task.clear_ibuf [dreg:s7], $0x2FFFF;
	_ =	strace $0x9FFFFFFF  }
0x3a: {  	(tm) =	ssettm $0x7FFFFFFF  }
0x3b: {  	_ =	shalt  }
tec
execute0_lowered:
.L_overlay_start_1:
0x0: {  	(tag) =	ssettag $0x1  }
0x1: {  	s0 =	stileid.u32;
	s7 =	rddreg [dreg:$0x0]  }
0x2: {  	s1 =	srdreg.scid;
	s4 =	rddreg [dreg:$0x1]  }
0x3: {  	s30 =	simm.s32 $0x2;
	s10 =	simm.s32 $0x0;
	s14 =	simm.s32 $0x0  }
0x4: {  	s15 =	simm.s32 $0x0;
	s11 =	simm.s32 $0x0;
	s13 =	simm.s32 $0x0  }
0x5: {  	s2 =	sand.u32 $0x1, s1;
	s3 =	sshll.u32 s0, $0x7;
	s1 =	rddreg [dreg:$0x2]  }
0x6: {  	_ =	strace $0x80000047;
	s5 =	ssub.s32 $0xC300, s3;
	s6 =	ssub.s32 $0x2, s2  }
.Ltmp0:
0x7: {  	s5 =	sshrl.u32 s5, $0xB;
	s8 =	sshrl.u32 s6, $0x1;
	(pc) =	sbr.rel .LBB1_1-.Ltmp0, $4  }
0x8: {  	s4 =	sadd.s32 $0x1400, s4;
	s9 =	sadd.s32 $0x1, s5;
	s6 =	ssub.s32 s6, s8  }
0x9: {  	s31 =	sshll.u32 s2, $0x4;
	s5 =	simm.s32 $0x1;
	s6 =	smul.u32 s9, s6  }
0xa: {  	s12 =	smov.u32 s3;
	s7 =	sadd.s32 s7, s31;
	[sflag:s5] =	ssyncpa.u1 $0x0  }
0xb: {  	s9 =	simm.s32 $0x0;
	[sflag:s30] =	ssyncpa.u1 $0x0;
	s8 =	sadd.s32 $0x1, s6  }
.LBB1_4:
0xc: {  	s21 =	simm.s32 $0x0  }
.LBB1_8:
0xd: {  	_ =	sdelay $0x3  }
0xe: {  	v6 =	vld [tilespmem:s18+$0xFFFFFFC0];
	[tilespmem:v0+s20+$0x30 ss:$0x1] =	vst.idx.msk @p0 $0xffff, v2  }
0xf: {  	v58 =	vld [tilespmem:s18+$0xFFFFFFD0];
	[tilespmem:v0+s20+$0x40 ss:$0x1] =	vst.idx.msk @p0 $0xffff, v3;
	s21 =	sadd.s32 @p0 $0x80, s21  }
0x10: {  	v59 =	vld [tilespmem:s18+$0xFFFFFFE0];
	[tilespmem:v0+s20+$0x50 ss:$0x1] =	vst.idx.msk @p0 $0xffff, v5;
	s19 =	smov.u32 @p0 s21  }
0x11: {  	v60 =	vld [tilespmem:s18+$0xFFFFFFF0];
	[tilespmem:v0+s20+$0x60 ss:$0x1] =	vst.idx.msk @p0 $0xffff, v4;
	s19 =	sand.u32 $0x3F80, s19  }
0x12: {  	v61 =	vld [tilespmem:s18+$0x0];
	[tilespmem:v0+s19+$0x70 ss:$0x1] =	vst.idx.msk $0xffff, v1  }
0x13: {  	v62 =	vld [tilespmem:s18+$0x10];
	[tilespmem:v0+s19+$0x0 ss:$0x1] =	vst.idx.msk $0xffff, v6  }
0x14: {  	v63 =	vld [tilespmem:s18+$0x20];
	[tilespmem:v0+s19+$0x10 ss:$0x1] =	vst.idx.msk $0xffff, v58  }
0x15: {  	[tilespmem:v0+s19+$0x20 ss:$0x1] =	vst.idx.msk $0xffff, v59  }
0x16: {  	[tilespmem:v0+s19+$0x30 ss:$0x1] =	vst.idx.msk $0xffff, v60  }
0x17: {  	[tilespmem:v0+s19+$0x40 ss:$0x1] =	vst.idx.msk $0xffff, v61  }
0x18: {  	[tilespmem:v0+s19+$0x50 ss:$0x1] =	vst.idx.msk $0xffff, v62  }
0x19: {  	[tilespmem:v0+s19+$0x60 ss:$0x1] =	vst.idx.msk $0xffff, v63  }
.LBB1_9:
0x1a: {  	s18 =	sand.u32 $0x1FFFFFF, s11  }
0x1b: {  	s19 =	smulhi.u32 $0x14F8B59, s18;
	_ =	sdelay $0x1  }
0x1c: {  	s19 =	sshrl.u32 s19, $0x8  }
0x1d: {  	s19 =	smul.u32 $0xC350, s19  }
0x1e: {  	s15 =	smul.u32 $0xC3500, s15  }
0x1f: {  	s18 =	ssub.s32 s18, s19  }
0x20: {  	s15 =	sadd.s32 s4, s15;
	s18 =	sshll.u32 s18, $0x4  }
0x21: {  	s15 =	sadd.s32 s18, s15  }
0x22: {  	[hbm4b:s15+s9] =	stream.linear.scatter [tilespmem:s17], [sflag:$0x2], s16, $0x38;
	[tilespmem:$0x10000] =	vst v63  }
.LBB1_10:
0x23: {  	p0 =	slt.u32 s13, $0x2  }
0x24: {  	p1 =	sgt.s32 @!p0 s14, $0xC2D0  }
0x25: {  	s15 =	smov.u32 s14;
	s16 =	sshra.s32 @!p0 s14, $0x1F;
	p1 =	por !p1, p0  }
0x26: {  	s14 =	sand.u32 @!p0 s16, s14;
	s15 =	simm.s32 @p1 $0xC2D0  }
0x27: {  	s14 =	ssub.s32 @!p0 s15, s14  }
0x28: {  	s14 =	sadd.s32 @!p0 $0xFFFF3D30, s14  }
0x29: {  	s15 =	sshll.u32 @!p0 s14, $0x7  }
0x2a: {  	p1 =	sgt.s32 @!p0 s14, $0x7F;
	s14 =	ssub.s32 @!p0 $0x4000, s15  }
0x2b: {  	s16 =	sadd.s32 $0x800, s12;
	p1 =	por !p1, p0;
	s14 =	sand.u32 @!p0 $0x3FFFFF80, s14  }
0x2c: {  	s14 =	simm.s32 @!p1 $0x0;
	p1 =	sgt.s32 s16, $0xC34F  }
0x2d: {  	s16 =	smov.u32 @p1 s3;
	p1 =	sne.s32 s13, s8  }
.Ltmp1:
0x2e: {  	_ = 	snop;
	(pc) =	sbr.rel @!p1 .LBB1_11-.Ltmp1, $4  }
0x2f: {  	s10 =	sadd.s32 $0x4000, s10;
	s15 =	simm.s32 @!p0 $0x2  }
0x30: {  	_ =	swait.ge @!p0 [sflag:s15], s14;
	s17 =	ssub.s32 @!p0 $0x0, s14;
	s14 =	smov.u32 s11  }
0x31: {  	s13 =	sadd.s32 $0x1, s13;
	s11 =	smov.u32 s12;
	[sflag:s15] =	ssyncset.done @!p0 $0x0  }
0x32: {  	s12 =	smov.u32 s16;
	[sflag:s15] =	ssyncadd.s32 @!p0 s17;
	s15 =	smov.u32 s2  }
.LBB1_1:
0x33: {  	p0 =	sge.u32 s13, s6  }
0x34: {  	p1 =	sgt.s32 @!p0 s12, $0xC2D0  }
0x35: {  	s16 =	smov.u32 s12;
	s17 =	sshra.s32 @!p0 s12, $0x1F;
	p1 =	por !p1, p0  }
0x36: {  	s17 =	sand.u32 @!p0 s17, s12;
	s16 =	simm.s32 @p1 $0xC2D0  }
0x37: {  	s16 =	ssub.s32 @!p0 s16, s17  }
0x38: {  	s31 =	sadd.s32 $0xFFFFFFFF, s13;
	s18 =	sxor.u32 @!p0 $0xFFFFFFFF, s13;
	s16 =	sadd.s32 @!p0 $0xFFFF3D30, s16  }
0x39: {  	s19 =	simm.s32 @!p0 $0x80;
	s20 =	simm.s32 @!p0 $0x100;
	s17 =	sshll.u32 @!p0 s16, $0x7  }
0x3a: {  	p1 =	sgt.s32 @!p0 s16, $0x7F;
	s16 =	ssub.s32 @!p0 $0x4000, s17;
	s17 =	sshll.u32 @!p0 s18, $0xE  }
0x3b: {  	p1 =	por !p1, p0;
	s18 =	sshll.u32 @!p0 s12, $0x5;
	s16 =	sand.u32 @!p0 $0x3FFFFF80, s16  }
0x3c: {  	s17 =	sand.u32 @!p0 $0x4000, s17;
	s18 =	sadd.s32 @!p0 s18, s7;
	s16 =	simm.s32 @!p1 $0x0  }
0x3d: {  	[tilespmem:s17], [sflag:$0x1] =	stream.strided.gather @!p0 [hbm4b:s18+s19], s16, s20, s19, $0x38;
	[tilespmem:$0x10000] =	vst v63  }
0x3e: {  	p0 =	sge.u32 s31, s6  }
.Ltmp2:
0x3f: {  	_ = 	snop;
	(pc) =	sbr.rel @p0 .LBB1_10-.Ltmp2, $1  }
0x40: {  	_ =	sdelay $0x3  }
0x41: {  	p0 =	sgt.s32 s11, $0xC2D0;
	s16 =	smov.u32 s11;
	s17 =	sshra.s32 s11, $0x1F  }
0x42: {  	s16 =	simm.s32 @!p0 $0xC2D0;
	s17 =	sand.u32 s17, s11  }
0x43: {  	s16 =	ssub.s32 s16, s17  }
0x44: {  	s16 =	sadd.s32 $0xFFFF3D30, s16  }
0x45: {  	s30 =	sshll.u32 s16, $0x7  }
0x46: {  	s17 =	ssub.s32 $0x4000, s30  }
0x47: {  	p0 =	sgt.s32 s16, $0x7F;
	s16 =	sand.u32 $0x3FFFFF80, s17;
	s17 =	sadd.s32 $0x80, s11  }
0x48: {  	s16 =	simm.s32 @p0 $0x0;
	p0 =	slt.s32 s17, $0xC350  }
0x49: {  	s17 =	simm.s32 @!p0 $0xC350  }
0x4a: {  	s20 =	ssub.s32 s17, s11  }
0x4b: {  	p0 =	slt.s32 s20, $0x1  }
.Ltmp3:
0x4c: {  	_ = 	snop;
	(pc) =	sbr.rel @p0 .LBB1_9-.Ltmp3, $4  }
0x4d: {  	_ = 	snop  }
0x4e: {  	s19 =	sshll.u32 s13, $0xE;
	_ =	swait.ge [sflag:s5], s16  }
0x4f: {  	s31 =	sand.u32 $0x4000, s19;
	s18 =	ssub.s32 $0x0, s16;
	[sflag:s5] =	ssyncset.done $0x0  }
0x50: {  	s17 =	sor.u32 $0x8000, s31;
	[sflag:s5] =	ssyncadd.s32 s18  }
0x51: {  	p1 =	sne.s32 s20, $0x1  }
.Ltmp4:
0x52: {  	v0 =	vmov s17;
	(pc) =	sbr.rel @!p1 .LBB1_4-.Ltmp4, $4  }
0x53: {  	_ = 	snop  }
0x54: {  	s18 =	sand.u32 $0x4000, s10  }
0x55: {  	s18 =	sor.u32 $0x40, s18  }
0x56: {  	s19 =	simm.s32 $0x0;
	s21 =	sadd.s32 $0xFFFFFFFF, s20;
	p0 =	por $0x0, $0x0;
	v1 =	vld [tilespmem:s18+$0x30]  }
0x57: {  	v4 =	vld [tilespmem:s18+$0xFFFFFFC0]  }
0x58: {  	v6 =	vld [tilespmem:s18+$0xFFFFFFD0]  }
0x59: {  	v7 =	vld [tilespmem:s18+$0xFFFFFFE0];
	p1 =	sne.s32 s21, $0x1  }
.Ltmp5:
0x5a: {  	v2 =	vld [tilespmem:s18+$0xFFFFFFF0];
	s20 =	sand.u32 $0x3F80, s19;
	(pc) =	sbr.rel @!p1 .LBB1_6-.Ltmp5, $4  }
0x5b: {  	v3 =	vld [tilespmem:s18+$0x0];
	[tilespmem:v0+s20+$0x70 ss:$0x1] =	vst.idx.msk $0xffff, v1  }
0x5c: {  	v5 =	vld [tilespmem:s18+$0x10];
	[tilespmem:v0+s20+$0x0 ss:$0x1] =	vst.idx.msk $0xffff, v4  }
0x5d: {  	v4 =	vld [tilespmem:s18+$0x20];
	[tilespmem:v0+s20+$0x10 ss:$0x1] =	vst.idx.msk $0xffff, v6;
	s18 =	sadd.s32 $0x80, s18  }
0x5e: {  	s22 =	sadd.s32 $0xFFFFFFFF, s21;
	p0 =	por $0x1, $0x1;
	s21 =	simm.s32 $0x0;
	[tilespmem:v0+s20+$0x20 ss:$0x1] =	vst.idx.msk $0xffff, v7;
	v1 =	vld [tilespmem:s18+$0x30]  }
.LBB1_7:
0x5f: {  	p1 =	sne.s32 s22, $0x1;
	v6 =	vld [tilespmem:s18+$0xFFFFFFC0];
	[tilespmem:v0+s20+$0x30 ss:$0x1] =	vst.idx.msk $0xffff, v2  }
0x60: {  	v7 =	vld [tilespmem:s18+$0xFFFFFFD0];
	[tilespmem:v0+s20+$0x40 ss:$0x1] =	vst.idx.msk $0xffff, v3  }
0x61: {  	s21 =	sadd.s32 $0x80, s21;
	v8 =	vld [tilespmem:s18+$0xFFFFFFE0];
	[tilespmem:v0+s20+$0x50 ss:$0x1] =	vst.idx.msk $0xffff, v5  }
.Ltmp6:
0x62: {  	v2 =	vld [tilespmem:s18+$0xFFFFFFF0];
	[tilespmem:v0+s20+$0x60 ss:$0x1] =	vst.idx.msk $0xffff, v4;
	s20 =	sand.u32 $0x3F80, s21;
	(pc) =	sbr.rel @p1 .LBB1_7-.Ltmp6, $4  }
0x63: {  	v3 =	vld [tilespmem:s18+$0x0];
	[tilespmem:v0+s20+$0x70 ss:$0x1] =	vst.idx.msk $0xffff, v1  }
0x64: {  	[tilespmem:v0+s20+$0x0 ss:$0x1] =	vst.idx.msk $0xffff, v6;
	v5 =	vld [tilespmem:s18+$0x10]  }
0x65: {  	[tilespmem:v0+s20+$0x10 ss:$0x1] =	vst.idx.msk $0xffff, v7;
	v4 =	vld [tilespmem:s18+$0x20];
	s18 =	sadd.s32 $0x80, s18  }
0x66: {  	s22 =	sadd.s32 $0xFFFFFFFF, s22;
	v1 =	vld [tilespmem:s18+$0x30];
	[tilespmem:v0+s20+$0x20 ss:$0x1] =	vst.idx.msk $0xffff, v8  }
.Ltmp7:
0x67: {  	_ = 	snop;
	(pc) =	sbr.rel .LBB1_8-.Ltmp7, $1  }
0x68: {  	_ =	sdelay $0x3  }
.LBB1_6:
.Ltmp8:
0x69: {  	(pc) =	sbr.rel .LBB1_8-.Ltmp8, $2  }
0x6a: {  	_ =	sdelay $0x2  }
0x6b: {  	s21 =	simm.s32 $0x0  }
.LBB1_11:
0x6c: {  	_ =	sfence.sel $0x180000  }
0x6d: {  	s2 =	simm.s32 $0x1;
	[bflag:$0x0] =	sbarrier.arrive $0xFFFF  }
0x6e: {  	s31 =	simm.s32 $0x2;
	[sflag:s2] =	ssyncpa.u1 $0x1  }
0x6f: {  	[sflag:s31] =	ssyncpa.u1 $0x1  }
0x70: {  	p0 =	sne.s32 s0, $0x0;
	_ =	strace $0x90000047  }
0x71: {  	s0 =	sadd.s32 @!p0 $0x100000, s1;
	[bflag:$0x2] =	sbarrier.arrive $0xFFFF  }
0x72: {  	[sflag:s0] =	ssyncadd.tile.s32 @!p0 $0x1;
	_ =	shalt  }
.Lfunc_end1:
_tile_overlayer_lowered:
.L_overlay_start_2:
0x73: {  	(tag) =	ssettag $0x2  }
0x74: {  	s0 =	rddreg [dreg:$0x0];
	s2 =	stileid.u32  }
0x75: {  	s1 =	rddreg [dreg:$0x1];
	p0 =	sne.s32 s2, $0x0  }
0x76: {  	s3 =	rddreg [dreg:$0x2];
	[bflag:$0x3] =	sbarrier.arrive $0xFFFF;
	s2 =	simm.s32 @!p0 $0x1C01  }
0x77: {  	[timem:s3], [sflag:s2] =	dma.local @!p0 [hbm:s0], s1  }
0x78: {  	s0 =	simm.s32 @!p0 $0x1  }
0x79: {  	_ =	swait.ge @!p0 [sflag:s0], s1  }
0x7a: {  	s1 =	ssub.s32 @!p0 $0x0, s1;
	[sflag:s0] =	ssyncset.done @!p0 $0x0  }
0x7b: {  	[sflag:s0] =	ssyncadd.s32 @!p0 s1  }
0x7c: {  	[bflag:$0x3] =	sbarrier.arrive $0xFFFF  }
0x7d: {  	_ =	shalt  }

</sc_bundles>
